<compile_context>
chip_gen: v7x
topology: tpu7x:2x2x1
jax: 0.10.2.dev20260603
libtpu: 0.0.44.dev20260713+nightly
codegen_flags: <defaults>
</compile_context>

<pallas_src>
import functools

import jax
import jax.numpy as jnp
from jax.experimental import pallas as pl
from jax.experimental.pallas import tpu as pltpu
from jax.experimental.pallas import tpu_sc as plsc

B, N, E, D, NREL, M, NL = 32, 2048, 16384, 128, 500, 20, 3
_INTERP = False


def _relprep_body(rel_ref, w3_ref, out_ref):
    r = rel_ref[...]
    r2 = jnp.dot(r, w3_ref[0], preferred_element_type=jnp.float32)
    out_ref[0] = jnp.concatenate([r, r2], axis=1)


def _relprep(rel_pad, w3_all):
    nrelp = rel_pad.shape[0]
    return pl.pallas_call(
        _relprep_body,
        grid=(NL,),
        in_specs=[
            pl.BlockSpec((nrelp, D), lambda k: (0, 0)),
            pl.BlockSpec((1, D, D), lambda k: (k, 0, 0)),
        ],
        out_specs=pl.BlockSpec((1, nrelp, 2 * D), lambda k: (k, 0, 0)),
        out_shape=jax.ShapeDtypeStruct((NL, nrelp, 2 * D), jnp.float32),
        interpret=_INTERP,
    )(rel_pad, w3_all)


def _dist_emb(dists_row, de_pad_ref):
    de = jnp.zeros((N, D), jnp.float32)
    dd2 = dists_row[:, None]
    for r in range(10):
        cond = jnp.broadcast_to(dd2 == r, (N, D))
        row = jnp.broadcast_to(de_pad_ref[r:r + 1, :], (N, D))
        de = jnp.where(cond, row, de)
    return de


def _pre0_body(dists_ref, noise_ref, de_ref, w1_ref, w2_ref, b_ref, out_ref):
    de = _dist_emb(dists_ref[0, 0], de_ref)
    h = de + noise_ref[0]
    p = (jnp.dot(h, w1_ref[...], preferred_element_type=jnp.float32)
         + jnp.dot(de, w2_ref[...], preferred_element_type=jnp.float32)
         + b_ref[...])
    out_ref[0] = jnp.concatenate([h, p], axis=1)


def _pre0(dists, noise, de_pad, w1, w2, b):
    return pl.pallas_call(
        _pre0_body,
        grid=(B,),
        in_specs=[
            pl.BlockSpec((1, 1, N), lambda i: (i, 0, 0)),
            pl.BlockSpec((1, N, D), lambda i: (i, 0, 0)),
            pl.BlockSpec((16, D), lambda i: (0, 0)),
            pl.BlockSpec((D, D), lambda i: (0, 0)),
            pl.BlockSpec((D, D), lambda i: (0, 0)),
            pl.BlockSpec((1, D), lambda i: (0, 0)),
        ],
        out_specs=pl.BlockSpec((1, N, 2 * D), lambda i: (i, 0, 0)),
        out_shape=jax.ShapeDtypeStruct((B, N, 2 * D), jnp.float32),
        interpret=_INTERP,
    )(dists, noise, de_pad, w1, w2, b)


def _updpre_body(aggr_ref, tprev_ref, dists_ref, de_ref, uw_ref, ub_ref,
                 w1_ref, w2_ref, b_ref, out_ref):
    h_prev = tprev_ref[0, :, :D]
    h = (jnp.dot(aggr_ref[0], uw_ref[...], preferred_element_type=jnp.float32)
         + ub_ref[...] + h_prev)
    de = _dist_emb(dists_ref[0, 0], de_ref)
    p = (jnp.dot(h, w1_ref[...], preferred_element_type=jnp.float32)
         + jnp.dot(de, w2_ref[...], preferred_element_type=jnp.float32)
         + b_ref[...])
    out_ref[0] = jnp.concatenate([h, p], axis=1)


def _updpre(aggr, tprev, dists, de_pad, uw, ub, w1, w2, b):
    return pl.pallas_call(
        _updpre_body,
        grid=(B,),
        in_specs=[
            pl.BlockSpec((1, N, D), lambda i: (i, 0, 0)),
            pl.BlockSpec((1, N, 2 * D), lambda i: (i, 0, 0)),
            pl.BlockSpec((1, 1, N), lambda i: (i, 0, 0)),
            pl.BlockSpec((16, D), lambda i: (0, 0)),
            pl.BlockSpec((D, D), lambda i: (0, 0)),
            pl.BlockSpec((1, D), lambda i: (0, 0)),
            pl.BlockSpec((D, D), lambda i: (0, 0)),
            pl.BlockSpec((D, D), lambda i: (0, 0)),
            pl.BlockSpec((1, D), lambda i: (0, 0)),
        ],
        out_specs=pl.BlockSpec((1, N, 2 * D), lambda i: (i, 0, 0)),
        out_shape=jax.ShapeDtypeStruct((B, N, 2 * D), jnp.float32),
        interpret=_INTERP,
    )(aggr, tprev, dists, de_pad, uw, ub, w1, w2, b)


_EB = 2048


def _msg_body(g_ref, conf_ref, em_ref, w0_ref, w4_ref, out_ref):
    comp = g_ref[0, :, :D]
    addv = g_ref[0, :, D:]
    x = (jnp.dot(comp, w0_ref[...], preferred_element_type=jnp.float32)
         + jnp.dot(conf_ref[0], w4_ref[...], preferred_element_type=jnp.float32)
         + addv)
    x = jnp.maximum(x, 0.0)
    out_ref[0] = x * em_ref[0, 0][:, None]


def _msg(g, conf, emf, w0, w4):
    return pl.pallas_call(
        _msg_body,
        grid=(B, E // _EB),
        in_specs=[
            pl.BlockSpec((1, _EB, 2 * D), lambda i, j: (i, j, 0)),
            pl.BlockSpec((1, _EB, D), lambda i, j: (i, j, 0)),
            pl.BlockSpec((1, 1, _EB), lambda i, j: (i, 0, j)),
            pl.BlockSpec((D, D), lambda i, j: (0, 0)),
            pl.BlockSpec((D, D), lambda i, j: (0, 0)),
        ],
        out_specs=pl.BlockSpec((1, _EB, D), lambda i, j: (i, j, 0)),
        out_shape=jax.ShapeDtypeStruct((B, E, D), jnp.float32),
        interpret=_INTERP,
    )(g, conf, emf, w0, w4)


def _final_body(aggr_ref, tprev_ref, maskf_ref, rq_ref, attw_ref, attb_ref,
                uw_ref, ub_ref, hout_ref, tout_ref):
    h_prev = tprev_ref[0, :, :D]
    h = (jnp.dot(aggr_ref[0], uw_ref[...], preferred_element_type=jnp.float32)
         + ub_ref[...] + h_prev)
    mf = maskf_ref[0, 0]
    hm = h * mf[:, None]
    att_in = jnp.concatenate(
        [hm, jnp.broadcast_to(rq_ref[0], (N, D))], axis=1)
    s = (jnp.dot(att_in, attw_ref[...],
                 preferred_element_type=jnp.float32)[:, 0]
         + attb_ref[0, 0])
    s = jnp.where(s >= 0, s, 0.01 * s)
    s = jnp.where(mf > 0, s, -1e9)
    smax = jnp.max(s)
    ex = jnp.exp(s - smax)
    alpha = ex / jnp.sum(ex)

    iota = jax.lax.broadcasted_iota(jnp.int32, (N,), 0)
    a = alpha
    rows = []
    for _ in range(M):
        v = jnp.max(a)
        idx = jnp.min(jnp.where(a == v, iota, N))
        rows.append(jnp.where(iota == idx, v, 0.0))
        a = jnp.where(iota == idx, -1.0, a)
    oh = jnp.stack(rows, axis=0)
    hout_ref[0] = jnp.dot(oh, hm, preferred_element_type=jnp.float32)
    tout_ref[0] = hm[0:1, :]


def _final(aggr, tprev, maskf, rq, attw, attb, uw, ub):
    return pl.pallas_call(
        _final_body,
        grid=(B,),
        in_specs=[
            pl.BlockSpec((1, N, D), lambda i: (i, 0, 0)),
            pl.BlockSpec((1, N, 2 * D), lambda i: (i, 0, 0)),
            pl.BlockSpec((1, 1, N), lambda i: (i, 0, 0)),
            pl.BlockSpec((1, 1, D), lambda i: (i, 0, 0)),
            pl.BlockSpec((2 * D, 1), lambda i: (0, 0)),
            pl.BlockSpec((1, 1), lambda i: (0, 0)),
            pl.BlockSpec((D, D), lambda i: (0, 0)),
            pl.BlockSpec((1, D), lambda i: (0, 0)),
        ],
        out_specs=[
            pl.BlockSpec((1, M, D), lambda i: (i, 0, 0)),
            pl.BlockSpec((1, 1, D), lambda i: (i, 0, 0)),
        ],
        out_shape=[
            jax.ShapeDtypeStruct((B, M, D), jnp.float32),
            jax.ShapeDtypeStruct((B, 1, D), jnp.float32),
        ],
        interpret=_INTERP,
    )(aggr, tprev, maskf, rq, attw, attb, uw, ub)


_GC = 128


def _gather_sc(t2, rr2k, srcg, rels):
    mesh = plsc.VectorSubcoreMesh(core_axis_name="c", subcore_axis_name="s", num_cores=2, num_subcores=16)

    @functools.partial(
        pl.kernel, mesh=mesh,
        out_type=jax.ShapeDtypeStruct((B, E, 2 * D), jnp.float32),
        scratch_types=[
            pltpu.VMEM((_GC,), jnp.int32),
            pltpu.VMEM((_GC,), jnp.int32),
            pltpu.VMEM((_GC, 2 * D), jnp.float32),
            pltpu.VMEM((_GC, 2 * D), jnp.float32),
            pltpu.VMEM((_GC, 2 * D), jnp.float32),
            pltpu.SemaphoreType.DMA,
            pltpu.SemaphoreType.DMA,
        ])
    def gk(t2_hbm, rr2_hbm, src_hbm, rels_hbm, out_hbm,
           sidx, ridx, trow, rrow, orow, sem1, sem2):
        wid = jax.lax.axis_index("s") * 2 + jax.lax.axis_index("c")

        def chunk_body(ci, _):
            base = ci * _GC
            pltpu.sync_copy(src_hbm.at[wid, pl.ds(base, _GC)], sidx)
            pltpu.sync_copy(rels_hbm.at[wid, pl.ds(base, _GC)], ridx)
            cp1 = pltpu.async_copy(t2_hbm.at[sidx], trow, sem1)
            cp2 = pltpu.async_copy(rr2_hbm.at[ridx], rrow, sem2)
            cp1.wait()
            cp2.wait()

            def ebody(e, _):
                for j in range(16):
                    a = trow[e, pl.ds(j * 16, 16)]
                    bv = rrow[e, pl.ds(j * 16, 16)]
                    orow[e, pl.ds(j * 16, 16)] = a * bv if j < 8 else a + bv
                return 0

            jax.lax.fori_loop(0, _GC, ebody, 0)
            pltpu.sync_copy(orow, out_hbm.at[wid, pl.ds(base, _GC), :])
            return 0

        jax.lax.fori_loop(0, E // _GC, chunk_body, 0)

    return gk(t2, rr2k, srcg, rels)


def _gather_edges(t, rr2k, src_g, rels):
    t2 = t.reshape(B * N, 2 * D)
    return _gather_sc(t2, rr2k, src_g, rels)


_SCC = 128


def _scatter_sc(msg, tgt):
    mesh = plsc.VectorSubcoreMesh(core_axis_name="c", subcore_axis_name="s", num_cores=2, num_subcores=16)
    epw = E // 16

    @functools.partial(
        pl.kernel, mesh=mesh,
        out_type=jax.ShapeDtypeStruct((B, N, D), jnp.float32),
        scratch_types=[
            pltpu.VMEM((_SCC,), jnp.int32),
            pltpu.VMEM((_SCC, D), jnp.float32),
            pltpu.VMEM((N // 16, D), jnp.float32),
            pltpu.VMEM_SHARED((N, D), jnp.float32),
        ])
    def sk(msg_hbm, tgt_hbm, out_hbm, tidx, mrow, zbuf, acc_sh):
        c = jax.lax.axis_index("c")
        s = jax.lax.axis_index("s")

        def zfill(i, _):
            for j in range(D // 16):
                zbuf[i, pl.ds(j * 16, 16)] = jnp.zeros((16,), jnp.float32)
            return 0

        jax.lax.fori_loop(0, N // 16, zfill, 0)

        def batch_body(i, _):
            b = i * 2 + c
            pltpu.sync_copy(zbuf, acc_sh.at[pl.ds(s * (N // 16), N // 16), :])
            plsc.subcore_barrier()

            def chunk_body(k, _):
                base = s * epw + k * _SCC
                pltpu.sync_copy(tgt_hbm.at[b, pl.ds(base, _SCC)], tidx)
                pltpu.sync_copy(msg_hbm.at[b, pl.ds(base, _SCC), :], mrow)
                pltpu.sync_copy(mrow, acc_sh.at[tidx], add=True)
                return 0

            jax.lax.fori_loop(0, epw // _SCC, chunk_body, 0)
            plsc.subcore_barrier()
            pltpu.sync_copy(acc_sh.at[pl.ds(s * (N // 16), N // 16), :],
                            out_hbm.at[b, pl.ds(s * (N // 16), N // 16), :])
            plsc.subcore_barrier()
            return 0

        jax.lax.fori_loop(0, B // 2, batch_body, 0)

    return sk(msg, tgt)


def _scatter_edges(msg, tgt):
    return _scatter_sc(msg, tgt)


def kernel(dists, edge_index, rels, mask, edge_mask, r_query_embed,
           conf_embeds, params):
    noise = jax.random.normal(jax.random.key(42), (B, N, D),
                              dtype=jnp.float32) * 0.1
    de_pad = jnp.zeros((16, D), jnp.float32).at[:10].set(params['dist_embed'])
    rel_pad = jnp.zeros((512, D), jnp.float32).at[:NREL].set(params['rel_table'])
    dists_c = jnp.clip(dists, 0, 9).astype(jnp.int32)[:, None, :]
    src = edge_index[:, 0, :].astype(jnp.int32)
    tgt = edge_index[:, 1, :].astype(jnp.int32)
    rels_i = rels.astype(jnp.int32)
    emf = edge_mask.astype(jnp.float32)[:, None, :]
    maskf = mask.astype(jnp.float32)[:, None, :]

    w = [params['msg_W'][k] for k in range(NL)]
    w0 = [w[k][:D] for k in range(NL)]
    w1 = [w[k][D:2 * D] for k in range(NL)]
    w2 = [w[k][2 * D:3 * D] for k in range(NL)]
    w3 = jnp.stack([w[k][3 * D:4 * D] for k in range(NL)])
    w4 = [w[k][4 * D:] for k in range(NL)]
    bmsg = [params['msg_b'][k][None, :] for k in range(NL)]
    uw = [params['upd_W'][k] for k in range(NL)]
    ub = [params['upd_b'][k][None, :] for k in range(NL)]

    rr2 = _relprep(rel_pad, w3)

    t = _pre0(dists_c, noise, de_pad, w1[0], w2[0], bmsg[0])
    src_g = src + (jnp.arange(B, dtype=jnp.int32) * N)[:, None]
    for k in range(NL):
        g = _gather_edges(t, rr2[k], src_g, rels_i)
        msg = _msg(g, conf_embeds, emf, w0[k], w4[k])
        aggr = _scatter_edges(msg, tgt)
        if k < NL - 1:
            t = _updpre(aggr, t, dists_c, de_pad, uw[k], ub[k],
                        w1[k + 1], w2[k + 1], bmsg[k + 1])
    h_evd, t_state = _final(aggr, t, maskf, r_query_embed[:, None, :],
                            params['att_W'], params['att_b'][None, :],
                            uw[NL - 1], ub[NL - 1])
    return (h_evd, t_state[:, 0, :])

# --- scband reference (transcript-rebuilt; emitter-appended) ---
"""Pipeline reference for scband-structure-feature-encoder-27711128994202 (READ-ONLY COPY).

The authoritative reference and input builder live on the scoring server;
editing this copy changes nothing except your own understanding.
"""

import jax, jax.numpy as jnp
import numpy as np

B, N, E, D, NREL, M, NL = 32, 2048, 16384, 128, 500, 20, 3


def setup_inputs(seed: int = 0):
    key = jax.random.key(seed)
    ks = jax.random.split(key, 32)
    inp = {}
    inp['dists'] = jax.random.randint(ks[0], (B, N), 0, 10)
    inp['edge_index'] = jax.random.randint(ks[1], (B, 2, E), 0, N)
    inp['rels'] = jax.random.randint(ks[2], (B, E), 0, NREL)
    inp['mask'] = jax.random.randint(ks[3], (B, N), 0, 2).astype(bool)
    inp['edge_mask'] = jax.random.randint(ks[4], (B, E), 0, 2).astype(bool)
    inp['r_query_embed'] = jax.random.normal(ks[5], (B, D), dtype=jnp.float32)
    inp['conf_embeds'] = jax.random.normal(ks[6], (B, E, D), dtype=jnp.float32) * 0.1
    params = {}
    params['dist_embed'] = jax.random.normal(ks[7], (10, D), dtype=jnp.float32) * 0.02
    params['rel_table'] = jax.random.normal(ks[8], (NREL, D), dtype=jnp.float32) * 0.02
    params['msg_W'] = [jax.random.normal(ks[9 + i], (5 * D, D), dtype=jnp.float32) / np.sqrt(5 * D) for i in range(NL)]
    params['msg_b'] = [jnp.zeros((D,), dtype=jnp.float32) for _ in range(NL)]
    params['upd_W'] = [jax.random.normal(ks[12 + i], (D, D), dtype=jnp.float32) / np.sqrt(D) for i in range(NL)]
    params['upd_b'] = [jnp.zeros((D,), dtype=jnp.float32) for _ in range(NL)]
    params['att_W'] = jax.random.normal(ks[15], (2 * D, 1), dtype=jnp.float32) / np.sqrt(2 * D)
    params['att_b'] = jnp.zeros((1,), dtype=jnp.float32)
    inp['params'] = params
    return inp


def _forward(dists, edge_index, rels, mask, edge_mask, r_query_embed, conf_embeds, params):
    dist_emb = jnp.take(params['dist_embed'], jnp.clip(dists, 0, 9), axis=0)
    noise = jax.random.normal(jax.random.key(42), dist_emb.shape, dtype=jnp.float32) * 0.1
    h = dist_emb + noise
    em = edge_mask[..., None].astype(jnp.float32)
    b_idx = jnp.arange(dists.shape[0])[:, None]
    for k in range(NL):
        src = edge_index[:, 0, :]
        h_src = jnp.take_along_axis(h, src[:, :, None], axis=1)
        h_r = jnp.take(params['rel_table'], rels, axis=0)
        dist_src = jnp.take_along_axis(dist_emb, src[:, :, None], axis=1)
        comp_feat = h_src * h_r
        msg_input = jnp.concatenate([comp_feat, h_src, dist_src, h_r, conf_embeds], axis=-1)
        msg = jax.nn.relu(msg_input @ params['msg_W'][k] + params['msg_b'][k])
        msg = msg * em
        tgt = edge_index[:, 1, :]
        aggr_out = jnp.zeros_like(h).at[b_idx, tgt].add(msg)
        h = aggr_out @ params['upd_W'][k] + params['upd_b'][k] + h
    h = h * mask[..., None].astype(jnp.float32)
    t_state = h[:, 0, :]
    r_q_exp = jnp.broadcast_to(r_query_embed[:, None, :], h.shape)
    att_input = jnp.concatenate([h, r_q_exp], axis=-1)
    att_scores = jax.nn.leaky_relu(att_input @ params['att_W'] + params['att_b'])[..., 0]
    att_scores = jnp.where(mask, att_scores, -1e9)
    alpha = jax.nn.softmax(att_scores, axis=1)
    topk_vals, topk_idx = jax.lax.top_k(alpha, M)
    H_evd = jnp.take_along_axis(h, topk_idx[:, :, None], axis=1)
    H_evd = H_evd * topk_vals[:, :, None]
    return (H_evd, t_state)


def reference(dists, edge_index, rels, mask, edge_mask, r_query_embed, conf_embeds, params):
    return _forward(dists, edge_index, rels, mask, edge_mask, r_query_embed, conf_embeds, params)

if __name__ == "__main__":
    import jax
    _d = setup_inputs()
    print(jax.jit(kernel)(*tuple(_d.values())))

</pallas_src>

<mosaic_0001>
#map = affine_map<(d0, d1) -> (0, 0, 0)>
#map1 = affine_map<(d0, d1) -> (0, 0)>
module attributes {stable_mosaic.version = 14 : i64} {
  func.func @sk(%arg0: i32, %arg1: i32, %arg2: memref<32x16384x128xf32, #tpu.memory_space<hbm>>, %arg3: memref<32x16384xi32, #tpu.memory_space<hbm>>, %arg4: memref<32x2048x128xf32, #tpu.memory_space<hbm>>, %arg5: memref<128xi32, #tpu.memory_space<vmem>>, %arg6: memref<128x128xf32, #tpu.memory_space<vmem>>, %arg7: memref<128x128xf32, #tpu.memory_space<vmem>>, %arg8: memref<2048x128xf32, #tpu.memory_space<vmem_shared>>) attributes {dimension_semantics = [#tpu.dimension_semantics<core_parallel>, #tpu.dimension_semantics<subcore_parallel>], iteration_bounds = array<i64: 2, 16>, scalar_prefetch = 0 : i64, scratch_operands = 4 : i64, tpu.core_type = #tpu.core_type<sc_vector_subcore>, window_params = [{transform_indices = #map}, {transform_indices = #map1}, {transform_indices = #map}]} {
    %scan3A = arith.constant 0 : i32
    %scan3A_0 = arith.constant 0 : i32
    %scan3A_1 = arith.constant 128 : i32
    %scan3A_2 = arith.addi %scan3A_0, %scan3A_1 : i32
    %scan3A_3 = arith.constant 1 : i32
    %scan3A_4 = scf.for %scan3A_13 = %scan3A_0 to %scan3A_2 step %scan3A_3 iter_args(%scan3A_14 = %scan3A) -> (i32)  : i32 {
      %broadcast_in_dim3A = arith.constant 0.000000e+00 : f32
      %broadcast_in_dim3A_15 = vector.broadcast %broadcast_in_dim3A : f32 to vector<16xf32>
      %swap3A = arith.index_cast %scan3A_13 : i32 to index
      %swap3A_16 = arith.constant 0 : index
      %swap3A_17 = tpu.vector_load %arg7[%swap3A, %swap3A_16] {strides = array<i32>} : memref<128x128xf32, #tpu.memory_space<vmem>>, vector<1x16xf32>,
      %swap3A_18 = vector.shape_cast %swap3A_17 : vector<1x16xf32> to vector<16xf32>
      %swap3A_19 = vector.shape_cast %broadcast_in_dim3A_15 : vector<16xf32> to vector<1x16xf32>
      tpu.vector_store %arg7[%swap3A, %swap3A_16], %swap3A_19 {strides = array<i32>} : memref<128x128xf32, #tpu.memory_space<vmem>>, vector<1x16xf32>,
      %broadcast_in_dim3A_20 = arith.constant 0.000000e+00 : f32
      %broadcast_in_dim3A_21 = vector.broadcast %broadcast_in_dim3A_20 : f32 to vector<16xf32>
      %swap3A_22 = arith.index_cast %scan3A_13 : i32 to index
      %swap3A_23 = arith.constant 16 : index
      %swap3A_24 = tpu.vector_load %arg7[%swap3A_22, %swap3A_23] {strides = array<i32>} : memref<128x128xf32, #tpu.memory_space<vmem>>, vector<1x16xf32>,
      %swap3A_25 = vector.shape_cast %swap3A_24 : vector<1x16xf32> to vector<16xf32>
      %swap3A_26 = vector.shape_cast %broadcast_in_dim3A_21 : vector<16xf32> to vector<1x16xf32>
      tpu.vector_store %arg7[%swap3A_22, %swap3A_23], %swap3A_26 {strides = array<i32>} : memref<128x128xf32, #tpu.memory_space<vmem>>, vector<1x16xf32>,
      %broadcast_in_dim3A_27 = arith.constant 0.000000e+00 : f32
      %broadcast_in_dim3A_28 = vector.broadcast %broadcast_in_dim3A_27 : f32 to vector<16xf32>
      %swap3A_29 = arith.index_cast %scan3A_13 : i32 to index
      %swap3A_30 = arith.constant 32 : index
      %swap3A_31 = tpu.vector_load %arg7[%swap3A_29, %swap3A_30] {strides = array<i32>} : memref<128x128xf32, #tpu.memory_space<vmem>>, vector<1x16xf32>,
      %swap3A_32 = vector.shape_cast %swap3A_31 : vector<1x16xf32> to vector<16xf32>
      %swap3A_33 = vector.shape_cast %broadcast_in_dim3A_28 : vector<16xf32> to vector<1x16xf32>
      tpu.vector_store %arg7[%swap3A_29, %swap3A_30], %swap3A_33 {strides = array<i32>} : memref<128x128xf32, #tpu.memory_space<vmem>>, vector<1x16xf32>,
      %broadcast_in_dim3A_34 = arith.constant 0.000000e+00 : f32
      %broadcast_in_dim3A_35 = vector.broadcast %broadcast_in_dim3A_34 : f32 to vector<16xf32>
      %swap3A_36 = arith.index_cast %scan3A_13 : i32 to index
      %swap3A_37 = arith.constant 48 : index
      %swap3A_38 = tpu.vector_load %arg7[%swap3A_36, %swap3A_37] {strides = array<i32>} : memref<128x128xf32, #tpu.memory_space<vmem>>, vector<1x16xf32>,
      %swap3A_39 = vector.shape_cast %swap3A_38 : vector<1x16xf32> to vector<16xf32>
      %swap3A_40 = vector.shape_cast %broadcast_in_dim3A_35 : vector<16xf32> to vector<1x16xf32>
      tpu.vector_store %arg7[%swap3A_36, %swap3A_37], %swap3A_40 {strides = array<i32>} : memref<128x128xf32, #tpu.memory_space<vmem>>, vector<1x16xf32>,
      %broadcast_in_dim3A_41 = arith.constant 0.000000e+00 : f32
      %broadcast_in_dim3A_42 = vector.broadcast %broadcast_in_dim3A_41 : f32 to vector<16xf32>
      %swap3A_43 = arith.index_cast %scan3A_13 : i32 to index
      %swap3A_44 = arith.constant 64 : index
      %swap3A_45 = tpu.vector_load %arg7[%swap3A_43, %swap3A_44] {strides = array<i32>} : memref<128x128xf32, #tpu.memory_space<vmem>>, vector<1x16xf32>,
      %swap3A_46 = vector.shape_cast %swap3A_45 : vector<1x16xf32> to vector<16xf32>
      %swap3A_47 = vector.shape_cast %broadcast_in_dim3A_42 : vector<16xf32> to vector<1x16xf32>
      tpu.vector_store %arg7[%swap3A_43, %swap3A_44], %swap3A_47 {strides = array<i32>} : memref<128x128xf32, #tpu.memory_space<vmem>>, vector<1x16xf32>,
      %broadcast_in_dim3A_48 = arith.constant 0.000000e+00 : f32
      %broadcast_in_dim3A_49 = vector.broadcast %broadcast_in_dim3A_48 : f32 to vector<16xf32>
      %swap3A_50 = arith.index_cast %scan3A_13 : i32 to index
      %swap3A_51 = arith.constant 80 : index
      %swap3A_52 = tpu.vector_load %arg7[%swap3A_50, %swap3A_51] {strides = array<i32>} : memref<128x128xf32, #tpu.memory_space<vmem>>, vector<1x16xf32>,
      %swap3A_53 = vector.shape_cast %swap3A_52 : vector<1x16xf32> to vector<16xf32>
      %swap3A_54 = vector.shape_cast %broadcast_in_dim3A_49 : vector<16xf32> to vector<1x16xf32>
      tpu.vector_store %arg7[%swap3A_50, %swap3A_51], %swap3A_54 {strides = array<i32>} : memref<128x128xf32, #tpu.memory_space<vmem>>, vector<1x16xf32>,
      %broadcast_in_dim3A_55 = arith.constant 0.000000e+00 : f32
      %broadcast_in_dim3A_56 = vector.broadcast %broadcast_in_dim3A_55 : f32 to vector<16xf32>
      %swap3A_57 = arith.index_cast %scan3A_13 : i32 to index
      %swap3A_58 = arith.constant 96 : index
      %swap3A_59 = tpu.vector_load %arg7[%swap3A_57, %swap3A_58] {strides = array<i32>} : memref<128x128xf32, #tpu.memory_space<vmem>>, vector<1x16xf32>,
      %swap3A_60 = vector.shape_cast %swap3A_59 : vector<1x16xf32> to vector<16xf32>
      %swap3A_61 = vector.shape_cast %broadcast_in_dim3A_56 : vector<16xf32> to vector<1x16xf32>
      tpu.vector_store %arg7[%swap3A_57, %swap3A_58], %swap3A_61 {strides = array<i32>} : memref<128x128xf32, #tpu.memory_space<vmem>>, vector<1x16xf32>,
      %broadcast_in_dim3A_62 = arith.constant 0.000000e+00 : f32
      %broadcast_in_dim3A_63 = vector.broadcast %broadcast_in_dim3A_62 : f32 to vector<16xf32>
      %swap3A_64 = arith.index_cast %scan3A_13 : i32 to index
      %swap3A_65 = arith.constant 112 : index
      %swap3A_66 = tpu.vector_load %arg7[%swap3A_64, %swap3A_65] {strides = array<i32>} : memref<128x128xf32, #tpu.memory_space<vmem>>, vector<1x16xf32>,
      %swap3A_67 = vector.shape_cast %swap3A_66 : vector<1x16xf32> to vector<16xf32>
      %swap3A_68 = vector.shape_cast %broadcast_in_dim3A_63 : vector<16xf32> to vector<1x16xf32>
      tpu.vector_store %arg7[%swap3A_64, %swap3A_65], %swap3A_68 {strides = array<i32>} : memref<128x128xf32, #tpu.memory_space<vmem>>, vector<1x16xf32>,
      %scan3A_69 = arith.constant 0 : i32
      scf.yield %scan3A_69 : i32
    }
    %scan3A_5 = arith.constant 128 : i32
    %scan3A_6 = arith.constant 0 : i32
    %scan3A_7 = arith.constant 0 : i32
    %scan3A_8 = arith.constant 16 : i32
    %scan3A_9 = arith.addi %scan3A_7, %scan3A_8 : i32
    %scan3A_10 = arith.constant 1 : i32
    %scan3A_11 = scf.for %scan3A_13 = %scan3A_7 to %scan3A_9 step %scan3A_10 iter_args(%scan3A_14 = %scan3A_6) -> (i32)  : i32 {
      %mul3A = arith.constant 2 : i32
      %mul3A_15 = arith.muli %scan3A_13, %mul3A : i32
      %add3A = arith.addi %mul3A_15, %arg0 : i32
      %mul3A_16 = arith.constant 128 : i32
      %mul3A_17 = arith.muli %arg1, %mul3A_16 : i32
      "tpu.region"() ({
        %run_scoped3A = tpu.sem_alloc : memref<!tpu.dma_semaphore, #tpu.memory_space<semaphore_mem>>
        %dma_start3A = arith.constant 0 : i32
        %dma_start3A_32 = tpu.memref_slice %arg8[%mul3A_17, %dma_start3A] : memref<2048x128xf32, #tpu.memory_space<vmem_shared>> -> memref<128x128xf32, #tpu.memory_space<vmem_shared>>
        %dma_start3A_33 = arith.constant 0 : i32
        %dma_start3A_34 = tpu.memref_slice %arg8[%mul3A_17, %dma_start3A_33] : memref<2048x128xf32, #tpu.memory_space<vmem_shared>> -> memref<128x128xf32, #tpu.memory_space<vmem_shared>>
        tpu.enqueue_dma source(%arg7 : memref<128x128xf32, #tpu.memory_space<vmem>>) target(%dma_start3A_34 : memref<128x128xf32, #tpu.memory_space<vmem_shared>>) target_semaphore(%run_scoped3A : memref<!tpu.dma_semaphore, #tpu.memory_space<semaphore_mem>>)
        %dma_wait3A = arith.constant 0 : i32
        %dma_wait3A_35 = tpu.memref_slice %arg8[%mul3A_17, %dma_wait3A] : memref<2048x128xf32, #tpu.memory_space<vmem_shared>> -> memref<128x128xf32, #tpu.memory_space<vmem_shared>>
        %dma_wait3A_36 = arith.constant 0 : i32
        %dma_wait3A_37 = tpu.memref_slice %arg8[%mul3A_17, %dma_wait3A_36] : memref<2048x128xf32, #tpu.memory_space<vmem_shared>> -> memref<128x128xf32, #tpu.memory_space<vmem_shared>>
        tpu.wait_dma2 semaphore(%run_scoped3A : memref<!tpu.dma_semaphore, #tpu.memory_space<semaphore_mem>>) src(%arg7 : memref<128x128xf32, #tpu.memory_space<vmem>>) dst(%dma_wait3A_37 : memref<128x128xf32, #tpu.memory_space<vmem_shared>>)
        tpu.yield
      }) : () -> ()
      %barrier3A = arith.constant 0 : index
      tpu.barrier barrier_id(%barrier3A)
      %scan3A_18 = arith.constant 0 : i32
      %scan3A_19 = arith.constant 0 : i32
      %scan3A_20 = arith.constant 8 : i32
      %scan3A_21 = arith.addi %scan3A_19, %scan3A_20 : i32
      %scan3A_22 = arith.constant 1 : i32
      %scan3A_23 = scf.for %scan3A_32 = %scan3A_19 to %scan3A_21 step %scan3A_22 iter_args(%scan3A_33 = %scan3A_18) -> (i32)  : i32 {
        %mul3A_34 = arith.constant 1024 : i32
        %mul3A_35 = arith.muli %arg1, %mul3A_34 : i32
        %mul3A_36 = arith.constant 128 : i32
        %mul3A_37 = arith.muli %scan3A_32, %mul3A_36 : i32
        %add3A_38 = arith.addi %mul3A_35, %mul3A_37 : i32
        "tpu.region"() ({
          %run_scoped3A = tpu.sem_alloc : memref<!tpu.dma_semaphore, #tpu.memory_space<semaphore_mem>>
          %dma_start3A = tpu.memref_slice %arg3[%add3A, %add3A_38] : memref<32x16384xi32, #tpu.memory_space<hbm>> -> memref<1x128xi32, #tpu.memory_space<hbm>>
          %dma_start3A_40 = tpu.memref_squeeze %dma_start3A : memref<1x128xi32, #tpu.memory_space<hbm>> -> memref<128xi32, #tpu.memory_space<hbm>>
          %dma_start3A_41 = tpu.memref_slice %arg3[%add3A, %add3A_38] : memref<32x16384xi32, #tpu.memory_space<hbm>> -> memref<1x128xi32, #tpu.memory_space<hbm>>
          %dma_start3A_42 = tpu.memref_squeeze %dma_start3A_41 : memref<1x128xi32, #tpu.memory_space<hbm>> -> memref<128xi32, #tpu.memory_space<hbm>>
          tpu.enqueue_dma source(%dma_start3A_42 : memref<128xi32, #tpu.memory_space<hbm>>) target(%arg5 : memref<128xi32, #tpu.memory_space<vmem>>) target_semaphore(%run_scoped3A : memref<!tpu.dma_semaphore, #tpu.memory_space<semaphore_mem>>)
          %dma_wait3A = tpu.memref_slice %arg3[%add3A, %add3A_38] : memref<32x16384xi32, #tpu.memory_space<hbm>> -> memref<1x128xi32, #tpu.memory_space<hbm>>
          %dma_wait3A_43 = tpu.memref_squeeze %dma_wait3A : memref<1x128xi32, #tpu.memory_space<hbm>> -> memref<128xi32, #tpu.memory_space<hbm>>
          %dma_wait3A_44 = tpu.memref_slice %arg3[%add3A, %add3A_38] : memref<32x16384xi32, #tpu.memory_space<hbm>> -> memref<1x128xi32, #tpu.memory_space<hbm>>
          %dma_wait3A_45 = tpu.memref_squeeze %dma_wait3A_44 : memref<1x128xi32, #tpu.memory_space<hbm>> -> memref<128xi32, #tpu.memory_space<hbm>>
          tpu.wait_dma2 semaphore(%run_scoped3A : memref<!tpu.dma_semaphore, #tpu.memory_space<semaphore_mem>>) src(%dma_wait3A_45 : memref<128xi32, #tpu.memory_space<hbm>>) dst(%arg5 : memref<128xi32, #tpu.memory_space<vmem>>)
          tpu.yield
        }) : () -> ()
        "tpu.region"() ({
          %run_scoped3A = tpu.sem_alloc : memref<!tpu.dma_semaphore, #tpu.memory_space<semaphore_mem>>
          %dma_start3A = arith.constant 0 : i32
          %dma_start3A_40 = tpu.memref_slice %arg2[%add3A, %add3A_38, %dma_start3A] : memref<32x16384x128xf32, #tpu.memory_space<hbm>> -> memref<1x128x128xf32, #tpu.memory_space<hbm>>
          %dma_start3A_41 = tpu.memref_squeeze %dma_start3A_40 : memref<1x128x128xf32, #tpu.memory_space<hbm>> -> memref<128x128xf32, #tpu.memory_space<hbm>>
          %dma_start3A_42 = arith.constant 0 : i32
          %dma_start3A_43 = tpu.memref_slice %arg2[%add3A, %add3A_38, %dma_start3A_42] : memref<32x16384x128xf32, #tpu.memory_space<hbm>> -> memref<1x128x128xf32, #tpu.memory_space<hbm>>
          %dma_start3A_44 = tpu.memref_squeeze %dma_start3A_43 : memref<1x128x128xf32, #tpu.memory_space<hbm>> -> memref<128x128xf32, #tpu.memory_space<hbm>>
          tpu.enqueue_dma source(%dma_start3A_44 : memref<128x128xf32, #tpu.memory_space<hbm>>) target(%arg6 : memref<128x128xf32, #tpu.memory_space<vmem>>) target_semaphore(%run_scoped3A : memref<!tpu.dma_semaphore, #tpu.memory_space<semaphore_mem>>)
          %dma_wait3A = arith.constant 0 : i32
          %dma_wait3A_45 = tpu.memref_slice %arg2[%add3A, %add3A_38, %dma_wait3A] : memref<32x16384x128xf32, #tpu.memory_space<hbm>> -> memref<1x128x128xf32, #tpu.memory_space<hbm>>
          %dma_wait3A_46 = tpu.memref_squeeze %dma_wait3A_45 : memref<1x128x128xf32, #tpu.memory_space<hbm>> -> memref<128x128xf32, #tpu.memory_space<hbm>>
          %dma_wait3A_47 = arith.constant 0 : i32
          %dma_wait3A_48 = tpu.memref_slice %arg2[%add3A, %add3A_38, %dma_wait3A_47] : memref<32x16384x128xf32, #tpu.memory_space<hbm>> -> memref<1x128x128xf32, #tpu.memory_space<hbm>>
          %dma_wait3A_49 = tpu.memref_squeeze %dma_wait3A_48 : memref<1x128x128xf32, #tpu.memory_space<hbm>> -> memref<128x128xf32, #tpu.memory_space<hbm>>
          tpu.wait_dma2 semaphore(%run_scoped3A : memref<!tpu.dma_semaphore, #tpu.memory_space<semaphore_mem>>) src(%dma_wait3A_49 : memref<128x128xf32, #tpu.memory_space<hbm>>) dst(%arg6 : memref<128x128xf32, #tpu.memory_space<vmem>>)
          tpu.yield
        }) : () -> ()
        "tpu.region"() ({
          %run_scoped3A = tpu.sem_alloc : memref<!tpu.dma_semaphore, #tpu.memory_space<semaphore_mem>>
          %dma_start3A = arith.constant 0 : i32
          %dma_start3A_40 = arith.constant 0 : i32
          %dma_start3A_41 = tpu.memref_slice %arg8[%dma_start3A, %dma_start3A_40] : memref<2048x128xf32, #tpu.memory_space<vmem_shared>> -> memref<2048x128xf32, #tpu.memory_space<vmem_shared>>
          tpu.enqueue_indirect_dma source(%arg6 : memref<128x128xf32, #tpu.memory_space<vmem>>) target(%dma_start3A_41 : memref<2048x128xf32, #tpu.memory_space<vmem_shared>>) offsets(%arg5 : memref<128xi32, #tpu.memory_space<vmem>>) semaphore(%run_scoped3A : memref<!tpu.dma_semaphore, #tpu.memory_space<semaphore_mem>>) {add = true}
          %dma_wait3A = arith.constant 0 : i32
          %dma_wait3A_42 = arith.constant 0 : i32
          %dma_wait3A_43 = tpu.memref_slice %arg8[%dma_wait3A, %dma_wait3A_42] : memref<2048x128xf32, #tpu.memory_space<vmem_shared>> -> memref<2048x128xf32, #tpu.memory_space<vmem_shared>>
          tpu.wait_indirect_dma semaphore(%run_scoped3A : memref<!tpu.dma_semaphore, #tpu.memory_space<semaphore_mem>>) src(%arg6 : memref<128x128xf32, #tpu.memory_space<vmem>>) dst(%dma_wait3A_43 : memref<2048x128xf32, #tpu.memory_space<vmem_shared>>)
          tpu.yield
        }) : () -> ()
        %scan3A_39 = arith.constant 0 : i32
        scf.yield %scan3A_39 : i32
      }
      %scan3A_24 = arith.constant 8 : i32
      %barrier3A_25 = arith.constant 0 : index
      tpu.barrier barrier_id(%barrier3A_25)
      %mul3A_26 = arith.constant 128 : i32
      %mul3A_27 = arith.muli %arg1, %mul3A_26 : i32
      %mul3A_28 = arith.constant 128 : i32
      %mul3A_29 = arith.muli %arg1, %mul3A_28 : i32
      "tpu.region"() ({
        %run_scoped3A = tpu.sem_alloc : memref<!tpu.dma_semaphore, #tpu.memory_space<semaphore_mem>>
        %dma_start3A = arith.constant 0 : i32
        %dma_start3A_32 = tpu.memref_slice %arg4[%add3A, %mul3A_29, %dma_start3A] : memref<32x2048x128xf32, #tpu.memory_space<hbm>> -> memref<1x128x128xf32, #tpu.memory_space<hbm>>
        %dma_start3A_33 = tpu.memref_squeeze %dma_start3A_32 : memref<1x128x128xf32, #tpu.memory_space<hbm>> -> memref<128x128xf32, #tpu.memory_space<hbm>>
        %dma_start3A_34 = arith.constant 0 : i32
        %dma_start3A_35 = tpu.memref_slice %arg8[%mul3A_27, %dma_start3A_34] : memref<2048x128xf32, #tpu.memory_space<vmem_shared>> -> memref<128x128xf32, #tpu.memory_space<vmem_shared>>
        tpu.enqueue_dma source(%dma_start3A_35 : memref<128x128xf32, #tpu.memory_space<vmem_shared>>) target(%dma_start3A_33 : memref<128x128xf32, #tpu.memory_space<hbm>>) target_semaphore(%run_scoped3A : memref<!tpu.dma_semaphore, #tpu.memory_space<semaphore_mem>>)
        %dma_wait3A = arith.constant 0 : i32
        %dma_wait3A_36 = tpu.memref_slice %arg4[%add3A, %mul3A_29, %dma_wait3A] : memref<32x2048x128xf32, #tpu.memory_space<hbm>> -> memref<1x128x128xf32, #tpu.memory_space<hbm>>
        %dma_wait3A_37 = tpu.memref_squeeze %dma_wait3A_36 : memref<1x128x128xf32, #tpu.memory_space<hbm>> -> memref<128x128xf32, #tpu.memory_space<hbm>>
        %dma_wait3A_38 = arith.constant 0 : i32
        %dma_wait3A_39 = tpu.memref_slice %arg8[%mul3A_27, %dma_wait3A_38] : memref<2048x128xf32, #tpu.memory_space<vmem_shared>> -> memref<128x128xf32, #tpu.memory_space<vmem_shared>>
        tpu.wait_dma2 semaphore(%run_scoped3A : memref<!tpu.dma_semaphore, #tpu.memory_space<semaphore_mem>>) src(%dma_wait3A_39 : memref<128x128xf32, #tpu.memory_space<vmem_shared>>) dst(%dma_wait3A_37 : memref<128x128xf32, #tpu.memory_space<hbm>>)
        tpu.yield
      }) : () -> ()
      %barrier3A_30 = arith.constant 0 : index
      tpu.barrier barrier_id(%barrier3A_30)
      %scan3A_31 = arith.constant 0 : i32
      scf.yield %scan3A_31 : i32
    }
    %scan3A_12 = arith.constant 16 : i32
    return
  }
}

#map = affine_map<(d0, d1) -> (0, 0, 0)>
#map1 = affine_map<(d0, d1) -> (0, 0)>
module attributes {stable_mosaic.version = 14 : i64} {
  func.func @sk(%arg0: i32, %arg1: i32, %arg2: memref<32x16384x128xf32, #tpu.memory_space<hbm>>, %arg3: memref<32x16384xi32, #tpu.memory_space<hbm>>, %arg4: memref<32x2048x128xf32, #tpu.memory_space<hbm>>, %arg5: memref<128xi32, #tpu.memory_space<vmem>>, %arg6: memref<128x128xf32, #tpu.memory_space<vmem>>, %arg7: memref<128x128xf32, #tpu.memory_space<vmem>>, %arg8: memref<2048x128xf32, #tpu.memory_space<vmem_shared>>) attributes {dimension_semantics = [#tpu.dimension_semantics<core_parallel>, #tpu.dimension_semantics<subcore_parallel>], iteration_bounds = array<i64: 2, 16>, scalar_prefetch = 0 : i64, scratch_operands = 4 : i64, tpu.core_type = #tpu.core_type<sc_vector_subcore>, window_params = [{transform_indices = #map}, {transform_indices = #map1}, {transform_indices = #map}]} {
    %scan3A = arith.constant 0 : i32
    %scan3A_0 = arith.constant 0 : i32
    %scan3A_1 = arith.constant 128 : i32
    %scan3A_2 = arith.addi %scan3A_0, %scan3A_1 : i32
    %scan3A_3 = arith.constant 1 : i32
    %scan3A_4 = scf.for %scan3A_13 = %scan3A_0 to %scan3A_2 step %scan3A_3 iter_args(%scan3A_14 = %scan3A) -> (i32)  : i32 {
      %broadcast_in_dim3A = arith.constant 0.000000e+00 : f32
      %broadcast_in_dim3A_15 = vector.broadcast %broadcast_in_dim3A : f32 to vector<16xf32>
      %swap3A = arith.index_cast %scan3A_13 : i32 to index
      %swap3A_16 = arith.constant 0 : index
      %swap3A_17 = tpu.vector_load %arg7[%swap3A, %swap3A_16] {strides = array<i32>} : memref<128x128xf32, #tpu.memory_space<vmem>>, vector<1x16xf32>,
      %swap3A_18 = vector.shape_cast %swap3A_17 : vector<1x16xf32> to vector<16xf32>
      %swap3A_19 = vector.shape_cast %broadcast_in_dim3A_15 : vector<16xf32> to vector<1x16xf32>
      tpu.vector_store %arg7[%swap3A, %swap3A_16], %swap3A_19 {strides = array<i32>} : memref<128x128xf32, #tpu.memory_space<vmem>>, vector<1x16xf32>,
      %broadcast_in_dim3A_20 = arith.constant 0.000000e+00 : f32
      %broadcast_in_dim3A_21 = vector.broadcast %broadcast_in_dim3A_20 : f32 to vector<16xf32>
      %swap3A_22 = arith.index_cast %scan3A_13 : i32 to index
      %swap3A_23 = arith.constant 16 : index
      %swap3A_24 = tpu.vector_load %arg7[%swap3A_22, %swap3A_23] {strides = array<i32>} : memref<128x128xf32, #tpu.memory_space<vmem>>, vector<1x16xf32>,
      %swap3A_25 = vector.shape_cast %swap3A_24 : vector<1x16xf32> to vector<16xf32>
      %swap3A_26 = vector.shape_cast %broadcast_in_dim3A_21 : vector<16xf32> to vector<1x16xf32>
      tpu.vector_store %arg7[%swap3A_22, %swap3A_23], %swap3A_26 {strides = array<i32>} : memref<128x128xf32, #tpu.memory_space<vmem>>, vector<1x16xf32>,
      %broadcast_in_dim3A_27 = arith.constant 0.000000e+00 : f32
      %broadcast_in_dim3A_28 = vector.broadcast %broadcast_in_dim3A_27 : f32 to vector<16xf32>
      %swap3A_29 = arith.index_cast %scan3A_13 : i32 to index
      %swap3A_30 = arith.constant 32 : index
      %swap3A_31 = tpu.vector_load %arg7[%swap3A_29, %swap3A_30] {strides = array<i32>} : memref<128x128xf32, #tpu.memory_space<vmem>>, vector<1x16xf32>,
      %swap3A_32 = vector.shape_cast %swap3A_31 : vector<1x16xf32> to vector<16xf32>
      %swap3A_33 = vector.shape_cast %broadcast_in_dim3A_28 : vector<16xf32> to vector<1x16xf32>
      tpu.vector_store %arg7[%swap3A_29, %swap3A_30], %swap3A_33 {strides = array<i32>} : memref<128x128xf32, #tpu.memory_space<vmem>>, vector<1x16xf32>,
      %broadcast_in_dim3A_34 = arith.constant 0.000000e+00 : f32
      %broadcast_in_dim3A_35 = vector.broadcast %broadcast_in_dim3A_34 : f32 to vector<16xf32>
      %swap3A_36 = arith.index_cast %scan3A_13 : i32 to index
      %swap3A_37 = arith.constant 48 : index
      %swap3A_38 = tpu.vector_load %arg7[%swap3A_36, %swap3A_37] {strides = array<i32>} : memref<128x128xf32, #tpu.memory_space<vmem>>, vector<1x16xf32>,
      %swap3A_39 = vector.shape_cast %swap3A_38 : vector<1x16xf32> to vector<16xf32>
      %swap3A_40 = vector.shape_cast %broadcast_in_dim3A_35 : vector<16xf32> to vector<1x16xf32>
      tpu.vector_store %arg7[%swap3A_36, %swap3A_37], %swap3A_40 {strides = array<i32>} : memref<128x128xf32, #tpu.memory_space<vmem>>, vector<1x16xf32>,
      %broadcast_in_dim3A_41 = arith.constant 0.000000e+00 : f32
      %broadcast_in_dim3A_42 = vector.broadcast %broadcast_in_dim3A_41 : f32 to vector<16xf32>
      %swap3A_43 = arith.index_cast %scan3A_13 : i32 to index
      %swap3A_44 = arith.constant 64 : index
      %swap3A_45 = tpu.vector_load %arg7[%swap3A_43, %swap3A_44] {strides = array<i32>} : memref<128x128xf32, #tpu.memory_space<vmem>>, vector<1x16xf32>,
      %swap3A_46 = vector.shape_cast %swap3A_45 : vector<1x16xf32> to vector<16xf32>
      %swap3A_47 = vector.shape_cast %broadcast_in_dim3A_42 : vector<16xf32> to vector<1x16xf32>
      tpu.vector_store %arg7[%swap3A_43, %swap3A_44], %swap3A_47 {strides = array<i32>} : memref<128x128xf32, #tpu.memory_space<vmem>>, vector<1x16xf32>,
      %broadcast_in_dim3A_48 = arith.constant 0.000000e+00 : f32
      %broadcast_in_dim3A_49 = vector.broadcast %broadcast_in_dim3A_48 : f32 to vector<16xf32>
      %swap3A_50 = arith.index_cast %scan3A_13 : i32 to index
      %swap3A_51 = arith.constant 80 : index
      %swap3A_52 = tpu.vector_load %arg7[%swap3A_50, %swap3A_51] {strides = array<i32>} : memref<128x128xf32, #tpu.memory_space<vmem>>, vector<1x16xf32>,
      %swap3A_53 = vector.shape_cast %swap3A_52 : vector<1x16xf32> to vector<16xf32>
      %swap3A_54 = vector.shape_cast %broadcast_in_dim3A_49 : vector<16xf32> to vector<1x16xf32>
      tpu.vector_store %arg7[%swap3A_50, %swap3A_51], %swap3A_54 {strides = array<i32>} : memref<128x128xf32, #tpu.memory_space<vmem>>, vector<1x16xf32>,
      %broadcast_in_dim3A_55 = arith.constant 0.000000e+00 : f32
      %broadcast_in_dim3A_56 = vector.broadcast %broadcast_in_dim3A_55 : f32 to vector<16xf32>
      %swap3A_57 = arith.index_cast %scan3A_13 : i32 to index
      %swap3A_58 = arith.constant 96 : index
      %swap3A_59 = tpu.vector_load %arg7[%swap3A_57, %swap3A_58] {strides = array<i32>} : memref<128x128xf32, #tpu.memory_space<vmem>>, vector<1x16xf32>,
      %swap3A_60 = vector.shape_cast %swap3A_59 : vector<1x16xf32> to vector<16xf32>
      %swap3A_61 = vector.shape_cast %broadcast_in_dim3A_56 : vector<16xf32> to vector<1x16xf32>
      tpu.vector_store %arg7[%swap3A_57, %swap3A_58], %swap3A_61 {strides = array<i32>} : memref<128x128xf32, #tpu.memory_space<vmem>>, vector<1x16xf32>,
      %broadcast_in_dim3A_62 = arith.constant 0.000000e+00 : f32
      %broadcast_in_dim3A_63 = vector.broadcast %broadcast_in_dim3A_62 : f32 to vector<16xf32>
      %swap3A_64 = arith.index_cast %scan3A_13 : i32 to index
      %swap3A_65 = arith.constant 112 : index
      %swap3A_66 = tpu.vector_load %arg7[%swap3A_64, %swap3A_65] {strides = array<i32>} : memref<128x128xf32, #tpu.memory_space<vmem>>, vector<1x16xf32>,
      %swap3A_67 = vector.shape_cast %swap3A_66 : vector<1x16xf32> to vector<16xf32>
      %swap3A_68 = vector.shape_cast %broadcast_in_dim3A_63 : vector<16xf32> to vector<1x16xf32>
      tpu.vector_store %arg7[%swap3A_64, %swap3A_65], %swap3A_68 {strides = array<i32>} : memref<128x128xf32, #tpu.memory_space<vmem>>, vector<1x16xf32>,
      %scan3A_69 = arith.constant 0 : i32
      scf.yield %scan3A_69 : i32
    }
    %scan3A_5 = arith.constant 128 : i32
    %scan3A_6 = arith.constant 0 : i32
    %scan3A_7 = arith.constant 0 : i32
    %scan3A_8 = arith.constant 16 : i32
    %scan3A_9 = arith.addi %scan3A_7, %scan3A_8 : i32
    %scan3A_10 = arith.constant 1 : i32
    %scan3A_11 = scf.for %scan3A_13 = %scan3A_7 to %scan3A_9 step %scan3A_10 iter_args(%scan3A_14 = %scan3A_6) -> (i32)  : i32 {
      %mul3A = arith.constant 2 : i32
      %mul3A_15 = arith.muli %scan3A_13, %mul3A : i32
      %add3A = arith.addi %mul3A_15, %arg0 : i32
      %mul3A_16 = arith.constant 128 : i32
      %mul3A_17 = arith.muli %arg1, %mul3A_16 : i32
      "tpu.region"() ({
        %run_scoped3A = tpu.sem_alloc : memref<!tpu.dma_semaphore, #tpu.memory_space<semaphore_mem>>
        %dma_start3A = arith.constant 0 : i32
        %dma_start3A_32 = tpu.memref_slice %arg8[%mul3A_17, %dma_start3A] : memref<2048x128xf32, #tpu.memory_space<vmem_shared>> -> memref<128x128xf32, #tpu.memory_space<vmem_shared>>
        %dma_start3A_33 = arith.constant 0 : i32
        %dma_start3A_34 = tpu.memref_slice %arg8[%mul3A_17, %dma_start3A_33] : memref<2048x128xf32, #tpu.memory_space<vmem_shared>> -> memref<128x128xf32, #tpu.memory_space<vmem_shared>>
        tpu.enqueue_dma source(%arg7 : memref<128x128xf32, #tpu.memory_space<vmem>>) target(%dma_start3A_34 : memref<128x128xf32, #tpu.memory_space<vmem_shared>>) target_semaphore(%run_scoped3A : memref<!tpu.dma_semaphore, #tpu.memory_space<semaphore_mem>>)
        %dma_wait3A = arith.constant 0 : i32
        %dma_wait3A_35 = tpu.memref_slice %arg8[%mul3A_17, %dma_wait3A] : memref<2048x128xf32, #tpu.memory_space<vmem_shared>> -> memref<128x128xf32, #tpu.memory_space<vmem_shared>>
        %dma_wait3A_36 = arith.constant 0 : i32
        %dma_wait3A_37 = tpu.memref_slice %arg8[%mul3A_17, %dma_wait3A_36] : memref<2048x128xf32, #tpu.memory_space<vmem_shared>> -> memref<128x128xf32, #tpu.memory_space<vmem_shared>>
        tpu.wait_dma2 semaphore(%run_scoped3A : memref<!tpu.dma_semaphore, #tpu.memory_space<semaphore_mem>>) src(%arg7 : memref<128x128xf32, #tpu.memory_space<vmem>>) dst(%dma_wait3A_37 : memref<128x128xf32, #tpu.memory_space<vmem_shared>>)
        tpu.yield
      }) : () -> ()
      %barrier3A = arith.constant 0 : index
      tpu.barrier barrier_id(%barrier3A)
      %scan3A_18 = arith.constant 0 : i32
      %scan3A_19 = arith.constant 0 : i32
      %scan3A_20 = arith.constant 8 : i32
      %scan3A_21 = arith.addi %scan3A_19, %scan3A_20 : i32
      %scan3A_22 = arith.constant 1 : i32
      %scan3A_23 = scf.for %scan3A_32 = %scan3A_19 to %scan3A_21 step %scan3A_22 iter_args(%scan3A_33 = %scan3A_18) -> (i32)  : i32 {
        %mul3A_34 = arith.constant 1024 : i32
        %mul3A_35 = arith.muli %arg1, %mul3A_34 : i32
        %mul3A_36 = arith.constant 128 : i32
        %mul3A_37 = arith.muli %scan3A_32, %mul3A_36 : i32
        %add3A_38 = arith.addi %mul3A_35, %mul3A_37 : i32
        "tpu.region"() ({
          %run_scoped3A = tpu.sem_alloc : memref<!tpu.dma_semaphore, #tpu.memory_space<semaphore_mem>>
          %dma_start3A = tpu.memref_slice %arg3[%add3A, %add3A_38] : memref<32x16384xi32, #tpu.memory_space<hbm>> -> memref<1x128xi32, #tpu.memory_space<hbm>>
          %dma_start3A_40 = tpu.memref_squeeze %dma_start3A : memref<1x128xi32, #tpu.memory_space<hbm>> -> memref<128xi32, #tpu.memory_space<hbm>>
          %dma_start3A_41 = tpu.memref_slice %arg3[%add3A, %add3A_38] : memref<32x16384xi32, #tpu.memory_space<hbm>> -> memref<1x128xi32, #tpu.memory_space<hbm>>
          %dma_start3A_42 = tpu.memref_squeeze %dma_start3A_41 : memref<1x128xi32, #tpu.memory_space<hbm>> -> memref<128xi32, #tpu.memory_space<hbm>>
          tpu.enqueue_dma source(%dma_start3A_42 : memref<128xi32, #tpu.memory_space<hbm>>) target(%arg5 : memref<128xi32, #tpu.memory_space<vmem>>) target_semaphore(%run_scoped3A : memref<!tpu.dma_semaphore, #tpu.memory_space<semaphore_mem>>)
          %dma_wait3A = tpu.memref_slice %arg3[%add3A, %add3A_38] : memref<32x16384xi32, #tpu.memory_space<hbm>> -> memref<1x128xi32, #tpu.memory_space<hbm>>
          %dma_wait3A_43 = tpu.memref_squeeze %dma_wait3A : memref<1x128xi32, #tpu.memory_space<hbm>> -> memref<128xi32, #tpu.memory_space<hbm>>
          %dma_wait3A_44 = tpu.memref_slice %arg3[%add3A, %add3A_38] : memref<32x16384xi32, #tpu.memory_space<hbm>> -> memref<1x128xi32, #tpu.memory_space<hbm>>
          %dma_wait3A_45 = tpu.memref_squeeze %dma_wait3A_44 : memref<1x128xi32, #tpu.memory_space<hbm>> -> memref<128xi32, #tpu.memory_space<hbm>>
          tpu.wait_dma2 semaphore(%run_scoped3A : memref<!tpu.dma_semaphore, #tpu.memory_space<semaphore_mem>>) src(%dma_wait3A_45 : memref<128xi32, #tpu.memory_space<hbm>>) dst(%arg5 : memref<128xi32, #tpu.memory_space<vmem>>)
          tpu.yield
        }) : () -> ()
        "tpu.region"() ({
          %run_scoped3A = tpu.sem_alloc : memref<!tpu.dma_semaphore, #tpu.memory_space<semaphore_mem>>
          %dma_start3A = arith.constant 0 : i32
          %dma_start3A_40 = tpu.memref_slice %arg2[%add3A, %add3A_38, %dma_start3A] : memref<32x16384x128xf32, #tpu.memory_space<hbm>> -> memref<1x128x128xf32, #tpu.memory_space<hbm>>
          %dma_start3A_41 = tpu.memref_squeeze %dma_start3A_40 : memref<1x128x128xf32, #tpu.memory_space<hbm>> -> memref<128x128xf32, #tpu.memory_space<hbm>>
          %dma_start3A_42 = arith.constant 0 : i32
          %dma_start3A_43 = tpu.memref_slice %arg2[%add3A, %add3A_38, %dma_start3A_42] : memref<32x16384x128xf32, #tpu.memory_space<hbm>> -> memref<1x128x128xf32, #tpu.memory_space<hbm>>
          %dma_start3A_44 = tpu.memref_squeeze %dma_start3A_43 : memref<1x128x128xf32, #tpu.memory_space<hbm>> -> memref<128x128xf32, #tpu.memory_space<hbm>>
          tpu.enqueue_dma source(%dma_start3A_44 : memref<128x128xf32, #tpu.memory_space<hbm>>) target(%arg6 : memref<128x128xf32, #tpu.memory_space<vmem>>) target_semaphore(%run_scoped3A : memref<!tpu.dma_semaphore, #tpu.memory_space<semaphore_mem>>)
          %dma_wait3A = arith.constant 0 : i32
          %dma_wait3A_45 = tpu.memref_slice %arg2[%add3A, %add3A_38, %dma_wait3A] : memref<32x16384x128xf32, #tpu.memory_space<hbm>> -> memref<1x128x128xf32, #tpu.memory_space<hbm>>
          %dma_wait3A_46 = tpu.memref_squeeze %dma_wait3A_45 : memref<1x128x128xf32, #tpu.memory_space<hbm>> -> memref<128x128xf32, #tpu.memory_space<hbm>>
          %dma_wait3A_47 = arith.constant 0 : i32
          %dma_wait3A_48 = tpu.memref_slice %arg2[%add3A, %add3A_38, %dma_wait3A_47] : memref<32x16384x128xf32, #tpu.memory_space<hbm>> -> memref<1x128x128xf32, #tpu.memory_space<hbm>>
          %dma_wait3A_49 = tpu.memref_squeeze %dma_wait3A_48 : memref<1x128x128xf32, #tpu.memory_space<hbm>> -> memref<128x128xf32, #tpu.memory_space<hbm>>
          tpu.wait_dma2 semaphore(%run_scoped3A : memref<!tpu.dma_semaphore, #tpu.memory_space<semaphore_mem>>) src(%dma_wait3A_49 : memref<128x128xf32, #tpu.memory_space<hbm>>) dst(%arg6 : memref<128x128xf32, #tpu.memory_space<vmem>>)
          tpu.yield
        }) : () -> ()
        "tpu.region"() ({
          %run_scoped3A = tpu.sem_alloc : memref<!tpu.dma_semaphore, #tpu.memory_space<semaphore_mem>>
          %dma_start3A = arith.constant 0 : i32
          %dma_start3A_40 = arith.constant 0 : i32
          %dma_start3A_41 = tpu.memref_slice %arg8[%dma_start3A, %dma_start3A_40] : memref<2048x128xf32, #tpu.memory_space<vmem_shared>> -> memref<2048x128xf32, #tpu.memory_space<vmem_shared>>
          tpu.enqueue_indirect_dma source(%arg6 : memref<128x128xf32, #tpu.memory_space<vmem>>) target(%dma_start3A_41 : memref<2048x128xf32, #tpu.memory_space<vmem_shared>>) offsets(%arg5 : memref<128xi32, #tpu.memory_space<vmem>>) semaphore(%run_scoped3A : memref<!tpu.dma_semaphore, #tpu.memory_space<semaphore_mem>>) {add = true}
          %dma_wait3A = arith.constant 0 : i32
          %dma_wait3A_42 = arith.constant 0 : i32
          %dma_wait3A_43 = tpu.memref_slice %arg8[%dma_wait3A, %dma_wait3A_42] : memref<2048x128xf32, #tpu.memory_space<vmem_shared>> -> memref<2048x128xf32, #tpu.memory_space<vmem_shared>>
          tpu.wait_indirect_dma semaphore(%run_scoped3A : memref<!tpu.dma_semaphore, #tpu.memory_space<semaphore_mem>>) src(%arg6 : memref<128x128xf32, #tpu.memory_space<vmem>>) dst(%dma_wait3A_43 : memref<2048x128xf32, #tpu.memory_space<vmem_shared>>)
          tpu.yield
        }) : () -> ()
        %scan3A_39 = arith.constant 0 : i32
        scf.yield %scan3A_39 : i32
      }
      %scan3A_24 = arith.constant 8 : i32
      %barrier3A_25 = arith.constant 0 : index
      tpu.barrier barrier_id(%barrier3A_25)
      %mul3A_26 = arith.constant 128 : i32
      %mul3A_27 = arith.muli %arg1, %mul3A_26 : i32
      %mul3A_28 = arith.constant 128 : i32
      %mul3A_29 = arith.muli %arg1, %mul3A_28 : i32
      "tpu.region"() ({
        %run_scoped3A = tpu.sem_alloc : memref<!tpu.dma_semaphore, #tpu.memory_space<semaphore_mem>>
        %dma_start3A = arith.constant 0 : i32
        %dma_start3A_32 = tpu.memref_slice %arg4[%add3A, %mul3A_29, %dma_start3A] : memref<32x2048x128xf32, #tpu.memory_space<hbm>> -> memref<1x128x128xf32, #tpu.memory_space<hbm>>
        %dma_start3A_33 = tpu.memref_squeeze %dma_start3A_32 : memref<1x128x128xf32, #tpu.memory_space<hbm>> -> memref<128x128xf32, #tpu.memory_space<hbm>>
        %dma_start3A_34 = arith.constant 0 : i32
        %dma_start3A_35 = tpu.memref_slice %arg8[%mul3A_27, %dma_start3A_34] : memref<2048x128xf32, #tpu.memory_space<vmem_shared>> -> memref<128x128xf32, #tpu.memory_space<vmem_shared>>
        tpu.enqueue_dma source(%dma_start3A_35 : memref<128x128xf32, #tpu.memory_space<vmem_shared>>) target(%dma_start3A_33 : memref<128x128xf32, #tpu.memory_space<hbm>>) target_semaphore(%run_scoped3A : memref<!tpu.dma_semaphore, #tpu.memory_space<semaphore_mem>>)
        %dma_wait3A = arith.constant 0 : i32
        %dma_wait3A_36 = tpu.memref_slice %arg4[%add3A, %mul3A_29, %dma_wait3A] : memref<32x2048x128xf32, #tpu.memory_space<hbm>> -> memref<1x128x128xf32, #tpu.memory_space<hbm>>
        %dma_wait3A_37 = tpu.memref_squeeze %dma_wait3A_36 : memref<1x128x128xf32, #tpu.memory_space<hbm>> -> memref<128x128xf32, #tpu.memory_space<hbm>>
        %dma_wait3A_38 = arith.constant 0 : i32
        %dma_wait3A_39 = tpu.memref_slice %arg8[%mul3A_27, %dma_wait3A_38] : memref<2048x128xf32, #tpu.memory_space<vmem_shared>> -> memref<128x128xf32, #tpu.memory_space<vmem_shared>>
        tpu.wait_dma2 semaphore(%run_scoped3A : memref<!tpu.dma_semaphore, #tpu.memory_space<semaphore_mem>>) src(%dma_wait3A_39 : memref<128x128xf32, #tpu.memory_space<vmem_shared>>) dst(%dma_wait3A_37 : memref<128x128xf32, #tpu.memory_space<hbm>>)
        tpu.yield
      }) : () -> ()
      %barrier3A_30 = arith.constant 0 : index
      tpu.barrier barrier_id(%barrier3A_30)
      %scan3A_31 = arith.constant 0 : i32
      scf.yield %scan3A_31 : i32
    }
    %scan3A_12 = arith.constant 16 : i32
    return
  }
}

#map = affine_map<(d0, d1) -> (0, 0)>
#map1 = affine_map<(d0, d1) -> (0, 0, 0)>
module attributes {stable_mosaic.version = 14 : i64} {
  func.func @gk(%arg0: i32, %arg1: i32, %arg2: memref<65536x256xf32, #tpu.memory_space<hbm>>, %arg3: memref<512x256xf32, #tpu.memory_space<hbm>>, %arg4: memref<32x16384xi32, #tpu.memory_space<hbm>>, %arg5: memref<32x16384xi32, #tpu.memory_space<hbm>>, %arg6: memref<32x16384x256xf32, #tpu.memory_space<hbm>>, %arg7: memref<128xi32, #tpu.memory_space<vmem>>, %arg8: memref<128xi32, #tpu.memory_space<vmem>>, %arg9: memref<128x256xf32, #tpu.memory_space<vmem>>, %arg10: memref<128x256xf32, #tpu.memory_space<vmem>>, %arg11: memref<128x256xf32, #tpu.memory_space<vmem>>, %arg12: memref<!tpu.dma_semaphore, #tpu.memory_space<semaphore_mem>>, %arg13: memref<!tpu.dma_semaphore, #tpu.memory_space<semaphore_mem>>) attributes {dimension_semantics = [#tpu.dimension_semantics<core_parallel>, #tpu.dimension_semantics<subcore_parallel>], iteration_bounds = array<i64: 2, 16>, scalar_prefetch = 0 : i64, scratch_operands = 7 : i64, tpu.core_type = #tpu.core_type<sc_vector_subcore>, window_params = [{transform_indices = #map}, {transform_indices = #map}, {transform_indices = #map}, {transform_indices = #map}, {transform_indices = #map1}]} {
    %mul3A = arith.constant 2 : i32
    %mul3A_0 = arith.muli %arg1, %mul3A : i32
    %add3A = arith.addi %mul3A_0, %arg0 : i32
    %scan3A = arith.constant 0 : i32
    %scan3A_1 = arith.constant 0 : i32
    %scan3A_2 = arith.constant 128 : i32
    %scan3A_3 = arith.addi %scan3A_1, %scan3A_2 : i32
    %scan3A_4 = arith.constant 1 : i32
    %scan3A_5 = scf.for %scan3A_7 = %scan3A_1 to %scan3A_3 step %scan3A_4 iter_args(%scan3A_8 = %scan3A) -> (i32)  : i32 {
      %mul3A_9 = arith.constant 128 : i32
      %mul3A_10 = arith.muli %scan3A_7, %mul3A_9 : i32
      "tpu.region"() ({
        %run_scoped3A = tpu.sem_alloc : memref<!tpu.dma_semaphore, #tpu.memory_space<semaphore_mem>>
        %dma_start3A_29 = tpu.memref_slice %arg4[%add3A, %mul3A_10] : memref<32x16384xi32, #tpu.memory_space<hbm>> -> memref<1x128xi32, #tpu.memory_space<hbm>>
        %dma_start3A_30 = tpu.memref_squeeze %dma_start3A_29 : memref<1x128xi32, #tpu.memory_space<hbm>> -> memref<128xi32, #tpu.memory_space<hbm>>
        %dma_start3A_31 = tpu.memref_slice %arg4[%add3A, %mul3A_10] : memref<32x16384xi32, #tpu.memory_space<hbm>> -> memref<1x128xi32, #tpu.memory_space<hbm>>
        %dma_start3A_32 = tpu.memref_squeeze %dma_start3A_31 : memref<1x128xi32, #tpu.memory_space<hbm>> -> memref<128xi32, #tpu.memory_space<hbm>>
        tpu.enqueue_dma source(%dma_start3A_32 : memref<128xi32, #tpu.memory_space<hbm>>) target(%arg7 : memref<128xi32, #tpu.memory_space<vmem>>) target_semaphore(%run_scoped3A : memref<!tpu.dma_semaphore, #tpu.memory_space<semaphore_mem>>)
        %dma_wait3A_33 = tpu.memref_slice %arg4[%add3A, %mul3A_10] : memref<32x16384xi32, #tpu.memory_space<hbm>> -> memref<1x128xi32, #tpu.memory_space<hbm>>
        %dma_wait3A_34 = tpu.memref_squeeze %dma_wait3A_33 : memref<1x128xi32, #tpu.memory_space<hbm>> -> memref<128xi32, #tpu.memory_space<hbm>>
        %dma_wait3A_35 = tpu.memref_slice %arg4[%add3A, %mul3A_10] : memref<32x16384xi32, #tpu.memory_space<hbm>> -> memref<1x128xi32, #tpu.memory_space<hbm>>
        %dma_wait3A_36 = tpu.memref_squeeze %dma_wait3A_35 : memref<1x128xi32, #tpu.memory_space<hbm>> -> memref<128xi32, #tpu.memory_space<hbm>>
        tpu.wait_dma2 semaphore(%run_scoped3A : memref<!tpu.dma_semaphore, #tpu.memory_space<semaphore_mem>>) src(%dma_wait3A_36 : memref<128xi32, #tpu.memory_space<hbm>>) dst(%arg7 : memref<128xi32, #tpu.memory_space<vmem>>)
        tpu.yield
      }) : () -> ()
      "tpu.region"() ({
        %run_scoped3A = tpu.sem_alloc : memref<!tpu.dma_semaphore, #tpu.memory_space<semaphore_mem>>
        %dma_start3A_29 = tpu.memref_slice %arg5[%add3A, %mul3A_10] : memref<32x16384xi32, #tpu.memory_space<hbm>> -> memref<1x128xi32, #tpu.memory_space<hbm>>
        %dma_start3A_30 = tpu.memref_squeeze %dma_start3A_29 : memref<1x128xi32, #tpu.memory_space<hbm>> -> memref<128xi32, #tpu.memory_space<hbm>>
        %dma_start3A_31 = tpu.memref_slice %arg5[%add3A, %mul3A_10] : memref<32x16384xi32, #tpu.memory_space<hbm>> -> memref<1x128xi32, #tpu.memory_space<hbm>>
        %dma_start3A_32 = tpu.memref_squeeze %dma_start3A_31 : memref<1x128xi32, #tpu.memory_space<hbm>> -> memref<128xi32, #tpu.memory_space<hbm>>
        tpu.enqueue_dma source(%dma_start3A_32 : memref<128xi32, #tpu.memory_space<hbm>>) target(%arg8 : memref<128xi32, #tpu.memory_space<vmem>>) target_semaphore(%run_scoped3A : memref<!tpu.dma_semaphore, #tpu.memory_space<semaphore_mem>>)
        %dma_wait3A_33 = tpu.memref_slice %arg5[%add3A, %mul3A_10] : memref<32x16384xi32, #tpu.memory_space<hbm>> -> memref<1x128xi32, #tpu.memory_space<hbm>>
        %dma_wait3A_34 = tpu.memref_squeeze %dma_wait3A_33 : memref<1x128xi32, #tpu.memory_space<hbm>> -> memref<128xi32, #tpu.memory_space<hbm>>
        %dma_wait3A_35 = tpu.memref_slice %arg5[%add3A, %mul3A_10] : memref<32x16384xi32, #tpu.memory_space<hbm>> -> memref<1x128xi32, #tpu.memory_space<hbm>>
        %dma_wait3A_36 = tpu.memref_squeeze %dma_wait3A_35 : memref<1x128xi32, #tpu.memory_space<hbm>> -> memref<128xi32, #tpu.memory_space<hbm>>
        tpu.wait_dma2 semaphore(%run_scoped3A : memref<!tpu.dma_semaphore, #tpu.memory_space<semaphore_mem>>) src(%dma_wait3A_36 : memref<128xi32, #tpu.memory_space<hbm>>) dst(%arg8 : memref<128xi32, #tpu.memory_space<vmem>>)
        tpu.yield
      }) : () -> ()
      %dma_start3A = arith.constant 0 : i32
      %dma_start3A_11 = arith.constant 0 : i32
      %dma_start3A_12 = tpu.memref_slice %arg2[%dma_start3A, %dma_start3A_11] : memref<65536x256xf32, #tpu.memory_space<hbm>> -> memref<65536x256xf32, #tpu.memory_space<hbm>>
      tpu.enqueue_indirect_dma source(%dma_start3A_12 : memref<65536x256xf32, #tpu.memory_space<hbm>>) target(%arg9 : memref<128x256xf32, #tpu.memory_space<vmem>>) offsets(%arg7 : memref<128xi32, #tpu.memory_space<vmem>>) semaphore(%arg12 : memref<!tpu.dma_semaphore, #tpu.memory_space<semaphore_mem>>)
      %dma_start3A_13 = arith.constant 0 : i32
      %dma_start3A_14 = arith.constant 0 : i32
      %dma_start3A_15 = tpu.memref_slice %arg3[%dma_start3A_13, %dma_start3A_14] : memref<512x256xf32, #tpu.memory_space<hbm>> -> memref<512x256xf32, #tpu.memory_space<hbm>>
      tpu.enqueue_indirect_dma source(%dma_start3A_15 : memref<512x256xf32, #tpu.memory_space<hbm>>) target(%arg10 : memref<128x256xf32, #tpu.memory_space<vmem>>) offsets(%arg8 : memref<128xi32, #tpu.memory_space<vmem>>) semaphore(%arg13 : memref<!tpu.dma_semaphore, #tpu.memory_space<semaphore_mem>>)
      %dma_wait3A = arith.constant 0 : i32
      %dma_wait3A_16 = arith.constant 0 : i32
      %dma_wait3A_17 = tpu.memref_slice %arg2[%dma_wait3A, %dma_wait3A_16] : memref<65536x256xf32, #tpu.memory_space<hbm>> -> memref<65536x256xf32, #tpu.memory_space<hbm>>
      tpu.wait_indirect_dma semaphore(%arg12 : memref<!tpu.dma_semaphore, #tpu.memory_space<semaphore_mem>>) src(%dma_wait3A_17 : memref<65536x256xf32, #tpu.memory_space<hbm>>) dst(%arg9 : memref<128x256xf32, #tpu.memory_space<vmem>>)
      %dma_wait3A_18 = arith.constant 0 : i32
      %dma_wait3A_19 = arith.constant 0 : i32
      %dma_wait3A_20 = tpu.memref_slice %arg3[%dma_wait3A_18, %dma_wait3A_19] : memref<512x256xf32, #tpu.memory_space<hbm>> -> memref<512x256xf32, #tpu.memory_space<hbm>>
      tpu.wait_indirect_dma semaphore(%arg13 : memref<!tpu.dma_semaphore, #tpu.memory_space<semaphore_mem>>) src(%dma_wait3A_20 : memref<512x256xf32, #tpu.memory_space<hbm>>) dst(%arg10 : memref<128x256xf32, #tpu.memory_space<vmem>>)
      %scan3A_21 = arith.constant 0 : i32
      %scan3A_22 = arith.constant 0 : i32
      %scan3A_23 = arith.constant 128 : i32
      %scan3A_24 = arith.addi %scan3A_22, %scan3A_23 : i32
      %scan3A_25 = arith.constant 1 : i32
      %scan3A_26 = scf.for %scan3A_29 = %scan3A_22 to %scan3A_24 step %scan3A_25 iter_args(%scan3A_30 = %scan3A_21) -> (i32)  : i32 {
        %get3A = arith.index_cast %scan3A_29 : i32 to index
        %get3A_31 = arith.constant 0 : index
        %get3A_32 = tpu.vector_load %arg9[%get3A, %get3A_31] {strides = array<i32>} : memref<128x256xf32, #tpu.memory_space<vmem>>, vector<1x16xf32>,
        %get3A_33 = vector.shape_cast %get3A_32 : vector<1x16xf32> to vector<16xf32>
        %get3A_34 = arith.index_cast %scan3A_29 : i32 to index
        %get3A_35 = arith.constant 0 : index
        %get3A_36 = tpu.vector_load %arg10[%get3A_34, %get3A_35] {strides = array<i32>} : memref<128x256xf32, #tpu.memory_space<vmem>>, vector<1x16xf32>,
        %get3A_37 = vector.shape_cast %get3A_36 : vector<1x16xf32> to vector<16xf32>
        %mul3A_38 = arith.mulf %get3A_33, %get3A_37 : vector<16xf32>
        %swap3A = arith.index_cast %scan3A_29 : i32 to index
        %swap3A_39 = arith.constant 0 : index
        %swap3A_40 = tpu.vector_load %arg11[%swap3A, %swap3A_39] {strides = array<i32>} : memref<128x256xf32, #tpu.memory_space<vmem>>, vector<1x16xf32>,
        %swap3A_41 = vector.shape_cast %swap3A_40 : vector<1x16xf32> to vector<16xf32>
        %swap3A_42 = vector.shape_cast %mul3A_38 : vector<16xf32> to vector<1x16xf32>
        tpu.vector_store %arg11[%swap3A, %swap3A_39], %swap3A_42 {strides = array<i32>} : memref<128x256xf32, #tpu.memory_space<vmem>>, vector<1x16xf32>,
        %get3A_43 = arith.index_cast %scan3A_29 : i32 to index
        %get3A_44 = arith.constant 16 : index
        %get3A_45 = tpu.vector_load %arg9[%get3A_43, %get3A_44] {strides = array<i32>} : memref<128x256xf32, #tpu.memory_space<vmem>>, vector<1x16xf32>,
        %get3A_46 = vector.shape_cast %get3A_45 : vector<1x16xf32> to vector<16xf32>
        %get3A_47 = arith.index_cast %scan3A_29 : i32 to index
        %get3A_48 = arith.constant 16 : index
        %get3A_49 = tpu.vector_load %arg10[%get3A_47, %get3A_48] {strides = array<i32>} : memref<128x256xf32, #tpu.memory_space<vmem>>, vector<1x16xf32>,
        %get3A_50 = vector.shape_cast %get3A_49 : vector<1x16xf32> to vector<16xf32>
        %mul3A_51 = arith.mulf %get3A_46, %get3A_50 : vector<16xf32>
        %swap3A_52 = arith.index_cast %scan3A_29 : i32 to index
        %swap3A_53 = arith.constant 16 : index
        %swap3A_54 = tpu.vector_load %arg11[%swap3A_52, %swap3A_53] {strides = array<i32>} : memref<128x256xf32, #tpu.memory_space<vmem>>, vector<1x16xf32>,
        %swap3A_55 = vector.shape_cast %swap3A_54 : vector<1x16xf32> to vector<16xf32>
        %swap3A_56 = vector.shape_cast %mul3A_51 : vector<16xf32> to vector<1x16xf32>
        tpu.vector_store %arg11[%swap3A_52, %swap3A_53], %swap3A_56 {strides = array<i32>} : memref<128x256xf32, #tpu.memory_space<vmem>>, vector<1x16xf32>,
        %get3A_57 = arith.index_cast %scan3A_29 : i32 to index
        %get3A_58 = arith.constant 32 : index
        %get3A_59 = tpu.vector_load %arg9[%get3A_57, %get3A_58] {strides = array<i32>} : memref<128x256xf32, #tpu.memory_space<vmem>>, vector<1x16xf32>,
        %get3A_60 = vector.shape_cast %get3A_59 : vector<1x16xf32> to vector<16xf32>
        %get3A_61 = arith.index_cast %scan3A_29 : i32 to index
        %get3A_62 = arith.constant 32 : index
        %get3A_63 = tpu.vector_load %arg10[%get3A_61, %get3A_62] {strides = array<i32>} : memref<128x256xf32, #tpu.memory_space<vmem>>, vector<1x16xf32>,
        %get3A_64 = vector.shape_cast %get3A_63 : vector<1x16xf32> to vector<16xf32>
        %mul3A_65 = arith.mulf %get3A_60, %get3A_64 : vector<16xf32>
        %swap3A_66 = arith.index_cast %scan3A_29 : i32 to index
        %swap3A_67 = arith.constant 32 : index
        %swap3A_68 = tpu.vector_load %arg11[%swap3A_66, %swap3A_67] {strides = array<i32>} : memref<128x256xf32, #tpu.memory_space<vmem>>, vector<1x16xf32>,
        %swap3A_69 = vector.shape_cast %swap3A_68 : vector<1x16xf32> to vector<16xf32>
        %swap3A_70 = vector.shape_cast %mul3A_65 : vector<16xf32> to vector<1x16xf32>
        tpu.vector_store %arg11[%swap3A_66, %swap3A_67], %swap3A_70 {strides = array<i32>} : memref<128x256xf32, #tpu.memory_space<vmem>>, vector<1x16xf32>,
        %get3A_71 = arith.index_cast %scan3A_29 : i32 to index
        %get3A_72 = arith.constant 48 : index
        %get3A_73 = tpu.vector_load %arg9[%get3A_71, %get3A_72] {strides = array<i32>} : memref<128x256xf32, #tpu.memory_space<vmem>>, vector<1x16xf32>,
        %get3A_74 = vector.shape_cast %get3A_73 : vector<1x16xf32> to vector<16xf32>
        %get3A_75 = arith.index_cast %scan3A_29 : i32 to index
        %get3A_76 = arith.constant 48 : index
        %get3A_77 = tpu.vector_load %arg10[%get3A_75, %get3A_76] {strides = array<i32>} : memref<128x256xf32, #tpu.memory_space<vmem>>, vector<1x16xf32>,
        %get3A_78 = vector.shape_cast %get3A_77 : vector<1x16xf32> to vector<16xf32>
        %mul3A_79 = arith.mulf %get3A_74, %get3A_78 : vector<16xf32>
        %swap3A_80 = arith.index_cast %scan3A_29 : i32 to index
        %swap3A_81 = arith.constant 48 : index
        %swap3A_82 = tpu.vector_load %arg11[%swap3A_80, %swap3A_81] {strides = array<i32>} : memref<128x256xf32, #tpu.memory_space<vmem>>, vector<1x16xf32>,
        %swap3A_83 = vector.shape_cast %swap3A_82 : vector<1x16xf32> to vector<16xf32>
        %swap3A_84 = vector.shape_cast %mul3A_79 : vector<16xf32> to vector<1x16xf32>
        tpu.vector_store %arg11[%swap3A_80, %swap3A_81], %swap3A_84 {strides = array<i32>} : memref<128x256xf32, #tpu.memory_space<vmem>>, vector<1x16xf32>,
        %get3A_85 = arith.index_cast %scan3A_29 : i32 to index
        %get3A_86 = arith.constant 64 : index
        %get3A_87 = tpu.vector_load %arg9[%get3A_85, %get3A_86] {strides = array<i32>} : memref<128x256xf32, #tpu.memory_space<vmem>>, vector<1x16xf32>,
        %get3A_88 = vector.shape_cast %get3A_87 : vector<1x16xf32> to vector<16xf32>
        %get3A_89 = arith.index_cast %scan3A_29 : i32 to index
        %get3A_90 = arith.constant 64 : index
        %get3A_91 = tpu.vector_load %arg10[%get3A_89, %get3A_90] {strides = array<i32>} : memref<128x256xf32, #tpu.memory_space<vmem>>, vector<1x16xf32>,
        %get3A_92 = vector.shape_cast %get3A_91 : vector<1x16xf32> to vector<16xf32>
        %mul3A_93 = arith.mulf %get3A_88, %get3A_92 : vector<16xf32>
        %swap3A_94 = arith.index_cast %scan3A_29 : i32 to index
        %swap3A_95 = arith.constant 64 : index
        %swap3A_96 = tpu.vector_load %arg11[%swap3A_94, %swap3A_95] {strides = array<i32>} : memref<128x256xf32, #tpu.memory_space<vmem>>, vector<1x16xf32>,
        %swap3A_97 = vector.shape_cast %swap3A_96 : vector<1x16xf32> to vector<16xf32>
        %swap3A_98 = vector.shape_cast %mul3A_93 : vector<16xf32> to vector<1x16xf32>
        tpu.vector_store %arg11[%swap3A_94, %swap3A_95], %swap3A_98 {strides = array<i32>} : memref<128x256xf32, #tpu.memory_space<vmem>>, vector<1x16xf32>,
        %get3A_99 = arith.index_cast %scan3A_29 : i32 to index
        %get3A_100 = arith.constant 80 : index
        %get3A_101 = tpu.vector_load %arg9[%get3A_99, %get3A_100] {strides = array<i32>} : memref<128x256xf32, #tpu.memory_space<vmem>>, vector<1x16xf32>,
        %get3A_102 = vector.shape_cast %get3A_101 : vector<1x16xf32> to vector<16xf32>
        %get3A_103 = arith.index_cast %scan3A_29 : i32 to index
        %get3A_104 = arith.constant 80 : index
        %get3A_105 = tpu.vector_load %arg10[%get3A_103, %get3A_104] {strides = array<i32>} : memref<128x256xf32, #tpu.memory_space<vmem>>, vector<1x16xf32>,
        %get3A_106 = vector.shape_cast %get3A_105 : vector<1x16xf32> to vector<16xf32>
        %mul3A_107 = arith.mulf %get3A_102, %get3A_106 : vector<16xf32>
        %swap3A_108 = arith.index_cast %scan3A_29 : i32 to index
        %swap3A_109 = arith.constant 80 : index
        %swap3A_110 = tpu.vector_load %arg11[%swap3A_108, %swap3A_109] {strides = array<i32>} : memref<128x256xf32, #tpu.memory_space<vmem>>, vector<1x16xf32>,
        %swap3A_111 = vector.shape_cast %swap3A_110 : vector<1x16xf32> to vector<16xf32>
        %swap3A_112 = vector.shape_cast %mul3A_107 : vector<16xf32> to vector<1x16xf32>
        tpu.vector_store %arg11[%swap3A_108, %swap3A_109], %swap3A_112 {strides = array<i32>} : memref<128x256xf32, #tpu.memory_space<vmem>>, vector<1x16xf32>,
        %get3A_113 = arith.index_cast %scan3A_29 : i32 to index
        %get3A_114 = arith.constant 96 : index
        %get3A_115 = tpu.vector_load %arg9[%get3A_113, %get3A_114] {strides = array<i32>} : memref<128x256xf32, #tpu.memory_space<vmem>>, vector<1x16xf32>,
        %get3A_116 = vector.shape_cast %get3A_115 : vector<1x16xf32> to vector<16xf32>
        %get3A_117 = arith.index_cast %scan3A_29 : i32 to index
        %get3A_118 = arith.constant 96 : index
        %get3A_119 = tpu.vector_load %arg10[%get3A_117, %get3A_118] {strides = array<i32>} : memref<128x256xf32, #tpu.memory_space<vmem>>, vector<1x16xf32>,
        %get3A_120 = vector.shape_cast %get3A_119 : vector<1x16xf32> to vector<16xf32>
        %mul3A_121 = arith.mulf %get3A_116, %get3A_120 : vector<16xf32>
        %swap3A_122 = arith.index_cast %scan3A_29 : i32 to index
        %swap3A_123 = arith.constant 96 : index
        %swap3A_124 = tpu.vector_load %arg11[%swap3A_122, %swap3A_123] {strides = array<i32>} : memref<128x256xf32, #tpu.memory_space<vmem>>, vector<1x16xf32>,
        %swap3A_125 = vector.shape_cast %swap3A_124 : vector<1x16xf32> to vector<16xf32>
        %swap3A_126 = vector.shape_cast %mul3A_121 : vector<16xf32> to vector<1x16xf32>
        tpu.vector_store %arg11[%swap3A_122, %swap3A_123], %swap3A_126 {strides = array<i32>} : memref<128x256xf32, #tpu.memory_space<vmem>>, vector<1x16xf32>,
        %get3A_127 = arith.index_cast %scan3A_29 : i32 to index
        %get3A_128 = arith.constant 112 : index
        %get3A_129 = tpu.vector_load %arg9[%get3A_127, %get3A_128] {strides = array<i32>} : memref<128x256xf32, #tpu.memory_space<vmem>>, vector<1x16xf32>,
        %get3A_130 = vector.shape_cast %get3A_129 : vector<1x16xf32> to vector<16xf32>
        %get3A_131 = arith.index_cast %scan3A_29 : i32 to index
        %get3A_132 = arith.constant 112 : index
        %get3A_133 = tpu.vector_load %arg10[%get3A_131, %get3A_132] {strides = array<i32>} : memref<128x256xf32, #tpu.memory_space<vmem>>, vector<1x16xf32>,
        %get3A_134 = vector.shape_cast %get3A_133 : vector<1x16xf32> to vector<16xf32>
        %mul3A_135 = arith.mulf %get3A_130, %get3A_134 : vector<16xf32>
        %swap3A_136 = arith.index_cast %scan3A_29 : i32 to index
        %swap3A_137 = arith.constant 112 : index
        %swap3A_138 = tpu.vector_load %arg11[%swap3A_136, %swap3A_137] {strides = array<i32>} : memref<128x256xf32, #tpu.memory_space<vmem>>, vector<1x16xf32>,
        %swap3A_139 = vector.shape_cast %swap3A_138 : vector<1x16xf32> to vector<16xf32>
        %swap3A_140 = vector.shape_cast %mul3A_135 : vector<16xf32> to vector<1x16xf32>
        tpu.vector_store %arg11[%swap3A_136, %swap3A_137], %swap3A_140 {strides = array<i32>} : memref<128x256xf32, #tpu.memory_space<vmem>>, vector<1x16xf32>,
        %get3A_141 = arith.index_cast %scan3A_29 : i32 to index
        %get3A_142 = arith.constant 128 : index
        %get3A_143 = tpu.vector_load %arg9[%get3A_141, %get3A_142] {strides = array<i32>} : memref<128x256xf32, #tpu.memory_space<vmem>>, vector<1x16xf32>,
        %get3A_144 = vector.shape_cast %get3A_143 : vector<1x16xf32> to vector<16xf32>
        %get3A_145 = arith.index_cast %scan3A_29 : i32 to index
        %get3A_146 = arith.constant 128 : index
        %get3A_147 = tpu.vector_load %arg10[%get3A_145, %get3A_146] {strides = array<i32>} : memref<128x256xf32, #tpu.memory_space<vmem>>, vector<1x16xf32>,
        %get3A_148 = vector.shape_cast %get3A_147 : vector<1x16xf32> to vector<16xf32>
        %add3A_149 = arith.addf %get3A_144, %get3A_148 : vector<16xf32>
        %swap3A_150 = arith.index_cast %scan3A_29 : i32 to index
        %swap3A_151 = arith.constant 128 : index
        %swap3A_152 = tpu.vector_load %arg11[%swap3A_150, %swap3A_151] {strides = array<i32>} : memref<128x256xf32, #tpu.memory_space<vmem>>, vector<1x16xf32>,
        %swap3A_153 = vector.shape_cast %swap3A_152 : vector<1x16xf32> to vector<16xf32>
        %swap3A_154 = vector.shape_cast %add3A_149 : vector<16xf32> to vector<1x16xf32>
        tpu.vector_store %arg11[%swap3A_150, %swap3A_151], %swap3A_154 {strides = array<i32>} : memref<128x256xf32, #tpu.memory_space<vmem>>, vector<1x16xf32>,
        %get3A_155 = arith.index_cast %scan3A_29 : i32 to index
        %get3A_156 = arith.constant 144 : index
        %get3A_157 = tpu.vector_load %arg9[%get3A_155, %get3A_156] {strides = array<i32>} : memref<128x256xf32, #tpu.memory_space<vmem>>, vector<1x16xf32>,
        %get3A_158 = vector.shape_cast %get3A_157 : vector<1x16xf32> to vector<16xf32>
        %get3A_159 = arith.index_cast %scan3A_29 : i32 to index
        %get3A_160 = arith.constant 144 : index
        %get3A_161 = tpu.vector_load %arg10[%get3A_159, %get3A_160] {strides = array<i32>} : memref<128x256xf32, #tpu.memory_space<vmem>>, vector<1x16xf32>,
        %get3A_162 = vector.shape_cast %get3A_161 : vector<1x16xf32> to vector<16xf32>
        %add3A_163 = arith.addf %get3A_158, %get3A_162 : vector<16xf32>
        %swap3A_164 = arith.index_cast %scan3A_29 : i32 to index
        %swap3A_165 = arith.constant 144 : index
        %swap3A_166 = tpu.vector_load %arg11[%swap3A_164, %swap3A_165] {strides = array<i32>} : memref<128x256xf32, #tpu.memory_space<vmem>>, vector<1x16xf32>,
        %swap3A_167 = vector.shape_cast %swap3A_166 : vector<1x16xf32> to vector<16xf32>
        %swap3A_168 = vector.shape_cast %add3A_163 : vector<16xf32> to vector<1x16xf32>
        tpu.vector_store %arg11[%swap3A_164, %swap3A_165], %swap3A_168 {strides = array<i32>} : memref<128x256xf32, #tpu.memory_space<vmem>>, vector<1x16xf32>,
        %get3A_169 = arith.index_cast %scan3A_29 : i32 to index
        %get3A_170 = arith.constant 160 : index
        %get3A_171 = tpu.vector_load %arg9[%get3A_169, %get3A_170] {strides = array<i32>} : memref<128x256xf32, #tpu.memory_space<vmem>>, vector<1x16xf32>,
        %get3A_172 = vector.shape_cast %get3A_171 : vector<1x16xf32> to vector<16xf32>
        %get3A_173 = arith.index_cast %scan3A_29 : i32 to index
        %get3A_174 = arith.constant 160 : index
        %get3A_175 = tpu.vector_load %arg10[%get3A_173, %get3A_174] {strides = array<i32>} : memref<128x256xf32, #tpu.memory_space<vmem>>, vector<1x16xf32>,
        %get3A_176 = vector.shape_cast %get3A_175 : vector<1x16xf32> to vector<16xf32>
        %add3A_177 = arith.addf %get3A_172, %get3A_176 : vector<16xf32>
        %swap3A_178 = arith.index_cast %scan3A_29 : i32 to index
        %swap3A_179 = arith.constant 160 : index
        %swap3A_180 = tpu.vector_load %arg11[%swap3A_178, %swap3A_179] {strides = array<i32>} : memref<128x256xf32, #tpu.memory_space<vmem>>, vector<1x16xf32>,
        %swap3A_181 = vector.shape_cast %swap3A_180 : vector<1x16xf32> to vector<16xf32>
        %swap3A_182 = vector.shape_cast %add3A_177 : vector<16xf32> to vector<1x16xf32>
        tpu.vector_store %arg11[%swap3A_178, %swap3A_179], %swap3A_182 {strides = array<i32>} : memref<128x256xf32, #tpu.memory_space<vmem>>, vector<1x16xf32>,
        %get3A_183 = arith.index_cast %scan3A_29 : i32 to index
        %get3A_184 = arith.constant 176 : index
        %get3A_185 = tpu.vector_load %arg9[%get3A_183, %get3A_184] {strides = array<i32>} : memref<128x256xf32, #tpu.memory_space<vmem>>, vector<1x16xf32>,
        %get3A_186 = vector.shape_cast %get3A_185 : vector<1x16xf32> to vector<16xf32>
        %get3A_187 = arith.index_cast %scan3A_29 : i32 to index
        %get3A_188 = arith.constant 176 : index
        %get3A_189 = tpu.vector_load %arg10[%get3A_187, %get3A_188] {strides = array<i32>} : memref<128x256xf32, #tpu.memory_space<vmem>>, vector<1x16xf32>,
        %get3A_190 = vector.shape_cast %get3A_189 : vector<1x16xf32> to vector<16xf32>
        %add3A_191 = arith.addf %get3A_186, %get3A_190 : vector<16xf32>
        %swap3A_192 = arith.index_cast %scan3A_29 : i32 to index
        %swap3A_193 = arith.constant 176 : index
        %swap3A_194 = tpu.vector_load %arg11[%swap3A_192, %swap3A_193] {strides = array<i32>} : memref<128x256xf32, #tpu.memory_space<vmem>>, vector<1x16xf32>,
        %swap3A_195 = vector.shape_cast %swap3A_194 : vector<1x16xf32> to vector<16xf32>
        %swap3A_196 = vector.shape_cast %add3A_191 : vector<16xf32> to vector<1x16xf32>
        tpu.vector_store %arg11[%swap3A_192, %swap3A_193], %swap3A_196 {strides = array<i32>} : memref<128x256xf32, #tpu.memory_space<vmem>>, vector<1x16xf32>,
        %get3A_197 = arith.index_cast %scan3A_29 : i32 to index
        %get3A_198 = arith.constant 192 : index
        %get3A_199 = tpu.vector_load %arg9[%get3A_197, %get3A_198] {strides = array<i32>} : memref<128x256xf32, #tpu.memory_space<vmem>>, vector<1x16xf32>,
        %get3A_200 = vector.shape_cast %get3A_199 : vector<1x16xf32> to vector<16xf32>
        %get3A_201 = arith.index_cast %scan3A_29 : i32 to index
        %get3A_202 = arith.constant 192 : index
        %get3A_203 = tpu.vector_load %arg10[%get3A_201, %get3A_202] {strides = array<i32>} : memref<128x256xf32, #tpu.memory_space<vmem>>, vector<1x16xf32>,
        %get3A_204 = vector.shape_cast %get3A_203 : vector<1x16xf32> to vector<16xf32>
        %add3A_205 = arith.addf %get3A_200, %get3A_204 : vector<16xf32>
        %swap3A_206 = arith.index_cast %scan3A_29 : i32 to index
        %swap3A_207 = arith.constant 192 : index
        %swap3A_208 = tpu.vector_load %arg11[%swap3A_206, %swap3A_207] {strides = array<i32>} : memref<128x256xf32, #tpu.memory_space<vmem>>, vector<1x16xf32>,
        %swap3A_209 = vector.shape_cast %swap3A_208 : vector<1x16xf32> to vector<16xf32>
        %swap3A_210 = vector.shape_cast %add3A_205 : vector<16xf32> to vector<1x16xf32>
        tpu.vector_store %arg11[%swap3A_206, %swap3A_207], %swap3A_210 {strides = array<i32>} : memref<128x256xf32, #tpu.memory_space<vmem>>, vector<1x16xf32>,
        %get3A_211 = arith.index_cast %scan3A_29 : i32 to index
        %get3A_212 = arith.constant 208 : index
        %get3A_213 = tpu.vector_load %arg9[%get3A_211, %get3A_212] {strides = array<i32>} : memref<128x256xf32, #tpu.memory_space<vmem>>, vector<1x16xf32>,
        %get3A_214 = vector.shape_cast %get3A_213 : vector<1x16xf32> to vector<16xf32>
        %get3A_215 = arith.index_cast %scan3A_29 : i32 to index
        %get3A_216 = arith.constant 208 : index
        %get3A_217 = tpu.vector_load %arg10[%get3A_215, %get3A_216] {strides = array<i32>} : memref<128x256xf32, #tpu.memory_space<vmem>>, vector<1x16xf32>,
        %get3A_218 = vector.shape_cast %get3A_217 : vector<1x16xf32> to vector<16xf32>
        %add3A_219 = arith.addf %get3A_214, %get3A_218 : vector<16xf32>
        %swap3A_220 = arith.index_cast %scan3A_29 : i32 to index
        %swap3A_221 = arith.constant 208 : index
        %swap3A_222 = tpu.vector_load %arg11[%swap3A_220, %swap3A_221] {strides = array<i32>} : memref<128x256xf32, #tpu.memory_space<vmem>>, vector<1x16xf32>,
        %swap3A_223 = vector.shape_cast %swap3A_222 : vector<1x16xf32> to vector<16xf32>
        %swap3A_224 = vector.shape_cast %add3A_219 : vector<16xf32> to vector<1x16xf32>
        tpu.vector_store %arg11[%swap3A_220, %swap3A_221], %swap3A_224 {strides = array<i32>} : memref<128x256xf32, #tpu.memory_space<vmem>>, vector<1x16xf32>,
        %get3A_225 = arith.index_cast %scan3A_29 : i32 to index
        %get3A_226 = arith.constant 224 : index
        %get3A_227 = tpu.vector_load %arg9[%get3A_225, %get3A_226] {strides = array<i32>} : memref<128x256xf32, #tpu.memory_space<vmem>>, vector<1x16xf32>,
        %get3A_228 = vector.shape_cast %get3A_227 : vector<1x16xf32> to vector<16xf32>
        %get3A_229 = arith.index_cast %scan3A_29 : i32 to index
        %get3A_230 = arith.constant 224 : index
        %get3A_231 = tpu.vector_load %arg10[%get3A_229, %get3A_230] {strides = array<i32>} : memref<128x256xf32, #tpu.memory_space<vmem>>, vector<1x16xf32>,
        %get3A_232 = vector.shape_cast %get3A_231 : vector<1x16xf32> to vector<16xf32>
        %add3A_233 = arith.addf %get3A_228, %get3A_232 : vector<16xf32>
        %swap3A_234 = arith.index_cast %scan3A_29 : i32 to index
        %swap3A_235 = arith.constant 224 : index
        %swap3A_236 = tpu.vector_load %arg11[%swap3A_234, %swap3A_235] {strides = array<i32>} : memref<128x256xf32, #tpu.memory_space<vmem>>, vector<1x16xf32>,
        %swap3A_237 = vector.shape_cast %swap3A_236 : vector<1x16xf32> to vector<16xf32>
        %swap3A_238 = vector.shape_cast %add3A_233 : vector<16xf32> to vector<1x16xf32>
        tpu.vector_store %arg11[%swap3A_234, %swap3A_235], %swap3A_238 {strides = array<i32>} : memref<128x256xf32, #tpu.memory_space<vmem>>, vector<1x16xf32>,
        %get3A_239 = arith.index_cast %scan3A_29 : i32 to index
        %get3A_240 = arith.constant 240 : index
        %get3A_241 = tpu.vector_load %arg9[%get3A_239, %get3A_240] {strides = array<i32>} : memref<128x256xf32, #tpu.memory_space<vmem>>, vector<1x16xf32>,
        %get3A_242 = vector.shape_cast %get3A_241 : vector<1x16xf32> to vector<16xf32>
        %get3A_243 = arith.index_cast %scan3A_29 : i32 to index
        %get3A_244 = arith.constant 240 : index
        %get3A_245 = tpu.vector_load %arg10[%get3A_243, %get3A_244] {strides = array<i32>} : memref<128x256xf32, #tpu.memory_space<vmem>>, vector<1x16xf32>,
        %get3A_246 = vector.shape_cast %get3A_245 : vector<1x16xf32> to vector<16xf32>
        %add3A_247 = arith.addf %get3A_242, %get3A_246 : vector<16xf32>
        %swap3A_248 = arith.index_cast %scan3A_29 : i32 to index
        %swap3A_249 = arith.constant 240 : index
        %swap3A_250 = tpu.vector_load %arg11[%swap3A_248, %swap3A_249] {strides = array<i32>} : memref<128x256xf32, #tpu.memory_space<vmem>>, vector<1x16xf32>,
        %swap3A_251 = vector.shape_cast %swap3A_250 : vector<1x16xf32> to vector<16xf32>
        %swap3A_252 = vector.shape_cast %add3A_247 : vector<16xf32> to vector<1x16xf32>
        tpu.vector_store %arg11[%swap3A_248, %swap3A_249], %swap3A_252 {strides = array<i32>} : memref<128x256xf32, #tpu.memory_space<vmem>>, vector<1x16xf32>,
        %scan3A_253 = arith.constant 0 : i32
        scf.yield %scan3A_253 : i32
      }
      %scan3A_27 = arith.constant 128 : i32
      "tpu.region"() ({
        %run_scoped3A = tpu.sem_alloc : memref<!tpu.dma_semaphore, #tpu.memory_space<semaphore_mem>>
        %dma_start3A_29 = arith.constant 0 : i32
        %dma_start3A_30 = tpu.memref_slice %arg6[%add3A, %mul3A_10, %dma_start3A_29] : memref<32x16384x256xf32, #tpu.memory_space<hbm>> -> memref<1x128x256xf32, #tpu.memory_space<hbm>>
        %dma_start3A_31 = tpu.memref_squeeze %dma_start3A_30 : memref<1x128x256xf32, #tpu.memory_space<hbm>> -> memref<128x256xf32, #tpu.memory_space<hbm>>
        %dma_start3A_32 = arith.constant 0 : i32
        %dma_start3A_33 = tpu.memref_slice %arg6[%add3A, %mul3A_10, %dma_start3A_32] : memref<32x16384x256xf32, #tpu.memory_space<hbm>> -> memref<1x128x256xf32, #tpu.memory_space<hbm>>
        %dma_start3A_34 = tpu.memref_squeeze %dma_start3A_33 : memref<1x128x256xf32, #tpu.memory_space<hbm>> -> memref<128x256xf32, #tpu.memory_space<hbm>>
        tpu.enqueue_dma source(%arg11 : memref<128x256xf32, #tpu.memory_space<vmem>>) target(%dma_start3A_34 : memref<128x256xf32, #tpu.memory_space<hbm>>) target_semaphore(%run_scoped3A : memref<!tpu.dma_semaphore, #tpu.memory_space<semaphore_mem>>)
        %dma_wait3A_35 = arith.constant 0 : i32
        %dma_wait3A_36 = tpu.memref_slice %arg6[%add3A, %mul3A_10, %dma_wait3A_35] : memref<32x16384x256xf32, #tpu.memory_space<hbm>> -> memref<1x128x256xf32, #tpu.memory_space<hbm>>
        %dma_wait3A_37 = tpu.memref_squeeze %dma_wait3A_36 : memref<1x128x256xf32, #tpu.memory_space<hbm>> -> memref<128x256xf32, #tpu.memory_space<hbm>>
        %dma_wait3A_38 = arith.constant 0 : i32
        %dma_wait3A_39 = tpu.memref_slice %arg6[%add3A, %mul3A_10, %dma_wait3A_38] : memref<32x16384x256xf32, #tpu.memory_space<hbm>> -> memref<1x128x256xf32, #tpu.memory_space<hbm>>
        %dma_wait3A_40 = tpu.memref_squeeze %dma_wait3A_39 : memref<1x128x256xf32, #tpu.memory_space<hbm>> -> memref<128x256xf32, #tpu.memory_space<hbm>>
        tpu.wait_dma2 semaphore(%run_scoped3A : memref<!tpu.dma_semaphore, #tpu.memory_space<semaphore_mem>>) src(%arg11 : memref<128x256xf32, #tpu.memory_space<vmem>>) dst(%dma_wait3A_40 : memref<128x256xf32, #tpu.memory_space<hbm>>)
        tpu.yield
      }) : () -> ()
      %scan3A_28 = arith.constant 0 : i32
      scf.yield %scan3A_28 : i32
    }
    %scan3A_6 = arith.constant 128 : i32
    return
  }
}

#map = affine_map<(d0, d1) -> (0, 0)>
#map1 = affine_map<(d0, d1) -> (0, 0, 0)>
module attributes {stable_mosaic.version = 14 : i64} {
  func.func @gk(%arg0: i32, %arg1: i32, %arg2: memref<65536x256xf32, #tpu.memory_space<hbm>>, %arg3: memref<512x256xf32, #tpu.memory_space<hbm>>, %arg4: memref<32x16384xi32, #tpu.memory_space<hbm>>, %arg5: memref<32x16384xi32, #tpu.memory_space<hbm>>, %arg6: memref<32x16384x256xf32, #tpu.memory_space<hbm>>, %arg7: memref<128xi32, #tpu.memory_space<vmem>>, %arg8: memref<128xi32, #tpu.memory_space<vmem>>, %arg9: memref<128x256xf32, #tpu.memory_space<vmem>>, %arg10: memref<128x256xf32, #tpu.memory_space<vmem>>, %arg11: memref<128x256xf32, #tpu.memory_space<vmem>>, %arg12: memref<!tpu.dma_semaphore, #tpu.memory_space<semaphore_mem>>, %arg13: memref<!tpu.dma_semaphore, #tpu.memory_space<semaphore_mem>>) attributes {dimension_semantics = [#tpu.dimension_semantics<core_parallel>, #tpu.dimension_semantics<subcore_parallel>], iteration_bounds = array<i64: 2, 16>, scalar_prefetch = 0 : i64, scratch_operands = 7 : i64, tpu.core_type = #tpu.core_type<sc_vector_subcore>, window_params = [{transform_indices = #map}, {transform_indices = #map}, {transform_indices = #map}, {transform_indices = #map}, {transform_indices = #map1}]} {
    %mul3A = arith.constant 2 : i32
    %mul3A_0 = arith.muli %arg1, %mul3A : i32
    %add3A = arith.addi %mul3A_0, %arg0 : i32
    %scan3A = arith.constant 0 : i32
    %scan3A_1 = arith.constant 0 : i32
    %scan3A_2 = arith.constant 128 : i32
    %scan3A_3 = arith.addi %scan3A_1, %scan3A_2 : i32
    %scan3A_4 = arith.constant 1 : i32
    %scan3A_5 = scf.for %scan3A_7 = %scan3A_1 to %scan3A_3 step %scan3A_4 iter_args(%scan3A_8 = %scan3A) -> (i32)  : i32 {
      %mul3A_9 = arith.constant 128 : i32
      %mul3A_10 = arith.muli %scan3A_7, %mul3A_9 : i32
      "tpu.region"() ({
        %run_scoped3A = tpu.sem_alloc : memref<!tpu.dma_semaphore, #tpu.memory_space<semaphore_mem>>
        %dma_start3A_29 = tpu.memref_slice %arg4[%add3A, %mul3A_10] : memref<32x16384xi32, #tpu.memory_space<hbm>> -> memref<1x128xi32, #tpu.memory_space<hbm>>
        %dma_start3A_30 = tpu.memref_squeeze %dma_start3A_29 : memref<1x128xi32, #tpu.memory_space<hbm>> -> memref<128xi32, #tpu.memory_space<hbm>>
        %dma_start3A_31 = tpu.memref_slice %arg4[%add3A, %mul3A_10] : memref<32x16384xi32, #tpu.memory_space<hbm>> -> memref<1x128xi32, #tpu.memory_space<hbm>>
        %dma_start3A_32 = tpu.memref_squeeze %dma_start3A_31 : memref<1x128xi32, #tpu.memory_space<hbm>> -> memref<128xi32, #tpu.memory_space<hbm>>
        tpu.enqueue_dma source(%dma_start3A_32 : memref<128xi32, #tpu.memory_space<hbm>>) target(%arg7 : memref<128xi32, #tpu.memory_space<vmem>>) target_semaphore(%run_scoped3A : memref<!tpu.dma_semaphore, #tpu.memory_space<semaphore_mem>>)
        %dma_wait3A_33 = tpu.memref_slice %arg4[%add3A, %mul3A_10] : memref<32x16384xi32, #tpu.memory_space<hbm>> -> memref<1x128xi32, #tpu.memory_space<hbm>>
        %dma_wait3A_34 = tpu.memref_squeeze %dma_wait3A_33 : memref<1x128xi32, #tpu.memory_space<hbm>> -> memref<128xi32, #tpu.memory_space<hbm>>
        %dma_wait3A_35 = tpu.memref_slice %arg4[%add3A, %mul3A_10] : memref<32x16384xi32, #tpu.memory_space<hbm>> -> memref<1x128xi32, #tpu.memory_space<hbm>>
        %dma_wait3A_36 = tpu.memref_squeeze %dma_wait3A_35 : memref<1x128xi32, #tpu.memory_space<hbm>> -> memref<128xi32, #tpu.memory_space<hbm>>
        tpu.wait_dma2 semaphore(%run_scoped3A : memref<!tpu.dma_semaphore, #tpu.memory_space<semaphore_mem>>) src(%dma_wait3A_36 : memref<128xi32, #tpu.memory_space<hbm>>) dst(%arg7 : memref<128xi32, #tpu.memory_space<vmem>>)
        tpu.yield
      }) : () -> ()
      "tpu.region"() ({
        %run_scoped3A = tpu.sem_alloc : memref<!tpu.dma_semaphore, #tpu.memory_space<semaphore_mem>>
        %dma_start3A_29 = tpu.memref_slice %arg5[%add3A, %mul3A_10] : memref<32x16384xi32, #tpu.memory_space<hbm>> -> memref<1x128xi32, #tpu.memory_space<hbm>>
        %dma_start3A_30 = tpu.memref_squeeze %dma_start3A_29 : memref<1x128xi32, #tpu.memory_space<hbm>> -> memref<128xi32, #tpu.memory_space<hbm>>
        %dma_start3A_31 = tpu.memref_slice %arg5[%add3A, %mul3A_10] : memref<32x16384xi32, #tpu.memory_space<hbm>> -> memref<1x128xi32, #tpu.memory_space<hbm>>
        %dma_start3A_32 = tpu.memref_squeeze %dma_start3A_31 : memref<1x128xi32, #tpu.memory_space<hbm>> -> memref<128xi32, #tpu.memory_space<hbm>>
        tpu.enqueue_dma source(%dma_start3A_32 : memref<128xi32, #tpu.memory_space<hbm>>) target(%arg8 : memref<128xi32, #tpu.memory_space<vmem>>) target_semaphore(%run_scoped3A : memref<!tpu.dma_semaphore, #tpu.memory_space<semaphore_mem>>)
        %dma_wait3A_33 = tpu.memref_slice %arg5[%add3A, %mul3A_10] : memref<32x16384xi32, #tpu.memory_space<hbm>> -> memref<1x128xi32, #tpu.memory_space<hbm>>
        %dma_wait3A_34 = tpu.memref_squeeze %dma_wait3A_33 : memref<1x128xi32, #tpu.memory_space<hbm>> -> memref<128xi32, #tpu.memory_space<hbm>>
        %dma_wait3A_35 = tpu.memref_slice %arg5[%add3A, %mul3A_10] : memref<32x16384xi32, #tpu.memory_space<hbm>> -> memref<1x128xi32, #tpu.memory_space<hbm>>
        %dma_wait3A_36 = tpu.memref_squeeze %dma_wait3A_35 : memref<1x128xi32, #tpu.memory_space<hbm>> -> memref<128xi32, #tpu.memory_space<hbm>>
        tpu.wait_dma2 semaphore(%run_scoped3A : memref<!tpu.dma_semaphore, #tpu.memory_space<semaphore_mem>>) src(%dma_wait3A_36 : memref<128xi32, #tpu.memory_space<hbm>>) dst(%arg8 : memref<128xi32, #tpu.memory_space<vmem>>)
        tpu.yield
      }) : () -> ()
      %dma_start3A = arith.constant 0 : i32
      %dma_start3A_11 = arith.constant 0 : i32
      %dma_start3A_12 = tpu.memref_slice %arg2[%dma_start3A, %dma_start3A_11] : memref<65536x256xf32, #tpu.memory_space<hbm>> -> memref<65536x256xf32, #tpu.memory_space<hbm>>
      tpu.enqueue_indirect_dma source(%dma_start3A_12 : memref<65536x256xf32, #tpu.memory_space<hbm>>) target(%arg9 : memref<128x256xf32, #tpu.memory_space<vmem>>) offsets(%arg7 : memref<128xi32, #tpu.memory_space<vmem>>) semaphore(%arg12 : memref<!tpu.dma_semaphore, #tpu.memory_space<semaphore_mem>>)
      %dma_start3A_13 = arith.constant 0 : i32
      %dma_start3A_14 = arith.constant 0 : i32
      %dma_start3A_15 = tpu.memref_slice %arg3[%dma_start3A_13, %dma_start3A_14] : memref<512x256xf32, #tpu.memory_space<hbm>> -> memref<512x256xf32, #tpu.memory_space<hbm>>
      tpu.enqueue_indirect_dma source(%dma_start3A_15 : memref<512x256xf32, #tpu.memory_space<hbm>>) target(%arg10 : memref<128x256xf32, #tpu.memory_space<vmem>>) offsets(%arg8 : memref<128xi32, #tpu.memory_space<vmem>>) semaphore(%arg13 : memref<!tpu.dma_semaphore, #tpu.memory_space<semaphore_mem>>)
      %dma_wait3A = arith.constant 0 : i32
      %dma_wait3A_16 = arith.constant 0 : i32
      %dma_wait3A_17 = tpu.memref_slice %arg2[%dma_wait3A, %dma_wait3A_16] : memref<65536x256xf32, #tpu.memory_space<hbm>> -> memref<65536x256xf32, #tpu.memory_space<hbm>>
      tpu.wait_indirect_dma semaphore(%arg12 : memref<!tpu.dma_semaphore, #tpu.memory_space<semaphore_mem>>) src(%dma_wait3A_17 : memref<65536x256xf32, #tpu.memory_space<hbm>>) dst(%arg9 : memref<128x256xf32, #tpu.memory_space<vmem>>)
      %dma_wait3A_18 = arith.constant 0 : i32
      %dma_wait3A_19 = arith.constant 0 : i32
      %dma_wait3A_20 = tpu.memref_slice %arg3[%dma_wait3A_18, %dma_wait3A_19] : memref<512x256xf32, #tpu.memory_space<hbm>> -> memref<512x256xf32, #tpu.memory_space<hbm>>
      tpu.wait_indirect_dma semaphore(%arg13 : memref<!tpu.dma_semaphore, #tpu.memory_space<semaphore_mem>>) src(%dma_wait3A_20 : memref<512x256xf32, #tpu.memory_space<hbm>>) dst(%arg10 : memref<128x256xf32, #tpu.memory_space<vmem>>)
      %scan3A_21 = arith.constant 0 : i32
      %scan3A_22 = arith.constant 0 : i32
      %scan3A_23 = arith.constant 128 : i32
      %scan3A_24 = arith.addi %scan3A_22, %scan3A_23 : i32
      %scan3A_25 = arith.constant 1 : i32
      %scan3A_26 = scf.for %scan3A_29 = %scan3A_22 to %scan3A_24 step %scan3A_25 iter_args(%scan3A_30 = %scan3A_21) -> (i32)  : i32 {
        %get3A = arith.index_cast %scan3A_29 : i32 to index
        %get3A_31 = arith.constant 0 : index
        %get3A_32 = tpu.vector_load %arg9[%get3A, %get3A_31] {strides = array<i32>} : memref<128x256xf32, #tpu.memory_space<vmem>>, vector<1x16xf32>,
        %get3A_33 = vector.shape_cast %get3A_32 : vector<1x16xf32> to vector<16xf32>
        %get3A_34 = arith.index_cast %scan3A_29 : i32 to index
        %get3A_35 = arith.constant 0 : index
        %get3A_36 = tpu.vector_load %arg10[%get3A_34, %get3A_35] {strides = array<i32>} : memref<128x256xf32, #tpu.memory_space<vmem>>, vector<1x16xf32>,
        %get3A_37 = vector.shape_cast %get3A_36 : vector<1x16xf32> to vector<16xf32>
        %mul3A_38 = arith.mulf %get3A_33, %get3A_37 : vector<16xf32>
        %swap3A = arith.index_cast %scan3A_29 : i32 to index
        %swap3A_39 = arith.constant 0 : index
        %swap3A_40 = tpu.vector_load %arg11[%swap3A, %swap3A_39] {strides = array<i32>} : memref<128x256xf32, #tpu.memory_space<vmem>>, vector<1x16xf32>,
        %swap3A_41 = vector.shape_cast %swap3A_40 : vector<1x16xf32> to vector<16xf32>
        %swap3A_42 = vector.shape_cast %mul3A_38 : vector<16xf32> to vector<1x16xf32>
        tpu.vector_store %arg11[%swap3A, %swap3A_39], %swap3A_42 {strides = array<i32>} : memref<128x256xf32, #tpu.memory_space<vmem>>, vector<1x16xf32>,
        %get3A_43 = arith.index_cast %scan3A_29 : i32 to index
        %get3A_44 = arith.constant 16 : index
        %get3A_45 = tpu.vector_load %arg9[%get3A_43, %get3A_44] {strides = array<i32>} : memref<128x256xf32, #tpu.memory_space<vmem>>, vector<1x16xf32>,
        %get3A_46 = vector.shape_cast %get3A_45 : vector<1x16xf32> to vector<16xf32>
        %get3A_47 = arith.index_cast %scan3A_29 : i32 to index
        %get3A_48 = arith.constant 16 : index
        %get3A_49 = tpu.vector_load %arg10[%get3A_47, %get3A_48] {strides = array<i32>} : memref<128x256xf32, #tpu.memory_space<vmem>>, vector<1x16xf32>,
        %get3A_50 = vector.shape_cast %get3A_49 : vector<1x16xf32> to vector<16xf32>
        %mul3A_51 = arith.mulf %get3A_46, %get3A_50 : vector<16xf32>
        %swap3A_52 = arith.index_cast %scan3A_29 : i32 to index
        %swap3A_53 = arith.constant 16 : index
        %swap3A_54 = tpu.vector_load %arg11[%swap3A_52, %swap3A_53] {strides = array<i32>} : memref<128x256xf32, #tpu.memory_space<vmem>>, vector<1x16xf32>,
        %swap3A_55 = vector.shape_cast %swap3A_54 : vector<1x16xf32> to vector<16xf32>
        %swap3A_56 = vector.shape_cast %mul3A_51 : vector<16xf32> to vector<1x16xf32>
        tpu.vector_store %arg11[%swap3A_52, %swap3A_53], %swap3A_56 {strides = array<i32>} : memref<128x256xf32, #tpu.memory_space<vmem>>, vector<1x16xf32>,
        %get3A_57 = arith.index_cast %scan3A_29 : i32 to index
        %get3A_58 = arith.constant 32 : index
        %get3A_59 = tpu.vector_load %arg9[%get3A_57, %get3A_58] {strides = array<i32>} : memref<128x256xf32, #tpu.memory_space<vmem>>, vector<1x16xf32>,
        %get3A_60 = vector.shape_cast %get3A_59 : vector<1x16xf32> to vector<16xf32>
        %get3A_61 = arith.index_cast %scan3A_29 : i32 to index
        %get3A_62 = arith.constant 32 : index
        %get3A_63 = tpu.vector_load %arg10[%get3A_61, %get3A_62] {strides = array<i32>} : memref<128x256xf32, #tpu.memory_space<vmem>>, vector<1x16xf32>,
        %get3A_64 = vector.shape_cast %get3A_63 : vector<1x16xf32> to vector<16xf32>
        %mul3A_65 = arith.mulf %get3A_60, %get3A_64 : vector<16xf32>
        %swap3A_66 = arith.index_cast %scan3A_29 : i32 to index
        %swap3A_67 = arith.constant 32 : index
        %swap3A_68 = tpu.vector_load %arg11[%swap3A_66, %swap3A_67] {strides = array<i32>} : memref<128x256xf32, #tpu.memory_space<vmem>>, vector<1x16xf32>,
        %swap3A_69 = vector.shape_cast %swap3A_68 : vector<1x16xf32> to vector<16xf32>
        %swap3A_70 = vector.shape_cast %mul3A_65 : vector<16xf32> to vector<1x16xf32>
        tpu.vector_store %arg11[%swap3A_66, %swap3A_67], %swap3A_70 {strides = array<i32>} : memref<128x256xf32, #tpu.memory_space<vmem>>, vector<1x16xf32>,
        %get3A_71 = arith.index_cast %scan3A_29 : i32 to index
        %get3A_72 = arith.constant 48 : index
        %get3A_73 = tpu.vector_load %arg9[%get3A_71, %get3A_72] {strides = array<i32>} : memref<128x256xf32, #tpu.memory_space<vmem>>, vector<1x16xf32>,
        %get3A_74 = vector.shape_cast %get3A_73 : vector<1x16xf32> to vector<16xf32>
        %get3A_75 = arith.index_cast %scan3A_29 : i32 to index
        %get3A_76 = arith.constant 48 : index
        %get3A_77 = tpu.vector_load %arg10[%get3A_75, %get3A_76] {strides = array<i32>} : memref<128x256xf32, #tpu.memory_space<vmem>>, vector<1x16xf32>,
        %get3A_78 = vector.shape_cast %get3A_77 : vector<1x16xf32> to vector<16xf32>
        %mul3A_79 = arith.mulf %get3A_74, %get3A_78 : vector<16xf32>
        %swap3A_80 = arith.index_cast %scan3A_29 : i32 to index
        %swap3A_81 = arith.constant 48 : index
        %swap3A_82 = tpu.vector_load %arg11[%swap3A_80, %swap3A_81] {strides = array<i32>} : memref<128x256xf32, #tpu.memory_space<vmem>>, vector<1x16xf32>,
        %swap3A_83 = vector.shape_cast %swap3A_82 : vector<1x16xf32> to vector<16xf32>
        %swap3A_84 = vector.shape_cast %mul3A_79 : vector<16xf32> to vector<1x16xf32>
        tpu.vector_store %arg11[%swap3A_80, %swap3A_81], %swap3A_84 {strides = array<i32>} : memref<128x256xf32, #tpu.memory_space<vmem>>, vector<1x16xf32>,
        %get3A_85 = arith.index_cast %scan3A_29 : i32 to index
        %get3A_86 = arith.constant 64 : index
        %get3A_87 = tpu.vector_load %arg9[%get3A_85, %get3A_86] {strides = array<i32>} : memref<128x256xf32, #tpu.memory_space<vmem>>, vector<1x16xf32>,
        %get3A_88 = vector.shape_cast %get3A_87 : vector<1x16xf32> to vector<16xf32>
        %get3A_89 = arith.index_cast %scan3A_29 : i32 to index
        %get3A_90 = arith.constant 64 : index
        %get3A_91 = tpu.vector_load %arg10[%get3A_89, %get3A_90] {strides = array<i32>} : memref<128x256xf32, #tpu.memory_space<vmem>>, vector<1x16xf32>,
        %get3A_92 = vector.shape_cast %get3A_91 : vector<1x16xf32> to vector<16xf32>
        %mul3A_93 = arith.mulf %get3A_88, %get3A_92 : vector<16xf32>
        %swap3A_94 = arith.index_cast %scan3A_29 : i32 to index
        %swap3A_95 = arith.constant 64 : index
        %swap3A_96 = tpu.vector_load %arg11[%swap3A_94, %swap3A_95] {strides = array<i32>} : memref<128x256xf32, #tpu.memory_space<vmem>>, vector<1x16xf32>,
        %swap3A_97 = vector.shape_cast %swap3A_96 : vector<1x16xf32> to vector<16xf32>
        %swap3A_98 = vector.shape_cast %mul3A_93 : vector<16xf32> to vector<1x16xf32>
        tpu.vector_store %arg11[%swap3A_94, %swap3A_95], %swap3A_98 {strides = array<i32>} : memref<128x256xf32, #tpu.memory_space<vmem>>, vector<1x16xf32>,
        %get3A_99 = arith.index_cast %scan3A_29 : i32 to index
        %get3A_100 = arith.constant 80 : index
        %get3A_101 = tpu.vector_load %arg9[%get3A_99, %get3A_100] {strides = array<i32>} : memref<128x256xf32, #tpu.memory_space<vmem>>, vector<1x16xf32>,
        %get3A_102 = vector.shape_cast %get3A_101 : vector<1x16xf32> to vector<16xf32>
        %get3A_103 = arith.index_cast %scan3A_29 : i32 to index
        %get3A_104 = arith.constant 80 : index
        %get3A_105 = tpu.vector_load %arg10[%get3A_103, %get3A_104] {strides = array<i32>} : memref<128x256xf32, #tpu.memory_space<vmem>>, vector<1x16xf32>,
        %get3A_106 = vector.shape_cast %get3A_105 : vector<1x16xf32> to vector<16xf32>
        %mul3A_107 = arith.mulf %get3A_102, %get3A_106 : vector<16xf32>
        %swap3A_108 = arith.index_cast %scan3A_29 : i32 to index
        %swap3A_109 = arith.constant 80 : index
        %swap3A_110 = tpu.vector_load %arg11[%swap3A_108, %swap3A_109] {strides = array<i32>} : memref<128x256xf32, #tpu.memory_space<vmem>>, vector<1x16xf32>,
        %swap3A_111 = vector.shape_cast %swap3A_110 : vector<1x16xf32> to vector<16xf32>
        %swap3A_112 = vector.shape_cast %mul3A_107 : vector<16xf32> to vector<1x16xf32>
        tpu.vector_store %arg11[%swap3A_108, %swap3A_109], %swap3A_112 {strides = array<i32>} : memref<128x256xf32, #tpu.memory_space<vmem>>, vector<1x16xf32>,
        %get3A_113 = arith.index_cast %scan3A_29 : i32 to index
        %get3A_114 = arith.constant 96 : index
        %get3A_115 = tpu.vector_load %arg9[%get3A_113, %get3A_114] {strides = array<i32>} : memref<128x256xf32, #tpu.memory_space<vmem>>, vector<1x16xf32>,
        %get3A_116 = vector.shape_cast %get3A_115 : vector<1x16xf32> to vector<16xf32>
        %get3A_117 = arith.index_cast %scan3A_29 : i32 to index
        %get3A_118 = arith.constant 96 : index
        %get3A_119 = tpu.vector_load %arg10[%get3A_117, %get3A_118] {strides = array<i32>} : memref<128x256xf32, #tpu.memory_space<vmem>>, vector<1x16xf32>,
        %get3A_120 = vector.shape_cast %get3A_119 : vector<1x16xf32> to vector<16xf32>
        %mul3A_121 = arith.mulf %get3A_116, %get3A_120 : vector<16xf32>
        %swap3A_122 = arith.index_cast %scan3A_29 : i32 to index
        %swap3A_123 = arith.constant 96 : index
        %swap3A_124 = tpu.vector_load %arg11[%swap3A_122, %swap3A_123] {strides = array<i32>} : memref<128x256xf32, #tpu.memory_space<vmem>>, vector<1x16xf32>,
        %swap3A_125 = vector.shape_cast %swap3A_124 : vector<1x16xf32> to vector<16xf32>
        %swap3A_126 = vector.shape_cast %mul3A_121 : vector<16xf32> to vector<1x16xf32>
        tpu.vector_store %arg11[%swap3A_122, %swap3A_123], %swap3A_126 {strides = array<i32>} : memref<128x256xf32, #tpu.memory_space<vmem>>, vector<1x16xf32>,
        %get3A_127 = arith.index_cast %scan3A_29 : i32 to index
        %get3A_128 = arith.constant 112 : index
        %get3A_129 = tpu.vector_load %arg9[%get3A_127, %get3A_128] {strides = array<i32>} : memref<128x256xf32, #tpu.memory_space<vmem>>, vector<1x16xf32>,
        %get3A_130 = vector.shape_cast %get3A_129 : vector<1x16xf32> to vector<16xf32>
        %get3A_131 = arith.index_cast %scan3A_29 : i32 to index
        %get3A_132 = arith.constant 112 : index
        %get3A_133 = tpu.vector_load %arg10[%get3A_131, %get3A_132] {strides = array<i32>} : memref<128x256xf32, #tpu.memory_space<vmem>>, vector<1x16xf32>,
        %get3A_134 = vector.shape_cast %get3A_133 : vector<1x16xf32> to vector<16xf32>
        %mul3A_135 = arith.mulf %get3A_130, %get3A_134 : vector<16xf32>
        %swap3A_136 = arith.index_cast %scan3A_29 : i32 to index
        %swap3A_137 = arith.constant 112 : index
        %swap3A_138 = tpu.vector_load %arg11[%swap3A_136, %swap3A_137] {strides = array<i32>} : memref<128x256xf32, #tpu.memory_space<vmem>>, vector<1x16xf32>,
        %swap3A_139 = vector.shape_cast %swap3A_138 : vector<1x16xf32> to vector<16xf32>
        %swap3A_140 = vector.shape_cast %mul3A_135 : vector<16xf32> to vector<1x16xf32>
        tpu.vector_store %arg11[%swap3A_136, %swap3A_137], %swap3A_140 {strides = array<i32>} : memref<128x256xf32, #tpu.memory_space<vmem>>, vector<1x16xf32>,
        %get3A_141 = arith.index_cast %scan3A_29 : i32 to index
        %get3A_142 = arith.constant 128 : index
        %get3A_143 = tpu.vector_load %arg9[%get3A_141, %get3A_142] {strides = array<i32>} : memref<128x256xf32, #tpu.memory_space<vmem>>, vector<1x16xf32>,
        %get3A_144 = vector.shape_cast %get3A_143 : vector<1x16xf32> to vector<16xf32>
        %get3A_145 = arith.index_cast %scan3A_29 : i32 to index
        %get3A_146 = arith.constant 128 : index
        %get3A_147 = tpu.vector_load %arg10[%get3A_145, %get3A_146] {strides = array<i32>} : memref<128x256xf32, #tpu.memory_space<vmem>>, vector<1x16xf32>,
        %get3A_148 = vector.shape_cast %get3A_147 : vector<1x16xf32> to vector<16xf32>
        %add3A_149 = arith.addf %get3A_144, %get3A_148 : vector<16xf32>
        %swap3A_150 = arith.index_cast %scan3A_29 : i32 to index
        %swap3A_151 = arith.constant 128 : index
        %swap3A_152 = tpu.vector_load %arg11[%swap3A_150, %swap3A_151] {strides = array<i32>} : memref<128x256xf32, #tpu.memory_space<vmem>>, vector<1x16xf32>,
        %swap3A_153 = vector.shape_cast %swap3A_152 : vector<1x16xf32> to vector<16xf32>
        %swap3A_154 = vector.shape_cast %add3A_149 : vector<16xf32> to vector<1x16xf32>
        tpu.vector_store %arg11[%swap3A_150, %swap3A_151], %swap3A_154 {strides = array<i32>} : memref<128x256xf32, #tpu.memory_space<vmem>>, vector<1x16xf32>,
        %get3A_155 = arith.index_cast %scan3A_29 : i32 to index
        %get3A_156 = arith.constant 144 : index
        %get3A_157 = tpu.vector_load %arg9[%get3A_155, %get3A_156] {strides = array<i32>} : memref<128x256xf32, #tpu.memory_space<vmem>>, vector<1x16xf32>,
        %get3A_158 = vector.shape_cast %get3A_157 : vector<1x16xf32> to vector<16xf32>
        %get3A_159 = arith.index_cast %scan3A_29 : i32 to index
        %get3A_160 = arith.constant 144 : index
        %get3A_161 = tpu.vector_load %arg10[%get3A_159, %get3A_160] {strides = array<i32>} : memref<128x256xf32, #tpu.memory_space<vmem>>, vector<1x16xf32>,
        %get3A_162 = vector.shape_cast %get3A_161 : vector<1x16xf32> to vector<16xf32>
        %add3A_163 = arith.addf %get3A_158, %get3A_162 : vector<16xf32>
        %swap3A_164 = arith.index_cast %scan3A_29 : i32 to index
        %swap3A_165 = arith.constant 144 : index
        %swap3A_166 = tpu.vector_load %arg11[%swap3A_164, %swap3A_165] {strides = array<i32>} : memref<128x256xf32, #tpu.memory_space<vmem>>, vector<1x16xf32>,
        %swap3A_167 = vector.shape_cast %swap3A_166 : vector<1x16xf32> to vector<16xf32>
        %swap3A_168 = vector.shape_cast %add3A_163 : vector<16xf32> to vector<1x16xf32>
        tpu.vector_store %arg11[%swap3A_164, %swap3A_165], %swap3A_168 {strides = array<i32>} : memref<128x256xf32, #tpu.memory_space<vmem>>, vector<1x16xf32>,
        %get3A_169 = arith.index_cast %scan3A_29 : i32 to index
        %get3A_170 = arith.constant 160 : index
        %get3A_171 = tpu.vector_load %arg9[%get3A_169, %get3A_170] {strides = array<i32>} : memref<128x256xf32, #tpu.memory_space<vmem>>, vector<1x16xf32>,
        %get3A_172 = vector.shape_cast %get3A_171 : vector<1x16xf32> to vector<16xf32>
        %get3A_173 = arith.index_cast %scan3A_29 : i32 to index
        %get3A_174 = arith.constant 160 : index
        %get3A_175 = tpu.vector_load %arg10[%get3A_173, %get3A_174] {strides = array<i32>} : memref<128x256xf32, #tpu.memory_space<vmem>>, vector<1x16xf32>,
        %get3A_176 = vector.shape_cast %get3A_175 : vector<1x16xf32> to vector<16xf32>
        %add3A_177 = arith.addf %get3A_172, %get3A_176 : vector<16xf32>
        %swap3A_178 = arith.index_cast %scan3A_29 : i32 to index
        %swap3A_179 = arith.constant 160 : index
        %swap3A_180 = tpu.vector_load %arg11[%swap3A_178, %swap3A_179] {strides = array<i32>} : memref<128x256xf32, #tpu.memory_space<vmem>>, vector<1x16xf32>,
        %swap3A_181 = vector.shape_cast %swap3A_180 : vector<1x16xf32> to vector<16xf32>
        %swap3A_182 = vector.shape_cast %add3A_177 : vector<16xf32> to vector<1x16xf32>
        tpu.vector_store %arg11[%swap3A_178, %swap3A_179], %swap3A_182 {strides = array<i32>} : memref<128x256xf32, #tpu.memory_space<vmem>>, vector<1x16xf32>,
        %get3A_183 = arith.index_cast %scan3A_29 : i32 to index
        %get3A_184 = arith.constant 176 : index
        %get3A_185 = tpu.vector_load %arg9[%get3A_183, %get3A_184] {strides = array<i32>} : memref<128x256xf32, #tpu.memory_space<vmem>>, vector<1x16xf32>,
        %get3A_186 = vector.shape_cast %get3A_185 : vector<1x16xf32> to vector<16xf32>
        %get3A_187 = arith.index_cast %scan3A_29 : i32 to index
        %get3A_188 = arith.constant 176 : index
        %get3A_189 = tpu.vector_load %arg10[%get3A_187, %get3A_188] {strides = array<i32>} : memref<128x256xf32, #tpu.memory_space<vmem>>, vector<1x16xf32>,
        %get3A_190 = vector.shape_cast %get3A_189 : vector<1x16xf32> to vector<16xf32>
        %add3A_191 = arith.addf %get3A_186, %get3A_190 : vector<16xf32>
        %swap3A_192 = arith.index_cast %scan3A_29 : i32 to index
        %swap3A_193 = arith.constant 176 : index
        %swap3A_194 = tpu.vector_load %arg11[%swap3A_192, %swap3A_193] {strides = array<i32>} : memref<128x256xf32, #tpu.memory_space<vmem>>, vector<1x16xf32>,
        %swap3A_195 = vector.shape_cast %swap3A_194 : vector<1x16xf32> to vector<16xf32>
        %swap3A_196 = vector.shape_cast %add3A_191 : vector<16xf32> to vector<1x16xf32>
        tpu.vector_store %arg11[%swap3A_192, %swap3A_193], %swap3A_196 {strides = array<i32>} : memref<128x256xf32, #tpu.memory_space<vmem>>, vector<1x16xf32>,
        %get3A_197 = arith.index_cast %scan3A_29 : i32 to index
        %get3A_198 = arith.constant 192 : index
        %get3A_199 = tpu.vector_load %arg9[%get3A_197, %get3A_198] {strides = array<i32>} : memref<128x256xf32, #tpu.memory_space<vmem>>, vector<1x16xf32>,
        %get3A_200 = vector.shape_cast %get3A_199 : vector<1x16xf32> to vector<16xf32>
        %get3A_201 = arith.index_cast %scan3A_29 : i32 to index
        %get3A_202 = arith.constant 192 : index
        %get3A_203 = tpu.vector_load %arg10[%get3A_201, %get3A_202] {strides = array<i32>} : memref<128x256xf32, #tpu.memory_space<vmem>>, vector<1x16xf32>,
        %get3A_204 = vector.shape_cast %get3A_203 : vector<1x16xf32> to vector<16xf32>
        %add3A_205 = arith.addf %get3A_200, %get3A_204 : vector<16xf32>
        %swap3A_206 = arith.index_cast %scan3A_29 : i32 to index
        %swap3A_207 = arith.constant 192 : index
        %swap3A_208 = tpu.vector_load %arg11[%swap3A_206, %swap3A_207] {strides = array<i32>} : memref<128x256xf32, #tpu.memory_space<vmem>>, vector<1x16xf32>,
        %swap3A_209 = vector.shape_cast %swap3A_208 : vector<1x16xf32> to vector<16xf32>
        %swap3A_210 = vector.shape_cast %add3A_205 : vector<16xf32> to vector<1x16xf32>
        tpu.vector_store %arg11[%swap3A_206, %swap3A_207], %swap3A_210 {strides = array<i32>} : memref<128x256xf32, #tpu.memory_space<vmem>>, vector<1x16xf32>,
        %get3A_211 = arith.index_cast %scan3A_29 : i32 to index
        %get3A_212 = arith.constant 208 : index
        %get3A_213 = tpu.vector_load %arg9[%get3A_211, %get3A_212] {strides = array<i32>} : memref<128x256xf32, #tpu.memory_space<vmem>>, vector<1x16xf32>,
        %get3A_214 = vector.shape_cast %get3A_213 : vector<1x16xf32> to vector<16xf32>
        %get3A_215 = arith.index_cast %scan3A_29 : i32 to index
        %get3A_216 = arith.constant 208 : index
        %get3A_217 = tpu.vector_load %arg10[%get3A_215, %get3A_216] {strides = array<i32>} : memref<128x256xf32, #tpu.memory_space<vmem>>, vector<1x16xf32>,
        %get3A_218 = vector.shape_cast %get3A_217 : vector<1x16xf32> to vector<16xf32>
        %add3A_219 = arith.addf %get3A_214, %get3A_218 : vector<16xf32>
        %swap3A_220 = arith.index_cast %scan3A_29 : i32 to index
        %swap3A_221 = arith.constant 208 : index
        %swap3A_222 = tpu.vector_load %arg11[%swap3A_220, %swap3A_221] {strides = array<i32>} : memref<128x256xf32, #tpu.memory_space<vmem>>, vector<1x16xf32>,
        %swap3A_223 = vector.shape_cast %swap3A_222 : vector<1x16xf32> to vector<16xf32>
        %swap3A_224 = vector.shape_cast %add3A_219 : vector<16xf32> to vector<1x16xf32>
        tpu.vector_store %arg11[%swap3A_220, %swap3A_221], %swap3A_224 {strides = array<i32>} : memref<128x256xf32, #tpu.memory_space<vmem>>, vector<1x16xf32>,
        %get3A_225 = arith.index_cast %scan3A_29 : i32 to index
        %get3A_226 = arith.constant 224 : index
        %get3A_227 = tpu.vector_load %arg9[%get3A_225, %get3A_226] {strides = array<i32>} : memref<128x256xf32, #tpu.memory_space<vmem>>, vector<1x16xf32>,
        %get3A_228 = vector.shape_cast %get3A_227 : vector<1x16xf32> to vector<16xf32>
        %get3A_229 = arith.index_cast %scan3A_29 : i32 to index
        %get3A_230 = arith.constant 224 : index
        %get3A_231 = tpu.vector_load %arg10[%get3A_229, %get3A_230] {strides = array<i32>} : memref<128x256xf32, #tpu.memory_space<vmem>>, vector<1x16xf32>,
        %get3A_232 = vector.shape_cast %get3A_231 : vector<1x16xf32> to vector<16xf32>
        %add3A_233 = arith.addf %get3A_228, %get3A_232 : vector<16xf32>
        %swap3A_234 = arith.index_cast %scan3A_29 : i32 to index
        %swap3A_235 = arith.constant 224 : index
        %swap3A_236 = tpu.vector_load %arg11[%swap3A_234, %swap3A_235] {strides = array<i32>} : memref<128x256xf32, #tpu.memory_space<vmem>>, vector<1x16xf32>,
        %swap3A_237 = vector.shape_cast %swap3A_236 : vector<1x16xf32> to vector<16xf32>
        %swap3A_238 = vector.shape_cast %add3A_233 : vector<16xf32> to vector<1x16xf32>
        tpu.vector_store %arg11[%swap3A_234, %swap3A_235], %swap3A_238 {strides = array<i32>} : memref<128x256xf32, #tpu.memory_space<vmem>>, vector<1x16xf32>,
        %get3A_239 = arith.index_cast %scan3A_29 : i32 to index
        %get3A_240 = arith.constant 240 : index
        %get3A_241 = tpu.vector_load %arg9[%get3A_239, %get3A_240] {strides = array<i32>} : memref<128x256xf32, #tpu.memory_space<vmem>>, vector<1x16xf32>,
        %get3A_242 = vector.shape_cast %get3A_241 : vector<1x16xf32> to vector<16xf32>
        %get3A_243 = arith.index_cast %scan3A_29 : i32 to index
        %get3A_244 = arith.constant 240 : index
        %get3A_245 = tpu.vector_load %arg10[%get3A_243, %get3A_244] {strides = array<i32>} : memref<128x256xf32, #tpu.memory_space<vmem>>, vector<1x16xf32>,
        %get3A_246 = vector.shape_cast %get3A_245 : vector<1x16xf32> to vector<16xf32>
        %add3A_247 = arith.addf %get3A_242, %get3A_246 : vector<16xf32>
        %swap3A_248 = arith.index_cast %scan3A_29 : i32 to index
        %swap3A_249 = arith.constant 240 : index
        %swap3A_250 = tpu.vector_load %arg11[%swap3A_248, %swap3A_249] {strides = array<i32>} : memref<128x256xf32, #tpu.memory_space<vmem>>, vector<1x16xf32>,
        %swap3A_251 = vector.shape_cast %swap3A_250 : vector<1x16xf32> to vector<16xf32>
        %swap3A_252 = vector.shape_cast %add3A_247 : vector<16xf32> to vector<1x16xf32>
        tpu.vector_store %arg11[%swap3A_248, %swap3A_249], %swap3A_252 {strides = array<i32>} : memref<128x256xf32, #tpu.memory_space<vmem>>, vector<1x16xf32>,
        %scan3A_253 = arith.constant 0 : i32
        scf.yield %scan3A_253 : i32
      }
      %scan3A_27 = arith.constant 128 : i32
      "tpu.region"() ({
        %run_scoped3A = tpu.sem_alloc : memref<!tpu.dma_semaphore, #tpu.memory_space<semaphore_mem>>
        %dma_start3A_29 = arith.constant 0 : i32
        %dma_start3A_30 = tpu.memref_slice %arg6[%add3A, %mul3A_10, %dma_start3A_29] : memref<32x16384x256xf32, #tpu.memory_space<hbm>> -> memref<1x128x256xf32, #tpu.memory_space<hbm>>
        %dma_start3A_31 = tpu.memref_squeeze %dma_start3A_30 : memref<1x128x256xf32, #tpu.memory_space<hbm>> -> memref<128x256xf32, #tpu.memory_space<hbm>>
        %dma_start3A_32 = arith.constant 0 : i32
        %dma_start3A_33 = tpu.memref_slice %arg6[%add3A, %mul3A_10, %dma_start3A_32] : memref<32x16384x256xf32, #tpu.memory_space<hbm>> -> memref<1x128x256xf32, #tpu.memory_space<hbm>>
        %dma_start3A_34 = tpu.memref_squeeze %dma_start3A_33 : memref<1x128x256xf32, #tpu.memory_space<hbm>> -> memref<128x256xf32, #tpu.memory_space<hbm>>
        tpu.enqueue_dma source(%arg11 : memref<128x256xf32, #tpu.memory_space<vmem>>) target(%dma_start3A_34 : memref<128x256xf32, #tpu.memory_space<hbm>>) target_semaphore(%run_scoped3A : memref<!tpu.dma_semaphore, #tpu.memory_space<semaphore_mem>>)
        %dma_wait3A_35 = arith.constant 0 : i32
        %dma_wait3A_36 = tpu.memref_slice %arg6[%add3A, %mul3A_10, %dma_wait3A_35] : memref<32x16384x256xf32, #tpu.memory_space<hbm>> -> memref<1x128x256xf32, #tpu.memory_space<hbm>>
        %dma_wait3A_37 = tpu.memref_squeeze %dma_wait3A_36 : memref<1x128x256xf32, #tpu.memory_space<hbm>> -> memref<128x256xf32, #tpu.memory_space<hbm>>
        %dma_wait3A_38 = arith.constant 0 : i32
        %dma_wait3A_39 = tpu.memref_slice %arg6[%add3A, %mul3A_10, %dma_wait3A_38] : memref<32x16384x256xf32, #tpu.memory_space<hbm>> -> memref<1x128x256xf32, #tpu.memory_space<hbm>>
        %dma_wait3A_40 = tpu.memref_squeeze %dma_wait3A_39 : memref<1x128x256xf32, #tpu.memory_space<hbm>> -> memref<128x256xf32, #tpu.memory_space<hbm>>
        tpu.wait_dma2 semaphore(%run_scoped3A : memref<!tpu.dma_semaphore, #tpu.memory_space<semaphore_mem>>) src(%arg11 : memref<128x256xf32, #tpu.memory_space<vmem>>) dst(%dma_wait3A_40 : memref<128x256xf32, #tpu.memory_space<hbm>>)
        tpu.yield
      }) : () -> ()
      %scan3A_28 = arith.constant 0 : i32
      scf.yield %scan3A_28 : i32
    }
    %scan3A_6 = arith.constant 128 : i32
    return
  }
}

#map = affine_map<(d0, d1) -> (0, 0)>
#map1 = affine_map<(d0, d1) -> (0, 0, 0)>
module attributes {stable_mosaic.version = 14 : i64} {
  func.func @gk(%arg0: i32, %arg1: i32, %arg2: memref<65536x256xf32, #tpu.memory_space<hbm>>, %arg3: memref<512x256xf32, #tpu.memory_space<hbm>>, %arg4: memref<32x16384xi32, #tpu.memory_space<hbm>>, %arg5: memref<32x16384xi32, #tpu.memory_space<hbm>>, %arg6: memref<32x16384x256xf32, #tpu.memory_space<hbm>>, %arg7: memref<128xi32, #tpu.memory_space<vmem>>, %arg8: memref<128xi32, #tpu.memory_space<vmem>>, %arg9: memref<128x256xf32, #tpu.memory_space<vmem>>, %arg10: memref<128x256xf32, #tpu.memory_space<vmem>>, %arg11: memref<128x256xf32, #tpu.memory_space<vmem>>, %arg12: memref<!tpu.dma_semaphore, #tpu.memory_space<semaphore_mem>>, %arg13: memref<!tpu.dma_semaphore, #tpu.memory_space<semaphore_mem>>) attributes {dimension_semantics = [#tpu.dimension_semantics<core_parallel>, #tpu.dimension_semantics<subcore_parallel>], iteration_bounds = array<i64: 2, 16>, scalar_prefetch = 0 : i64, scratch_operands = 7 : i64, tpu.core_type = #tpu.core_type<sc_vector_subcore>, window_params = [{transform_indices = #map}, {transform_indices = #map}, {transform_indices = #map}, {transform_indices = #map}, {transform_indices = #map1}]} {
    %mul3A = arith.constant 2 : i32
    %mul3A_0 = arith.muli %arg1, %mul3A : i32
    %add3A = arith.addi %mul3A_0, %arg0 : i32
    %scan3A = arith.constant 0 : i32
    %scan3A_1 = arith.constant 0 : i32
    %scan3A_2 = arith.constant 128 : i32
    %scan3A_3 = arith.addi %scan3A_1, %scan3A_2 : i32
    %scan3A_4 = arith.constant 1 : i32
    %scan3A_5 = scf.for %scan3A_7 = %scan3A_1 to %scan3A_3 step %scan3A_4 iter_args(%scan3A_8 = %scan3A) -> (i32)  : i32 {
      %mul3A_9 = arith.constant 128 : i32
      %mul3A_10 = arith.muli %scan3A_7, %mul3A_9 : i32
      "tpu.region"() ({
        %run_scoped3A = tpu.sem_alloc : memref<!tpu.dma_semaphore, #tpu.memory_space<semaphore_mem>>
        %dma_start3A_29 = tpu.memref_slice %arg4[%add3A, %mul3A_10] : memref<32x16384xi32, #tpu.memory_space<hbm>> -> memref<1x128xi32, #tpu.memory_space<hbm>>
        %dma_start3A_30 = tpu.memref_squeeze %dma_start3A_29 : memref<1x128xi32, #tpu.memory_space<hbm>> -> memref<128xi32, #tpu.memory_space<hbm>>
        %dma_start3A_31 = tpu.memref_slice %arg4[%add3A, %mul3A_10] : memref<32x16384xi32, #tpu.memory_space<hbm>> -> memref<1x128xi32, #tpu.memory_space<hbm>>
        %dma_start3A_32 = tpu.memref_squeeze %dma_start3A_31 : memref<1x128xi32, #tpu.memory_space<hbm>> -> memref<128xi32, #tpu.memory_space<hbm>>
        tpu.enqueue_dma source(%dma_start3A_32 : memref<128xi32, #tpu.memory_space<hbm>>) target(%arg7 : memref<128xi32, #tpu.memory_space<vmem>>) target_semaphore(%run_scoped3A : memref<!tpu.dma_semaphore, #tpu.memory_space<semaphore_mem>>)
        %dma_wait3A_33 = tpu.memref_slice %arg4[%add3A, %mul3A_10] : memref<32x16384xi32, #tpu.memory_space<hbm>> -> memref<1x128xi32, #tpu.memory_space<hbm>>
        %dma_wait3A_34 = tpu.memref_squeeze %dma_wait3A_33 : memref<1x128xi32, #tpu.memory_space<hbm>> -> memref<128xi32, #tpu.memory_space<hbm>>
        %dma_wait3A_35 = tpu.memref_slice %arg4[%add3A, %mul3A_10] : memref<32x16384xi32, #tpu.memory_space<hbm>> -> memref<1x128xi32, #tpu.memory_space<hbm>>
        %dma_wait3A_36 = tpu.memref_squeeze %dma_wait3A_35 : memref<1x128xi32, #tpu.memory_space<hbm>> -> memref<128xi32, #tpu.memory_space<hbm>>
        tpu.wait_dma2 semaphore(%run_scoped3A : memref<!tpu.dma_semaphore, #tpu.memory_space<semaphore_mem>>) src(%dma_wait3A_36 : memref<128xi32, #tpu.memory_space<hbm>>) dst(%arg7 : memref<128xi32, #tpu.memory_space<vmem>>)
        tpu.yield
      }) : () -> ()
      "tpu.region"() ({
        %run_scoped3A = tpu.sem_alloc : memref<!tpu.dma_semaphore, #tpu.memory_space<semaphore_mem>>
        %dma_start3A_29 = tpu.memref_slice %arg5[%add3A, %mul3A_10] : memref<32x16384xi32, #tpu.memory_space<hbm>> -> memref<1x128xi32, #tpu.memory_space<hbm>>
        %dma_start3A_30 = tpu.memref_squeeze %dma_start3A_29 : memref<1x128xi32, #tpu.memory_space<hbm>> -> memref<128xi32, #tpu.memory_space<hbm>>
        %dma_start3A_31 = tpu.memref_slice %arg5[%add3A, %mul3A_10] : memref<32x16384xi32, #tpu.memory_space<hbm>> -> memref<1x128xi32, #tpu.memory_space<hbm>>
        %dma_start3A_32 = tpu.memref_squeeze %dma_start3A_31 : memref<1x128xi32, #tpu.memory_space<hbm>> -> memref<128xi32, #tpu.memory_space<hbm>>
        tpu.enqueue_dma source(%dma_start3A_32 : memref<128xi32, #tpu.memory_space<hbm>>) target(%arg8 : memref<128xi32, #tpu.memory_space<vmem>>) target_semaphore(%run_scoped3A : memref<!tpu.dma_semaphore, #tpu.memory_space<semaphore_mem>>)
        %dma_wait3A_33 = tpu.memref_slice %arg5[%add3A, %mul3A_10] : memref<32x16384xi32, #tpu.memory_space<hbm>> -> memref<1x128xi32, #tpu.memory_space<hbm>>
        %dma_wait3A_34 = tpu.memref_squeeze %dma_wait3A_33 : memref<1x128xi32, #tpu.memory_space<hbm>> -> memref<128xi32, #tpu.memory_space<hbm>>
        %dma_wait3A_35 = tpu.memref_slice %arg5[%add3A, %mul3A_10] : memref<32x16384xi32, #tpu.memory_space<hbm>> -> memref<1x128xi32, #tpu.memory_space<hbm>>
        %dma_wait3A_36 = tpu.memref_squeeze %dma_wait3A_35 : memref<1x128xi32, #tpu.memory_space<hbm>> -> memref<128xi32, #tpu.memory_space<hbm>>
        tpu.wait_dma2 semaphore(%run_scoped3A : memref<!tpu.dma_semaphore, #tpu.memory_space<semaphore_mem>>) src(%dma_wait3A_36 : memref<128xi32, #tpu.memory_space<hbm>>) dst(%arg8 : memref<128xi32, #tpu.memory_space<vmem>>)
        tpu.yield
      }) : () -> ()
      %dma_start3A = arith.constant 0 : i32
      %dma_start3A_11 = arith.constant 0 : i32
      %dma_start3A_12 = tpu.memref_slice %arg2[%dma_start3A, %dma_start3A_11] : memref<65536x256xf32, #tpu.memory_space<hbm>> -> memref<65536x256xf32, #tpu.memory_space<hbm>>
      tpu.enqueue_indirect_dma source(%dma_start3A_12 : memref<65536x256xf32, #tpu.memory_space<hbm>>) target(%arg9 : memref<128x256xf32, #tpu.memory_space<vmem>>) offsets(%arg7 : memref<128xi32, #tpu.memory_space<vmem>>) semaphore(%arg12 : memref<!tpu.dma_semaphore, #tpu.memory_space<semaphore_mem>>)
      %dma_start3A_13 = arith.constant 0 : i32
      %dma_start3A_14 = arith.constant 0 : i32
      %dma_start3A_15 = tpu.memref_slice %arg3[%dma_start3A_13, %dma_start3A_14] : memref<512x256xf32, #tpu.memory_space<hbm>> -> memref<512x256xf32, #tpu.memory_space<hbm>>
      tpu.enqueue_indirect_dma source(%dma_start3A_15 : memref<512x256xf32, #tpu.memory_space<hbm>>) target(%arg10 : memref<128x256xf32, #tpu.memory_space<vmem>>) offsets(%arg8 : memref<128xi32, #tpu.memory_space<vmem>>) semaphore(%arg13 : memref<!tpu.dma_semaphore, #tpu.memory_space<semaphore_mem>>)
      %dma_wait3A = arith.constant 0 : i32
      %dma_wait3A_16 = arith.constant 0 : i32
      %dma_wait3A_17 = tpu.memref_slice %arg2[%dma_wait3A, %dma_wait3A_16] : memref<65536x256xf32, #tpu.memory_space<hbm>> -> memref<65536x256xf32, #tpu.memory_space<hbm>>
      tpu.wait_indirect_dma semaphore(%arg12 : memref<!tpu.dma_semaphore, #tpu.memory_space<semaphore_mem>>) src(%dma_wait3A_17 : memref<65536x256xf32, #tpu.memory_space<hbm>>) dst(%arg9 : memref<128x256xf32, #tpu.memory_space<vmem>>)
      %dma_wait3A_18 = arith.constant 0 : i32
      %dma_wait3A_19 = arith.constant 0 : i32
      %dma_wait3A_20 = tpu.memref_slice %arg3[%dma_wait3A_18, %dma_wait3A_19] : memref<512x256xf32, #tpu.memory_space<hbm>> -> memref<512x256xf32, #tpu.memory_space<hbm>>
      tpu.wait_indirect_dma semaphore(%arg13 : memref<!tpu.dma_semaphore, #tpu.memory_space<semaphore_mem>>) src(%dma_wait3A_20 : memref<512x256xf32, #tpu.memory_space<hbm>>) dst(%arg10 : memref<128x256xf32, #tpu.memory_space<vmem>>)
      %scan3A_21 = arith.constant 0 : i32
      %scan3A_22 = arith.constant 0 : i32
      %scan3A_23 = arith.constant 128 : i32
      %scan3A_24 = arith.addi %scan3A_22, %scan3A_23 : i32
      %scan3A_25 = arith.constant 1 : i32
      %scan3A_26 = scf.for %scan3A_29 = %scan3A_22 to %scan3A_24 step %scan3A_25 iter_args(%scan3A_30 = %scan3A_21) -> (i32)  : i32 {
        %get3A = arith.index_cast %scan3A_29 : i32 to index
        %get3A_31 = arith.constant 0 : index
        %get3A_32 = tpu.vector_load %arg9[%get3A, %get3A_31] {strides = array<i32>} : memref<128x256xf32, #tpu.memory_space<vmem>>, vector<1x16xf32>,
        %get3A_33 = vector.shape_cast %get3A_32 : vector<1x16xf32> to vector<16xf32>
        %get3A_34 = arith.index_cast %scan3A_29 : i32 to index
        %get3A_35 = arith.constant 0 : index
        %get3A_36 = tpu.vector_load %arg10[%get3A_34, %get3A_35] {strides = array<i32>} : memref<128x256xf32, #tpu.memory_space<vmem>>, vector<1x16xf32>,
        %get3A_37 = vector.shape_cast %get3A_36 : vector<1x16xf32> to vector<16xf32>
        %mul3A_38 = arith.mulf %get3A_33, %get3A_37 : vector<16xf32>
        %swap3A = arith.index_cast %scan3A_29 : i32 to index
        %swap3A_39 = arith.constant 0 : index
        %swap3A_40 = tpu.vector_load %arg11[%swap3A, %swap3A_39] {strides = array<i32>} : memref<128x256xf32, #tpu.memory_space<vmem>>, vector<1x16xf32>,
        %swap3A_41 = vector.shape_cast %swap3A_40 : vector<1x16xf32> to vector<16xf32>
        %swap3A_42 = vector.shape_cast %mul3A_38 : vector<16xf32> to vector<1x16xf32>
        tpu.vector_store %arg11[%swap3A, %swap3A_39], %swap3A_42 {strides = array<i32>} : memref<128x256xf32, #tpu.memory_space<vmem>>, vector<1x16xf32>,
        %get3A_43 = arith.index_cast %scan3A_29 : i32 to index
        %get3A_44 = arith.constant 16 : index
        %get3A_45 = tpu.vector_load %arg9[%get3A_43, %get3A_44] {strides = array<i32>} : memref<128x256xf32, #tpu.memory_space<vmem>>, vector<1x16xf32>,
        %get3A_46 = vector.shape_cast %get3A_45 : vector<1x16xf32> to vector<16xf32>
        %get3A_47 = arith.index_cast %scan3A_29 : i32 to index
        %get3A_48 = arith.constant 16 : index
        %get3A_49 = tpu.vector_load %arg10[%get3A_47, %get3A_48] {strides = array<i32>} : memref<128x256xf32, #tpu.memory_space<vmem>>, vector<1x16xf32>,
        %get3A_50 = vector.shape_cast %get3A_49 : vector<1x16xf32> to vector<16xf32>
        %mul3A_51 = arith.mulf %get3A_46, %get3A_50 : vector<16xf32>
        %swap3A_52 = arith.index_cast %scan3A_29 : i32 to index
        %swap3A_53 = arith.constant 16 : index
        %swap3A_54 = tpu.vector_load %arg11[%swap3A_52, %swap3A_53] {strides = array<i32>} : memref<128x256xf32, #tpu.memory_space<vmem>>, vector<1x16xf32>,
        %swap3A_55 = vector.shape_cast %swap3A_54 : vector<1x16xf32> to vector<16xf32>
        %swap3A_56 = vector.shape_cast %mul3A_51 : vector<16xf32> to vector<1x16xf32>
        tpu.vector_store %arg11[%swap3A_52, %swap3A_53], %swap3A_56 {strides = array<i32>} : memref<128x256xf32, #tpu.memory_space<vmem>>, vector<1x16xf32>,
        %get3A_57 = arith.index_cast %scan3A_29 : i32 to index
        %get3A_58 = arith.constant 32 : index
        %get3A_59 = tpu.vector_load %arg9[%get3A_57, %get3A_58] {strides = array<i32>} : memref<128x256xf32, #tpu.memory_space<vmem>>, vector<1x16xf32>,
        %get3A_60 = vector.shape_cast %get3A_59 : vector<1x16xf32> to vector<16xf32>
        %get3A_61 = arith.index_cast %scan3A_29 : i32 to index
        %get3A_62 = arith.constant 32 : index
        %get3A_63 = tpu.vector_load %arg10[%get3A_61, %get3A_62] {strides = array<i32>} : memref<128x256xf32, #tpu.memory_space<vmem>>, vector<1x16xf32>,
        %get3A_64 = vector.shape_cast %get3A_63 : vector<1x16xf32> to vector<16xf32>
        %mul3A_65 = arith.mulf %get3A_60, %get3A_64 : vector<16xf32>
        %swap3A_66 = arith.index_cast %scan3A_29 : i32 to index
        %swap3A_67 = arith.constant 32 : index
        %swap3A_68 = tpu.vector_load %arg11[%swap3A_66, %swap3A_67] {strides = array<i32>} : memref<128x256xf32, #tpu.memory_space<vmem>>, vector<1x16xf32>,
        %swap3A_69 = vector.shape_cast %swap3A_68 : vector<1x16xf32> to vector<16xf32>
        %swap3A_70 = vector.shape_cast %mul3A_65 : vector<16xf32> to vector<1x16xf32>
        tpu.vector_store %arg11[%swap3A_66, %swap3A_67], %swap3A_70 {strides = array<i32>} : memref<128x256xf32, #tpu.memory_space<vmem>>, vector<1x16xf32>,
        %get3A_71 = arith.index_cast %scan3A_29 : i32 to index
        %get3A_72 = arith.constant 48 : index
        %get3A_73 = tpu.vector_load %arg9[%get3A_71, %get3A_72] {strides = array<i32>} : memref<128x256xf32, #tpu.memory_space<vmem>>, vector<1x16xf32>,
        %get3A_74 = vector.shape_cast %get3A_73 : vector<1x16xf32> to vector<16xf32>
        %get3A_75 = arith.index_cast %scan3A_29 : i32 to index
        %get3A_76 = arith.constant 48 : index
        %get3A_77 = tpu.vector_load %arg10[%get3A_75, %get3A_76] {strides = array<i32>} : memref<128x256xf32, #tpu.memory_space<vmem>>, vector<1x16xf32>,
        %get3A_78 = vector.shape_cast %get3A_77 : vector<1x16xf32> to vector<16xf32>
        %mul3A_79 = arith.mulf %get3A_74, %get3A_78 : vector<16xf32>
        %swap3A_80 = arith.index_cast %scan3A_29 : i32 to index
        %swap3A_81 = arith.constant 48 : index
        %swap3A_82 = tpu.vector_load %arg11[%swap3A_80, %swap3A_81] {strides = array<i32>} : memref<128x256xf32, #tpu.memory_space<vmem>>, vector<1x16xf32>,
        %swap3A_83 = vector.shape_cast %swap3A_82 : vector<1x16xf32> to vector<16xf32>
        %swap3A_84 = vector.shape_cast %mul3A_79 : vector<16xf32> to vector<1x16xf32>
        tpu.vector_store %arg11[%swap3A_80, %swap3A_81], %swap3A_84 {strides = array<i32>} : memref<128x256xf32, #tpu.memory_space<vmem>>, vector<1x16xf32>,
        %get3A_85 = arith.index_cast %scan3A_29 : i32 to index
        %get3A_86 = arith.constant 64 : index
        %get3A_87 = tpu.vector_load %arg9[%get3A_85, %get3A_86] {strides = array<i32>} : memref<128x256xf32, #tpu.memory_space<vmem>>, vector<1x16xf32>,
        %get3A_88 = vector.shape_cast %get3A_87 : vector<1x16xf32> to vector<16xf32>
        %get3A_89 = arith.index_cast %scan3A_29 : i32 to index
        %get3A_90 = arith.constant 64 : index
        %get3A_91 = tpu.vector_load %arg10[%get3A_89, %get3A_90] {strides = array<i32>} : memref<128x256xf32, #tpu.memory_space<vmem>>, vector<1x16xf32>,
        %get3A_92 = vector.shape_cast %get3A_91 : vector<1x16xf32> to vector<16xf32>
        %mul3A_93 = arith.mulf %get3A_88, %get3A_92 : vector<16xf32>
        %swap3A_94 = arith.index_cast %scan3A_29 : i32 to index
        %swap3A_95 = arith.constant 64 : index
        %swap3A_96 = tpu.vector_load %arg11[%swap3A_94, %swap3A_95] {strides = array<i32>} : memref<128x256xf32, #tpu.memory_space<vmem>>, vector<1x16xf32>,
        %swap3A_97 = vector.shape_cast %swap3A_96 : vector<1x16xf32> to vector<16xf32>
        %swap3A_98 = vector.shape_cast %mul3A_93 : vector<16xf32> to vector<1x16xf32>
        tpu.vector_store %arg11[%swap3A_94, %swap3A_95], %swap3A_98 {strides = array<i32>} : memref<128x256xf32, #tpu.memory_space<vmem>>, vector<1x16xf32>,
        %get3A_99 = arith.index_cast %scan3A_29 : i32 to index
        %get3A_100 = arith.constant 80 : index
        %get3A_101 = tpu.vector_load %arg9[%get3A_99, %get3A_100] {strides = array<i32>} : memref<128x256xf32, #tpu.memory_space<vmem>>, vector<1x16xf32>,
        %get3A_102 = vector.shape_cast %get3A_101 : vector<1x16xf32> to vector<16xf32>
        %get3A_103 = arith.index_cast %scan3A_29 : i32 to index
        %get3A_104 = arith.constant 80 : index
        %get3A_105 = tpu.vector_load %arg10[%get3A_103, %get3A_104] {strides = array<i32>} : memref<128x256xf32, #tpu.memory_space<vmem>>, vector<1x16xf32>,
        %get3A_106 = vector.shape_cast %get3A_105 : vector<1x16xf32> to vector<16xf32>
        %mul3A_107 = arith.mulf %get3A_102, %get3A_106 : vector<16xf32>
        %swap3A_108 = arith.index_cast %scan3A_29 : i32 to index
        %swap3A_109 = arith.constant 80 : index
        %swap3A_110 = tpu.vector_load %arg11[%swap3A_108, %swap3A_109] {strides = array<i32>} : memref<128x256xf32, #tpu.memory_space<vmem>>, vector<1x16xf32>,
        %swap3A_111 = vector.shape_cast %swap3A_110 : vector<1x16xf32> to vector<16xf32>
        %swap3A_112 = vector.shape_cast %mul3A_107 : vector<16xf32> to vector<1x16xf32>
        tpu.vector_store %arg11[%swap3A_108, %swap3A_109], %swap3A_112 {strides = array<i32>} : memref<128x256xf32, #tpu.memory_space<vmem>>, vector<1x16xf32>,
        %get3A_113 = arith.index_cast %scan3A_29 : i32 to index
        %get3A_114 = arith.constant 96 : index
        %get3A_115 = tpu.vector_load %arg9[%get3A_113, %get3A_114] {strides = array<i32>} : memref<128x256xf32, #tpu.memory_space<vmem>>, vector<1x16xf32>,
        %get3A_116 = vector.shape_cast %get3A_115 : vector<1x16xf32> to vector<16xf32>
        %get3A_117 = arith.index_cast %scan3A_29 : i32 to index
        %get3A_118 = arith.constant 96 : index
        %get3A_119 = tpu.vector_load %arg10[%get3A_117, %get3A_118] {strides = array<i32>} : memref<128x256xf32, #tpu.memory_space<vmem>>, vector<1x16xf32>,
        %get3A_120 = vector.shape_cast %get3A_119 : vector<1x16xf32> to vector<16xf32>
        %mul3A_121 = arith.mulf %get3A_116, %get3A_120 : vector<16xf32>
        %swap3A_122 = arith.index_cast %scan3A_29 : i32 to index
        %swap3A_123 = arith.constant 96 : index
        %swap3A_124 = tpu.vector_load %arg11[%swap3A_122, %swap3A_123] {strides = array<i32>} : memref<128x256xf32, #tpu.memory_space<vmem>>, vector<1x16xf32>,
        %swap3A_125 = vector.shape_cast %swap3A_124 : vector<1x16xf32> to vector<16xf32>
        %swap3A_126 = vector.shape_cast %mul3A_121 : vector<16xf32> to vector<1x16xf32>
        tpu.vector_store %arg11[%swap3A_122, %swap3A_123], %swap3A_126 {strides = array<i32>} : memref<128x256xf32, #tpu.memory_space<vmem>>, vector<1x16xf32>,
        %get3A_127 = arith.index_cast %scan3A_29 : i32 to index
        %get3A_128 = arith.constant 112 : index
        %get3A_129 = tpu.vector_load %arg9[%get3A_127, %get3A_128] {strides = array<i32>} : memref<128x256xf32, #tpu.memory_space<vmem>>, vector<1x16xf32>,
        %get3A_130 = vector.shape_cast %get3A_129 : vector<1x16xf32> to vector<16xf32>
        %get3A_131 = arith.index_cast %scan3A_29 : i32 to index
        %get3A_132 = arith.constant 112 : index
        %get3A_133 = tpu.vector_load %arg10[%get3A_131, %get3A_132] {strides = array<i32>} : memref<128x256xf32, #tpu.memory_space<vmem>>, vector<1x16xf32>,
        %get3A_134 = vector.shape_cast %get3A_133 : vector<1x16xf32> to vector<16xf32>
        %mul3A_135 = arith.mulf %get3A_130, %get3A_134 : vector<16xf32>
        %swap3A_136 = arith.index_cast %scan3A_29 : i32 to index
        %swap3A_137 = arith.constant 112 : index
        %swap3A_138 = tpu.vector_load %arg11[%swap3A_136, %swap3A_137] {strides = array<i32>} : memref<128x256xf32, #tpu.memory_space<vmem>>, vector<1x16xf32>,
        %swap3A_139 = vector.shape_cast %swap3A_138 : vector<1x16xf32> to vector<16xf32>
        %swap3A_140 = vector.shape_cast %mul3A_135 : vector<16xf32> to vector<1x16xf32>
        tpu.vector_store %arg11[%swap3A_136, %swap3A_137], %swap3A_140 {strides = array<i32>} : memref<128x256xf32, #tpu.memory_space<vmem>>, vector<1x16xf32>,
        %get3A_141 = arith.index_cast %scan3A_29 : i32 to index
        %get3A_142 = arith.constant 128 : index
        %get3A_143 = tpu.vector_load %arg9[%get3A_141, %get3A_142] {strides = array<i32>} : memref<128x256xf32, #tpu.memory_space<vmem>>, vector<1x16xf32>,
        %get3A_144 = vector.shape_cast %get3A_143 : vector<1x16xf32> to vector<16xf32>
        %get3A_145 = arith.index_cast %scan3A_29 : i32 to index
        %get3A_146 = arith.constant 128 : index
        %get3A_147 = tpu.vector_load %arg10[%get3A_145, %get3A_146] {strides = array<i32>} : memref<128x256xf32, #tpu.memory_space<vmem>>, vector<1x16xf32>,
        %get3A_148 = vector.shape_cast %get3A_147 : vector<1x16xf32> to vector<16xf32>
        %add3A_149 = arith.addf %get3A_144, %get3A_148 : vector<16xf32>
        %swap3A_150 = arith.index_cast %scan3A_29 : i32 to index
        %swap3A_151 = arith.constant 128 : index
        %swap3A_152 = tpu.vector_load %arg11[%swap3A_150, %swap3A_151] {strides = array<i32>} : memref<128x256xf32, #tpu.memory_space<vmem>>, vector<1x16xf32>,
        %swap3A_153 = vector.shape_cast %swap3A_152 : vector<1x16xf32> to vector<16xf32>
        %swap3A_154 = vector.shape_cast %add3A_149 : vector<16xf32> to vector<1x16xf32>
        tpu.vector_store %arg11[%swap3A_150, %swap3A_151], %swap3A_154 {strides = array<i32>} : memref<128x256xf32, #tpu.memory_space<vmem>>, vector<1x16xf32>,
        %get3A_155 = arith.index_cast %scan3A_29 : i32 to index
        %get3A_156 = arith.constant 144 : index
        %get3A_157 = tpu.vector_load %arg9[%get3A_155, %get3A_156] {strides = array<i32>} : memref<128x256xf32, #tpu.memory_space<vmem>>, vector<1x16xf32>,
        %get3A_158 = vector.shape_cast %get3A_157 : vector<1x16xf32> to vector<16xf32>
        %get3A_159 = arith.index_cast %scan3A_29 : i32 to index
        %get3A_160 = arith.constant 144 : index
        %get3A_161 = tpu.vector_load %arg10[%get3A_159, %get3A_160] {strides = array<i32>} : memref<128x256xf32, #tpu.memory_space<vmem>>, vector<1x16xf32>,
        %get3A_162 = vector.shape_cast %get3A_161 : vector<1x16xf32> to vector<16xf32>
        %add3A_163 = arith.addf %get3A_158, %get3A_162 : vector<16xf32>
        %swap3A_164 = arith.index_cast %scan3A_29 : i32 to index
        %swap3A_165 = arith.constant 144 : index
        %swap3A_166 = tpu.vector_load %arg11[%swap3A_164, %swap3A_165] {strides = array<i32>} : memref<128x256xf32, #tpu.memory_space<vmem>>, vector<1x16xf32>,
        %swap3A_167 = vector.shape_cast %swap3A_166 : vector<1x16xf32> to vector<16xf32>
        %swap3A_168 = vector.shape_cast %add3A_163 : vector<16xf32> to vector<1x16xf32>
        tpu.vector_store %arg11[%swap3A_164, %swap3A_165], %swap3A_168 {strides = array<i32>} : memref<128x256xf32, #tpu.memory_space<vmem>>, vector<1x16xf32>,
        %get3A_169 = arith.index_cast %scan3A_29 : i32 to index
        %get3A_170 = arith.constant 160 : index
        %get3A_171 = tpu.vector_load %arg9[%get3A_169, %get3A_170] {strides = array<i32>} : memref<128x256xf32, #tpu.memory_space<vmem>>, vector<1x16xf32>,
        %get3A_172 = vector.shape_cast %get3A_171 : vector<1x16xf32> to vector<16xf32>
        %get3A_173 = arith.index_cast %scan3A_29 : i32 to index
        %get3A_174 = arith.constant 160 : index
        %get3A_175 = tpu.vector_load %arg10[%get3A_173, %get3A_174] {strides = array<i32>} : memref<128x256xf32, #tpu.memory_space<vmem>>, vector<1x16xf32>,
        %get3A_176 = vector.shape_cast %get3A_175 : vector<1x16xf32> to vector<16xf32>
        %add3A_177 = arith.addf %get3A_172, %get3A_176 : vector<16xf32>
        %swap3A_178 = arith.index_cast %scan3A_29 : i32 to index
        %swap3A_179 = arith.constant 160 : index
        %swap3A_180 = tpu.vector_load %arg11[%swap3A_178, %swap3A_179] {strides = array<i32>} : memref<128x256xf32, #tpu.memory_space<vmem>>, vector<1x16xf32>,
        %swap3A_181 = vector.shape_cast %swap3A_180 : vector<1x16xf32> to vector<16xf32>
        %swap3A_182 = vector.shape_cast %add3A_177 : vector<16xf32> to vector<1x16xf32>
        tpu.vector_store %arg11[%swap3A_178, %swap3A_179], %swap3A_182 {strides = array<i32>} : memref<128x256xf32, #tpu.memory_space<vmem>>, vector<1x16xf32>,
        %get3A_183 = arith.index_cast %scan3A_29 : i32 to index
        %get3A_184 = arith.constant 176 : index
        %get3A_185 = tpu.vector_load %arg9[%get3A_183, %get3A_184] {strides = array<i32>} : memref<128x256xf32, #tpu.memory_space<vmem>>, vector<1x16xf32>,
        %get3A_186 = vector.shape_cast %get3A_185 : vector<1x16xf32> to vector<16xf32>
        %get3A_187 = arith.index_cast %scan3A_29 : i32 to index
        %get3A_188 = arith.constant 176 : index
        %get3A_189 = tpu.vector_load %arg10[%get3A_187, %get3A_188] {strides = array<i32>} : memref<128x256xf32, #tpu.memory_space<vmem>>, vector<1x16xf32>,
        %get3A_190 = vector.shape_cast %get3A_189 : vector<1x16xf32> to vector<16xf32>
        %add3A_191 = arith.addf %get3A_186, %get3A_190 : vector<16xf32>
        %swap3A_192 = arith.index_cast %scan3A_29 : i32 to index
        %swap3A_193 = arith.constant 176 : index
        %swap3A_194 = tpu.vector_load %arg11[%swap3A_192, %swap3A_193] {strides = array<i32>} : memref<128x256xf32, #tpu.memory_space<vmem>>, vector<1x16xf32>,
        %swap3A_195 = vector.shape_cast %swap3A_194 : vector<1x16xf32> to vector<16xf32>
        %swap3A_196 = vector.shape_cast %add3A_191 : vector<16xf32> to vector<1x16xf32>
        tpu.vector_store %arg11[%swap3A_192, %swap3A_193], %swap3A_196 {strides = array<i32>} : memref<128x256xf32, #tpu.memory_space<vmem>>, vector<1x16xf32>,
        %get3A_197 = arith.index_cast %scan3A_29 : i32 to index
        %get3A_198 = arith.constant 192 : index
        %get3A_199 = tpu.vector_load %arg9[%get3A_197, %get3A_198] {strides = array<i32>} : memref<128x256xf32, #tpu.memory_space<vmem>>, vector<1x16xf32>,
        %get3A_200 = vector.shape_cast %get3A_199 : vector<1x16xf32> to vector<16xf32>
        %get3A_201 = arith.index_cast %scan3A_29 : i32 to index
        %get3A_202 = arith.constant 192 : index
        %get3A_203 = tpu.vector_load %arg10[%get3A_201, %get3A_202] {strides = array<i32>} : memref<128x256xf32, #tpu.memory_space<vmem>>, vector<1x16xf32>,
        %get3A_204 = vector.shape_cast %get3A_203 : vector<1x16xf32> to vector<16xf32>
        %add3A_205 = arith.addf %get3A_200, %get3A_204 : vector<16xf32>
        %swap3A_206 = arith.index_cast %scan3A_29 : i32 to index
        %swap3A_207 = arith.constant 192 : index
        %swap3A_208 = tpu.vector_load %arg11[%swap3A_206, %swap3A_207] {strides = array<i32>} : memref<128x256xf32, #tpu.memory_space<vmem>>, vector<1x16xf32>,
        %swap3A_209 = vector.shape_cast %swap3A_208 : vector<1x16xf32> to vector<16xf32>
        %swap3A_210 = vector.shape_cast %add3A_205 : vector<16xf32> to vector<1x16xf32>
        tpu.vector_store %arg11[%swap3A_206, %swap3A_207], %swap3A_210 {strides = array<i32>} : memref<128x256xf32, #tpu.memory_space<vmem>>, vector<1x16xf32>,
        %get3A_211 = arith.index_cast %scan3A_29 : i32 to index
        %get3A_212 = arith.constant 208 : index
        %get3A_213 = tpu.vector_load %arg9[%get3A_211, %get3A_212] {strides = array<i32>} : memref<128x256xf32, #tpu.memory_space<vmem>>, vector<1x16xf32>,
        %get3A_214 = vector.shape_cast %get3A_213 : vector<1x16xf32> to vector<16xf32>
        %get3A_215 = arith.index_cast %scan3A_29 : i32 to index
        %get3A_216 = arith.constant 208 : index
        %get3A_217 = tpu.vector_load %arg10[%get3A_215, %get3A_216] {strides = array<i32>} : memref<128x256xf32, #tpu.memory_space<vmem>>, vector<1x16xf32>,
        %get3A_218 = vector.shape_cast %get3A_217 : vector<1x16xf32> to vector<16xf32>
        %add3A_219 = arith.addf %get3A_214, %get3A_218 : vector<16xf32>
        %swap3A_220 = arith.index_cast %scan3A_29 : i32 to index
        %swap3A_221 = arith.constant 208 : index
        %swap3A_222 = tpu.vector_load %arg11[%swap3A_220, %swap3A_221] {strides = array<i32>} : memref<128x256xf32, #tpu.memory_space<vmem>>, vector<1x16xf32>,
        %swap3A_223 = vector.shape_cast %swap3A_222 : vector<1x16xf32> to vector<16xf32>
        %swap3A_224 = vector.shape_cast %add3A_219 : vector<16xf32> to vector<1x16xf32>
        tpu.vector_store %arg11[%swap3A_220, %swap3A_221], %swap3A_224 {strides = array<i32>} : memref<128x256xf32, #tpu.memory_space<vmem>>, vector<1x16xf32>,
        %get3A_225 = arith.index_cast %scan3A_29 : i32 to index
        %get3A_226 = arith.constant 224 : index
        %get3A_227 = tpu.vector_load %arg9[%get3A_225, %get3A_226] {strides = array<i32>} : memref<128x256xf32, #tpu.memory_space<vmem>>, vector<1x16xf32>,
        %get3A_228 = vector.shape_cast %get3A_227 : vector<1x16xf32> to vector<16xf32>
        %get3A_229 = arith.index_cast %scan3A_29 : i32 to index
        %get3A_230 = arith.constant 224 : index
        %get3A_231 = tpu.vector_load %arg10[%get3A_229, %get3A_230] {strides = array<i32>} : memref<128x256xf32, #tpu.memory_space<vmem>>, vector<1x16xf32>,
        %get3A_232 = vector.shape_cast %get3A_231 : vector<1x16xf32> to vector<16xf32>
        %add3A_233 = arith.addf %get3A_228, %get3A_232 : vector<16xf32>
        %swap3A_234 = arith.index_cast %scan3A_29 : i32 to index
        %swap3A_235 = arith.constant 224 : index
        %swap3A_236 = tpu.vector_load %arg11[%swap3A_234, %swap3A_235] {strides = array<i32>} : memref<128x256xf32, #tpu.memory_space<vmem>>, vector<1x16xf32>,
        %swap3A_237 = vector.shape_cast %swap3A_236 : vector<1x16xf32> to vector<16xf32>
        %swap3A_238 = vector.shape_cast %add3A_233 : vector<16xf32> to vector<1x16xf32>
        tpu.vector_store %arg11[%swap3A_234, %swap3A_235], %swap3A_238 {strides = array<i32>} : memref<128x256xf32, #tpu.memory_space<vmem>>, vector<1x16xf32>,
        %get3A_239 = arith.index_cast %scan3A_29 : i32 to index
        %get3A_240 = arith.constant 240 : index
        %get3A_241 = tpu.vector_load %arg9[%get3A_239, %get3A_240] {strides = array<i32>} : memref<128x256xf32, #tpu.memory_space<vmem>>, vector<1x16xf32>,
        %get3A_242 = vector.shape_cast %get3A_241 : vector<1x16xf32> to vector<16xf32>
        %get3A_243 = arith.index_cast %scan3A_29 : i32 to index
        %get3A_244 = arith.constant 240 : index
        %get3A_245 = tpu.vector_load %arg10[%get3A_243, %get3A_244] {strides = array<i32>} : memref<128x256xf32, #tpu.memory_space<vmem>>, vector<1x16xf32>,
        %get3A_246 = vector.shape_cast %get3A_245 : vector<1x16xf32> to vector<16xf32>
        %add3A_247 = arith.addf %get3A_242, %get3A_246 : vector<16xf32>
        %swap3A_248 = arith.index_cast %scan3A_29 : i32 to index
        %swap3A_249 = arith.constant 240 : index
        %swap3A_250 = tpu.vector_load %arg11[%swap3A_248, %swap3A_249] {strides = array<i32>} : memref<128x256xf32, #tpu.memory_space<vmem>>, vector<1x16xf32>,
        %swap3A_251 = vector.shape_cast %swap3A_250 : vector<1x16xf32> to vector<16xf32>
        %swap3A_252 = vector.shape_cast %add3A_247 : vector<16xf32> to vector<1x16xf32>
        tpu.vector_store %arg11[%swap3A_248, %swap3A_249], %swap3A_252 {strides = array<i32>} : memref<128x256xf32, #tpu.memory_space<vmem>>, vector<1x16xf32>,
        %scan3A_253 = arith.constant 0 : i32
        scf.yield %scan3A_253 : i32
      }
      %scan3A_27 = arith.constant 128 : i32
      "tpu.region"() ({
        %run_scoped3A = tpu.sem_alloc : memref<!tpu.dma_semaphore, #tpu.memory_space<semaphore_mem>>
        %dma_start3A_29 = arith.constant 0 : i32
        %dma_start3A_30 = tpu.memref_slice %arg6[%add3A, %mul3A_10, %dma_start3A_29] : memref<32x16384x256xf32, #tpu.memory_space<hbm>> -> memref<1x128x256xf32, #tpu.memory_space<hbm>>
        %dma_start3A_31 = tpu.memref_squeeze %dma_start3A_30 : memref<1x128x256xf32, #tpu.memory_space<hbm>> -> memref<128x256xf32, #tpu.memory_space<hbm>>
        %dma_start3A_32 = arith.constant 0 : i32
        %dma_start3A_33 = tpu.memref_slice %arg6[%add3A, %mul3A_10, %dma_start3A_32] : memref<32x16384x256xf32, #tpu.memory_space<hbm>> -> memref<1x128x256xf32, #tpu.memory_space<hbm>>
        %dma_start3A_34 = tpu.memref_squeeze %dma_start3A_33 : memref<1x128x256xf32, #tpu.memory_space<hbm>> -> memref<128x256xf32, #tpu.memory_space<hbm>>
        tpu.enqueue_dma source(%arg11 : memref<128x256xf32, #tpu.memory_space<vmem>>) target(%dma_start3A_34 : memref<128x256xf32, #tpu.memory_space<hbm>>) target_semaphore(%run_scoped3A : memref<!tpu.dma_semaphore, #tpu.memory_space<semaphore_mem>>)
        %dma_wait3A_35 = arith.constant 0 : i32
        %dma_wait3A_36 = tpu.memref_slice %arg6[%add3A, %mul3A_10, %dma_wait3A_35] : memref<32x16384x256xf32, #tpu.memory_space<hbm>> -> memref<1x128x256xf32, #tpu.memory_space<hbm>>
        %dma_wait3A_37 = tpu.memref_squeeze %dma_wait3A_36 : memref<1x128x256xf32, #tpu.memory_space<hbm>> -> memref<128x256xf32, #tpu.memory_space<hbm>>
        %dma_wait3A_38 = arith.constant 0 : i32
        %dma_wait3A_39 = tpu.memref_slice %arg6[%add3A, %mul3A_10, %dma_wait3A_38] : memref<32x16384x256xf32, #tpu.memory_space<hbm>> -> memref<1x128x256xf32, #tpu.memory_space<hbm>>
        %dma_wait3A_40 = tpu.memref_squeeze %dma_wait3A_39 : memref<1x128x256xf32, #tpu.memory_space<hbm>> -> memref<128x256xf32, #tpu.memory_space<hbm>>
        tpu.wait_dma2 semaphore(%run_scoped3A : memref<!tpu.dma_semaphore, #tpu.memory_space<semaphore_mem>>) src(%arg11 : memref<128x256xf32, #tpu.memory_space<vmem>>) dst(%dma_wait3A_40 : memref<128x256xf32, #tpu.memory_space<hbm>>)
        tpu.yield
      }) : () -> ()
      %scan3A_28 = arith.constant 0 : i32
      scf.yield %scan3A_28 : i32
    }
    %scan3A_6 = arith.constant 128 : i32
    return
  }
}

#map = affine_map<(d0, d1) -> (0, 0, 0)>
#map1 = affine_map<(d0, d1) -> (0, 0)>
module attributes {stable_mosaic.version = 14 : i64} {
  func.func @sk(%arg0: i32, %arg1: i32, %arg2: memref<32x16384x128xf32, #tpu.memory_space<hbm>>, %arg3: memref<32x16384xi32, #tpu.memory_space<hbm>>, %arg4: memref<32x2048x128xf32, #tpu.memory_space<hbm>>, %arg5: memref<128xi32, #tpu.memory_space<vmem>>, %arg6: memref<128x128xf32, #tpu.memory_space<vmem>>, %arg7: memref<128x128xf32, #tpu.memory_space<vmem>>, %arg8: memref<2048x128xf32, #tpu.memory_space<vmem_shared>>) attributes {dimension_semantics = [#tpu.dimension_semantics<core_parallel>, #tpu.dimension_semantics<subcore_parallel>], iteration_bounds = array<i64: 2, 16>, scalar_prefetch = 0 : i64, scratch_operands = 4 : i64, tpu.core_type = #tpu.core_type<sc_vector_subcore>, window_params = [{transform_indices = #map}, {transform_indices = #map1}, {transform_indices = #map}]} {
    %scan3A = arith.constant 0 : i32
    %scan3A_0 = arith.constant 0 : i32
    %scan3A_1 = arith.constant 128 : i32
    %scan3A_2 = arith.addi %scan3A_0, %scan3A_1 : i32
    %scan3A_3 = arith.constant 1 : i32
    %scan3A_4 = scf.for %scan3A_13 = %scan3A_0 to %scan3A_2 step %scan3A_3 iter_args(%scan3A_14 = %scan3A) -> (i32)  : i32 {
      %broadcast_in_dim3A = arith.constant 0.000000e+00 : f32
      %broadcast_in_dim3A_15 = vector.broadcast %broadcast_in_dim3A : f32 to vector<16xf32>
      %swap3A = arith.index_cast %scan3A_13 : i32 to index
      %swap3A_16 = arith.constant 0 : index
      %swap3A_17 = tpu.vector_load %arg7[%swap3A, %swap3A_16] {strides = array<i32>} : memref<128x128xf32, #tpu.memory_space<vmem>>, vector<1x16xf32>,
      %swap3A_18 = vector.shape_cast %swap3A_17 : vector<1x16xf32> to vector<16xf32>
      %swap3A_19 = vector.shape_cast %broadcast_in_dim3A_15 : vector<16xf32> to vector<1x16xf32>
      tpu.vector_store %arg7[%swap3A, %swap3A_16], %swap3A_19 {strides = array<i32>} : memref<128x128xf32, #tpu.memory_space<vmem>>, vector<1x16xf32>,
      %broadcast_in_dim3A_20 = arith.constant 0.000000e+00 : f32
      %broadcast_in_dim3A_21 = vector.broadcast %broadcast_in_dim3A_20 : f32 to vector<16xf32>
      %swap3A_22 = arith.index_cast %scan3A_13 : i32 to index
      %swap3A_23 = arith.constant 16 : index
      %swap3A_24 = tpu.vector_load %arg7[%swap3A_22, %swap3A_23] {strides = array<i32>} : memref<128x128xf32, #tpu.memory_space<vmem>>, vector<1x16xf32>,
      %swap3A_25 = vector.shape_cast %swap3A_24 : vector<1x16xf32> to vector<16xf32>
      %swap3A_26 = vector.shape_cast %broadcast_in_dim3A_21 : vector<16xf32> to vector<1x16xf32>
      tpu.vector_store %arg7[%swap3A_22, %swap3A_23], %swap3A_26 {strides = array<i32>} : memref<128x128xf32, #tpu.memory_space<vmem>>, vector<1x16xf32>,
      %broadcast_in_dim3A_27 = arith.constant 0.000000e+00 : f32
      %broadcast_in_dim3A_28 = vector.broadcast %broadcast_in_dim3A_27 : f32 to vector<16xf32>
      %swap3A_29 = arith.index_cast %scan3A_13 : i32 to index
      %swap3A_30 = arith.constant 32 : index
      %swap3A_31 = tpu.vector_load %arg7[%swap3A_29, %swap3A_30] {strides = array<i32>} : memref<128x128xf32, #tpu.memory_space<vmem>>, vector<1x16xf32>,
      %swap3A_32 = vector.shape_cast %swap3A_31 : vector<1x16xf32> to vector<16xf32>
      %swap3A_33 = vector.shape_cast %broadcast_in_dim3A_28 : vector<16xf32> to vector<1x16xf32>
      tpu.vector_store %arg7[%swap3A_29, %swap3A_30], %swap3A_33 {strides = array<i32>} : memref<128x128xf32, #tpu.memory_space<vmem>>, vector<1x16xf32>,
      %broadcast_in_dim3A_34 = arith.constant 0.000000e+00 : f32
      %broadcast_in_dim3A_35 = vector.broadcast %broadcast_in_dim3A_34 : f32 to vector<16xf32>
      %swap3A_36 = arith.index_cast %scan3A_13 : i32 to index
      %swap3A_37 = arith.constant 48 : index
      %swap3A_38 = tpu.vector_load %arg7[%swap3A_36, %swap3A_37] {strides = array<i32>} : memref<128x128xf32, #tpu.memory_space<vmem>>, vector<1x16xf32>,
      %swap3A_39 = vector.shape_cast %swap3A_38 : vector<1x16xf32> to vector<16xf32>
      %swap3A_40 = vector.shape_cast %broadcast_in_dim3A_35 : vector<16xf32> to vector<1x16xf32>
      tpu.vector_store %arg7[%swap3A_36, %swap3A_37], %swap3A_40 {strides = array<i32>} : memref<128x128xf32, #tpu.memory_space<vmem>>, vector<1x16xf32>,
      %broadcast_in_dim3A_41 = arith.constant 0.000000e+00 : f32
      %broadcast_in_dim3A_42 = vector.broadcast %broadcast_in_dim3A_41 : f32 to vector<16xf32>
      %swap3A_43 = arith.index_cast %scan3A_13 : i32 to index
      %swap3A_44 = arith.constant 64 : index
      %swap3A_45 = tpu.vector_load %arg7[%swap3A_43, %swap3A_44] {strides = array<i32>} : memref<128x128xf32, #tpu.memory_space<vmem>>, vector<1x16xf32>,
      %swap3A_46 = vector.shape_cast %swap3A_45 : vector<1x16xf32> to vector<16xf32>
      %swap3A_47 = vector.shape_cast %broadcast_in_dim3A_42 : vector<16xf32> to vector<1x16xf32>
      tpu.vector_store %arg7[%swap3A_43, %swap3A_44], %swap3A_47 {strides = array<i32>} : memref<128x128xf32, #tpu.memory_space<vmem>>, vector<1x16xf32>,
      %broadcast_in_dim3A_48 = arith.constant 0.000000e+00 : f32
      %broadcast_in_dim3A_49 = vector.broadcast %broadcast_in_dim3A_48 : f32 to vector<16xf32>
      %swap3A_50 = arith.index_cast %scan3A_13 : i32 to index
      %swap3A_51 = arith.constant 80 : index
      %swap3A_52 = tpu.vector_load %arg7[%swap3A_50, %swap3A_51] {strides = array<i32>} : memref<128x128xf32, #tpu.memory_space<vmem>>, vector<1x16xf32>,
      %swap3A_53 = vector.shape_cast %swap3A_52 : vector<1x16xf32> to vector<16xf32>
      %swap3A_54 = vector.shape_cast %broadcast_in_dim3A_49 : vector<16xf32> to vector<1x16xf32>
      tpu.vector_store %arg7[%swap3A_50, %swap3A_51], %swap3A_54 {strides = array<i32>} : memref<128x128xf32, #tpu.memory_space<vmem>>, vector<1x16xf32>,
      %broadcast_in_dim3A_55 = arith.constant 0.000000e+00 : f32
      %broadcast_in_dim3A_56 = vector.broadcast %broadcast_in_dim3A_55 : f32 to vector<16xf32>
      %swap3A_57 = arith.index_cast %scan3A_13 : i32 to index
      %swap3A_58 = arith.constant 96 : index
      %swap3A_59 = tpu.vector_load %arg7[%swap3A_57, %swap3A_58] {strides = array<i32>} : memref<128x128xf32, #tpu.memory_space<vmem>>, vector<1x16xf32>,
      %swap3A_60 = vector.shape_cast %swap3A_59 : vector<1x16xf32> to vector<16xf32>
      %swap3A_61 = vector.shape_cast %broadcast_in_dim3A_56 : vector<16xf32> to vector<1x16xf32>
      tpu.vector_store %arg7[%swap3A_57, %swap3A_58], %swap3A_61 {strides = array<i32>} : memref<128x128xf32, #tpu.memory_space<vmem>>, vector<1x16xf32>,
      %broadcast_in_dim3A_62 = arith.constant 0.000000e+00 : f32
      %broadcast_in_dim3A_63 = vector.broadcast %broadcast_in_dim3A_62 : f32 to vector<16xf32>
      %swap3A_64 = arith.index_cast %scan3A_13 : i32 to index
      %swap3A_65 = arith.constant 112 : index
      %swap3A_66 = tpu.vector_load %arg7[%swap3A_64, %swap3A_65] {strides = array<i32>} : memref<128x128xf32, #tpu.memory_space<vmem>>, vector<1x16xf32>,
      %swap3A_67 = vector.shape_cast %swap3A_66 : vector<1x16xf32> to vector<16xf32>
      %swap3A_68 = vector.shape_cast %broadcast_in_dim3A_63 : vector<16xf32> to vector<1x16xf32>
      tpu.vector_store %arg7[%swap3A_64, %swap3A_65], %swap3A_68 {strides = array<i32>} : memref<128x128xf32, #tpu.memory_space<vmem>>, vector<1x16xf32>,
      %scan3A_69 = arith.constant 0 : i32
      scf.yield %scan3A_69 : i32
    }
    %scan3A_5 = arith.constant 128 : i32
    %scan3A_6 = arith.constant 0 : i32
    %scan3A_7 = arith.constant 0 : i32
    %scan3A_8 = arith.constant 16 : i32
    %scan3A_9 = arith.addi %scan3A_7, %scan3A_8 : i32
    %scan3A_10 = arith.constant 1 : i32
    %scan3A_11 = scf.for %scan3A_13 = %scan3A_7 to %scan3A_9 step %scan3A_10 iter_args(%scan3A_14 = %scan3A_6) -> (i32)  : i32 {
      %mul3A = arith.constant 2 : i32
      %mul3A_15 = arith.muli %scan3A_13, %mul3A : i32
      %add3A = arith.addi %mul3A_15, %arg0 : i32
      %mul3A_16 = arith.constant 128 : i32
      %mul3A_17 = arith.muli %arg1, %mul3A_16 : i32
      "tpu.region"() ({
        %run_scoped3A = tpu.sem_alloc : memref<!tpu.dma_semaphore, #tpu.memory_space<semaphore_mem>>
        %dma_start3A = arith.constant 0 : i32
        %dma_start3A_32 = tpu.memref_slice %arg8[%mul3A_17, %dma_start3A] : memref<2048x128xf32, #tpu.memory_space<vmem_shared>> -> memref<128x128xf32, #tpu.memory_space<vmem_shared>>
        %dma_start3A_33 = arith.constant 0 : i32
        %dma_start3A_34 = tpu.memref_slice %arg8[%mul3A_17, %dma_start3A_33] : memref<2048x128xf32, #tpu.memory_space<vmem_shared>> -> memref<128x128xf32, #tpu.memory_space<vmem_shared>>
        tpu.enqueue_dma source(%arg7 : memref<128x128xf32, #tpu.memory_space<vmem>>) target(%dma_start3A_34 : memref<128x128xf32, #tpu.memory_space<vmem_shared>>) target_semaphore(%run_scoped3A : memref<!tpu.dma_semaphore, #tpu.memory_space<semaphore_mem>>)
        %dma_wait3A = arith.constant 0 : i32
        %dma_wait3A_35 = tpu.memref_slice %arg8[%mul3A_17, %dma_wait3A] : memref<2048x128xf32, #tpu.memory_space<vmem_shared>> -> memref<128x128xf32, #tpu.memory_space<vmem_shared>>
        %dma_wait3A_36 = arith.constant 0 : i32
        %dma_wait3A_37 = tpu.memref_slice %arg8[%mul3A_17, %dma_wait3A_36] : memref<2048x128xf32, #tpu.memory_space<vmem_shared>> -> memref<128x128xf32, #tpu.memory_space<vmem_shared>>
        tpu.wait_dma2 semaphore(%run_scoped3A : memref<!tpu.dma_semaphore, #tpu.memory_space<semaphore_mem>>) src(%arg7 : memref<128x128xf32, #tpu.memory_space<vmem>>) dst(%dma_wait3A_37 : memref<128x128xf32, #tpu.memory_space<vmem_shared>>)
        tpu.yield
      }) : () -> ()
      %barrier3A = arith.constant 0 : index
      tpu.barrier barrier_id(%barrier3A)
      %scan3A_18 = arith.constant 0 : i32
      %scan3A_19 = arith.constant 0 : i32
      %scan3A_20 = arith.constant 8 : i32
      %scan3A_21 = arith.addi %scan3A_19, %scan3A_20 : i32
      %scan3A_22 = arith.constant 1 : i32
      %scan3A_23 = scf.for %scan3A_32 = %scan3A_19 to %scan3A_21 step %scan3A_22 iter_args(%scan3A_33 = %scan3A_18) -> (i32)  : i32 {
        %mul3A_34 = arith.constant 1024 : i32
        %mul3A_35 = arith.muli %arg1, %mul3A_34 : i32
        %mul3A_36 = arith.constant 128 : i32
        %mul3A_37 = arith.muli %scan3A_32, %mul3A_36 : i32
        %add3A_38 = arith.addi %mul3A_35, %mul3A_37 : i32
        "tpu.region"() ({
          %run_scoped3A = tpu.sem_alloc : memref<!tpu.dma_semaphore, #tpu.memory_space<semaphore_mem>>
          %dma_start3A = tpu.memref_slice %arg3[%add3A, %add3A_38] : memref<32x16384xi32, #tpu.memory_space<hbm>> -> memref<1x128xi32, #tpu.memory_space<hbm>>
          %dma_start3A_40 = tpu.memref_squeeze %dma_start3A : memref<1x128xi32, #tpu.memory_space<hbm>> -> memref<128xi32, #tpu.memory_space<hbm>>
          %dma_start3A_41 = tpu.memref_slice %arg3[%add3A, %add3A_38] : memref<32x16384xi32, #tpu.memory_space<hbm>> -> memref<1x128xi32, #tpu.memory_space<hbm>>
          %dma_start3A_42 = tpu.memref_squeeze %dma_start3A_41 : memref<1x128xi32, #tpu.memory_space<hbm>> -> memref<128xi32, #tpu.memory_space<hbm>>
          tpu.enqueue_dma source(%dma_start3A_42 : memref<128xi32, #tpu.memory_space<hbm>>) target(%arg5 : memref<128xi32, #tpu.memory_space<vmem>>) target_semaphore(%run_scoped3A : memref<!tpu.dma_semaphore, #tpu.memory_space<semaphore_mem>>)
          %dma_wait3A = tpu.memref_slice %arg3[%add3A, %add3A_38] : memref<32x16384xi32, #tpu.memory_space<hbm>> -> memref<1x128xi32, #tpu.memory_space<hbm>>
          %dma_wait3A_43 = tpu.memref_squeeze %dma_wait3A : memref<1x128xi32, #tpu.memory_space<hbm>> -> memref<128xi32, #tpu.memory_space<hbm>>
          %dma_wait3A_44 = tpu.memref_slice %arg3[%add3A, %add3A_38] : memref<32x16384xi32, #tpu.memory_space<hbm>> -> memref<1x128xi32, #tpu.memory_space<hbm>>
          %dma_wait3A_45 = tpu.memref_squeeze %dma_wait3A_44 : memref<1x128xi32, #tpu.memory_space<hbm>> -> memref<128xi32, #tpu.memory_space<hbm>>
          tpu.wait_dma2 semaphore(%run_scoped3A : memref<!tpu.dma_semaphore, #tpu.memory_space<semaphore_mem>>) src(%dma_wait3A_45 : memref<128xi32, #tpu.memory_space<hbm>>) dst(%arg5 : memref<128xi32, #tpu.memory_space<vmem>>)
          tpu.yield
        }) : () -> ()
        "tpu.region"() ({
          %run_scoped3A = tpu.sem_alloc : memref<!tpu.dma_semaphore, #tpu.memory_space<semaphore_mem>>
          %dma_start3A = arith.constant 0 : i32
          %dma_start3A_40 = tpu.memref_slice %arg2[%add3A, %add3A_38, %dma_start3A] : memref<32x16384x128xf32, #tpu.memory_space<hbm>> -> memref<1x128x128xf32, #tpu.memory_space<hbm>>
          %dma_start3A_41 = tpu.memref_squeeze %dma_start3A_40 : memref<1x128x128xf32, #tpu.memory_space<hbm>> -> memref<128x128xf32, #tpu.memory_space<hbm>>
          %dma_start3A_42 = arith.constant 0 : i32
          %dma_start3A_43 = tpu.memref_slice %arg2[%add3A, %add3A_38, %dma_start3A_42] : memref<32x16384x128xf32, #tpu.memory_space<hbm>> -> memref<1x128x128xf32, #tpu.memory_space<hbm>>
          %dma_start3A_44 = tpu.memref_squeeze %dma_start3A_43 : memref<1x128x128xf32, #tpu.memory_space<hbm>> -> memref<128x128xf32, #tpu.memory_space<hbm>>
          tpu.enqueue_dma source(%dma_start3A_44 : memref<128x128xf32, #tpu.memory_space<hbm>>) target(%arg6 : memref<128x128xf32, #tpu.memory_space<vmem>>) target_semaphore(%run_scoped3A : memref<!tpu.dma_semaphore, #tpu.memory_space<semaphore_mem>>)
          %dma_wait3A = arith.constant 0 : i32
          %dma_wait3A_45 = tpu.memref_slice %arg2[%add3A, %add3A_38, %dma_wait3A] : memref<32x16384x128xf32, #tpu.memory_space<hbm>> -> memref<1x128x128xf32, #tpu.memory_space<hbm>>
          %dma_wait3A_46 = tpu.memref_squeeze %dma_wait3A_45 : memref<1x128x128xf32, #tpu.memory_space<hbm>> -> memref<128x128xf32, #tpu.memory_space<hbm>>
          %dma_wait3A_47 = arith.constant 0 : i32
          %dma_wait3A_48 = tpu.memref_slice %arg2[%add3A, %add3A_38, %dma_wait3A_47] : memref<32x16384x128xf32, #tpu.memory_space<hbm>> -> memref<1x128x128xf32, #tpu.memory_space<hbm>>
          %dma_wait3A_49 = tpu.memref_squeeze %dma_wait3A_48 : memref<1x128x128xf32, #tpu.memory_space<hbm>> -> memref<128x128xf32, #tpu.memory_space<hbm>>
          tpu.wait_dma2 semaphore(%run_scoped3A : memref<!tpu.dma_semaphore, #tpu.memory_space<semaphore_mem>>) src(%dma_wait3A_49 : memref<128x128xf32, #tpu.memory_space<hbm>>) dst(%arg6 : memref<128x128xf32, #tpu.memory_space<vmem>>)
          tpu.yield
        }) : () -> ()
        "tpu.region"() ({
          %run_scoped3A = tpu.sem_alloc : memref<!tpu.dma_semaphore, #tpu.memory_space<semaphore_mem>>
          %dma_start3A = arith.constant 0 : i32
          %dma_start3A_40 = arith.constant 0 : i32
          %dma_start3A_41 = tpu.memref_slice %arg8[%dma_start3A, %dma_start3A_40] : memref<2048x128xf32, #tpu.memory_space<vmem_shared>> -> memref<2048x128xf32, #tpu.memory_space<vmem_shared>>
          tpu.enqueue_indirect_dma source(%arg6 : memref<128x128xf32, #tpu.memory_space<vmem>>) target(%dma_start3A_41 : memref<2048x128xf32, #tpu.memory_space<vmem_shared>>) offsets(%arg5 : memref<128xi32, #tpu.memory_space<vmem>>) semaphore(%run_scoped3A : memref<!tpu.dma_semaphore, #tpu.memory_space<semaphore_mem>>) {add = true}
          %dma_wait3A = arith.constant 0 : i32
          %dma_wait3A_42 = arith.constant 0 : i32
          %dma_wait3A_43 = tpu.memref_slice %arg8[%dma_wait3A, %dma_wait3A_42] : memref<2048x128xf32, #tpu.memory_space<vmem_shared>> -> memref<2048x128xf32, #tpu.memory_space<vmem_shared>>
          tpu.wait_indirect_dma semaphore(%run_scoped3A : memref<!tpu.dma_semaphore, #tpu.memory_space<semaphore_mem>>) src(%arg6 : memref<128x128xf32, #tpu.memory_space<vmem>>) dst(%dma_wait3A_43 : memref<2048x128xf32, #tpu.memory_space<vmem_shared>>)
          tpu.yield
        }) : () -> ()
        %scan3A_39 = arith.constant 0 : i32
        scf.yield %scan3A_39 : i32
      }
      %scan3A_24 = arith.constant 8 : i32
      %barrier3A_25 = arith.constant 0 : index
      tpu.barrier barrier_id(%barrier3A_25)
      %mul3A_26 = arith.constant 128 : i32
      %mul3A_27 = arith.muli %arg1, %mul3A_26 : i32
      %mul3A_28 = arith.constant 128 : i32
      %mul3A_29 = arith.muli %arg1, %mul3A_28 : i32
      "tpu.region"() ({
        %run_scoped3A = tpu.sem_alloc : memref<!tpu.dma_semaphore, #tpu.memory_space<semaphore_mem>>
        %dma_start3A = arith.constant 0 : i32
        %dma_start3A_32 = tpu.memref_slice %arg4[%add3A, %mul3A_29, %dma_start3A] : memref<32x2048x128xf32, #tpu.memory_space<hbm>> -> memref<1x128x128xf32, #tpu.memory_space<hbm>>
        %dma_start3A_33 = tpu.memref_squeeze %dma_start3A_32 : memref<1x128x128xf32, #tpu.memory_space<hbm>> -> memref<128x128xf32, #tpu.memory_space<hbm>>
        %dma_start3A_34 = arith.constant 0 : i32
        %dma_start3A_35 = tpu.memref_slice %arg8[%mul3A_27, %dma_start3A_34] : memref<2048x128xf32, #tpu.memory_space<vmem_shared>> -> memref<128x128xf32, #tpu.memory_space<vmem_shared>>
        tpu.enqueue_dma source(%dma_start3A_35 : memref<128x128xf32, #tpu.memory_space<vmem_shared>>) target(%dma_start3A_33 : memref<128x128xf32, #tpu.memory_space<hbm>>) target_semaphore(%run_scoped3A : memref<!tpu.dma_semaphore, #tpu.memory_space<semaphore_mem>>)
        %dma_wait3A = arith.constant 0 : i32
        %dma_wait3A_36 = tpu.memref_slice %arg4[%add3A, %mul3A_29, %dma_wait3A] : memref<32x2048x128xf32, #tpu.memory_space<hbm>> -> memref<1x128x128xf32, #tpu.memory_space<hbm>>
        %dma_wait3A_37 = tpu.memref_squeeze %dma_wait3A_36 : memref<1x128x128xf32, #tpu.memory_space<hbm>> -> memref<128x128xf32, #tpu.memory_space<hbm>>
        %dma_wait3A_38 = arith.constant 0 : i32
        %dma_wait3A_39 = tpu.memref_slice %arg8[%mul3A_27, %dma_wait3A_38] : memref<2048x128xf32, #tpu.memory_space<vmem_shared>> -> memref<128x128xf32, #tpu.memory_space<vmem_shared>>
        tpu.wait_dma2 semaphore(%run_scoped3A : memref<!tpu.dma_semaphore, #tpu.memory_space<semaphore_mem>>) src(%dma_wait3A_39 : memref<128x128xf32, #tpu.memory_space<vmem_shared>>) dst(%dma_wait3A_37 : memref<128x128xf32, #tpu.memory_space<hbm>>)
        tpu.yield
      }) : () -> ()
      %barrier3A_30 = arith.constant 0 : index
      tpu.barrier barrier_id(%barrier3A_30)
      %scan3A_31 = arith.constant 0 : i32
      scf.yield %scan3A_31 : i32
    }
    %scan3A_12 = arith.constant 16 : i32
    return
  }
}

module attributes {stable_mosaic.version = 14 : i64} {
  func.func @_relprep_body(%arg0: i32, %arg1: memref<512x128xf32, #tpu.memory_space<vmem>>, %arg2: memref<1x128x128xf32, #tpu.memory_space<vmem>>, %arg3: memref<1x512x256xf32, #tpu.memory_space<vmem>>) attributes {dimension_semantics = [#tpu.dimension_semantics<arbitrary>], iteration_bounds = array<i64: 3>, scalar_prefetch = 0 : i64, scratch_operands = 0 : i64, tpu.core_type = #tpu.core_type<tc>, window_params = [{pipeline_mode = #tpu.pipeline_mode<synchronous>, transform_indices = @transform_0, window_bounds = array<i64: 512, 128>}, {transform_indices = @transform_1, window_bounds = array<i64: 1, 128, 128>}, {transform_indices = @transform_2, window_bounds = array<i64: 1, 512, 256>}]} {
    %get3A = arith.constant 0 : index
    %get3A_0 = arith.constant 0 : index
    %get3A_1 = vector.load %arg1[%get3A, %get3A_0] : memref<512x128xf32, #tpu.memory_space<vmem>>, vector<512x128xf32>
    %get3A_2 = arith.constant 0 : index
    %get3A_3 = arith.constant 0 : index
    %get3A_4 = arith.constant 0 : index
    %get3A_5 = vector.load %arg2[%get3A_2, %get3A_3, %get3A_4] : memref<1x128x128xf32, #tpu.memory_space<vmem>>, vector<1x128x128xf32>
    %get3A_6 = vector.shape_cast %get3A_5 : vector<1x128x128xf32> to vector<128x128xf32>
    %dot_general3A = arith.constant dense<0.000000e+00> : vector<512x128xf32>
    %dot_general3A_7 = tpu.matmul %get3A_1, %get3A_6, %dot_general3A {dimension_numbers = #tpu.dot_dimension_numbers<[1], [0], [0], [1], [0, 0, 1, 1], [], []>, transpose_lhs_hint = false} : vector<512x128xf32>, vector<128x128xf32>, vector<512x128xf32> -> vector<512x128xf32>
    %concatenate3A = tpu.concatenate %get3A_1, %dot_general3A_7 in 1 : vector<512x128xf32>, vector<512x128xf32> -> vector<512x256xf32>
    %swap3A = arith.constant 0 : index
    %swap3A_8 = arith.constant 0 : index
    %swap3A_9 = arith.constant 0 : index
    %swap3A_10 = vector.load %arg3[%swap3A, %swap3A_8, %swap3A_9] : memref<1x512x256xf32, #tpu.memory_space<vmem>>, vector<1x512x256xf32>
    %swap3A_11 = vector.shape_cast %swap3A_10 : vector<1x512x256xf32> to vector<512x256xf32>
    %swap3A_12 = vector.shape_cast %concatenate3A : vector<512x256xf32> to vector<1x512x256xf32>
    tpu.vector_store %arg3[%swap3A, %swap3A_8, %swap3A_9], %swap3A_12 {strides = array<i32>} : memref<1x512x256xf32, #tpu.memory_space<vmem>>, vector<1x512x256xf32>,
    return
  }
  func.func @transform_0(%arg0: i32) -> (i32, i32) {
    %c0_i32 = arith.constant 0 : i32
    %c0_i32_0 = arith.constant 0 : i32
    %c0_i32_1 = arith.constant 0 : i32
    return %c0_i32, %c0_i32_0 : i32, i32
  }
  func.func @transform_1(%arg0: i32) -> (i32, i32, i32) {
    %c0_i32 = arith.constant 0 : i32
    %c0_i32_0 = arith.constant 0 : i32
    %c0_i32_1 = arith.constant 0 : i32
    return %arg0, %c0_i32, %c0_i32_0 : i32, i32, i32
  }
  func.func @transform_2(%arg0: i32) -> (i32, i32, i32) {
    %c0_i32 = arith.constant 0 : i32
    %c0_i32_0 = arith.constant 0 : i32
    %c0_i32_1 = arith.constant 0 : i32
    return %arg0, %c0_i32, %c0_i32_0 : i32, i32, i32
  }
}

module attributes {stable_mosaic.version = 14 : i64} {
  func.func @_pre0_body(%arg0: i32, %arg1: memref<1x1x2048xi32, #tpu.memory_space<vmem>>, %arg2: memref<1x2048x128xf32, #tpu.memory_space<vmem>>, %arg3: memref<16x128xf32, #tpu.memory_space<vmem>>, %arg4: memref<128x128xf32, #tpu.memory_space<vmem>>, %arg5: memref<128x128xf32, #tpu.memory_space<vmem>>, %arg6: memref<1x128xf32, #tpu.memory_space<vmem>>, %arg7: memref<1x2048x256xf32, #tpu.memory_space<vmem>>) attributes {dimension_semantics = [#tpu.dimension_semantics<arbitrary>], iteration_bounds = array<i64: 32>, scalar_prefetch = 0 : i64, scratch_operands = 0 : i64, tpu.core_type = #tpu.core_type<tc>, window_params = [{transform_indices = @transform_0, window_bounds = array<i64: 1, 1, 2048>}, {transform_indices = @transform_1, window_bounds = array<i64: 1, 2048, 128>}, {pipeline_mode = #tpu.pipeline_mode<synchronous>, transform_indices = @transform_2, window_bounds = array<i64: 16, 128>}, {pipeline_mode = #tpu.pipeline_mode<synchronous>, transform_indices = @transform_3, window_bounds = array<i64: 128, 128>}, {pipeline_mode = #tpu.pipeline_mode<synchronous>, transform_indices = @transform_4, window_bounds = array<i64: 128, 128>}, {pipeline_mode = #tpu.pipeline_mode<synchronous>, transform_indices = @transform_5, window_bounds = array<i64: 1, 128>}, {transform_indices = @transform_6, window_bounds = array<i64: 1, 2048, 256>}]} {
    %get3A = arith.constant 0 : index
    %get3A_0 = arith.constant 0 : index
    %get3A_1 = arith.constant 0 : index
    %get3A_2 = vector.load %arg1[%get3A, %get3A_0, %get3A_1] : memref<1x1x2048xi32, #tpu.memory_space<vmem>>, vector<1x1x2048xi32>
    %get3A_3 = vector.shape_cast %get3A_2 : vector<1x1x2048xi32> to vector<2048xi32>
    %broadcast_in_dim3A = arith.constant 0.000000e+00 : f32
    %broadcast_in_dim3A_4 = vector.broadcast %broadcast_in_dim3A : f32 to vector<2048x128xf32>
    %broadcast_in_dim3A_5 = vector.shape_cast %get3A_3 : vector<2048xi32> to vector<2048x1xi32>
    %eq3A = arith.constant 0 : i32
    %eq3A_6 = vector.broadcast %eq3A : i32 to vector<2048x1xi32>
    %eq3A_7 = arith.cmpi eq, %broadcast_in_dim3A_5, %eq3A_6 : vector<2048x1xi32>
    %broadcast_in_dim3A_8 = vector.shape_cast %eq3A_7 : vector<2048x1xi1> to vector<2048x1xi1>
    %broadcast_in_dim3A_9 = vector.broadcast %broadcast_in_dim3A_8 : vector<2048x1xi1> to vector<2048x128xi1>
    %get3A_10 = arith.constant 0 : index
    %get3A_11 = arith.constant 0 : index
    %get3A_12 = vector.load %arg3[%get3A_10, %get3A_11] : memref<16x128xf32, #tpu.memory_space<vmem>>, vector<1x128xf32>
    %broadcast_in_dim3A_13 = vector.shape_cast %get3A_12 : vector<1x128xf32> to vector<1x128xf32>
    %broadcast_in_dim3A_14 = vector.broadcast %broadcast_in_dim3A_13 : vector<1x128xf32> to vector<2048x128xf32>
    %select_n3A = arith.select %broadcast_in_dim3A_9, %broadcast_in_dim3A_14, %broadcast_in_dim3A_4 : vector<2048x128xi1>, vector<2048x128xf32>
    %eq3A_15 = arith.constant 1 : i32
    %eq3A_16 = vector.broadcast %eq3A_15 : i32 to vector<2048x1xi32>
    %eq3A_17 = arith.cmpi eq, %broadcast_in_dim3A_5, %eq3A_16 : vector<2048x1xi32>
    %broadcast_in_dim3A_18 = vector.shape_cast %eq3A_17 : vector<2048x1xi1> to vector<2048x1xi1>
    %broadcast_in_dim3A_19 = vector.broadcast %broadcast_in_dim3A_18 : vector<2048x1xi1> to vector<2048x128xi1>
    %get3A_20 = arith.constant 1 : index
    %get3A_21 = arith.constant 0 : index
    %get3A_22 = vector.load %arg3[%get3A_20, %get3A_21] : memref<16x128xf32, #tpu.memory_space<vmem>>, vector<1x128xf32>
    %broadcast_in_dim3A_23 = vector.shape_cast %get3A_22 : vector<1x128xf32> to vector<1x128xf32>
    %broadcast_in_dim3A_24 = vector.broadcast %broadcast_in_dim3A_23 : vector<1x128xf32> to vector<2048x128xf32>
    %select_n3A_25 = arith.select %broadcast_in_dim3A_19, %broadcast_in_dim3A_24, %select_n3A : vector<2048x128xi1>, vector<2048x128xf32>
    %eq3A_26 = arith.constant 2 : i32
    %eq3A_27 = vector.broadcast %eq3A_26 : i32 to vector<2048x1xi32>
    %eq3A_28 = arith.cmpi eq, %broadcast_in_dim3A_5, %eq3A_27 : vector<2048x1xi32>
    %broadcast_in_dim3A_29 = vector.shape_cast %eq3A_28 : vector<2048x1xi1> to vector<2048x1xi1>
    %broadcast_in_dim3A_30 = vector.broadcast %broadcast_in_dim3A_29 : vector<2048x1xi1> to vector<2048x128xi1>
    %get3A_31 = arith.constant 2 : index
    %get3A_32 = arith.constant 0 : index
    %get3A_33 = vector.load %arg3[%get3A_31, %get3A_32] : memref<16x128xf32, #tpu.memory_space<vmem>>, vector<1x128xf32>
    %broadcast_in_dim3A_34 = vector.shape_cast %get3A_33 : vector<1x128xf32> to vector<1x128xf32>
    %broadcast_in_dim3A_35 = vector.broadcast %broadcast_in_dim3A_34 : vector<1x128xf32> to vector<2048x128xf32>
    %select_n3A_36 = arith.select %broadcast_in_dim3A_30, %broadcast_in_dim3A_35, %select_n3A_25 : vector<2048x128xi1>, vector<2048x128xf32>
    %eq3A_37 = arith.constant 3 : i32
    %eq3A_38 = vector.broadcast %eq3A_37 : i32 to vector<2048x1xi32>
    %eq3A_39 = arith.cmpi eq, %broadcast_in_dim3A_5, %eq3A_38 : vector<2048x1xi32>
    %broadcast_in_dim3A_40 = vector.shape_cast %eq3A_39 : vector<2048x1xi1> to vector<2048x1xi1>
    %broadcast_in_dim3A_41 = vector.broadcast %broadcast_in_dim3A_40 : vector<2048x1xi1> to vector<2048x128xi1>
    %get3A_42 = arith.constant 3 : index
    %get3A_43 = arith.constant 0 : index
    %get3A_44 = vector.load %arg3[%get3A_42, %get3A_43] : memref<16x128xf32, #tpu.memory_space<vmem>>, vector<1x128xf32>
    %broadcast_in_dim3A_45 = vector.shape_cast %get3A_44 : vector<1x128xf32> to vector<1x128xf32>
    %broadcast_in_dim3A_46 = vector.broadcast %broadcast_in_dim3A_45 : vector<1x128xf32> to vector<2048x128xf32>
    %select_n3A_47 = arith.select %broadcast_in_dim3A_41, %broadcast_in_dim3A_46, %select_n3A_36 : vector<2048x128xi1>, vector<2048x128xf32>
    %eq3A_48 = arith.constant 4 : i32
    %eq3A_49 = vector.broadcast %eq3A_48 : i32 to vector<2048x1xi32>
    %eq3A_50 = arith.cmpi eq, %broadcast_in_dim3A_5, %eq3A_49 : vector<2048x1xi32>
    %broadcast_in_dim3A_51 = vector.shape_cast %eq3A_50 : vector<2048x1xi1> to vector<2048x1xi1>
    %broadcast_in_dim3A_52 = vector.broadcast %broadcast_in_dim3A_51 : vector<2048x1xi1> to vector<2048x128xi1>
    %get3A_53 = arith.constant 4 : index
    %get3A_54 = arith.constant 0 : index
    %get3A_55 = vector.load %arg3[%get3A_53, %get3A_54] : memref<16x128xf32, #tpu.memory_space<vmem>>, vector<1x128xf32>
    %broadcast_in_dim3A_56 = vector.shape_cast %get3A_55 : vector<1x128xf32> to vector<1x128xf32>
    %broadcast_in_dim3A_57 = vector.broadcast %broadcast_in_dim3A_56 : vector<1x128xf32> to vector<2048x128xf32>
    %select_n3A_58 = arith.select %broadcast_in_dim3A_52, %broadcast_in_dim3A_57, %select_n3A_47 : vector<2048x128xi1>, vector<2048x128xf32>
    %eq3A_59 = arith.constant 5 : i32
    %eq3A_60 = vector.broadcast %eq3A_59 : i32 to vector<2048x1xi32>
    %eq3A_61 = arith.cmpi eq, %broadcast_in_dim3A_5, %eq3A_60 : vector<2048x1xi32>
    %broadcast_in_dim3A_62 = vector.shape_cast %eq3A_61 : vector<2048x1xi1> to vector<2048x1xi1>
    %broadcast_in_dim3A_63 = vector.broadcast %broadcast_in_dim3A_62 : vector<2048x1xi1> to vector<2048x128xi1>
    %get3A_64 = arith.constant 5 : index
    %get3A_65 = arith.constant 0 : index
    %get3A_66 = vector.load %arg3[%get3A_64, %get3A_65] : memref<16x128xf32, #tpu.memory_space<vmem>>, vector<1x128xf32>
    %broadcast_in_dim3A_67 = vector.shape_cast %get3A_66 : vector<1x128xf32> to vector<1x128xf32>
    %broadcast_in_dim3A_68 = vector.broadcast %broadcast_in_dim3A_67 : vector<1x128xf32> to vector<2048x128xf32>
    %select_n3A_69 = arith.select %broadcast_in_dim3A_63, %broadcast_in_dim3A_68, %select_n3A_58 : vector<2048x128xi1>, vector<2048x128xf32>
    %eq3A_70 = arith.constant 6 : i32
    %eq3A_71 = vector.broadcast %eq3A_70 : i32 to vector<2048x1xi32>
    %eq3A_72 = arith.cmpi eq, %broadcast_in_dim3A_5, %eq3A_71 : vector<2048x1xi32>
    %broadcast_in_dim3A_73 = vector.shape_cast %eq3A_72 : vector<2048x1xi1> to vector<2048x1xi1>
    %broadcast_in_dim3A_74 = vector.broadcast %broadcast_in_dim3A_73 : vector<2048x1xi1> to vector<2048x128xi1>
    %get3A_75 = arith.constant 6 : index
    %get3A_76 = arith.constant 0 : index
    %get3A_77 = vector.load %arg3[%get3A_75, %get3A_76] : memref<16x128xf32, #tpu.memory_space<vmem>>, vector<1x128xf32>
    %broadcast_in_dim3A_78 = vector.shape_cast %get3A_77 : vector<1x128xf32> to vector<1x128xf32>
    %broadcast_in_dim3A_79 = vector.broadcast %broadcast_in_dim3A_78 : vector<1x128xf32> to vector<2048x128xf32>
    %select_n3A_80 = arith.select %broadcast_in_dim3A_74, %broadcast_in_dim3A_79, %select_n3A_69 : vector<2048x128xi1>, vector<2048x128xf32>
    %eq3A_81 = arith.constant 7 : i32
    %eq3A_82 = vector.broadcast %eq3A_81 : i32 to vector<2048x1xi32>
    %eq3A_83 = arith.cmpi eq, %broadcast_in_dim3A_5, %eq3A_82 : vector<2048x1xi32>
    %broadcast_in_dim3A_84 = vector.shape_cast %eq3A_83 : vector<2048x1xi1> to vector<2048x1xi1>
    %broadcast_in_dim3A_85 = vector.broadcast %broadcast_in_dim3A_84 : vector<2048x1xi1> to vector<2048x128xi1>
    %get3A_86 = arith.constant 7 : index
    %get3A_87 = arith.constant 0 : index
    %get3A_88 = vector.load %arg3[%get3A_86, %get3A_87] : memref<16x128xf32, #tpu.memory_space<vmem>>, vector<1x128xf32>
    %broadcast_in_dim3A_89 = vector.shape_cast %get3A_88 : vector<1x128xf32> to vector<1x128xf32>
    %broadcast_in_dim3A_90 = vector.broadcast %broadcast_in_dim3A_89 : vector<1x128xf32> to vector<2048x128xf32>
    %select_n3A_91 = arith.select %broadcast_in_dim3A_85, %broadcast_in_dim3A_90, %select_n3A_80 : vector<2048x128xi1>, vector<2048x128xf32>
    %eq3A_92 = arith.constant 8 : i32
    %eq3A_93 = vector.broadcast %eq3A_92 : i32 to vector<2048x1xi32>
    %eq3A_94 = arith.cmpi eq, %broadcast_in_dim3A_5, %eq3A_93 : vector<2048x1xi32>
    %broadcast_in_dim3A_95 = vector.shape_cast %eq3A_94 : vector<2048x1xi1> to vector<2048x1xi1>
    %broadcast_in_dim3A_96 = vector.broadcast %broadcast_in_dim3A_95 : vector<2048x1xi1> to vector<2048x128xi1>
    %get3A_97 = arith.constant 8 : index
    %get3A_98 = arith.constant 0 : index
    %get3A_99 = vector.load %arg3[%get3A_97, %get3A_98] : memref<16x128xf32, #tpu.memory_space<vmem>>, vector<1x128xf32>
    %broadcast_in_dim3A_100 = vector.shape_cast %get3A_99 : vector<1x128xf32> to vector<1x128xf32>
    %broadcast_in_dim3A_101 = vector.broadcast %broadcast_in_dim3A_100 : vector<1x128xf32> to vector<2048x128xf32>
    %select_n3A_102 = arith.select %broadcast_in_dim3A_96, %broadcast_in_dim3A_101, %select_n3A_91 : vector<2048x128xi1>, vector<2048x128xf32>
    %eq3A_103 = arith.constant 9 : i32
    %eq3A_104 = vector.broadcast %eq3A_103 : i32 to vector<2048x1xi32>
    %eq3A_105 = arith.cmpi eq, %broadcast_in_dim3A_5, %eq3A_104 : vector<2048x1xi32>
    %broadcast_in_dim3A_106 = vector.shape_cast %eq3A_105 : vector<2048x1xi1> to vector<2048x1xi1>
    %broadcast_in_dim3A_107 = vector.broadcast %broadcast_in_dim3A_106 : vector<2048x1xi1> to vector<2048x128xi1>
    %get3A_108 = arith.constant 9 : index
    %get3A_109 = arith.constant 0 : index
    %get3A_110 = vector.load %arg3[%get3A_108, %get3A_109] : memref<16x128xf32, #tpu.memory_space<vmem>>, vector<1x128xf32>
    %broadcast_in_dim3A_111 = vector.shape_cast %get3A_110 : vector<1x128xf32> to vector<1x128xf32>
    %broadcast_in_dim3A_112 = vector.broadcast %broadcast_in_dim3A_111 : vector<1x128xf32> to vector<2048x128xf32>
    %select_n3A_113 = arith.select %broadcast_in_dim3A_107, %broadcast_in_dim3A_112, %select_n3A_102 : vector<2048x128xi1>, vector<2048x128xf32>
    %get3A_114 = arith.constant 0 : index
    %get3A_115 = arith.constant 0 : index
    %get3A_116 = arith.constant 0 : index
    %get3A_117 = vector.load %arg2[%get3A_114, %get3A_115, %get3A_116] : memref<1x2048x128xf32, #tpu.memory_space<vmem>>, vector<1x2048x128xf32>
    %get3A_118 = vector.shape_cast %get3A_117 : vector<1x2048x128xf32> to vector<2048x128xf32>
    %add3A = arith.addf %select_n3A_113, %get3A_118 : vector<2048x128xf32>
    %get3A_119 = arith.constant 0 : index
    %get3A_120 = arith.constant 0 : index
    %get3A_121 = vector.load %arg4[%get3A_119, %get3A_120] : memref<128x128xf32, #tpu.memory_space<vmem>>, vector<128x128xf32>
    %dot_general3A = arith.constant dense<0.000000e+00> : vector<2048x128xf32>
    %dot_general3A_122 = tpu.matmul %add3A, %get3A_121, %dot_general3A {dimension_numbers = #tpu.dot_dimension_numbers<[1], [0], [0], [1], [0, 0, 1, 1], [], []>, transpose_lhs_hint = false} : vector<2048x128xf32>, vector<128x128xf32>, vector<2048x128xf32> -> vector<2048x128xf32>
    %get3A_123 = arith.constant 0 : index
    %get3A_124 = arith.constant 0 : index
    %get3A_125 = vector.load %arg5[%get3A_123, %get3A_124] : memref<128x128xf32, #tpu.memory_space<vmem>>, vector<128x128xf32>
    %dot_general3A_126 = arith.constant dense<0.000000e+00> : vector<2048x128xf32>
    %dot_general3A_127 = tpu.matmul %select_n3A_113, %get3A_125, %dot_general3A_126 {dimension_numbers = #tpu.dot_dimension_numbers<[1], [0], [0], [1], [0, 0, 1, 1], [], []>, transpose_lhs_hint = false} : vector<2048x128xf32>, vector<128x128xf32>, vector<2048x128xf32> -> vector<2048x128xf32>
    %add3A_128 = arith.addf %dot_general3A_122, %dot_general3A_127 : vector<2048x128xf32>
    %get3A_129 = arith.constant 0 : index
    %get3A_130 = arith.constant 0 : index
    %get3A_131 = vector.load %arg6[%get3A_129, %get3A_130] : memref<1x128xf32, #tpu.memory_space<vmem>>, vector<1x128xf32>
    %add3A_132 = vector.broadcast %get3A_131 : vector<1x128xf32> to vector<2048x128xf32>
    %add3A_133 = arith.addf %add3A_128, %add3A_132 : vector<2048x128xf32>
    %concatenate3A = tpu.concatenate %add3A, %add3A_133 in 1 : vector<2048x128xf32>, vector<2048x128xf32> -> vector<2048x256xf32>
    %swap3A = arith.constant 0 : index
    %swap3A_134 = arith.constant 0 : index
    %swap3A_135 = arith.constant 0 : index
    %swap3A_136 = vector.load %arg7[%swap3A, %swap3A_134, %swap3A_135] : memref<1x2048x256xf32, #tpu.memory_space<vmem>>, vector<1x2048x256xf32>
    %swap3A_137 = vector.shape_cast %swap3A_136 : vector<1x2048x256xf32> to vector<2048x256xf32>
    %swap3A_138 = vector.shape_cast %concatenate3A : vector<2048x256xf32> to vector<1x2048x256xf32>
    tpu.vector_store %arg7[%swap3A, %swap3A_134, %swap3A_135], %swap3A_138 {strides = array<i32>} : memref<1x2048x256xf32, #tpu.memory_space<vmem>>, vector<1x2048x256xf32>,
    return
  }
  func.func @transform_0(%arg0: i32) -> (i32, i32, i32) {
    %c0_i32 = arith.constant 0 : i32
    %c0_i32_0 = arith.constant 0 : i32
    %c0_i32_1 = arith.constant 0 : i32
    return %arg0, %c0_i32, %c0_i32_0 : i32, i32, i32
  }
  func.func @transform_1(%arg0: i32) -> (i32, i32, i32) {
    %c0_i32 = arith.constant 0 : i32
    %c0_i32_0 = arith.constant 0 : i32
    %c0_i32_1 = arith.constant 0 : i32
    return %arg0, %c0_i32, %c0_i32_0 : i32, i32, i32
  }
  func.func @transform_2(%arg0: i32) -> (i32, i32) {
    %c0_i32 = arith.constant 0 : i32
    %c0_i32_0 = arith.constant 0 : i32
    %c0_i32_1 = arith.constant 0 : i32
    return %c0_i32, %c0_i32_0 : i32, i32
  }
  func.func @transform_3(%arg0: i32) -> (i32, i32) {
    %c0_i32 = arith.constant 0 : i32
    %c0_i32_0 = arith.constant 0 : i32
    %c0_i32_1 = arith.constant 0 : i32
    return %c0_i32, %c0_i32_0 : i32, i32
  }
  func.func @transform_4(%arg0: i32) -> (i32, i32) {
    %c0_i32 = arith.constant 0 : i32
    %c0_i32_0 = arith.constant 0 : i32
    %c0_i32_1 = arith.constant 0 : i32
    return %c0_i32, %c0_i32_0 : i32, i32
  }
  func.func @transform_5(%arg0: i32) -> (i32, i32) {
    %c0_i32 = arith.constant 0 : i32
    %c0_i32_0 = arith.constant 0 : i32
    %c0_i32_1 = arith.constant 0 : i32
    return %c0_i32, %c0_i32_0 : i32, i32
  }
  func.func @transform_6(%arg0: i32) -> (i32, i32, i32) {
    %c0_i32 = arith.constant 0 : i32
    %c0_i32_0 = arith.constant 0 : i32
    %c0_i32_1 = arith.constant 0 : i32
    return %arg0, %c0_i32, %c0_i32_0 : i32, i32, i32
  }
}

module attributes {stable_mosaic.version = 14 : i64} {
  func.func @_msg_body(%arg0: i32, %arg1: i32, %arg2: memref<1x2048x256xf32, #tpu.memory_space<vmem>>, %arg3: memref<1x2048x128xf32, #tpu.memory_space<vmem>>, %arg4: memref<1x1x2048xf32, #tpu.memory_space<vmem>>, %arg5: memref<128x128xf32, #tpu.memory_space<vmem>>, %arg6: memref<128x128xf32, #tpu.memory_space<vmem>>, %arg7: memref<1x2048x128xf32, #tpu.memory_space<vmem>>) attributes {dimension_semantics = [#tpu.dimension_semantics<arbitrary>, #tpu.dimension_semantics<arbitrary>], iteration_bounds = array<i64: 32, 8>, scalar_prefetch = 0 : i64, scratch_operands = 0 : i64, tpu.core_type = #tpu.core_type<tc>, window_params = [{transform_indices = @transform_0, window_bounds = array<i64: 1, 2048, 256>}, {transform_indices = @transform_1, window_bounds = array<i64: 1, 2048, 128>}, {transform_indices = @transform_2, window_bounds = array<i64: 1, 1, 2048>}, {pipeline_mode = #tpu.pipeline_mode<synchronous>, transform_indices = @transform_3, window_bounds = array<i64: 128, 128>}, {pipeline_mode = #tpu.pipeline_mode<synchronous>, transform_indices = @transform_4, window_bounds = array<i64: 128, 128>}, {transform_indices = @transform_5, window_bounds = array<i64: 1, 2048, 128>}]} {
    %get3A = arith.constant 0 : index
    %get3A_0 = arith.constant 0 : index
    %get3A_1 = arith.constant 0 : index
    %get3A_2 = vector.load %arg2[%get3A, %get3A_0, %get3A_1] : memref<1x2048x256xf32, #tpu.memory_space<vmem>>, vector<1x2048x128xf32>
    %get3A_3 = vector.shape_cast %get3A_2 : vector<1x2048x128xf32> to vector<2048x128xf32>
    %get3A_4 = arith.constant 0 : index
    %get3A_5 = arith.constant 0 : index
    %get3A_6 = arith.constant 128 : index
    %get3A_7 = vector.load %arg2[%get3A_4, %get3A_5, %get3A_6] : memref<1x2048x256xf32, #tpu.memory_space<vmem>>, vector<1x2048x128xf32>
    %get3A_8 = vector.shape_cast %get3A_7 : vector<1x2048x128xf32> to vector<2048x128xf32>
    %get3A_9 = arith.constant 0 : index
    %get3A_10 = arith.constant 0 : index
    %get3A_11 = vector.load %arg5[%get3A_9, %get3A_10] : memref<128x128xf32, #tpu.memory_space<vmem>>, vector<128x128xf32>
    %dot_general3A = arith.constant dense<0.000000e+00> : vector<2048x128xf32>
    %dot_general3A_12 = tpu.matmul %get3A_3, %get3A_11, %dot_general3A {dimension_numbers = #tpu.dot_dimension_numbers<[1], [0], [0], [1], [0, 0, 1, 1], [], []>, transpose_lhs_hint = false} : vector<2048x128xf32>, vector<128x128xf32>, vector<2048x128xf32> -> vector<2048x128xf32>
    %get3A_13 = arith.constant 0 : index
    %get3A_14 = arith.constant 0 : index
    %get3A_15 = arith.constant 0 : index
    %get3A_16 = vector.load %arg3[%get3A_13, %get3A_14, %get3A_15] : memref<1x2048x128xf32, #tpu.memory_space<vmem>>, vector<1x2048x128xf32>
    %get3A_17 = vector.shape_cast %get3A_16 : vector<1x2048x128xf32> to vector<2048x128xf32>
    %get3A_18 = arith.constant 0 : index
    %get3A_19 = arith.constant 0 : index
    %get3A_20 = vector.load %arg6[%get3A_18, %get3A_19] : memref<128x128xf32, #tpu.memory_space<vmem>>, vector<128x128xf32>
    %dot_general3A_21 = arith.constant dense<0.000000e+00> : vector<2048x128xf32>
    %dot_general3A_22 = tpu.matmul %get3A_17, %get3A_20, %dot_general3A_21 {dimension_numbers = #tpu.dot_dimension_numbers<[1], [0], [0], [1], [0, 0, 1, 1], [], []>, transpose_lhs_hint = false} : vector<2048x128xf32>, vector<128x128xf32>, vector<2048x128xf32> -> vector<2048x128xf32>
    %add3A = arith.addf %dot_general3A_12, %dot_general3A_22 : vector<2048x128xf32>
    %add3A_23 = arith.addf %add3A, %get3A_8 : vector<2048x128xf32>
    %max3A = arith.constant 0.000000e+00 : f32
    %max3A_24 = vector.broadcast %max3A : f32 to vector<2048x128xf32>
    %max3A_25 = arith.maximumf %add3A_23, %max3A_24 : vector<2048x128xf32>
    %get3A_26 = arith.constant 0 : index
    %get3A_27 = arith.constant 0 : index
    %get3A_28 = arith.constant 0 : index
    %get3A_29 = vector.load %arg4[%get3A_26, %get3A_27, %get3A_28] : memref<1x1x2048xf32, #tpu.memory_space<vmem>>, vector<1x1x2048xf32>
    %get3A_30 = vector.shape_cast %get3A_29 : vector<1x1x2048xf32> to vector<2048xf32>
    %broadcast_in_dim3A = vector.shape_cast %get3A_30 : vector<2048xf32> to vector<2048x1xf32>
    %mul3A = vector.broadcast %broadcast_in_dim3A : vector<2048x1xf32> to vector<2048x128xf32>
    %mul3A_31 = arith.mulf %max3A_25, %mul3A : vector<2048x128xf32>
    %swap3A = arith.constant 0 : index
    %swap3A_32 = arith.constant 0 : index
    %swap3A_33 = arith.constant 0 : index
    %swap3A_34 = vector.load %arg7[%swap3A, %swap3A_32, %swap3A_33] : memref<1x2048x128xf32, #tpu.memory_space<vmem>>, vector<1x2048x128xf32>
    %swap3A_35 = vector.shape_cast %swap3A_34 : vector<1x2048x128xf32> to vector<2048x128xf32>
    %swap3A_36 = vector.shape_cast %mul3A_31 : vector<2048x128xf32> to vector<1x2048x128xf32>
    tpu.vector_store %arg7[%swap3A, %swap3A_32, %swap3A_33], %swap3A_36 {strides = array<i32>} : memref<1x2048x128xf32, #tpu.memory_space<vmem>>, vector<1x2048x128xf32>,
    return
  }
  func.func @transform_0(%arg0: i32, %arg1: i32) -> (i32, i32, i32) {
    %c0_i32 = arith.constant 0 : i32
    %c0_i32_0 = arith.constant 0 : i32
    return %arg0, %arg1, %c0_i32 : i32, i32, i32
  }
  func.func @transform_1(%arg0: i32, %arg1: i32) -> (i32, i32, i32) {
    %c0_i32 = arith.constant 0 : i32
    %c0_i32_0 = arith.constant 0 : i32
    return %arg0, %arg1, %c0_i32 : i32, i32, i32
  }
  func.func @transform_2(%arg0: i32, %arg1: i32) -> (i32, i32, i32) {
    %c0_i32 = arith.constant 0 : i32
    %c0_i32_0 = arith.constant 0 : i32
    return %arg0, %c0_i32, %arg1 : i32, i32, i32
  }
  func.func @transform_3(%arg0: i32, %arg1: i32) -> (i32, i32) {
    %c0_i32 = arith.constant 0 : i32
    %c0_i32_0 = arith.constant 0 : i32
    %c0_i32_1 = arith.constant 0 : i32
    return %c0_i32, %c0_i32_0 : i32, i32
  }
  func.func @transform_4(%arg0: i32, %arg1: i32) -> (i32, i32) {
    %c0_i32 = arith.constant 0 : i32
    %c0_i32_0 = arith.constant 0 : i32
    %c0_i32_1 = arith.constant 0 : i32
    return %c0_i32, %c0_i32_0 : i32, i32
  }
  func.func @transform_5(%arg0: i32, %arg1: i32) -> (i32, i32, i32) {
    %c0_i32 = arith.constant 0 : i32
    %c0_i32_0 = arith.constant 0 : i32
    return %arg0, %arg1, %c0_i32 : i32, i32, i32
  }
}

module attributes {stable_mosaic.version = 14 : i64} {
  func.func @_updpre_body(%arg0: i32, %arg1: memref<1x2048x128xf32, #tpu.memory_space<vmem>>, %arg2: memref<1x2048x256xf32, #tpu.memory_space<vmem>>, %arg3: memref<1x1x2048xi32, #tpu.memory_space<vmem>>, %arg4: memref<16x128xf32, #tpu.memory_space<vmem>>, %arg5: memref<128x128xf32, #tpu.memory_space<vmem>>, %arg6: memref<1x128xf32, #tpu.memory_space<vmem>>, %arg7: memref<128x128xf32, #tpu.memory_space<vmem>>, %arg8: memref<128x128xf32, #tpu.memory_space<vmem>>, %arg9: memref<1x128xf32, #tpu.memory_space<vmem>>, %arg10: memref<1x2048x256xf32, #tpu.memory_space<vmem>>) attributes {dimension_semantics = [#tpu.dimension_semantics<arbitrary>], iteration_bounds = array<i64: 32>, scalar_prefetch = 0 : i64, scratch_operands = 0 : i64, tpu.core_type = #tpu.core_type<tc>, window_params = [{transform_indices = @transform_0, window_bounds = array<i64: 1, 2048, 128>}, {transform_indices = @transform_1, window_bounds = array<i64: 1, 2048, 256>}, {transform_indices = @transform_2, window_bounds = array<i64: 1, 1, 2048>}, {pipeline_mode = #tpu.pipeline_mode<synchronous>, transform_indices = @transform_3, window_bounds = array<i64: 16, 128>}, {pipeline_mode = #tpu.pipeline_mode<synchronous>, transform_indices = @transform_4, window_bounds = array<i64: 128, 128>}, {pipeline_mode = #tpu.pipeline_mode<synchronous>, transform_indices = @transform_5, window_bounds = array<i64: 1, 128>}, {pipeline_mode = #tpu.pipeline_mode<synchronous>, transform_indices = @transform_6, window_bounds = array<i64: 128, 128>}, {pipeline_mode = #tpu.pipeline_mode<synchronous>, transform_indices = @transform_7, window_bounds = array<i64: 128, 128>}, {pipeline_mode = #tpu.pipeline_mode<synchronous>, transform_indices = @transform_8, window_bounds = array<i64: 1, 128>}, {transform_indices = @transform_9, window_bounds = array<i64: 1, 2048, 256>}]} {
    %get3A = arith.constant 0 : index
    %get3A_0 = arith.constant 0 : index
    %get3A_1 = arith.constant 0 : index
    %get3A_2 = vector.load %arg2[%get3A, %get3A_0, %get3A_1] : memref<1x2048x256xf32, #tpu.memory_space<vmem>>, vector<1x2048x128xf32>
    %get3A_3 = vector.shape_cast %get3A_2 : vector<1x2048x128xf32> to vector<2048x128xf32>
    %get3A_4 = arith.constant 0 : index
    %get3A_5 = arith.constant 0 : index
    %get3A_6 = arith.constant 0 : index
    %get3A_7 = vector.load %arg1[%get3A_4, %get3A_5, %get3A_6] : memref<1x2048x128xf32, #tpu.memory_space<vmem>>, vector<1x2048x128xf32>
    %get3A_8 = vector.shape_cast %get3A_7 : vector<1x2048x128xf32> to vector<2048x128xf32>
    %get3A_9 = arith.constant 0 : index
    %get3A_10 = arith.constant 0 : index
    %get3A_11 = vector.load %arg5[%get3A_9, %get3A_10] : memref<128x128xf32, #tpu.memory_space<vmem>>, vector<128x128xf32>
    %dot_general3A = arith.constant dense<0.000000e+00> : vector<2048x128xf32>
    %dot_general3A_12 = tpu.matmul %get3A_8, %get3A_11, %dot_general3A {dimension_numbers = #tpu.dot_dimension_numbers<[1], [0], [0], [1], [0, 0, 1, 1], [], []>, transpose_lhs_hint = false} : vector<2048x128xf32>, vector<128x128xf32>, vector<2048x128xf32> -> vector<2048x128xf32>
    %get3A_13 = arith.constant 0 : index
    %get3A_14 = arith.constant 0 : index
    %get3A_15 = vector.load %arg6[%get3A_13, %get3A_14] : memref<1x128xf32, #tpu.memory_space<vmem>>, vector<1x128xf32>
    %add3A = vector.broadcast %get3A_15 : vector<1x128xf32> to vector<2048x128xf32>
    %add3A_16 = arith.addf %dot_general3A_12, %add3A : vector<2048x128xf32>
    %add3A_17 = arith.addf %add3A_16, %get3A_3 : vector<2048x128xf32>
    %get3A_18 = arith.constant 0 : index
    %get3A_19 = arith.constant 0 : index
    %get3A_20 = arith.constant 0 : index
    %get3A_21 = vector.load %arg3[%get3A_18, %get3A_19, %get3A_20] : memref<1x1x2048xi32, #tpu.memory_space<vmem>>, vector<1x1x2048xi32>
    %get3A_22 = vector.shape_cast %get3A_21 : vector<1x1x2048xi32> to vector<2048xi32>
    %broadcast_in_dim3A = arith.constant 0.000000e+00 : f32
    %broadcast_in_dim3A_23 = vector.broadcast %broadcast_in_dim3A : f32 to vector<2048x128xf32>
    %broadcast_in_dim3A_24 = vector.shape_cast %get3A_22 : vector<2048xi32> to vector<2048x1xi32>
    %eq3A = arith.constant 0 : i32
    %eq3A_25 = vector.broadcast %eq3A : i32 to vector<2048x1xi32>
    %eq3A_26 = arith.cmpi eq, %broadcast_in_dim3A_24, %eq3A_25 : vector<2048x1xi32>
    %broadcast_in_dim3A_27 = vector.shape_cast %eq3A_26 : vector<2048x1xi1> to vector<2048x1xi1>
    %broadcast_in_dim3A_28 = vector.broadcast %broadcast_in_dim3A_27 : vector<2048x1xi1> to vector<2048x128xi1>
    %get3A_29 = arith.constant 0 : index
    %get3A_30 = arith.constant 0 : index
    %get3A_31 = vector.load %arg4[%get3A_29, %get3A_30] : memref<16x128xf32, #tpu.memory_space<vmem>>, vector<1x128xf32>
    %broadcast_in_dim3A_32 = vector.shape_cast %get3A_31 : vector<1x128xf32> to vector<1x128xf32>
    %broadcast_in_dim3A_33 = vector.broadcast %broadcast_in_dim3A_32 : vector<1x128xf32> to vector<2048x128xf32>
    %select_n3A = arith.select %broadcast_in_dim3A_28, %broadcast_in_dim3A_33, %broadcast_in_dim3A_23 : vector<2048x128xi1>, vector<2048x128xf32>
    %eq3A_34 = arith.constant 1 : i32
    %eq3A_35 = vector.broadcast %eq3A_34 : i32 to vector<2048x1xi32>
    %eq3A_36 = arith.cmpi eq, %broadcast_in_dim3A_24, %eq3A_35 : vector<2048x1xi32>
    %broadcast_in_dim3A_37 = vector.shape_cast %eq3A_36 : vector<2048x1xi1> to vector<2048x1xi1>
    %broadcast_in_dim3A_38 = vector.broadcast %broadcast_in_dim3A_37 : vector<2048x1xi1> to vector<2048x128xi1>
    %get3A_39 = arith.constant 1 : index
    %get3A_40 = arith.constant 0 : index
    %get3A_41 = vector.load %arg4[%get3A_39, %get3A_40] : memref<16x128xf32, #tpu.memory_space<vmem>>, vector<1x128xf32>
    %broadcast_in_dim3A_42 = vector.shape_cast %get3A_41 : vector<1x128xf32> to vector<1x128xf32>
    %broadcast_in_dim3A_43 = vector.broadcast %broadcast_in_dim3A_42 : vector<1x128xf32> to vector<2048x128xf32>
    %select_n3A_44 = arith.select %broadcast_in_dim3A_38, %broadcast_in_dim3A_43, %select_n3A : vector<2048x128xi1>, vector<2048x128xf32>
    %eq3A_45 = arith.constant 2 : i32
    %eq3A_46 = vector.broadcast %eq3A_45 : i32 to vector<2048x1xi32>
    %eq3A_47 = arith.cmpi eq, %broadcast_in_dim3A_24, %eq3A_46 : vector<2048x1xi32>
    %broadcast_in_dim3A_48 = vector.shape_cast %eq3A_47 : vector<2048x1xi1> to vector<2048x1xi1>
    %broadcast_in_dim3A_49 = vector.broadcast %broadcast_in_dim3A_48 : vector<2048x1xi1> to vector<2048x128xi1>
    %get3A_50 = arith.constant 2 : index
    %get3A_51 = arith.constant 0 : index
    %get3A_52 = vector.load %arg4[%get3A_50, %get3A_51] : memref<16x128xf32, #tpu.memory_space<vmem>>, vector<1x128xf32>
    %broadcast_in_dim3A_53 = vector.shape_cast %get3A_52 : vector<1x128xf32> to vector<1x128xf32>
    %broadcast_in_dim3A_54 = vector.broadcast %broadcast_in_dim3A_53 : vector<1x128xf32> to vector<2048x128xf32>
    %select_n3A_55 = arith.select %broadcast_in_dim3A_49, %broadcast_in_dim3A_54, %select_n3A_44 : vector<2048x128xi1>, vector<2048x128xf32>
    %eq3A_56 = arith.constant 3 : i32
    %eq3A_57 = vector.broadcast %eq3A_56 : i32 to vector<2048x1xi32>
    %eq3A_58 = arith.cmpi eq, %broadcast_in_dim3A_24, %eq3A_57 : vector<2048x1xi32>
    %broadcast_in_dim3A_59 = vector.shape_cast %eq3A_58 : vector<2048x1xi1> to vector<2048x1xi1>
    %broadcast_in_dim3A_60 = vector.broadcast %broadcast_in_dim3A_59 : vector<2048x1xi1> to vector<2048x128xi1>
    %get3A_61 = arith.constant 3 : index
    %get3A_62 = arith.constant 0 : index
    %get3A_63 = vector.load %arg4[%get3A_61, %get3A_62] : memref<16x128xf32, #tpu.memory_space<vmem>>, vector<1x128xf32>
    %broadcast_in_dim3A_64 = vector.shape_cast %get3A_63 : vector<1x128xf32> to vector<1x128xf32>
    %broadcast_in_dim3A_65 = vector.broadcast %broadcast_in_dim3A_64 : vector<1x128xf32> to vector<2048x128xf32>
    %select_n3A_66 = arith.select %broadcast_in_dim3A_60, %broadcast_in_dim3A_65, %select_n3A_55 : vector<2048x128xi1>, vector<2048x128xf32>
    %eq3A_67 = arith.constant 4 : i32
    %eq3A_68 = vector.broadcast %eq3A_67 : i32 to vector<2048x1xi32>
    %eq3A_69 = arith.cmpi eq, %broadcast_in_dim3A_24, %eq3A_68 : vector<2048x1xi32>
    %broadcast_in_dim3A_70 = vector.shape_cast %eq3A_69 : vector<2048x1xi1> to vector<2048x1xi1>
    %broadcast_in_dim3A_71 = vector.broadcast %broadcast_in_dim3A_70 : vector<2048x1xi1> to vector<2048x128xi1>
    %get3A_72 = arith.constant 4 : index
    %get3A_73 = arith.constant 0 : index
    %get3A_74 = vector.load %arg4[%get3A_72, %get3A_73] : memref<16x128xf32, #tpu.memory_space<vmem>>, vector<1x128xf32>
    %broadcast_in_dim3A_75 = vector.shape_cast %get3A_74 : vector<1x128xf32> to vector<1x128xf32>
    %broadcast_in_dim3A_76 = vector.broadcast %broadcast_in_dim3A_75 : vector<1x128xf32> to vector<2048x128xf32>
    %select_n3A_77 = arith.select %broadcast_in_dim3A_71, %broadcast_in_dim3A_76, %select_n3A_66 : vector<2048x128xi1>, vector<2048x128xf32>
    %eq3A_78 = arith.constant 5 : i32
    %eq3A_79 = vector.broadcast %eq3A_78 : i32 to vector<2048x1xi32>
    %eq3A_80 = arith.cmpi eq, %broadcast_in_dim3A_24, %eq3A_79 : vector<2048x1xi32>
    %broadcast_in_dim3A_81 = vector.shape_cast %eq3A_80 : vector<2048x1xi1> to vector<2048x1xi1>
    %broadcast_in_dim3A_82 = vector.broadcast %broadcast_in_dim3A_81 : vector<2048x1xi1> to vector<2048x128xi1>
    %get3A_83 = arith.constant 5 : index
    %get3A_84 = arith.constant 0 : index
    %get3A_85 = vector.load %arg4[%get3A_83, %get3A_84] : memref<16x128xf32, #tpu.memory_space<vmem>>, vector<1x128xf32>
    %broadcast_in_dim3A_86 = vector.shape_cast %get3A_85 : vector<1x128xf32> to vector<1x128xf32>
    %broadcast_in_dim3A_87 = vector.broadcast %broadcast_in_dim3A_86 : vector<1x128xf32> to vector<2048x128xf32>
    %select_n3A_88 = arith.select %broadcast_in_dim3A_82, %broadcast_in_dim3A_87, %select_n3A_77 : vector<2048x128xi1>, vector<2048x128xf32>
    %eq3A_89 = arith.constant 6 : i32
    %eq3A_90 = vector.broadcast %eq3A_89 : i32 to vector<2048x1xi32>
    %eq3A_91 = arith.cmpi eq, %broadcast_in_dim3A_24, %eq3A_90 : vector<2048x1xi32>
    %broadcast_in_dim3A_92 = vector.shape_cast %eq3A_91 : vector<2048x1xi1> to vector<2048x1xi1>
    %broadcast_in_dim3A_93 = vector.broadcast %broadcast_in_dim3A_92 : vector<2048x1xi1> to vector<2048x128xi1>
    %get3A_94 = arith.constant 6 : index
    %get3A_95 = arith.constant 0 : index
    %get3A_96 = vector.load %arg4[%get3A_94, %get3A_95] : memref<16x128xf32, #tpu.memory_space<vmem>>, vector<1x128xf32>
    %broadcast_in_dim3A_97 = vector.shape_cast %get3A_96 : vector<1x128xf32> to vector<1x128xf32>
    %broadcast_in_dim3A_98 = vector.broadcast %broadcast_in_dim3A_97 : vector<1x128xf32> to vector<2048x128xf32>
    %select_n3A_99 = arith.select %broadcast_in_dim3A_93, %broadcast_in_dim3A_98, %select_n3A_88 : vector<2048x128xi1>, vector<2048x128xf32>
    %eq3A_100 = arith.constant 7 : i32
    %eq3A_101 = vector.broadcast %eq3A_100 : i32 to vector<2048x1xi32>
    %eq3A_102 = arith.cmpi eq, %broadcast_in_dim3A_24, %eq3A_101 : vector<2048x1xi32>
    %broadcast_in_dim3A_103 = vector.shape_cast %eq3A_102 : vector<2048x1xi1> to vector<2048x1xi1>
    %broadcast_in_dim3A_104 = vector.broadcast %broadcast_in_dim3A_103 : vector<2048x1xi1> to vector<2048x128xi1>
    %get3A_105 = arith.constant 7 : index
    %get3A_106 = arith.constant 0 : index
    %get3A_107 = vector.load %arg4[%get3A_105, %get3A_106] : memref<16x128xf32, #tpu.memory_space<vmem>>, vector<1x128xf32>
    %broadcast_in_dim3A_108 = vector.shape_cast %get3A_107 : vector<1x128xf32> to vector<1x128xf32>
    %broadcast_in_dim3A_109 = vector.broadcast %broadcast_in_dim3A_108 : vector<1x128xf32> to vector<2048x128xf32>
    %select_n3A_110 = arith.select %broadcast_in_dim3A_104, %broadcast_in_dim3A_109, %select_n3A_99 : vector<2048x128xi1>, vector<2048x128xf32>
    %eq3A_111 = arith.constant 8 : i32
    %eq3A_112 = vector.broadcast %eq3A_111 : i32 to vector<2048x1xi32>
    %eq3A_113 = arith.cmpi eq, %broadcast_in_dim3A_24, %eq3A_112 : vector<2048x1xi32>
    %broadcast_in_dim3A_114 = vector.shape_cast %eq3A_113 : vector<2048x1xi1> to vector<2048x1xi1>
    %broadcast_in_dim3A_115 = vector.broadcast %broadcast_in_dim3A_114 : vector<2048x1xi1> to vector<2048x128xi1>
    %get3A_116 = arith.constant 8 : index
    %get3A_117 = arith.constant 0 : index
    %get3A_118 = vector.load %arg4[%get3A_116, %get3A_117] : memref<16x128xf32, #tpu.memory_space<vmem>>, vector<1x128xf32>
    %broadcast_in_dim3A_119 = vector.shape_cast %get3A_118 : vector<1x128xf32> to vector<1x128xf32>
    %broadcast_in_dim3A_120 = vector.broadcast %broadcast_in_dim3A_119 : vector<1x128xf32> to vector<2048x128xf32>
    %select_n3A_121 = arith.select %broadcast_in_dim3A_115, %broadcast_in_dim3A_120, %select_n3A_110 : vector<2048x128xi1>, vector<2048x128xf32>
    %eq3A_122 = arith.constant 9 : i32
    %eq3A_123 = vector.broadcast %eq3A_122 : i32 to vector<2048x1xi32>
    %eq3A_124 = arith.cmpi eq, %broadcast_in_dim3A_24, %eq3A_123 : vector<2048x1xi32>
    %broadcast_in_dim3A_125 = vector.shape_cast %eq3A_124 : vector<2048x1xi1> to vector<2048x1xi1>
    %broadcast_in_dim3A_126 = vector.broadcast %broadcast_in_dim3A_125 : vector<2048x1xi1> to vector<2048x128xi1>
    %get3A_127 = arith.constant 9 : index
    %get3A_128 = arith.constant 0 : index
    %get3A_129 = vector.load %arg4[%get3A_127, %get3A_128] : memref<16x128xf32, #tpu.memory_space<vmem>>, vector<1x128xf32>
    %broadcast_in_dim3A_130 = vector.shape_cast %get3A_129 : vector<1x128xf32> to vector<1x128xf32>
    %broadcast_in_dim3A_131 = vector.broadcast %broadcast_in_dim3A_130 : vector<1x128xf32> to vector<2048x128xf32>
    %select_n3A_132 = arith.select %broadcast_in_dim3A_126, %broadcast_in_dim3A_131, %select_n3A_121 : vector<2048x128xi1>, vector<2048x128xf32>
    %get3A_133 = arith.constant 0 : index
    %get3A_134 = arith.constant 0 : index
    %get3A_135 = vector.load %arg7[%get3A_133, %get3A_134] : memref<128x128xf32, #tpu.memory_space<vmem>>, vector<128x128xf32>
    %dot_general3A_136 = arith.constant dense<0.000000e+00> : vector<2048x128xf32>
    %dot_general3A_137 = tpu.matmul %add3A_17, %get3A_135, %dot_general3A_136 {dimension_numbers = #tpu.dot_dimension_numbers<[1], [0], [0], [1], [0, 0, 1, 1], [], []>, transpose_lhs_hint = false} : vector<2048x128xf32>, vector<128x128xf32>, vector<2048x128xf32> -> vector<2048x128xf32>
    %get3A_138 = arith.constant 0 : index
    %get3A_139 = arith.constant 0 : index
    %get3A_140 = vector.load %arg8[%get3A_138, %get3A_139] : memref<128x128xf32, #tpu.memory_space<vmem>>, vector<128x128xf32>
    %dot_general3A_141 = arith.constant dense<0.000000e+00> : vector<2048x128xf32>
    %dot_general3A_142 = tpu.matmul %select_n3A_132, %get3A_140, %dot_general3A_141 {dimension_numbers = #tpu.dot_dimension_numbers<[1], [0], [0], [1], [0, 0, 1, 1], [], []>, transpose_lhs_hint = false} : vector<2048x128xf32>, vector<128x128xf32>, vector<2048x128xf32> -> vector<2048x128xf32>
    %add3A_143 = arith.addf %dot_general3A_137, %dot_general3A_142 : vector<2048x128xf32>
    %get3A_144 = arith.constant 0 : index
    %get3A_145 = arith.constant 0 : index
    %get3A_146 = vector.load %arg9[%get3A_144, %get3A_145] : memref<1x128xf32, #tpu.memory_space<vmem>>, vector<1x128xf32>
    %add3A_147 = vector.broadcast %get3A_146 : vector<1x128xf32> to vector<2048x128xf32>
    %add3A_148 = arith.addf %add3A_143, %add3A_147 : vector<2048x128xf32>
    %concatenate3A = tpu.concatenate %add3A_17, %add3A_148 in 1 : vector<2048x128xf32>, vector<2048x128xf32> -> vector<2048x256xf32>
    %swap3A = arith.constant 0 : index
    %swap3A_149 = arith.constant 0 : index
    %swap3A_150 = arith.constant 0 : index
    %swap3A_151 = vector.load %arg10[%swap3A, %swap3A_149, %swap3A_150] : memref<1x2048x256xf32, #tpu.memory_space<vmem>>, vector<1x2048x256xf32>
    %swap3A_152 = vector.shape_cast %swap3A_151 : vector<1x2048x256xf32> to vector<2048x256xf32>
    %swap3A_153 = vector.shape_cast %concatenate3A : vector<2048x256xf32> to vector<1x2048x256xf32>
    tpu.vector_store %arg10[%swap3A, %swap3A_149, %swap3A_150], %swap3A_153 {strides = array<i32>} : memref<1x2048x256xf32, #tpu.memory_space<vmem>>, vector<1x2048x256xf32>,
    return
  }
  func.func @transform_0(%arg0: i32) -> (i32, i32, i32) {
    %c0_i32 = arith.constant 0 : i32
    %c0_i32_0 = arith.constant 0 : i32
    %c0_i32_1 = arith.constant 0 : i32
    return %arg0, %c0_i32, %c0_i32_0 : i32, i32, i32
  }
  func.func @transform_1(%arg0: i32) -> (i32, i32, i32) {
    %c0_i32 = arith.constant 0 : i32
    %c0_i32_0 = arith.constant 0 : i32
    %c0_i32_1 = arith.constant 0 : i32
    return %arg0, %c0_i32, %c0_i32_0 : i32, i32, i32
  }
  func.func @transform_2(%arg0: i32) -> (i32, i32, i32) {
    %c0_i32 = arith.constant 0 : i32
    %c0_i32_0 = arith.constant 0 : i32
    %c0_i32_1 = arith.constant 0 : i32
    return %arg0, %c0_i32, %c0_i32_0 : i32, i32, i32
  }
  func.func @transform_3(%arg0: i32) -> (i32, i32) {
    %c0_i32 = arith.constant 0 : i32
    %c0_i32_0 = arith.constant 0 : i32
    %c0_i32_1 = arith.constant 0 : i32
    return %c0_i32, %c0_i32_0 : i32, i32
  }
  func.func @transform_4(%arg0: i32) -> (i32, i32) {
    %c0_i32 = arith.constant 0 : i32
    %c0_i32_0 = arith.constant 0 : i32
    %c0_i32_1 = arith.constant 0 : i32
    return %c0_i32, %c0_i32_0 : i32, i32
  }
  func.func @transform_5(%arg0: i32) -> (i32, i32) {
    %c0_i32 = arith.constant 0 : i32
    %c0_i32_0 = arith.constant 0 : i32
    %c0_i32_1 = arith.constant 0 : i32
    return %c0_i32, %c0_i32_0 : i32, i32
  }
  func.func @transform_6(%arg0: i32) -> (i32, i32) {
    %c0_i32 = arith.constant 0 : i32
    %c0_i32_0 = arith.constant 0 : i32
    %c0_i32_1 = arith.constant 0 : i32
    return %c0_i32, %c0_i32_0 : i32, i32
  }
  func.func @transform_7(%arg0: i32) -> (i32, i32) {
    %c0_i32 = arith.constant 0 : i32
    %c0_i32_0 = arith.constant 0 : i32
    %c0_i32_1 = arith.constant 0 : i32
    return %c0_i32, %c0_i32_0 : i32, i32
  }
  func.func @transform_8(%arg0: i32) -> (i32, i32) {
    %c0_i32 = arith.constant 0 : i32
    %c0_i32_0 = arith.constant 0 : i32
    %c0_i32_1 = arith.constant 0 : i32
    return %c0_i32, %c0_i32_0 : i32, i32
  }
  func.func @transform_9(%arg0: i32) -> (i32, i32, i32) {
    %c0_i32 = arith.constant 0 : i32
    %c0_i32_0 = arith.constant 0 : i32
    %c0_i32_1 = arith.constant 0 : i32
    return %arg0, %c0_i32, %c0_i32_0 : i32, i32, i32
  }
}

module attributes {stable_mosaic.version = 14 : i64} {
  func.func @_final_body(%arg0: i32, %arg1: memref<1x2048x128xf32, #tpu.memory_space<vmem>>, %arg2: memref<1x2048x256xf32, #tpu.memory_space<vmem>>, %arg3: memref<1x1x2048xf32, #tpu.memory_space<vmem>>, %arg4: memref<1x1x128xf32, #tpu.memory_space<vmem>>, %arg5: memref<256x1xf32, #tpu.memory_space<vmem>>, %arg6: memref<1x1xf32, #tpu.memory_space<vmem>>, %arg7: memref<128x128xf32, #tpu.memory_space<vmem>>, %arg8: memref<1x128xf32, #tpu.memory_space<vmem>>, %arg9: memref<1x20x128xf32, #tpu.memory_space<vmem>>, %arg10: memref<1x1x128xf32, #tpu.memory_space<vmem>>) attributes {dimension_semantics = [#tpu.dimension_semantics<arbitrary>], iteration_bounds = array<i64: 32>, scalar_prefetch = 0 : i64, scratch_operands = 0 : i64, tpu.core_type = #tpu.core_type<tc>, window_params = [{transform_indices = @transform_0, window_bounds = array<i64: 1, 2048, 128>}, {transform_indices = @transform_1, window_bounds = array<i64: 1, 2048, 256>}, {transform_indices = @transform_2, window_bounds = array<i64: 1, 1, 2048>}, {transform_indices = @transform_3, window_bounds = array<i64: 1, 1, 128>}, {pipeline_mode = #tpu.pipeline_mode<synchronous>, transform_indices = @transform_4, window_bounds = array<i64: 256, 1>}, {pipeline_mode = #tpu.pipeline_mode<synchronous>, transform_indices = @transform_5, window_bounds = array<i64: 1, 1>}, {pipeline_mode = #tpu.pipeline_mode<synchronous>, transform_indices = @transform_6, window_bounds = array<i64: 128, 128>}, {pipeline_mode = #tpu.pipeline_mode<synchronous>, transform_indices = @transform_7, window_bounds = array<i64: 1, 128>}, {transform_indices = @transform_8, window_bounds = array<i64: 1, 20, 128>}, {transform_indices = @transform_9, window_bounds = array<i64: 1, 1, 128>}]} {
    %get3A = arith.constant 0 : index
    %get3A_0 = arith.constant 0 : index
    %get3A_1 = arith.constant 0 : index
    %get3A_2 = vector.load %arg2[%get3A, %get3A_0, %get3A_1] : memref<1x2048x256xf32, #tpu.memory_space<vmem>>, vector<1x2048x128xf32>
    %get3A_3 = vector.shape_cast %get3A_2 : vector<1x2048x128xf32> to vector<2048x128xf32>
    %get3A_4 = arith.constant 0 : index
    %get3A_5 = arith.constant 0 : index
    %get3A_6 = arith.constant 0 : index
    %get3A_7 = vector.load %arg1[%get3A_4, %get3A_5, %get3A_6] : memref<1x2048x128xf32, #tpu.memory_space<vmem>>, vector<1x2048x128xf32>
    %get3A_8 = vector.shape_cast %get3A_7 : vector<1x2048x128xf32> to vector<2048x128xf32>
    %get3A_9 = arith.constant 0 : index
    %get3A_10 = arith.constant 0 : index
    %get3A_11 = vector.load %arg7[%get3A_9, %get3A_10] : memref<128x128xf32, #tpu.memory_space<vmem>>, vector<128x128xf32>
    %dot_general3A = arith.constant dense<0.000000e+00> : vector<2048x128xf32>
    %dot_general3A_12 = tpu.matmul %get3A_8, %get3A_11, %dot_general3A {dimension_numbers = #tpu.dot_dimension_numbers<[1], [0], [0], [1], [0, 0, 1, 1], [], []>, transpose_lhs_hint = false} : vector<2048x128xf32>, vector<128x128xf32>, vector<2048x128xf32> -> vector<2048x128xf32>
    %get3A_13 = arith.constant 0 : index
    %get3A_14 = arith.constant 0 : index
    %get3A_15 = vector.load %arg8[%get3A_13, %get3A_14] : memref<1x128xf32, #tpu.memory_space<vmem>>, vector<1x128xf32>
    %add3A = vector.broadcast %get3A_15 : vector<1x128xf32> to vector<2048x128xf32>
    %add3A_16 = arith.addf %dot_general3A_12, %add3A : vector<2048x128xf32>
    %add3A_17 = arith.addf %add3A_16, %get3A_3 : vector<2048x128xf32>
    %get3A_18 = arith.constant 0 : index
    %get3A_19 = arith.constant 0 : index
    %get3A_20 = arith.constant 0 : index
    %get3A_21 = vector.load %arg3[%get3A_18, %get3A_19, %get3A_20] : memref<1x1x2048xf32, #tpu.memory_space<vmem>>, vector<1x1x2048xf32>
    %get3A_22 = vector.shape_cast %get3A_21 : vector<1x1x2048xf32> to vector<2048xf32>
    %broadcast_in_dim3A = vector.shape_cast %get3A_22 : vector<2048xf32> to vector<2048x1xf32>
    %mul3A = vector.broadcast %broadcast_in_dim3A : vector<2048x1xf32> to vector<2048x128xf32>
    %mul3A_23 = arith.mulf %add3A_17, %mul3A : vector<2048x128xf32>
    %get3A_24 = arith.constant 0 : index
    %get3A_25 = arith.constant 0 : index
    %get3A_26 = arith.constant 0 : index
    %get3A_27 = vector.load %arg4[%get3A_24, %get3A_25, %get3A_26] : memref<1x1x128xf32, #tpu.memory_space<vmem>>, vector<1x1x128xf32>
    %get3A_28 = vector.shape_cast %get3A_27 : vector<1x1x128xf32> to vector<1x128xf32>
    %broadcast_in_dim3A_29 = vector.shape_cast %get3A_28 : vector<1x128xf32> to vector<1x128xf32>
    %broadcast_in_dim3A_30 = vector.broadcast %broadcast_in_dim3A_29 : vector<1x128xf32> to vector<2048x128xf32>
    %concatenate3A = tpu.concatenate %mul3A_23, %broadcast_in_dim3A_30 in 1 : vector<2048x128xf32>, vector<2048x128xf32> -> vector<2048x256xf32>
    %get3A_31 = arith.constant 0 : index
    %get3A_32 = arith.constant 0 : index
    %get3A_33 = vector.load %arg5[%get3A_31, %get3A_32] : memref<256x1xf32, #tpu.memory_space<vmem>>, vector<256x1xf32>
    %dot_general3A_34 = arith.constant dense<0.000000e+00> : vector<2048x1xf32>
    %dot_general3A_35 = tpu.matmul %concatenate3A, %get3A_33, %dot_general3A_34 {dimension_numbers = #tpu.dot_dimension_numbers<[1], [0], [0], [1], [0, 0, 1, 1], [], []>, transpose_lhs_hint = false} : vector<2048x256xf32>, vector<256x1xf32>, vector<2048x1xf32> -> vector<2048x1xf32>
    %squeeze3A = vector.shape_cast %dot_general3A_35 : vector<2048x1xf32> to vector<2048xf32>
    %get3A_36 = arith.constant 0 : index
    %get3A_37 = arith.constant 0 : index
    %get3A_38 = vector.load %arg6[%get3A_36, %get3A_37] : memref<1x1xf32, #tpu.memory_space<vmem>>, vector<1x1xf32>
    %get3A_39 = vector.extract %get3A_38[0, 0] : f32 from vector<1x1xf32>
    %add3A_40 = vector.broadcast %get3A_39 : f32 to vector<2048xf32>
    %add3A_41 = arith.addf %squeeze3A, %add3A_40 : vector<2048xf32>
    %ge3A = arith.constant 0.000000e+00 : f32
    %ge3A_42 = vector.broadcast %ge3A : f32 to vector<2048xf32>
    %ge3A_43 = arith.cmpf oge, %add3A_41, %ge3A_42 : vector<2048xf32>
    %mul3A_44 = arith.constant 0.00999999977 : f32
    %mul3A_45 = vector.broadcast %mul3A_44 : f32 to vector<2048xf32>
    %mul3A_46 = arith.mulf %mul3A_45, %add3A_41 : vector<2048xf32>
    %select_n3A = arith.select %ge3A_43, %add3A_41, %mul3A_46 : vector<2048xi1>, vector<2048xf32>
    %gt3A = arith.constant 0.000000e+00 : f32
    %gt3A_47 = vector.broadcast %gt3A : f32 to vector<2048xf32>
    %gt3A_48 = arith.cmpf ogt, %get3A_22, %gt3A_47 : vector<2048xf32>
    %jit3A = arith.constant -1.000000e+09 : f32
    %broadcast_in_dim3A_49 = vector.broadcast %jit3A : f32 to vector<2048xf32>
    %select_n3A_50 = arith.select %gt3A_48, %select_n3A, %broadcast_in_dim3A_49 : vector<2048xi1>, vector<2048xf32>
    %reduce_max3A = vector.shape_cast %select_n3A_50 : vector<2048xf32> to vector<1x2048xf32>
    %reduce_max3A_51 = arith.constant dense<0xFF800000> : vector<1xf32>
    %reduce_max3A_52 = vector.multi_reduction <maximumf>, %reduce_max3A, %reduce_max3A_51 [1] : vector<1x2048xf32> to vector<1xf32>
    %reduce_max3A_53 = vector.shape_cast %reduce_max3A_52 : vector<1xf32> to vector<1x1xf32>
    %reduce_max3A_54 = vector.extract %reduce_max3A_53[0, 0] : f32 from vector<1x1xf32>
    %sub3A = vector.broadcast %reduce_max3A_54 : f32 to vector<2048xf32>
    %sub3A_55 = arith.subf %select_n3A_50, %sub3A : vector<2048xf32>
    %exp3A = math.exp %sub3A_55 : vector<2048xf32>
    %reduce_sum3A = vector.shape_cast %exp3A : vector<2048xf32> to vector<1x2048xf32>
    %reduce_sum3A_56 = arith.constant dense<0.000000e+00> : vector<1xf32>
    %reduce_sum3A_57 = vector.multi_reduction <add>, %reduce_sum3A, %reduce_sum3A_56 [1] : vector<1x2048xf32> to vector<1xf32>
    %reduce_sum3A_58 = vector.shape_cast %reduce_sum3A_57 : vector<1xf32> to vector<1x1xf32>
    %reduce_sum3A_59 = vector.extract %reduce_sum3A_58[0, 0] : f32 from vector<1x1xf32>
    %div3A = vector.broadcast %reduce_sum3A_59 : f32 to vector<2048xf32>
    %div3A_60 = arith.divf %exp3A, %div3A : vector<2048xf32>
    %iota3A = tpu.iota {dimensions = array<i32: 1>} : vector<1x2048xi32>
    %iota3A_61 = vector.shape_cast %iota3A : vector<1x2048xi32> to vector<2048xi32>
    %reduce_max3A_62 = vector.shape_cast %div3A_60 : vector<2048xf32> to vector<1x2048xf32>
    %reduce_max3A_63 = arith.constant dense<0xFF800000> : vector<1xf32>
    %reduce_max3A_64 = vector.multi_reduction <maximumf>, %reduce_max3A_62, %reduce_max3A_63 [1] : vector<1x2048xf32> to vector<1xf32>
    %reduce_max3A_65 = vector.shape_cast %reduce_max3A_64 : vector<1xf32> to vector<1x1xf32>
    %reduce_max3A_66 = vector.extract %reduce_max3A_65[0, 0] : f32 from vector<1x1xf32>
    %eq3A = vector.broadcast %reduce_max3A_66 : f32 to vector<2048xf32>
    %eq3A_67 = arith.cmpf oeq, %div3A_60, %eq3A : vector<2048xf32>
    %jit3A_68 = arith.constant 2048 : i32
    %broadcast_in_dim3A_69 = vector.broadcast %jit3A_68 : i32 to vector<2048xi32>
    %select_n3A_70 = arith.select %eq3A_67, %iota3A_61, %broadcast_in_dim3A_69 : vector<2048xi1>, vector<2048xi32>
    %reduce_min3A = vector.shape_cast %select_n3A_70 : vector<2048xi32> to vector<1x2048xi32>
    %reduce_min3A_71 = arith.constant dense<2147483647> : vector<1xi32>
    %reduce_min3A_72 = vector.multi_reduction <minsi>, %reduce_min3A, %reduce_min3A_71 [1] : vector<1x2048xi32> to vector<1xi32>
    %reduce_min3A_73 = vector.shape_cast %reduce_min3A_72 : vector<1xi32> to vector<1x1xi32>
    %reduce_min3A_74 = vector.extract %reduce_min3A_73[0, 0] : i32 from vector<1x1xi32>
    %eq3A_75 = vector.broadcast %reduce_min3A_74 : i32 to vector<2048xi32>
    %eq3A_76 = arith.cmpi eq, %iota3A_61, %eq3A_75 : vector<2048xi32>
    %jit3A_77 = arith.constant 0.000000e+00 : f32
    %broadcast_in_dim3A_78 = vector.broadcast %reduce_max3A_66 : f32 to vector<2048xf32>
    %broadcast_in_dim3A_79 = vector.broadcast %jit3A_77 : f32 to vector<2048xf32>
    %select_n3A_80 = arith.select %eq3A_76, %broadcast_in_dim3A_78, %broadcast_in_dim3A_79 : vector<2048xi1>, vector<2048xf32>
    %eq3A_81 = vector.broadcast %reduce_min3A_74 : i32 to vector<2048xi32>
    %eq3A_82 = arith.cmpi eq, %iota3A_61, %eq3A_81 : vector<2048xi32>
    %jit3A_83 = arith.constant -1.000000e+00 : f32
    %broadcast_in_dim3A_84 = vector.broadcast %jit3A_83 : f32 to vector<2048xf32>
    %select_n3A_85 = arith.select %eq3A_82, %broadcast_in_dim3A_84, %div3A_60 : vector<2048xi1>, vector<2048xf32>
    %reduce_max3A_86 = vector.shape_cast %select_n3A_85 : vector<2048xf32> to vector<1x2048xf32>
    %reduce_max3A_87 = arith.constant dense<0xFF800000> : vector<1xf32>
    %reduce_max3A_88 = vector.multi_reduction <maximumf>, %reduce_max3A_86, %reduce_max3A_87 [1] : vector<1x2048xf32> to vector<1xf32>
    %reduce_max3A_89 = vector.shape_cast %reduce_max3A_88 : vector<1xf32> to vector<1x1xf32>
    %reduce_max3A_90 = vector.extract %reduce_max3A_89[0, 0] : f32 from vector<1x1xf32>
    %eq3A_91 = vector.broadcast %reduce_max3A_90 : f32 to vector<2048xf32>
    %eq3A_92 = arith.cmpf oeq, %select_n3A_85, %eq3A_91 : vector<2048xf32>
    %jit3A_93 = arith.constant 2048 : i32
    %broadcast_in_dim3A_94 = vector.broadcast %jit3A_93 : i32 to vector<2048xi32>
    %select_n3A_95 = arith.select %eq3A_92, %iota3A_61, %broadcast_in_dim3A_94 : vector<2048xi1>, vector<2048xi32>
    %reduce_min3A_96 = vector.shape_cast %select_n3A_95 : vector<2048xi32> to vector<1x2048xi32>
    %reduce_min3A_97 = arith.constant dense<2147483647> : vector<1xi32>
    %reduce_min3A_98 = vector.multi_reduction <minsi>, %reduce_min3A_96, %reduce_min3A_97 [1] : vector<1x2048xi32> to vector<1xi32>
    %reduce_min3A_99 = vector.shape_cast %reduce_min3A_98 : vector<1xi32> to vector<1x1xi32>
    %reduce_min3A_100 = vector.extract %reduce_min3A_99[0, 0] : i32 from vector<1x1xi32>
    %eq3A_101 = vector.broadcast %reduce_min3A_100 : i32 to vector<2048xi32>
    %eq3A_102 = arith.cmpi eq, %iota3A_61, %eq3A_101 : vector<2048xi32>
    %jit3A_103 = arith.constant 0.000000e+00 : f32
    %broadcast_in_dim3A_104 = vector.broadcast %reduce_max3A_90 : f32 to vector<2048xf32>
    %broadcast_in_dim3A_105 = vector.broadcast %jit3A_103 : f32 to vector<2048xf32>
    %select_n3A_106 = arith.select %eq3A_102, %broadcast_in_dim3A_104, %broadcast_in_dim3A_105 : vector<2048xi1>, vector<2048xf32>
    %eq3A_107 = vector.broadcast %reduce_min3A_100 : i32 to vector<2048xi32>
    %eq3A_108 = arith.cmpi eq, %iota3A_61, %eq3A_107 : vector<2048xi32>
    %jit3A_109 = arith.constant -1.000000e+00 : f32
    %broadcast_in_dim3A_110 = vector.broadcast %jit3A_109 : f32 to vector<2048xf32>
    %select_n3A_111 = arith.select %eq3A_108, %broadcast_in_dim3A_110, %select_n3A_85 : vector<2048xi1>, vector<2048xf32>
    %reduce_max3A_112 = vector.shape_cast %select_n3A_111 : vector<2048xf32> to vector<1x2048xf32>
    %reduce_max3A_113 = arith.constant dense<0xFF800000> : vector<1xf32>
    %reduce_max3A_114 = vector.multi_reduction <maximumf>, %reduce_max3A_112, %reduce_max3A_113 [1] : vector<1x2048xf32> to vector<1xf32>
    %reduce_max3A_115 = vector.shape_cast %reduce_max3A_114 : vector<1xf32> to vector<1x1xf32>
    %reduce_max3A_116 = vector.extract %reduce_max3A_115[0, 0] : f32 from vector<1x1xf32>
    %eq3A_117 = vector.broadcast %reduce_max3A_116 : f32 to vector<2048xf32>
    %eq3A_118 = arith.cmpf oeq, %select_n3A_111, %eq3A_117 : vector<2048xf32>
    %jit3A_119 = arith.constant 2048 : i32
    %broadcast_in_dim3A_120 = vector.broadcast %jit3A_119 : i32 to vector<2048xi32>
    %select_n3A_121 = arith.select %eq3A_118, %iota3A_61, %broadcast_in_dim3A_120 : vector<2048xi1>, vector<2048xi32>
    %reduce_min3A_122 = vector.shape_cast %select_n3A_121 : vector<2048xi32> to vector<1x2048xi32>
    %reduce_min3A_123 = arith.constant dense<2147483647> : vector<1xi32>
    %reduce_min3A_124 = vector.multi_reduction <minsi>, %reduce_min3A_122, %reduce_min3A_123 [1] : vector<1x2048xi32> to vector<1xi32>
    %reduce_min3A_125 = vector.shape_cast %reduce_min3A_124 : vector<1xi32> to vector<1x1xi32>
    %reduce_min3A_126 = vector.extract %reduce_min3A_125[0, 0] : i32 from vector<1x1xi32>
    %eq3A_127 = vector.broadcast %reduce_min3A_126 : i32 to vector<2048xi32>
    %eq3A_128 = arith.cmpi eq, %iota3A_61, %eq3A_127 : vector<2048xi32>
    %jit3A_129 = arith.constant 0.000000e+00 : f32
    %broadcast_in_dim3A_130 = vector.broadcast %reduce_max3A_116 : f32 to vector<2048xf32>
    %broadcast_in_dim3A_131 = vector.broadcast %jit3A_129 : f32 to vector<2048xf32>
    %select_n3A_132 = arith.select %eq3A_128, %broadcast_in_dim3A_130, %broadcast_in_dim3A_131 : vector<2048xi1>, vector<2048xf32>
    %eq3A_133 = vector.broadcast %reduce_min3A_126 : i32 to vector<2048xi32>
    %eq3A_134 = arith.cmpi eq, %iota3A_61, %eq3A_133 : vector<2048xi32>
    %jit3A_135 = arith.constant -1.000000e+00 : f32
    %broadcast_in_dim3A_136 = vector.broadcast %jit3A_135 : f32 to vector<2048xf32>
    %select_n3A_137 = arith.select %eq3A_134, %broadcast_in_dim3A_136, %select_n3A_111 : vector<2048xi1>, vector<2048xf32>
    %reduce_max3A_138 = vector.shape_cast %select_n3A_137 : vector<2048xf32> to vector<1x2048xf32>
    %reduce_max3A_139 = arith.constant dense<0xFF800000> : vector<1xf32>
    %reduce_max3A_140 = vector.multi_reduction <maximumf>, %reduce_max3A_138, %reduce_max3A_139 [1] : vector<1x2048xf32> to vector<1xf32>
    %reduce_max3A_141 = vector.shape_cast %reduce_max3A_140 : vector<1xf32> to vector<1x1xf32>
    %reduce_max3A_142 = vector.extract %reduce_max3A_141[0, 0] : f32 from vector<1x1xf32>
    %eq3A_143 = vector.broadcast %reduce_max3A_142 : f32 to vector<2048xf32>
    %eq3A_144 = arith.cmpf oeq, %select_n3A_137, %eq3A_143 : vector<2048xf32>
    %jit3A_145 = arith.constant 2048 : i32
    %broadcast_in_dim3A_146 = vector.broadcast %jit3A_145 : i32 to vector<2048xi32>
    %select_n3A_147 = arith.select %eq3A_144, %iota3A_61, %broadcast_in_dim3A_146 : vector<2048xi1>, vector<2048xi32>
    %reduce_min3A_148 = vector.shape_cast %select_n3A_147 : vector<2048xi32> to vector<1x2048xi32>
    %reduce_min3A_149 = arith.constant dense<2147483647> : vector<1xi32>
    %reduce_min3A_150 = vector.multi_reduction <minsi>, %reduce_min3A_148, %reduce_min3A_149 [1] : vector<1x2048xi32> to vector<1xi32>
    %reduce_min3A_151 = vector.shape_cast %reduce_min3A_150 : vector<1xi32> to vector<1x1xi32>
    %reduce_min3A_152 = vector.extract %reduce_min3A_151[0, 0] : i32 from vector<1x1xi32>
    %eq3A_153 = vector.broadcast %reduce_min3A_152 : i32 to vector<2048xi32>
    %eq3A_154 = arith.cmpi eq, %iota3A_61, %eq3A_153 : vector<2048xi32>
    %jit3A_155 = arith.constant 0.000000e+00 : f32
    %broadcast_in_dim3A_156 = vector.broadcast %reduce_max3A_142 : f32 to vector<2048xf32>
    %broadcast_in_dim3A_157 = vector.broadcast %jit3A_155 : f32 to vector<2048xf32>
    %select_n3A_158 = arith.select %eq3A_154, %broadcast_in_dim3A_156, %broadcast_in_dim3A_157 : vector<2048xi1>, vector<2048xf32>
    %eq3A_159 = vector.broadcast %reduce_min3A_152 : i32 to vector<2048xi32>
    %eq3A_160 = arith.cmpi eq, %iota3A_61, %eq3A_159 : vector<2048xi32>
    %jit3A_161 = arith.constant -1.000000e+00 : f32
    %broadcast_in_dim3A_162 = vector.broadcast %jit3A_161 : f32 to vector<2048xf32>
    %select_n3A_163 = arith.select %eq3A_160, %broadcast_in_dim3A_162, %select_n3A_137 : vector<2048xi1>, vector<2048xf32>
    %reduce_max3A_164 = vector.shape_cast %select_n3A_163 : vector<2048xf32> to vector<1x2048xf32>
    %reduce_max3A_165 = arith.constant dense<0xFF800000> : vector<1xf32>
    %reduce_max3A_166 = vector.multi_reduction <maximumf>, %reduce_max3A_164, %reduce_max3A_165 [1] : vector<1x2048xf32> to vector<1xf32>
    %reduce_max3A_167 = vector.shape_cast %reduce_max3A_166 : vector<1xf32> to vector<1x1xf32>
    %reduce_max3A_168 = vector.extract %reduce_max3A_167[0, 0] : f32 from vector<1x1xf32>
    %eq3A_169 = vector.broadcast %reduce_max3A_168 : f32 to vector<2048xf32>
    %eq3A_170 = arith.cmpf oeq, %select_n3A_163, %eq3A_169 : vector<2048xf32>
    %jit3A_171 = arith.constant 2048 : i32
    %broadcast_in_dim3A_172 = vector.broadcast %jit3A_171 : i32 to vector<2048xi32>
    %select_n3A_173 = arith.select %eq3A_170, %iota3A_61, %broadcast_in_dim3A_172 : vector<2048xi1>, vector<2048xi32>
    %reduce_min3A_174 = vector.shape_cast %select_n3A_173 : vector<2048xi32> to vector<1x2048xi32>
    %reduce_min3A_175 = arith.constant dense<2147483647> : vector<1xi32>
    %reduce_min3A_176 = vector.multi_reduction <minsi>, %reduce_min3A_174, %reduce_min3A_175 [1] : vector<1x2048xi32> to vector<1xi32>
    %reduce_min3A_177 = vector.shape_cast %reduce_min3A_176 : vector<1xi32> to vector<1x1xi32>
    %reduce_min3A_178 = vector.extract %reduce_min3A_177[0, 0] : i32 from vector<1x1xi32>
    %eq3A_179 = vector.broadcast %reduce_min3A_178 : i32 to vector<2048xi32>
    %eq3A_180 = arith.cmpi eq, %iota3A_61, %eq3A_179 : vector<2048xi32>
    %jit3A_181 = arith.constant 0.000000e+00 : f32
    %broadcast_in_dim3A_182 = vector.broadcast %reduce_max3A_168 : f32 to vector<2048xf32>
    %broadcast_in_dim3A_183 = vector.broadcast %jit3A_181 : f32 to vector<2048xf32>
    %select_n3A_184 = arith.select %eq3A_180, %broadcast_in_dim3A_182, %broadcast_in_dim3A_183 : vector<2048xi1>, vector<2048xf32>
    %eq3A_185 = vector.broadcast %reduce_min3A_178 : i32 to vector<2048xi32>
    %eq3A_186 = arith.cmpi eq, %iota3A_61, %eq3A_185 : vector<2048xi32>
    %jit3A_187 = arith.constant -1.000000e+00 : f32
    %broadcast_in_dim3A_188 = vector.broadcast %jit3A_187 : f32 to vector<2048xf32>
    %select_n3A_189 = arith.select %eq3A_186, %broadcast_in_dim3A_188, %select_n3A_163 : vector<2048xi1>, vector<2048xf32>
    %reduce_max3A_190 = vector.shape_cast %select_n3A_189 : vector<2048xf32> to vector<1x2048xf32>
    %reduce_max3A_191 = arith.constant dense<0xFF800000> : vector<1xf32>
    %reduce_max3A_192 = vector.multi_reduction <maximumf>, %reduce_max3A_190, %reduce_max3A_191 [1] : vector<1x2048xf32> to vector<1xf32>
    %reduce_max3A_193 = vector.shape_cast %reduce_max3A_192 : vector<1xf32> to vector<1x1xf32>
    %reduce_max3A_194 = vector.extract %reduce_max3A_193[0, 0] : f32 from vector<1x1xf32>
    %eq3A_195 = vector.broadcast %reduce_max3A_194 : f32 to vector<2048xf32>
    %eq3A_196 = arith.cmpf oeq, %select_n3A_189, %eq3A_195 : vector<2048xf32>
    %jit3A_197 = arith.constant 2048 : i32
    %broadcast_in_dim3A_198 = vector.broadcast %jit3A_197 : i32 to vector<2048xi32>
    %select_n3A_199 = arith.select %eq3A_196, %iota3A_61, %broadcast_in_dim3A_198 : vector<2048xi1>, vector<2048xi32>
    %reduce_min3A_200 = vector.shape_cast %select_n3A_199 : vector<2048xi32> to vector<1x2048xi32>
    %reduce_min3A_201 = arith.constant dense<2147483647> : vector<1xi32>
    %reduce_min3A_202 = vector.multi_reduction <minsi>, %reduce_min3A_200, %reduce_min3A_201 [1] : vector<1x2048xi32> to vector<1xi32>
    %reduce_min3A_203 = vector.shape_cast %reduce_min3A_202 : vector<1xi32> to vector<1x1xi32>
    %reduce_min3A_204 = vector.extract %reduce_min3A_203[0, 0] : i32 from vector<1x1xi32>
    %eq3A_205 = vector.broadcast %reduce_min3A_204 : i32 to vector<2048xi32>
    %eq3A_206 = arith.cmpi eq, %iota3A_61, %eq3A_205 : vector<2048xi32>
    %jit3A_207 = arith.constant 0.000000e+00 : f32
    %broadcast_in_dim3A_208 = vector.broadcast %reduce_max3A_194 : f32 to vector<2048xf32>
    %broadcast_in_dim3A_209 = vector.broadcast %jit3A_207 : f32 to vector<2048xf32>
    %select_n3A_210 = arith.select %eq3A_206, %broadcast_in_dim3A_208, %broadcast_in_dim3A_209 : vector<2048xi1>, vector<2048xf32>
    %eq3A_211 = vector.broadcast %reduce_min3A_204 : i32 to vector<2048xi32>
    %eq3A_212 = arith.cmpi eq, %iota3A_61, %eq3A_211 : vector<2048xi32>
    %jit3A_213 = arith.constant -1.000000e+00 : f32
    %broadcast_in_dim3A_214 = vector.broadcast %jit3A_213 : f32 to vector<2048xf32>
    %select_n3A_215 = arith.select %eq3A_212, %broadcast_in_dim3A_214, %select_n3A_189 : vector<2048xi1>, vector<2048xf32>
    %reduce_max3A_216 = vector.shape_cast %select_n3A_215 : vector<2048xf32> to vector<1x2048xf32>
    %reduce_max3A_217 = arith.constant dense<0xFF800000> : vector<1xf32>
    %reduce_max3A_218 = vector.multi_reduction <maximumf>, %reduce_max3A_216, %reduce_max3A_217 [1] : vector<1x2048xf32> to vector<1xf32>
    %reduce_max3A_219 = vector.shape_cast %reduce_max3A_218 : vector<1xf32> to vector<1x1xf32>
    %reduce_max3A_220 = vector.extract %reduce_max3A_219[0, 0] : f32 from vector<1x1xf32>
    %eq3A_221 = vector.broadcast %reduce_max3A_220 : f32 to vector<2048xf32>
    %eq3A_222 = arith.cmpf oeq, %select_n3A_215, %eq3A_221 : vector<2048xf32>
    %jit3A_223 = arith.constant 2048 : i32
    %broadcast_in_dim3A_224 = vector.broadcast %jit3A_223 : i32 to vector<2048xi32>
    %select_n3A_225 = arith.select %eq3A_222, %iota3A_61, %broadcast_in_dim3A_224 : vector<2048xi1>, vector<2048xi32>
    %reduce_min3A_226 = vector.shape_cast %select_n3A_225 : vector<2048xi32> to vector<1x2048xi32>
    %reduce_min3A_227 = arith.constant dense<2147483647> : vector<1xi32>
    %reduce_min3A_228 = vector.multi_reduction <minsi>, %reduce_min3A_226, %reduce_min3A_227 [1] : vector<1x2048xi32> to vector<1xi32>
    %reduce_min3A_229 = vector.shape_cast %reduce_min3A_228 : vector<1xi32> to vector<1x1xi32>
    %reduce_min3A_230 = vector.extract %reduce_min3A_229[0, 0] : i32 from vector<1x1xi32>
    %eq3A_231 = vector.broadcast %reduce_min3A_230 : i32 to vector<2048xi32>
    %eq3A_232 = arith.cmpi eq, %iota3A_61, %eq3A_231 : vector<2048xi32>
    %jit3A_233 = arith.constant 0.000000e+00 : f32
    %broadcast_in_dim3A_234 = vector.broadcast %reduce_max3A_220 : f32 to vector<2048xf32>
    %broadcast_in_dim3A_235 = vector.broadcast %jit3A_233 : f32 to vector<2048xf32>
    %select_n3A_236 = arith.select %eq3A_232, %broadcast_in_dim3A_234, %broadcast_in_dim3A_235 : vector<2048xi1>, vector<2048xf32>
    %eq3A_237 = vector.broadcast %reduce_min3A_230 : i32 to vector<2048xi32>
    %eq3A_238 = arith.cmpi eq, %iota3A_61, %eq3A_237 : vector<2048xi32>
    %jit3A_239 = arith.constant -1.000000e+00 : f32
    %broadcast_in_dim3A_240 = vector.broadcast %jit3A_239 : f32 to vector<2048xf32>
    %select_n3A_241 = arith.select %eq3A_238, %broadcast_in_dim3A_240, %select_n3A_215 : vector<2048xi1>, vector<2048xf32>
    %reduce_max3A_242 = vector.shape_cast %select_n3A_241 : vector<2048xf32> to vector<1x2048xf32>
    %reduce_max3A_243 = arith.constant dense<0xFF800000> : vector<1xf32>
    %reduce_max3A_244 = vector.multi_reduction <maximumf>, %reduce_max3A_242, %reduce_max3A_243 [1] : vector<1x2048xf32> to vector<1xf32>
    %reduce_max3A_245 = vector.shape_cast %reduce_max3A_244 : vector<1xf32> to vector<1x1xf32>
    %reduce_max3A_246 = vector.extract %reduce_max3A_245[0, 0] : f32 from vector<1x1xf32>
    %eq3A_247 = vector.broadcast %reduce_max3A_246 : f32 to vector<2048xf32>
    %eq3A_248 = arith.cmpf oeq, %select_n3A_241, %eq3A_247 : vector<2048xf32>
    %jit3A_249 = arith.constant 2048 : i32
    %broadcast_in_dim3A_250 = vector.broadcast %jit3A_249 : i32 to vector<2048xi32>
    %select_n3A_251 = arith.select %eq3A_248, %iota3A_61, %broadcast_in_dim3A_250 : vector<2048xi1>, vector<2048xi32>
    %reduce_min3A_252 = vector.shape_cast %select_n3A_251 : vector<2048xi32> to vector<1x2048xi32>
    %reduce_min3A_253 = arith.constant dense<2147483647> : vector<1xi32>
    %reduce_min3A_254 = vector.multi_reduction <minsi>, %reduce_min3A_252, %reduce_min3A_253 [1] : vector<1x2048xi32> to vector<1xi32>
    %reduce_min3A_255 = vector.shape_cast %reduce_min3A_254 : vector<1xi32> to vector<1x1xi32>
    %reduce_min3A_256 = vector.extract %reduce_min3A_255[0, 0] : i32 from vector<1x1xi32>
    %eq3A_257 = vector.broadcast %reduce_min3A_256 : i32 to vector<2048xi32>
    %eq3A_258 = arith.cmpi eq, %iota3A_61, %eq3A_257 : vector<2048xi32>
    %jit3A_259 = arith.constant 0.000000e+00 : f32
    %broadcast_in_dim3A_260 = vector.broadcast %reduce_max3A_246 : f32 to vector<2048xf32>
    %broadcast_in_dim3A_261 = vector.broadcast %jit3A_259 : f32 to vector<2048xf32>
    %select_n3A_262 = arith.select %eq3A_258, %broadcast_in_dim3A_260, %broadcast_in_dim3A_261 : vector<2048xi1>, vector<2048xf32>
    %eq3A_263 = vector.broadcast %reduce_min3A_256 : i32 to vector<2048xi32>
    %eq3A_264 = arith.cmpi eq, %iota3A_61, %eq3A_263 : vector<2048xi32>
    %jit3A_265 = arith.constant -1.000000e+00 : f32
    %broadcast_in_dim3A_266 = vector.broadcast %jit3A_265 : f32 to vector<2048xf32>
    %select_n3A_267 = arith.select %eq3A_264, %broadcast_in_dim3A_266, %select_n3A_241 : vector<2048xi1>, vector<2048xf32>
    %reduce_max3A_268 = vector.shape_cast %select_n3A_267 : vector<2048xf32> to vector<1x2048xf32>
    %reduce_max3A_269 = arith.constant dense<0xFF800000> : vector<1xf32>
    %reduce_max3A_270 = vector.multi_reduction <maximumf>, %reduce_max3A_268, %reduce_max3A_269 [1] : vector<1x2048xf32> to vector<1xf32>
    %reduce_max3A_271 = vector.shape_cast %reduce_max3A_270 : vector<1xf32> to vector<1x1xf32>
    %reduce_max3A_272 = vector.extract %reduce_max3A_271[0, 0] : f32 from vector<1x1xf32>
    %eq3A_273 = vector.broadcast %reduce_max3A_272 : f32 to vector<2048xf32>
    %eq3A_274 = arith.cmpf oeq, %select_n3A_267, %eq3A_273 : vector<2048xf32>
    %jit3A_275 = arith.constant 2048 : i32
    %broadcast_in_dim3A_276 = vector.broadcast %jit3A_275 : i32 to vector<2048xi32>
    %select_n3A_277 = arith.select %eq3A_274, %iota3A_61, %broadcast_in_dim3A_276 : vector<2048xi1>, vector<2048xi32>
    %reduce_min3A_278 = vector.shape_cast %select_n3A_277 : vector<2048xi32> to vector<1x2048xi32>
    %reduce_min3A_279 = arith.constant dense<2147483647> : vector<1xi32>
    %reduce_min3A_280 = vector.multi_reduction <minsi>, %reduce_min3A_278, %reduce_min3A_279 [1] : vector<1x2048xi32> to vector<1xi32>
    %reduce_min3A_281 = vector.shape_cast %reduce_min3A_280 : vector<1xi32> to vector<1x1xi32>
    %reduce_min3A_282 = vector.extract %reduce_min3A_281[0, 0] : i32 from vector<1x1xi32>
    %eq3A_283 = vector.broadcast %reduce_min3A_282 : i32 to vector<2048xi32>
    %eq3A_284 = arith.cmpi eq, %iota3A_61, %eq3A_283 : vector<2048xi32>
    %jit3A_285 = arith.constant 0.000000e+00 : f32
    %broadcast_in_dim3A_286 = vector.broadcast %reduce_max3A_272 : f32 to vector<2048xf32>
    %broadcast_in_dim3A_287 = vector.broadcast %jit3A_285 : f32 to vector<2048xf32>
    %select_n3A_288 = arith.select %eq3A_284, %broadcast_in_dim3A_286, %broadcast_in_dim3A_287 : vector<2048xi1>, vector<2048xf32>
    %eq3A_289 = vector.broadcast %reduce_min3A_282 : i32 to vector<2048xi32>
    %eq3A_290 = arith.cmpi eq, %iota3A_61, %eq3A_289 : vector<2048xi32>
    %jit3A_291 = arith.constant -1.000000e+00 : f32
    %broadcast_in_dim3A_292 = vector.broadcast %jit3A_291 : f32 to vector<2048xf32>
    %select_n3A_293 = arith.select %eq3A_290, %broadcast_in_dim3A_292, %select_n3A_267 : vector<2048xi1>, vector<2048xf32>
    %reduce_max3A_294 = vector.shape_cast %select_n3A_293 : vector<2048xf32> to vector<1x2048xf32>
    %reduce_max3A_295 = arith.constant dense<0xFF800000> : vector<1xf32>
    %reduce_max3A_296 = vector.multi_reduction <maximumf>, %reduce_max3A_294, %reduce_max3A_295 [1] : vector<1x2048xf32> to vector<1xf32>
    %reduce_max3A_297 = vector.shape_cast %reduce_max3A_296 : vector<1xf32> to vector<1x1xf32>
    %reduce_max3A_298 = vector.extract %reduce_max3A_297[0, 0] : f32 from vector<1x1xf32>
    %eq3A_299 = vector.broadcast %reduce_max3A_298 : f32 to vector<2048xf32>
    %eq3A_300 = arith.cmpf oeq, %select_n3A_293, %eq3A_299 : vector<2048xf32>
    %jit3A_301 = arith.constant 2048 : i32
    %broadcast_in_dim3A_302 = vector.broadcast %jit3A_301 : i32 to vector<2048xi32>
    %select_n3A_303 = arith.select %eq3A_300, %iota3A_61, %broadcast_in_dim3A_302 : vector<2048xi1>, vector<2048xi32>
    %reduce_min3A_304 = vector.shape_cast %select_n3A_303 : vector<2048xi32> to vector<1x2048xi32>
    %reduce_min3A_305 = arith.constant dense<2147483647> : vector<1xi32>
    %reduce_min3A_306 = vector.multi_reduction <minsi>, %reduce_min3A_304, %reduce_min3A_305 [1] : vector<1x2048xi32> to vector<1xi32>
    %reduce_min3A_307 = vector.shape_cast %reduce_min3A_306 : vector<1xi32> to vector<1x1xi32>
    %reduce_min3A_308 = vector.extract %reduce_min3A_307[0, 0] : i32 from vector<1x1xi32>
    %eq3A_309 = vector.broadcast %reduce_min3A_308 : i32 to vector<2048xi32>
    %eq3A_310 = arith.cmpi eq, %iota3A_61, %eq3A_309 : vector<2048xi32>
    %jit3A_311 = arith.constant 0.000000e+00 : f32
    %broadcast_in_dim3A_312 = vector.broadcast %reduce_max3A_298 : f32 to vector<2048xf32>
    %broadcast_in_dim3A_313 = vector.broadcast %jit3A_311 : f32 to vector<2048xf32>
    %select_n3A_314 = arith.select %eq3A_310, %broadcast_in_dim3A_312, %broadcast_in_dim3A_313 : vector<2048xi1>, vector<2048xf32>
    %eq3A_315 = vector.broadcast %reduce_min3A_308 : i32 to vector<2048xi32>
    %eq3A_316 = arith.cmpi eq, %iota3A_61, %eq3A_315 : vector<2048xi32>
    %jit3A_317 = arith.constant -1.000000e+00 : f32
    %broadcast_in_dim3A_318 = vector.broadcast %jit3A_317 : f32 to vector<2048xf32>
    %select_n3A_319 = arith.select %eq3A_316, %broadcast_in_dim3A_318, %select_n3A_293 : vector<2048xi1>, vector<2048xf32>
    %reduce_max3A_320 = vector.shape_cast %select_n3A_319 : vector<2048xf32> to vector<1x2048xf32>
    %reduce_max3A_321 = arith.constant dense<0xFF800000> : vector<1xf32>
    %reduce_max3A_322 = vector.multi_reduction <maximumf>, %reduce_max3A_320, %reduce_max3A_321 [1] : vector<1x2048xf32> to vector<1xf32>
    %reduce_max3A_323 = vector.shape_cast %reduce_max3A_322 : vector<1xf32> to vector<1x1xf32>
    %reduce_max3A_324 = vector.extract %reduce_max3A_323[0, 0] : f32 from vector<1x1xf32>
    %eq3A_325 = vector.broadcast %reduce_max3A_324 : f32 to vector<2048xf32>
    %eq3A_326 = arith.cmpf oeq, %select_n3A_319, %eq3A_325 : vector<2048xf32>
    %jit3A_327 = arith.constant 2048 : i32
    %broadcast_in_dim3A_328 = vector.broadcast %jit3A_327 : i32 to vector<2048xi32>
    %select_n3A_329 = arith.select %eq3A_326, %iota3A_61, %broadcast_in_dim3A_328 : vector<2048xi1>, vector<2048xi32>
    %reduce_min3A_330 = vector.shape_cast %select_n3A_329 : vector<2048xi32> to vector<1x2048xi32>
    %reduce_min3A_331 = arith.constant dense<2147483647> : vector<1xi32>
    %reduce_min3A_332 = vector.multi_reduction <minsi>, %reduce_min3A_330, %reduce_min3A_331 [1] : vector<1x2048xi32> to vector<1xi32>
    %reduce_min3A_333 = vector.shape_cast %reduce_min3A_332 : vector<1xi32> to vector<1x1xi32>
    %reduce_min3A_334 = vector.extract %reduce_min3A_333[0, 0] : i32 from vector<1x1xi32>
    %eq3A_335 = vector.broadcast %reduce_min3A_334 : i32 to vector<2048xi32>
    %eq3A_336 = arith.cmpi eq, %iota3A_61, %eq3A_335 : vector<2048xi32>
    %jit3A_337 = arith.constant 0.000000e+00 : f32
    %broadcast_in_dim3A_338 = vector.broadcast %reduce_max3A_324 : f32 to vector<2048xf32>
    %broadcast_in_dim3A_339 = vector.broadcast %jit3A_337 : f32 to vector<2048xf32>
    %select_n3A_340 = arith.select %eq3A_336, %broadcast_in_dim3A_338, %broadcast_in_dim3A_339 : vector<2048xi1>, vector<2048xf32>
    %eq3A_341 = vector.broadcast %reduce_min3A_334 : i32 to vector<2048xi32>
    %eq3A_342 = arith.cmpi eq, %iota3A_61, %eq3A_341 : vector<2048xi32>
    %jit3A_343 = arith.constant -1.000000e+00 : f32
    %broadcast_in_dim3A_344 = vector.broadcast %jit3A_343 : f32 to vector<2048xf32>
    %select_n3A_345 = arith.select %eq3A_342, %broadcast_in_dim3A_344, %select_n3A_319 : vector<2048xi1>, vector<2048xf32>
    %reduce_max3A_346 = vector.shape_cast %select_n3A_345 : vector<2048xf32> to vector<1x2048xf32>
    %reduce_max3A_347 = arith.constant dense<0xFF800000> : vector<1xf32>
    %reduce_max3A_348 = vector.multi_reduction <maximumf>, %reduce_max3A_346, %reduce_max3A_347 [1] : vector<1x2048xf32> to vector<1xf32>
    %reduce_max3A_349 = vector.shape_cast %reduce_max3A_348 : vector<1xf32> to vector<1x1xf32>
    %reduce_max3A_350 = vector.extract %reduce_max3A_349[0, 0] : f32 from vector<1x1xf32>
    %eq3A_351 = vector.broadcast %reduce_max3A_350 : f32 to vector<2048xf32>
    %eq3A_352 = arith.cmpf oeq, %select_n3A_345, %eq3A_351 : vector<2048xf32>
    %jit3A_353 = arith.constant 2048 : i32
    %broadcast_in_dim3A_354 = vector.broadcast %jit3A_353 : i32 to vector<2048xi32>
    %select_n3A_355 = arith.select %eq3A_352, %iota3A_61, %broadcast_in_dim3A_354 : vector<2048xi1>, vector<2048xi32>
    %reduce_min3A_356 = vector.shape_cast %select_n3A_355 : vector<2048xi32> to vector<1x2048xi32>
    %reduce_min3A_357 = arith.constant dense<2147483647> : vector<1xi32>
    %reduce_min3A_358 = vector.multi_reduction <minsi>, %reduce_min3A_356, %reduce_min3A_357 [1] : vector<1x2048xi32> to vector<1xi32>
    %reduce_min3A_359 = vector.shape_cast %reduce_min3A_358 : vector<1xi32> to vector<1x1xi32>
    %reduce_min3A_360 = vector.extract %reduce_min3A_359[0, 0] : i32 from vector<1x1xi32>
    %eq3A_361 = vector.broadcast %reduce_min3A_360 : i32 to vector<2048xi32>
    %eq3A_362 = arith.cmpi eq, %iota3A_61, %eq3A_361 : vector<2048xi32>
    %jit3A_363 = arith.constant 0.000000e+00 : f32
    %broadcast_in_dim3A_364 = vector.broadcast %reduce_max3A_350 : f32 to vector<2048xf32>
    %broadcast_in_dim3A_365 = vector.broadcast %jit3A_363 : f32 to vector<2048xf32>
    %select_n3A_366 = arith.select %eq3A_362, %broadcast_in_dim3A_364, %broadcast_in_dim3A_365 : vector<2048xi1>, vector<2048xf32>
    %eq3A_367 = vector.broadcast %reduce_min3A_360 : i32 to vector<2048xi32>
    %eq3A_368 = arith.cmpi eq, %iota3A_61, %eq3A_367 : vector<2048xi32>
    %jit3A_369 = arith.constant -1.000000e+00 : f32
    %broadcast_in_dim3A_370 = vector.broadcast %jit3A_369 : f32 to vector<2048xf32>
    %select_n3A_371 = arith.select %eq3A_368, %broadcast_in_dim3A_370, %select_n3A_345 : vector<2048xi1>, vector<2048xf32>
    %reduce_max3A_372 = vector.shape_cast %select_n3A_371 : vector<2048xf32> to vector<1x2048xf32>
    %reduce_max3A_373 = arith.constant dense<0xFF800000> : vector<1xf32>
    %reduce_max3A_374 = vector.multi_reduction <maximumf>, %reduce_max3A_372, %reduce_max3A_373 [1] : vector<1x2048xf32> to vector<1xf32>
    %reduce_max3A_375 = vector.shape_cast %reduce_max3A_374 : vector<1xf32> to vector<1x1xf32>
    %reduce_max3A_376 = vector.extract %reduce_max3A_375[0, 0] : f32 from vector<1x1xf32>
    %eq3A_377 = vector.broadcast %reduce_max3A_376 : f32 to vector<2048xf32>
    %eq3A_378 = arith.cmpf oeq, %select_n3A_371, %eq3A_377 : vector<2048xf32>
    %jit3A_379 = arith.constant 2048 : i32
    %broadcast_in_dim3A_380 = vector.broadcast %jit3A_379 : i32 to vector<2048xi32>
    %select_n3A_381 = arith.select %eq3A_378, %iota3A_61, %broadcast_in_dim3A_380 : vector<2048xi1>, vector<2048xi32>
    %reduce_min3A_382 = vector.shape_cast %select_n3A_381 : vector<2048xi32> to vector<1x2048xi32>
    %reduce_min3A_383 = arith.constant dense<2147483647> : vector<1xi32>
    %reduce_min3A_384 = vector.multi_reduction <minsi>, %reduce_min3A_382, %reduce_min3A_383 [1] : vector<1x2048xi32> to vector<1xi32>
    %reduce_min3A_385 = vector.shape_cast %reduce_min3A_384 : vector<1xi32> to vector<1x1xi32>
    %reduce_min3A_386 = vector.extract %reduce_min3A_385[0, 0] : i32 from vector<1x1xi32>
    %eq3A_387 = vector.broadcast %reduce_min3A_386 : i32 to vector<2048xi32>
    %eq3A_388 = arith.cmpi eq, %iota3A_61, %eq3A_387 : vector<2048xi32>
    %jit3A_389 = arith.constant 0.000000e+00 : f32
    %broadcast_in_dim3A_390 = vector.broadcast %reduce_max3A_376 : f32 to vector<2048xf32>
    %broadcast_in_dim3A_391 = vector.broadcast %jit3A_389 : f32 to vector<2048xf32>
    %select_n3A_392 = arith.select %eq3A_388, %broadcast_in_dim3A_390, %broadcast_in_dim3A_391 : vector<2048xi1>, vector<2048xf32>
    %eq3A_393 = vector.broadcast %reduce_min3A_386 : i32 to vector<2048xi32>
    %eq3A_394 = arith.cmpi eq, %iota3A_61, %eq3A_393 : vector<2048xi32>
    %jit3A_395 = arith.constant -1.000000e+00 : f32
    %broadcast_in_dim3A_396 = vector.broadcast %jit3A_395 : f32 to vector<2048xf32>
    %select_n3A_397 = arith.select %eq3A_394, %broadcast_in_dim3A_396, %select_n3A_371 : vector<2048xi1>, vector<2048xf32>
    %reduce_max3A_398 = vector.shape_cast %select_n3A_397 : vector<2048xf32> to vector<1x2048xf32>
    %reduce_max3A_399 = arith.constant dense<0xFF800000> : vector<1xf32>
    %reduce_max3A_400 = vector.multi_reduction <maximumf>, %reduce_max3A_398, %reduce_max3A_399 [1] : vector<1x2048xf32> to vector<1xf32>
    %reduce_max3A_401 = vector.shape_cast %reduce_max3A_400 : vector<1xf32> to vector<1x1xf32>
    %reduce_max3A_402 = vector.extract %reduce_max3A_401[0, 0] : f32 from vector<1x1xf32>
    %eq3A_403 = vector.broadcast %reduce_max3A_402 : f32 to vector<2048xf32>
    %eq3A_404 = arith.cmpf oeq, %select_n3A_397, %eq3A_403 : vector<2048xf32>
    %jit3A_405 = arith.constant 2048 : i32
    %broadcast_in_dim3A_406 = vector.broadcast %jit3A_405 : i32 to vector<2048xi32>
    %select_n3A_407 = arith.select %eq3A_404, %iota3A_61, %broadcast_in_dim3A_406 : vector<2048xi1>, vector<2048xi32>
    %reduce_min3A_408 = vector.shape_cast %select_n3A_407 : vector<2048xi32> to vector<1x2048xi32>
    %reduce_min3A_409 = arith.constant dense<2147483647> : vector<1xi32>
    %reduce_min3A_410 = vector.multi_reduction <minsi>, %reduce_min3A_408, %reduce_min3A_409 [1] : vector<1x2048xi32> to vector<1xi32>
    %reduce_min3A_411 = vector.shape_cast %reduce_min3A_410 : vector<1xi32> to vector<1x1xi32>
    %reduce_min3A_412 = vector.extract %reduce_min3A_411[0, 0] : i32 from vector<1x1xi32>
    %eq3A_413 = vector.broadcast %reduce_min3A_412 : i32 to vector<2048xi32>
    %eq3A_414 = arith.cmpi eq, %iota3A_61, %eq3A_413 : vector<2048xi32>
    %jit3A_415 = arith.constant 0.000000e+00 : f32
    %broadcast_in_dim3A_416 = vector.broadcast %reduce_max3A_402 : f32 to vector<2048xf32>
    %broadcast_in_dim3A_417 = vector.broadcast %jit3A_415 : f32 to vector<2048xf32>
    %select_n3A_418 = arith.select %eq3A_414, %broadcast_in_dim3A_416, %broadcast_in_dim3A_417 : vector<2048xi1>, vector<2048xf32>
    %eq3A_419 = vector.broadcast %reduce_min3A_412 : i32 to vector<2048xi32>
    %eq3A_420 = arith.cmpi eq, %iota3A_61, %eq3A_419 : vector<2048xi32>
    %jit3A_421 = arith.constant -1.000000e+00 : f32
    %broadcast_in_dim3A_422 = vector.broadcast %jit3A_421 : f32 to vector<2048xf32>
    %select_n3A_423 = arith.select %eq3A_420, %broadcast_in_dim3A_422, %select_n3A_397 : vector<2048xi1>, vector<2048xf32>
    %reduce_max3A_424 = vector.shape_cast %select_n3A_423 : vector<2048xf32> to vector<1x2048xf32>
    %reduce_max3A_425 = arith.constant dense<0xFF800000> : vector<1xf32>
    %reduce_max3A_426 = vector.multi_reduction <maximumf>, %reduce_max3A_424, %reduce_max3A_425 [1] : vector<1x2048xf32> to vector<1xf32>
    %reduce_max3A_427 = vector.shape_cast %reduce_max3A_426 : vector<1xf32> to vector<1x1xf32>
    %reduce_max3A_428 = vector.extract %reduce_max3A_427[0, 0] : f32 from vector<1x1xf32>
    %eq3A_429 = vector.broadcast %reduce_max3A_428 : f32 to vector<2048xf32>
    %eq3A_430 = arith.cmpf oeq, %select_n3A_423, %eq3A_429 : vector<2048xf32>
    %jit3A_431 = arith.constant 2048 : i32
    %broadcast_in_dim3A_432 = vector.broadcast %jit3A_431 : i32 to vector<2048xi32>
    %select_n3A_433 = arith.select %eq3A_430, %iota3A_61, %broadcast_in_dim3A_432 : vector<2048xi1>, vector<2048xi32>
    %reduce_min3A_434 = vector.shape_cast %select_n3A_433 : vector<2048xi32> to vector<1x2048xi32>
    %reduce_min3A_435 = arith.constant dense<2147483647> : vector<1xi32>
    %reduce_min3A_436 = vector.multi_reduction <minsi>, %reduce_min3A_434, %reduce_min3A_435 [1] : vector<1x2048xi32> to vector<1xi32>
    %reduce_min3A_437 = vector.shape_cast %reduce_min3A_436 : vector<1xi32> to vector<1x1xi32>
    %reduce_min3A_438 = vector.extract %reduce_min3A_437[0, 0] : i32 from vector<1x1xi32>
    %eq3A_439 = vector.broadcast %reduce_min3A_438 : i32 to vector<2048xi32>
    %eq3A_440 = arith.cmpi eq, %iota3A_61, %eq3A_439 : vector<2048xi32>
    %jit3A_441 = arith.constant 0.000000e+00 : f32
    %broadcast_in_dim3A_442 = vector.broadcast %reduce_max3A_428 : f32 to vector<2048xf32>
    %broadcast_in_dim3A_443 = vector.broadcast %jit3A_441 : f32 to vector<2048xf32>
    %select_n3A_444 = arith.select %eq3A_440, %broadcast_in_dim3A_442, %broadcast_in_dim3A_443 : vector<2048xi1>, vector<2048xf32>
    %eq3A_445 = vector.broadcast %reduce_min3A_438 : i32 to vector<2048xi32>
    %eq3A_446 = arith.cmpi eq, %iota3A_61, %eq3A_445 : vector<2048xi32>
    %jit3A_447 = arith.constant -1.000000e+00 : f32
    %broadcast_in_dim3A_448 = vector.broadcast %jit3A_447 : f32 to vector<2048xf32>
    %select_n3A_449 = arith.select %eq3A_446, %broadcast_in_dim3A_448, %select_n3A_423 : vector<2048xi1>, vector<2048xf32>
    %reduce_max3A_450 = vector.shape_cast %select_n3A_449 : vector<2048xf32> to vector<1x2048xf32>
    %reduce_max3A_451 = arith.constant dense<0xFF800000> : vector<1xf32>
    %reduce_max3A_452 = vector.multi_reduction <maximumf>, %reduce_max3A_450, %reduce_max3A_451 [1] : vector<1x2048xf32> to vector<1xf32>
    %reduce_max3A_453 = vector.shape_cast %reduce_max3A_452 : vector<1xf32> to vector<1x1xf32>
    %reduce_max3A_454 = vector.extract %reduce_max3A_453[0, 0] : f32 from vector<1x1xf32>
    %eq3A_455 = vector.broadcast %reduce_max3A_454 : f32 to vector<2048xf32>
    %eq3A_456 = arith.cmpf oeq, %select_n3A_449, %eq3A_455 : vector<2048xf32>
    %jit3A_457 = arith.constant 2048 : i32
    %broadcast_in_dim3A_458 = vector.broadcast %jit3A_457 : i32 to vector<2048xi32>
    %select_n3A_459 = arith.select %eq3A_456, %iota3A_61, %broadcast_in_dim3A_458 : vector<2048xi1>, vector<2048xi32>
    %reduce_min3A_460 = vector.shape_cast %select_n3A_459 : vector<2048xi32> to vector<1x2048xi32>
    %reduce_min3A_461 = arith.constant dense<2147483647> : vector<1xi32>
    %reduce_min3A_462 = vector.multi_reduction <minsi>, %reduce_min3A_460, %reduce_min3A_461 [1] : vector<1x2048xi32> to vector<1xi32>
    %reduce_min3A_463 = vector.shape_cast %reduce_min3A_462 : vector<1xi32> to vector<1x1xi32>
    %reduce_min3A_464 = vector.extract %reduce_min3A_463[0, 0] : i32 from vector<1x1xi32>
    %eq3A_465 = vector.broadcast %reduce_min3A_464 : i32 to vector<2048xi32>
    %eq3A_466 = arith.cmpi eq, %iota3A_61, %eq3A_465 : vector<2048xi32>
    %jit3A_467 = arith.constant 0.000000e+00 : f32
    %broadcast_in_dim3A_468 = vector.broadcast %reduce_max3A_454 : f32 to vector<2048xf32>
    %broadcast_in_dim3A_469 = vector.broadcast %jit3A_467 : f32 to vector<2048xf32>
    %select_n3A_470 = arith.select %eq3A_466, %broadcast_in_dim3A_468, %broadcast_in_dim3A_469 : vector<2048xi1>, vector<2048xf32>
    %eq3A_471 = vector.broadcast %reduce_min3A_464 : i32 to vector<2048xi32>
    %eq3A_472 = arith.cmpi eq, %iota3A_61, %eq3A_471 : vector<2048xi32>
    %jit3A_473 = arith.constant -1.000000e+00 : f32
    %broadcast_in_dim3A_474 = vector.broadcast %jit3A_473 : f32 to vector<2048xf32>
    %select_n3A_475 = arith.select %eq3A_472, %broadcast_in_dim3A_474, %select_n3A_449 : vector<2048xi1>, vector<2048xf32>
    %reduce_max3A_476 = vector.shape_cast %select_n3A_475 : vector<2048xf32> to vector<1x2048xf32>
    %reduce_max3A_477 = arith.constant dense<0xFF800000> : vector<1xf32>
    %reduce_max3A_478 = vector.multi_reduction <maximumf>, %reduce_max3A_476, %reduce_max3A_477 [1] : vector<1x2048xf32> to vector<1xf32>
    %reduce_max3A_479 = vector.shape_cast %reduce_max3A_478 : vector<1xf32> to vector<1x1xf32>
    %reduce_max3A_480 = vector.extract %reduce_max3A_479[0, 0] : f32 from vector<1x1xf32>
    %eq3A_481 = vector.broadcast %reduce_max3A_480 : f32 to vector<2048xf32>
    %eq3A_482 = arith.cmpf oeq, %select_n3A_475, %eq3A_481 : vector<2048xf32>
    %jit3A_483 = arith.constant 2048 : i32
    %broadcast_in_dim3A_484 = vector.broadcast %jit3A_483 : i32 to vector<2048xi32>
    %select_n3A_485 = arith.select %eq3A_482, %iota3A_61, %broadcast_in_dim3A_484 : vector<2048xi1>, vector<2048xi32>
    %reduce_min3A_486 = vector.shape_cast %select_n3A_485 : vector<2048xi32> to vector<1x2048xi32>
    %reduce_min3A_487 = arith.constant dense<2147483647> : vector<1xi32>
    %reduce_min3A_488 = vector.multi_reduction <minsi>, %reduce_min3A_486, %reduce_min3A_487 [1] : vector<1x2048xi32> to vector<1xi32>
    %reduce_min3A_489 = vector.shape_cast %reduce_min3A_488 : vector<1xi32> to vector<1x1xi32>
    %reduce_min3A_490 = vector.extract %reduce_min3A_489[0, 0] : i32 from vector<1x1xi32>
    %eq3A_491 = vector.broadcast %reduce_min3A_490 : i32 to vector<2048xi32>
    %eq3A_492 = arith.cmpi eq, %iota3A_61, %eq3A_491 : vector<2048xi32>
    %jit3A_493 = arith.constant 0.000000e+00 : f32
    %broadcast_in_dim3A_494 = vector.broadcast %reduce_max3A_480 : f32 to vector<2048xf32>
    %broadcast_in_dim3A_495 = vector.broadcast %jit3A_493 : f32 to vector<2048xf32>
    %select_n3A_496 = arith.select %eq3A_492, %broadcast_in_dim3A_494, %broadcast_in_dim3A_495 : vector<2048xi1>, vector<2048xf32>
    %eq3A_497 = vector.broadcast %reduce_min3A_490 : i32 to vector<2048xi32>
    %eq3A_498 = arith.cmpi eq, %iota3A_61, %eq3A_497 : vector<2048xi32>
    %jit3A_499 = arith.constant -1.000000e+00 : f32
    %broadcast_in_dim3A_500 = vector.broadcast %jit3A_499 : f32 to vector<2048xf32>
    %select_n3A_501 = arith.select %eq3A_498, %broadcast_in_dim3A_500, %select_n3A_475 : vector<2048xi1>, vector<2048xf32>
    %reduce_max3A_502 = vector.shape_cast %select_n3A_501 : vector<2048xf32> to vector<1x2048xf32>
    %reduce_max3A_503 = arith.constant dense<0xFF800000> : vector<1xf32>
    %reduce_max3A_504 = vector.multi_reduction <maximumf>, %reduce_max3A_502, %reduce_max3A_503 [1] : vector<1x2048xf32> to vector<1xf32>
    %reduce_max3A_505 = vector.shape_cast %reduce_max3A_504 : vector<1xf32> to vector<1x1xf32>
    %reduce_max3A_506 = vector.extract %reduce_max3A_505[0, 0] : f32 from vector<1x1xf32>
    %eq3A_507 = vector.broadcast %reduce_max3A_506 : f32 to vector<2048xf32>
    %eq3A_508 = arith.cmpf oeq, %select_n3A_501, %eq3A_507 : vector<2048xf32>
    %jit3A_509 = arith.constant 2048 : i32
    %broadcast_in_dim3A_510 = vector.broadcast %jit3A_509 : i32 to vector<2048xi32>
    %select_n3A_511 = arith.select %eq3A_508, %iota3A_61, %broadcast_in_dim3A_510 : vector<2048xi1>, vector<2048xi32>
    %reduce_min3A_512 = vector.shape_cast %select_n3A_511 : vector<2048xi32> to vector<1x2048xi32>
    %reduce_min3A_513 = arith.constant dense<2147483647> : vector<1xi32>
    %reduce_min3A_514 = vector.multi_reduction <minsi>, %reduce_min3A_512, %reduce_min3A_513 [1] : vector<1x2048xi32> to vector<1xi32>
    %reduce_min3A_515 = vector.shape_cast %reduce_min3A_514 : vector<1xi32> to vector<1x1xi32>
    %reduce_min3A_516 = vector.extract %reduce_min3A_515[0, 0] : i32 from vector<1x1xi32>
    %eq3A_517 = vector.broadcast %reduce_min3A_516 : i32 to vector<2048xi32>
    %eq3A_518 = arith.cmpi eq, %iota3A_61, %eq3A_517 : vector<2048xi32>
    %jit3A_519 = arith.constant 0.000000e+00 : f32
    %broadcast_in_dim3A_520 = vector.broadcast %reduce_max3A_506 : f32 to vector<2048xf32>
    %broadcast_in_dim3A_521 = vector.broadcast %jit3A_519 : f32 to vector<2048xf32>
    %select_n3A_522 = arith.select %eq3A_518, %broadcast_in_dim3A_520, %broadcast_in_dim3A_521 : vector<2048xi1>, vector<2048xf32>
    %eq3A_523 = vector.broadcast %reduce_min3A_516 : i32 to vector<2048xi32>
    %eq3A_524 = arith.cmpi eq, %iota3A_61, %eq3A_523 : vector<2048xi32>
    %jit3A_525 = arith.constant -1.000000e+00 : f32
    %broadcast_in_dim3A_526 = vector.broadcast %jit3A_525 : f32 to vector<2048xf32>
    %select_n3A_527 = arith.select %eq3A_524, %broadcast_in_dim3A_526, %select_n3A_501 : vector<2048xi1>, vector<2048xf32>
    %reduce_max3A_528 = vector.shape_cast %select_n3A_527 : vector<2048xf32> to vector<1x2048xf32>
    %reduce_max3A_529 = arith.constant dense<0xFF800000> : vector<1xf32>
    %reduce_max3A_530 = vector.multi_reduction <maximumf>, %reduce_max3A_528, %reduce_max3A_529 [1] : vector<1x2048xf32> to vector<1xf32>
    %reduce_max3A_531 = vector.shape_cast %reduce_max3A_530 : vector<1xf32> to vector<1x1xf32>
    %reduce_max3A_532 = vector.extract %reduce_max3A_531[0, 0] : f32 from vector<1x1xf32>
    %eq3A_533 = vector.broadcast %reduce_max3A_532 : f32 to vector<2048xf32>
    %eq3A_534 = arith.cmpf oeq, %select_n3A_527, %eq3A_533 : vector<2048xf32>
    %jit3A_535 = arith.constant 2048 : i32
    %broadcast_in_dim3A_536 = vector.broadcast %jit3A_535 : i32 to vector<2048xi32>
    %select_n3A_537 = arith.select %eq3A_534, %iota3A_61, %broadcast_in_dim3A_536 : vector<2048xi1>, vector<2048xi32>
    %reduce_min3A_538 = vector.shape_cast %select_n3A_537 : vector<2048xi32> to vector<1x2048xi32>
    %reduce_min3A_539 = arith.constant dense<2147483647> : vector<1xi32>
    %reduce_min3A_540 = vector.multi_reduction <minsi>, %reduce_min3A_538, %reduce_min3A_539 [1] : vector<1x2048xi32> to vector<1xi32>
    %reduce_min3A_541 = vector.shape_cast %reduce_min3A_540 : vector<1xi32> to vector<1x1xi32>
    %reduce_min3A_542 = vector.extract %reduce_min3A_541[0, 0] : i32 from vector<1x1xi32>
    %eq3A_543 = vector.broadcast %reduce_min3A_542 : i32 to vector<2048xi32>
    %eq3A_544 = arith.cmpi eq, %iota3A_61, %eq3A_543 : vector<2048xi32>
    %jit3A_545 = arith.constant 0.000000e+00 : f32
    %broadcast_in_dim3A_546 = vector.broadcast %reduce_max3A_532 : f32 to vector<2048xf32>
    %broadcast_in_dim3A_547 = vector.broadcast %jit3A_545 : f32 to vector<2048xf32>
    %select_n3A_548 = arith.select %eq3A_544, %broadcast_in_dim3A_546, %broadcast_in_dim3A_547 : vector<2048xi1>, vector<2048xf32>
    %eq3A_549 = vector.broadcast %reduce_min3A_542 : i32 to vector<2048xi32>
    %eq3A_550 = arith.cmpi eq, %iota3A_61, %eq3A_549 : vector<2048xi32>
    %jit3A_551 = arith.constant -1.000000e+00 : f32
    %broadcast_in_dim3A_552 = vector.broadcast %jit3A_551 : f32 to vector<2048xf32>
    %select_n3A_553 = arith.select %eq3A_550, %broadcast_in_dim3A_552, %select_n3A_527 : vector<2048xi1>, vector<2048xf32>
    %reduce_max3A_554 = vector.shape_cast %select_n3A_553 : vector<2048xf32> to vector<1x2048xf32>
    %reduce_max3A_555 = arith.constant dense<0xFF800000> : vector<1xf32>
    %reduce_max3A_556 = vector.multi_reduction <maximumf>, %reduce_max3A_554, %reduce_max3A_555 [1] : vector<1x2048xf32> to vector<1xf32>
    %reduce_max3A_557 = vector.shape_cast %reduce_max3A_556 : vector<1xf32> to vector<1x1xf32>
    %reduce_max3A_558 = vector.extract %reduce_max3A_557[0, 0] : f32 from vector<1x1xf32>
    %eq3A_559 = vector.broadcast %reduce_max3A_558 : f32 to vector<2048xf32>
    %eq3A_560 = arith.cmpf oeq, %select_n3A_553, %eq3A_559 : vector<2048xf32>
    %jit3A_561 = arith.constant 2048 : i32
    %broadcast_in_dim3A_562 = vector.broadcast %jit3A_561 : i32 to vector<2048xi32>
    %select_n3A_563 = arith.select %eq3A_560, %iota3A_61, %broadcast_in_dim3A_562 : vector<2048xi1>, vector<2048xi32>
    %reduce_min3A_564 = vector.shape_cast %select_n3A_563 : vector<2048xi32> to vector<1x2048xi32>
    %reduce_min3A_565 = arith.constant dense<2147483647> : vector<1xi32>
    %reduce_min3A_566 = vector.multi_reduction <minsi>, %reduce_min3A_564, %reduce_min3A_565 [1] : vector<1x2048xi32> to vector<1xi32>
    %reduce_min3A_567 = vector.shape_cast %reduce_min3A_566 : vector<1xi32> to vector<1x1xi32>
    %reduce_min3A_568 = vector.extract %reduce_min3A_567[0, 0] : i32 from vector<1x1xi32>
    %eq3A_569 = vector.broadcast %reduce_min3A_568 : i32 to vector<2048xi32>
    %eq3A_570 = arith.cmpi eq, %iota3A_61, %eq3A_569 : vector<2048xi32>
    %jit3A_571 = arith.constant 0.000000e+00 : f32
    %broadcast_in_dim3A_572 = vector.broadcast %reduce_max3A_558 : f32 to vector<2048xf32>
    %broadcast_in_dim3A_573 = vector.broadcast %jit3A_571 : f32 to vector<2048xf32>
    %select_n3A_574 = arith.select %eq3A_570, %broadcast_in_dim3A_572, %broadcast_in_dim3A_573 : vector<2048xi1>, vector<2048xf32>
    %stack3A = vector.shape_cast %select_n3A_80 : vector<2048xf32> to vector<1x2048xf32>
    %stack3A_575 = vector.shape_cast %select_n3A_106 : vector<2048xf32> to vector<1x2048xf32>
    %stack3A_576 = vector.shape_cast %select_n3A_132 : vector<2048xf32> to vector<1x2048xf32>
    %stack3A_577 = vector.shape_cast %select_n3A_158 : vector<2048xf32> to vector<1x2048xf32>
    %stack3A_578 = vector.shape_cast %select_n3A_184 : vector<2048xf32> to vector<1x2048xf32>
    %stack3A_579 = vector.shape_cast %select_n3A_210 : vector<2048xf32> to vector<1x2048xf32>
    %stack3A_580 = vector.shape_cast %select_n3A_236 : vector<2048xf32> to vector<1x2048xf32>
    %stack3A_581 = vector.shape_cast %select_n3A_262 : vector<2048xf32> to vector<1x2048xf32>
    %stack3A_582 = vector.shape_cast %select_n3A_288 : vector<2048xf32> to vector<1x2048xf32>
    %stack3A_583 = vector.shape_cast %select_n3A_314 : vector<2048xf32> to vector<1x2048xf32>
    %stack3A_584 = vector.shape_cast %select_n3A_340 : vector<2048xf32> to vector<1x2048xf32>
    %stack3A_585 = vector.shape_cast %select_n3A_366 : vector<2048xf32> to vector<1x2048xf32>
    %stack3A_586 = vector.shape_cast %select_n3A_392 : vector<2048xf32> to vector<1x2048xf32>
    %stack3A_587 = vector.shape_cast %select_n3A_418 : vector<2048xf32> to vector<1x2048xf32>
    %stack3A_588 = vector.shape_cast %select_n3A_444 : vector<2048xf32> to vector<1x2048xf32>
    %stack3A_589 = vector.shape_cast %select_n3A_470 : vector<2048xf32> to vector<1x2048xf32>
    %stack3A_590 = vector.shape_cast %select_n3A_496 : vector<2048xf32> to vector<1x2048xf32>
    %stack3A_591 = vector.shape_cast %select_n3A_522 : vector<2048xf32> to vector<1x2048xf32>
    %stack3A_592 = vector.shape_cast %select_n3A_548 : vector<2048xf32> to vector<1x2048xf32>
    %stack3A_593 = vector.shape_cast %select_n3A_574 : vector<2048xf32> to vector<1x2048xf32>
    %stack3A_594 = tpu.concatenate %stack3A, %stack3A_575, %stack3A_576, %stack3A_577, %stack3A_578, %stack3A_579, %stack3A_580, %stack3A_581, %stack3A_582, %stack3A_583, %stack3A_584, %stack3A_585, %stack3A_586, %stack3A_587, %stack3A_588, %stack3A_589, %stack3A_590, %stack3A_591, %stack3A_592, %stack3A_593 in 0 : vector<1x2048xf32>, vector<1x2048xf32>, vector<1x2048xf32>, vector<1x2048xf32>, vector<1x2048xf32>, vector<1x2048xf32>, vector<1x2048xf32>, vector<1x2048xf32>, vector<1x2048xf32>, vector<1x2048xf32>, vector<1x2048xf32>, vector<1x2048xf32>, vector<1x2048xf32>, vector<1x2048xf32>, vector<1x2048xf32>, vector<1x2048xf32>, vector<1x2048xf32>, vector<1x2048xf32>, vector<1x2048xf32>, vector<1x2048xf32> -> vector<20x2048xf32>
    %dot_general3A_595 = arith.constant dense<0.000000e+00> : vector<20x128xf32>
    %dot_general3A_596 = tpu.matmul %stack3A_594, %mul3A_23, %dot_general3A_595 {dimension_numbers = #tpu.dot_dimension_numbers<[1], [0], [0], [1], [0, 0, 1, 1], [], []>, transpose_lhs_hint = false} : vector<20x2048xf32>, vector<2048x128xf32>, vector<20x128xf32> -> vector<20x128xf32>
    %swap3A = arith.constant 0 : index
    %swap3A_597 = arith.constant 0 : index
    %swap3A_598 = arith.constant 0 : index
    %swap3A_599 = vector.load %arg9[%swap3A, %swap3A_597, %swap3A_598] : memref<1x20x128xf32, #tpu.memory_space<vmem>>, vector<1x20x128xf32>
    %swap3A_600 = vector.shape_cast %swap3A_599 : vector<1x20x128xf32> to vector<20x128xf32>
    %swap3A_601 = vector.shape_cast %dot_general3A_596 : vector<20x128xf32> to vector<1x20x128xf32>
    tpu.vector_store %arg9[%swap3A, %swap3A_597, %swap3A_598], %swap3A_601 {strides = array<i32>} : memref<1x20x128xf32, #tpu.memory_space<vmem>>, vector<1x20x128xf32>,
    %slice3A = vector.extract_strided_slice %mul3A_23 {offsets = [0, 0], sizes = [1, 128], strides = [1, 1]} : vector<2048x128xf32> to vector<1x128xf32>
    %swap3A_602 = arith.constant 0 : index
    %swap3A_603 = arith.constant 0 : index
    %swap3A_604 = arith.constant 0 : index
    %swap3A_605 = vector.load %arg10[%swap3A_602, %swap3A_603, %swap3A_604] : memref<1x1x128xf32, #tpu.memory_space<vmem>>, vector<1x1x128xf32>
    %swap3A_606 = vector.shape_cast %swap3A_605 : vector<1x1x128xf32> to vector<1x128xf32>
    %swap3A_607 = vector.shape_cast %slice3A : vector<1x128xf32> to vector<1x1x128xf32>
    tpu.vector_store %arg10[%swap3A_602, %swap3A_603, %swap3A_604], %swap3A_607 {strides = array<i32>} : memref<1x1x128xf32, #tpu.memory_space<vmem>>, vector<1x1x128xf32>,
    return
  }
  func.func @transform_0(%arg0: i32) -> (i32, i32, i32) {
    %c0_i32 = arith.constant 0 : i32
    %c0_i32_0 = arith.constant 0 : i32
    %c0_i32_1 = arith.constant 0 : i32
    return %arg0, %c0_i32, %c0_i32_0 : i32, i32, i32
  }
  func.func @transform_1(%arg0: i32) -> (i32, i32, i32) {
    %c0_i32 = arith.constant 0 : i32
    %c0_i32_0 = arith.constant 0 : i32
    %c0_i32_1 = arith.constant 0 : i32
    return %arg0, %c0_i32, %c0_i32_0 : i32, i32, i32
  }
  func.func @transform_2(%arg0: i32) -> (i32, i32, i32) {
    %c0_i32 = arith.constant 0 : i32
    %c0_i32_0 = arith.constant 0 : i32
    %c0_i32_1 = arith.constant 0 : i32
    return %arg0, %c0_i32, %c0_i32_0 : i32, i32, i32
  }
  func.func @transform_3(%arg0: i32) -> (i32, i32, i32) {
    %c0_i32 = arith.constant 0 : i32
    %c0_i32_0 = arith.constant 0 : i32
    %c0_i32_1 = arith.constant 0 : i32
    return %arg0, %c0_i32, %c0_i32_0 : i32, i32, i32
  }
  func.func @transform_4(%arg0: i32) -> (i32, i32) {
    %c0_i32 = arith.constant 0 : i32
    %c0_i32_0 = arith.constant 0 : i32
    %c0_i32_1 = arith.constant 0 : i32
    return %c0_i32, %c0_i32_0 : i32, i32
  }
  func.func @transform_5(%arg0: i32) -> (i32, i32) {
    %c0_i32 = arith.constant 0 : i32
    %c0_i32_0 = arith.constant 0 : i32
    %c0_i32_1 = arith.constant 0 : i32
    return %c0_i32, %c0_i32_0 : i32, i32
  }
  func.func @transform_6(%arg0: i32) -> (i32, i32) {
    %c0_i32 = arith.constant 0 : i32
    %c0_i32_0 = arith.constant 0 : i32
    %c0_i32_1 = arith.constant 0 : i32
    return %c0_i32, %c0_i32_0 : i32, i32
  }
  func.func @transform_7(%arg0: i32) -> (i32, i32) {
    %c0_i32 = arith.constant 0 : i32
    %c0_i32_0 = arith.constant 0 : i32
    %c0_i32_1 = arith.constant 0 : i32
    return %c0_i32, %c0_i32_0 : i32, i32
  }
  func.func @transform_8(%arg0: i32) -> (i32, i32, i32) {
    %c0_i32 = arith.constant 0 : i32
    %c0_i32_0 = arith.constant 0 : i32
    %c0_i32_1 = arith.constant 0 : i32
    return %arg0, %c0_i32, %c0_i32_0 : i32, i32, i32
  }
  func.func @transform_9(%arg0: i32) -> (i32, i32, i32) {
    %c0_i32 = arith.constant 0 : i32
    %c0_i32_0 = arith.constant 0 : i32
    %c0_i32_1 = arith.constant 0 : i32
    return %arg0, %c0_i32, %c0_i32_0 : i32, i32, i32
  }
}

</mosaic_0001>

<sc_bundles>
// kernel: kernel.16.cloned.1.call-start
scs
__scs_entry_jumppad:
0x0: {  	(pc) =	sbr.rel $0x88, $3  }
0x1: {  	(tag) =	ssettag $0x0;
	lr =	simm.s32 $0x1  }
0x2: {  	[smem:$0x3F8A] =	sst lr;
	_ =	strace $0xD0000000  }
0x3: {  	_ = 	snop  }
0x4: {  	_ = 	snop  }
0x5: {  	_ = 	snop  }
0x6: {  	_ = 	snop  }
0x7: {  	_ = 	snop  }
__scs_overlays_trampoline_lowered:
0x8: {  	[smem:$0x3F99] =	sst s0  }
0x9: {  	[smem:$0x3F9A] =	sst s1  }
0xa: {  	[smem:$0x3F9B] =	sst s2  }
0xb: {  	[smem:$0x3F9C] =	sst s3  }
0xc: {  	[smem:$0x3F9D] =	sst s4  }
0xd: {  	[smem:$0x3F9E] =	sst s5  }
0xe: {  	[smem:$0x3F9F] =	sst s6  }
0xf: {  	[smem:$0x3FA0] =	sst s7  }
0x10: {  	[smem:$0x3FA1] =	sst s8  }
0x11: {  	[smem:$0x3FA2] =	sst s9;
	s0 =	simm.s32 @!p0 $0x0  }
0x12: {  	s1 =	sld [smem:$0x3F88];
	s0 =	simm.s32 @p0 $0x1  }
0x13: {  	[smem:$0x3FA3] =	sst s0;
	s0 =	simm.s32 @!p1 $0x0  }
0x14: {  	s2 =	sld [smem:$0x3F87];
	s0 =	simm.s32 @p1 $0x1  }
0x15: {  	[smem:$0x3FA4] =	sst s0;
	s0 =	simm.s32 @!p2 $0x0  }
0x16: {  	s3 =	sld [smem:$0x3FDB];
	s0 =	simm.s32 @p2 $0x1  }
0x17: {  	s4 =	simm.s32 $0x1BF5;
	[smem:$0x3FA6] =	sst s0  }
0x18: {  	s0 =	sld [smem:$0x3F89];
	_ =	swait.ge [sflag:s4], $0x0  }
0x19: {  	s7 =	sld [smem:$0x3F8A]  }
0x1a: {  	s8 =	sadd.s32 $0xFFFFE003, lr  }
0x1b: {  	s9 =	sadd.s32 $0xFFFFFEF7, lr;
	s5 =	simm.s32 $0xFFFFFFFF;
	p2 =	slt.u32 s8, $0xFFFFF086  }
0x1c: {  	p1 =	slt.u32 s9, $0xF7A;
	s5 =	simm.s32 @!p2 $0x0  }
0x1d: {  	s5 =	simm.s32 @p1 $0x1;
	p0 =	seq.s32 s7, s2  }
0x1e: {  	s7 =	smul.u32 @!p0 $0xF7A, s2;
	p2 =	seq.s32 @!p0 s5, $0x0  }
0x1f: {  	s9 =	smul.u32 $0xF7A, s1;
	s8 =	simm.s32 @!p0 $0x1BF5;
	p2 =	por !p2, p0  }
0x20: {  	[sflag:s8] =	ssyncset.s32 @!p0 $0xFFFFF086;
	s6 =	sadd.s32 @!p0 s3, s7;
	s7 =	simm.s32 @!p0 $0x108  }
0x21: {  	s3 =	sadd.s32 s3, s9;
	s6 =	sadd.s32 @!p0 $0x88, s6;
	s7 =	simm.s32 @p2 $0x1082  }
0x22: {  	[simem:s7], [sflag:s8] =	dma.local @!p0 [hbm:s6], $0xF7A  }
0x23: {  	s9 =	sor.u32 $0xD0000000, s2;
	s6 =	simm.s32 $0x108;
	_ =	swait.ge @!p0 [sflag:s8], $0x0  }
0x24: {  	s3 =	sadd.s32 $0x88, s3;
	s6 =	simm.s32 @!p1 $0x1082;
	[sflag:s4] =	ssyncset.s32 $0xFFFFF086  }
0x25: {  	[simem:s6], [sflag:s4] =	dma.local [hbm:s3], $0xF7A  }
0x26: {  	[smem:$0x3F8A] =	sst s1;
	(tag) =	ssettag s2;
	_ =	strace s9  }
0x27: {  	s1 =	sld [smem:$0x3F9A]  }
0x28: {  	s2 =	sld [smem:$0x3F9B]  }
0x29: {  	s4 =	sld [smem:$0x3F9D]  }
0x2a: {  	p0 =	seq.s32 s5, $0x0;
	s5 =	sld [smem:$0x3F9E]  }
0x2b: {  	s6 =	sld [smem:$0x3F9F]  }
0x2c: {  	s7 =	sld [smem:$0x3FA0]  }
0x2d: {  	s3 =	simm.s32 $0x108;
	s8 =	sld [smem:$0x3FA1]  }
0x2e: {  	s3 =	simm.s32 @!p0 $0x1082;
	s9 =	sld [smem:$0x3FA2]  }
0x2f: {  	lr =	sadd.s32 s0, s3;
	s0 =	sld [smem:$0x3F99]  }
0x30: {  	s3 =	sld [smem:$0x3F9C]  }
0x31: {  	[smem:$0x3FA5] =	sst s10  }
0x32: {  	s10 =	sld [smem:$0x3FA3];
	_ =	sdelay $0x3  }
0x33: {  	p0 =	seq.s32 s10, $0x1;
	s10 =	sld [smem:$0x3FA5];
	_ =	sdelay $0x3  }
0x34: {  	[smem:$0x3FA5] =	sst s10  }
0x35: {  	s10 =	sld [smem:$0x3FA4];
	_ =	sdelay $0x3  }
0x36: {  	p1 =	seq.s32 s10, $0x1;
	s10 =	sld [smem:$0x3FA5];
	_ =	sdelay $0x3  }
0x37: {  	[smem:$0x3FA5] =	sst s10  }
0x38: {  	s10 =	sld [smem:$0x3FA6]  }
0x39: {  	_ = 	snop;
	(pc) =	sbr.ind lr, $3  }
0x3a: {  	_ = 	snop  }
0x3b: {  	_ = 	snop  }
0x3c: {  	p2 =	seq.s32 s10, $0x1;
	s10 =	sld [smem:$0x3FA5]  }
0x3d: {  	_ =	shalt  }
0x3e: {  	_ =	shalt  }
0x3f: {  	_ =	shalt  }
0x40: {  	_ =	shalt  }
0x41: {  	_ =	shalt  }
0x42: {  	_ =	shalt  }
0x43: {  	_ =	shalt  }
0x44: {  	_ =	shalt  }
0x45: {  	_ =	shalt  }
0x46: {  	_ =	shalt  }
0x47: {  	_ =	shalt  }
0x48: {  	_ =	shalt  }
0x49: {  	_ =	shalt  }
0x4a: {  	_ =	shalt  }
0x4b: {  	_ =	shalt  }
0x4c: {  	_ =	shalt  }
0x4d: {  	_ =	shalt  }
0x4e: {  	_ =	shalt  }
0x4f: {  	_ =	shalt  }
0x50: {  	_ =	shalt  }
0x51: {  	_ =	shalt  }
0x52: {  	_ =	shalt  }
0x53: {  	_ =	shalt  }
0x54: {  	_ =	shalt  }
0x55: {  	_ =	shalt  }
0x56: {  	_ =	shalt  }
0x57: {  	_ =	shalt  }
0x58: {  	_ =	shalt  }
0x59: {  	_ =	shalt  }
0x5a: {  	_ =	shalt  }
0x5b: {  	_ =	shalt  }
0x5c: {  	_ =	shalt  }
0x5d: {  	_ =	shalt  }
0x5e: {  	_ =	shalt  }
0x5f: {  	_ =	shalt  }
0x60: {  	_ =	shalt  }
0x61: {  	_ =	shalt  }
0x62: {  	_ =	shalt  }
0x63: {  	_ =	shalt  }
0x64: {  	_ =	shalt  }
0x65: {  	_ =	shalt  }
0x66: {  	_ =	shalt  }
0x67: {  	_ =	shalt  }
0x68: {  	_ =	shalt  }
0x69: {  	_ =	shalt  }
0x6a: {  	_ =	shalt  }
0x6b: {  	_ =	shalt  }
0x6c: {  	_ =	shalt  }
0x6d: {  	_ =	shalt  }
0x6e: {  	_ =	shalt  }
0x6f: {  	_ =	shalt  }
0x70: {  	_ =	shalt  }
0x71: {  	_ =	shalt  }
0x72: {  	_ =	shalt  }
0x73: {  	_ =	shalt  }
0x74: {  	_ =	shalt  }
0x75: {  	_ =	shalt  }
0x76: {  	_ =	shalt  }
0x77: {  	_ =	shalt  }
0x78: {  	_ =	shalt  }
0x79: {  	_ =	shalt  }
0x7a: {  	_ =	shalt  }
0x7b: {  	_ =	shalt  }
0x7c: {  	_ =	shalt  }
0x7d: {  	_ =	shalt  }
0x7e: {  	_ =	shalt  }
0x7f: {  	_ =	shalt  }
0x80: {  	_ =	shalt  }
0x81: {  	_ =	shalt  }
0x82: {  	_ =	shalt  }
0x83: {  	_ =	shalt  }
0x84: {  	_ =	shalt  }
0x85: {  	_ =	shalt  }
0x86: {  	_ =	shalt  }
0x87: {  	_ =	shalt  }
.Lfunc_end0:
.L_simem_size_0:
called_computation_lowered:
.L_overlay_start_0:
0x88: {  	s2 =	sld [smem:$0x3FD9]  }
0x89: {  	s3 =	sld [smem:$0x3FFE];
	_ =	sdelay $0x1  }
0x8a: {  	s1 =	srdreg.scid  }
0x8b: {  	s0 =	sand.u32 $0x1, s1  }
0x8c: {  	s17 =	sshll.u32 s0, $0xA;
	s2 =	sadd.s32 s3, s2  }
0x8d: {  	s2 =	sadd.s32 s2, s17  }
0x8e: {  	[smem:$0x3FB1] =	sst s2  }
0x8f: {  	_ = 	snop  }
0x90: {  	s2 =	sld [smem:$0x3FC7];
	(tm) =	ssettm $0x1  }
0x91: {  	s18 =	sld [smem:$0x3FFB];
	_ =	sdelay $0x3  }
0x92: {  	_ =	strace s18  }
0x93: {  	s3 =	sld [smem:$0x3FFC];
	_ =	sdelay $0x3  }
0x94: {  	_ =	strace s3  }
0x95: {  	s3 =	sld [smem:$0x3FFD];
	_ =	sdelay $0x3  }
0x96: {  	_ =	strace s3  }
0x97: {  	_ =	strace $0x8FFFFFFF  }
0x98: {  	s19 =	sld [smem:$0x3FDB];
	_ =	sdelay $0x1  }
0x99: {  	s4 =	simm.s32 $_scs_section_size  }
0x9a: {  	s5 =	simm.s32 $_size__tile_overlayer_lowered;
	s6 =	simm.s32 $_tile_overlayer_lowered  }
0x9b: {  	s22 =	simm.s32 $0x1BFF;
	s21 =	sshll.u32 s6, $0x1;
	s3 =	sadd.s32 s4, s19  }
0x9c: {  	s7 =	simm.s32 $0x0;
	s20 =	sshll.u32 s5, $0x1;
	s5 =	sadd.s32 s21, s3  }
0x9d: {  	[timem:s7], [sflag:s22] =	dma.local [hbm:s5], s20  }
0x9e: {  	_ =	swait.ge [sflag:s22], s20  }
0x9f: {  	s4 =	ssub.s32 $0x0, s20;
	[sflag:s22] =	ssyncset.done $0x0  }
0xa0: {  	[sflag:s22] =	ssyncadd.s32 s4;
	_ =	sdelay $0x1  }
0xa1: {  	s23 =	simm.s32 $0x1B8B  }
0xa2: {  	_ =	swait.ge [sflag:s23], $0x1  }
0xa3: {  	[sflag:s23] =	ssyncset.done $0x0  }
0xa4: {  	s25 =	simm.s32 $0x1B8E;
	s24 =	sld [smem:$0x3FFE];
	[sflag:s23] =	ssyncadd.s32 $0xFFFFFFFF  }
0xa5: {  	s26 =	simm.s32 $execute0_lowered;
	[smem:$0x3FD2] =	sst s25  }
0xa6: {  	s5 =	sshll.u32 s26, $0x1;
	_ =	strace $0x80000046;
	[dreg:$0x1] =	wrdreg $0xFFFFFFFF  }
0xa7: {  	s28 =	simm.s32 $_size_execute0_lowered;
	s3 =	sadd.s32 s3, s5;
	[dreg:$0x0] =	wrdreg $0x0  }
0xa8: {  	s5 =	sshll.u32 s28, $0x1;
	[dreg:$0x2] =	wrdreg s3  }
0xa9: {  	[dreg:$0x3] =	wrdreg s5  }
0xaa: {  	[dreg:$0x4] =	wrdreg $0xC0  }
0xab: {  	_ =	task [dreg:s7], $0x5FFFF  }
0xac: {  	[dreg:$0x1] =	wrdreg $0xFFFFFFFF  }
0xad: {  	[dreg:$0x0] =	wrdreg $0x60  }
0xae: {  	[dreg:$0x2] =	wrdreg s24  }
0xaf: {  	[dreg:$0x3] =	wrdreg s2  }
0xb0: {  	[dreg:$0x4] =	wrdreg $0x9  }
0xb1: {  	_ =	task.clear_ibuf [dreg:s7], $0x5FFFF;
	_ =	strace $0x90000046  }
0xb2: {  	s29 =	simm.s32 $0x9;
	_ =	strace $0x80000048  }
0xb3: {  	_ =	swait.ge [sflag:s29], $0x1  }
0xb4: {  	[sflag:s29] =	ssyncadd.s32 $0xFFFFFFFF  }
0xb5: {  	_ =	strace $0x90000048  }
0xb6: {  	_ =	sfence  }
0xb7: {  	s30 =	sld [smem:$0x0];
	_ =	sdelay $0x2  }
0xb8: {  	s31 =	sshll.u32 s1, $0xD;
	s1 =	sshrl.u32 s1, $0x2  }
0xb9: {  	s3 =	sand.u32 $0x4000, s31;
	s1 =	sadd.s32 s1, s30  }
0xba: {  	s0 =	sor.u32 s3, s0;
	s1 =	sshll.u32 s1, $0x11  }
0xbb: {  	s0 =	sor.u32 s1, s0  }
0xbc: {  	s0 =	sadd.s32 $0x8F2B, s0  }
0xbd: {  	[sflag:s0] =	ssyncadd.remote.s32 $0x1  }
0xbe: {  	_ =	sfence.sel $0xFFFF  }
0xbf: {  	[dreg:$0x0] =	wrdreg $0xFFFFFFFF;
	(pc) =	sbr.abs _section_cstart, $3  }
0xc0: {  	[dreg:$0x1] =	wrdreg $0xFFFFFFFF  }
0xc1: {  	_ =	task.clear_ibuf [dreg:s7], $0x2FFFF;
	_ =	strace $0x9FFFFFFF  }
0xc2: {  	(tm) =	ssettm $0x7FFFFFFF  }
0xc3: {  	_ =	shalt  }
tec
execute0_lowered:
.L_overlay_start_1:
0x0: {  	(tag) =	ssettag $0x1  }
0x1: {  	s0 =	rddreg [dreg:$0x0];
	s2 =	simm.s32 $0x0;
	s1 =	srdreg.scid  }
0x2: {  	s7 =	stileid.u32;
	s10 =	simm.s32 $0x3;
	s29 =	simm.s32 $0x8100  }
0x3: {  	s30 =	simm.s32 $0x8900;
	s31 =	simm.s32 $0x9100;
	s9 =	simm.s32 $0xA900  }
0x4: {  	s11 =	simm.s32 $0xC100;
	s12 =	simm.s32 $0xC900;
	s13 =	simm.s32 $0xD100  }
0x5: {  	s14 =	simm.s32 $0xD900;
	s15 =	simm.s32 $0xE100;
	s16 =	simm.s32 $0xE900  }
0x6: {  	s17 =	simm.s32 $0xF100;
	s18 =	simm.s32 $0xF900;
	s19 =	simm.s32 $0x1  }
0x7: {  	s20 =	simm.s32 $0x2;
	s21 =	simm.s32 $0x10100;
	s23 =	simm.s32 $0x0  }
0x8: {  	[smem:$0x7FF] =	sst s2;
	s1 =	sand.u32 $0x1, s1;
	s25 =	sshll.u32 s7, $0x1  }
0x9: {  	s4 =	sadd.s32 $0x137800, s0;
	s5 =	sadd.s32 $0xB800, s0;
	s6 =	sadd.s32 $0x27800, s0  }
0xa: {  	s7 =	sshll.u32 s7, $0xC;
	_ =	strace $0x80000047;
	s2 =	sor.u32 s1, s25  }
0xb: {  	s1 =	ssub.s32 $0x2, s1;
	s3 =	sshll.u32 s2, $0x13;
	s2 =	sshll.u32 s2, $0x4  }
0xc: {  	s26 =	sshrl.u32 s1, $0x1;
	s0 =	sadd.s32 s3, s0;
	s2 =	sor.u32 s2, s7  }
0xd: {  	v2 =	vlaneseq.u32;
	s1 =	ssub.s32 s1, s26;
	s3 =	simm.s32 $0xB900;
	s7 =	sand.u32 $0xC070, s2  }
0xe: {  	vm0 =	vmmov $0xffff;
	v1 =	vshrl.u32 v2, $0x3;
	s8 =	sadd.s32 $0x337800, s0;
	s28 =	smax.u32 s1, $0x1;
	s0 =	simm.s32 $0x9900  }
0xf: {  	v0 =	vand.u32 $0x7, v2;
	v2 =	vor.u32 $0x8, v2;
	v1 =	vmul.u32 $0x8, v1;
	s1 =	simm.s32 $0xA100;
	s2 =	simm.s32 $0xB100;
	[dreg:$0x3] =	wrdreg s28  }
.LBB2_1:
0x10: {  	[dreg:$0x4] =	wrdreg s23;
	s22 =	simm.s32 $0x0  }
.LBB2_2:
0x11: {  	s23 =	sshll.u32 s22, $0x7  }
0x12: {  	s24 =	sadd.s32 s7, s23  }
0x13: {  	s23 =	simm.s32 $0x0;
	s25 =	sadd.s32 s6, s24  }
0x14: {  	[tilespmem:s23], [sflag:$0x3] =	stream.linear.gather [hbm4b:s25+s23], $0x80, $0x38;
	[tilespmem:$0x18100] =	vst v63  }
0x15: {  	_ =	swait.ge [sflag:s10], $0x80  }
0x16: {  	[sflag:s10] =	ssyncset.done $0x0  }
0x17: {  	[sflag:s10] =	ssyncadd.s32 $0xFFFFFF80  }
0x18: {  	s26 =	rddreg [dreg:$0x1]  }
0x19: {  	s28 =	simm.s32 $0x80;
	s24 =	sadd.s32 s26, s24  }
0x1a: {  	[tilespmem:s28], [sflag:$0x3] =	stream.linear.gather [hbm4b:s24+s23], $0x80, $0x38;
	[tilespmem:$0x18100] =	vst v63  }
0x1b: {  	_ =	swait.ge [sflag:s10], $0x80  }
0x1c: {  	[sflag:s10] =	ssyncset.done $0x0  }
0x1d: {  	[sflag:s10] =	ssyncadd.s32 $0xFFFFFF80  }
0x1e: {  	v3 =	vld [tilespmem:$0x0];
	_ =	sdelay $0x4  }
0x1f: {  	v4 =	vshll.u32 v3, $0x1  }
0x20: {  	v3 =	vand.u32 $0x7, v3;
	v4 =	vand.u32 $0xFFFFFFF0, v4  }
0x21: {  	v3 =	vor.u32 v3, v4  }
0x22: {  	v4 =	vperm.xlane v3, v0;
	_ =	sdelay $0x1  }
0x23: {  	v3 =	vperm.xlane v3, v2;
	v4 =	vadd.s32 v1, v4;
	_ =	sdelay $0x1  }
0x24: {  	v3 =	vadd.s32 v1, v3;
	_ =	sdelay $0x1  }
0x25: {  	s25 =	simm.s32 $0x100  }
0x26: {  	[tilespmem:s25], [sflag:$0x1] =	stream.indirect_vreg.gather [hbm4b:s4+s23], $0x80, v4, vm0, $0xb8;
	[tilespmem:$0x18100] =	vst v63  }
0x27: {  	s26 =	simm.s32 $0x900  }
0x28: {  	[tilespmem:s26], [sflag:$0x1] =	stream.indirect_vreg.gather [hbm4b:s4+s23], $0x80, v3, vm0, $0xb8;
	[tilespmem:$0x18100] =	vst v63  }
0x29: {  	v3 =	vld [tilespmem:$0x10];
	_ =	sdelay $0x4  }
0x2a: {  	v4 =	vshll.u32 v3, $0x1  }
0x2b: {  	v3 =	vand.u32 $0x7, v3;
	v4 =	vand.u32 $0xFFFFFFF0, v4  }
0x2c: {  	v3 =	vor.u32 v3, v4  }
0x2d: {  	v4 =	vperm.xlane v3, v0;
	_ =	sdelay $0x1  }
0x2e: {  	v3 =	vperm.xlane v3, v2;
	v4 =	vadd.s32 v1, v4;
	_ =	sdelay $0x1  }
0x2f: {  	v3 =	vadd.s32 v1, v3;
	_ =	sdelay $0x1  }
0x30: {  	s28 =	simm.s32 $0x1100  }
0x31: {  	[tilespmem:s28], [sflag:$0x1] =	stream.indirect_vreg.gather [hbm4b:s4+s23], $0x80, v4, vm0, $0xb8;
	[tilespmem:$0x18100] =	vst v63  }
0x32: {  	s25 =	simm.s32 $0x1900  }
0x33: {  	[tilespmem:s25], [sflag:$0x1] =	stream.indirect_vreg.gather [hbm4b:s4+s23], $0x80, v3, vm0, $0xb8;
	[tilespmem:$0x18100] =	vst v63  }
0x34: {  	v3 =	vld [tilespmem:$0x20];
	_ =	sdelay $0x4  }
0x35: {  	v4 =	vshll.u32 v3, $0x1  }
0x36: {  	v3 =	vand.u32 $0x7, v3;
	v4 =	vand.u32 $0xFFFFFFF0, v4  }
0x37: {  	v3 =	vor.u32 v3, v4  }
0x38: {  	v4 =	vperm.xlane v3, v0;
	_ =	sdelay $0x1  }
0x39: {  	v3 =	vperm.xlane v3, v2;
	v4 =	vadd.s32 v1, v4;
	_ =	sdelay $0x1  }
0x3a: {  	v3 =	vadd.s32 v1, v3;
	_ =	sdelay $0x1  }
0x3b: {  	s26 =	simm.s32 $0x2100  }
0x3c: {  	[tilespmem:s26], [sflag:$0x1] =	stream.indirect_vreg.gather [hbm4b:s4+s23], $0x80, v4, vm0, $0xb8;
	[tilespmem:$0x18100] =	vst v63  }
0x3d: {  	s28 =	simm.s32 $0x2900  }
0x3e: {  	[tilespmem:s28], [sflag:$0x1] =	stream.indirect_vreg.gather [hbm4b:s4+s23], $0x80, v3, vm0, $0xb8;
	[tilespmem:$0x18100] =	vst v63  }
0x3f: {  	v3 =	vld [tilespmem:$0x30];
	_ =	sdelay $0x4  }
0x40: {  	v4 =	vshll.u32 v3, $0x1  }
0x41: {  	v3 =	vand.u32 $0x7, v3;
	v4 =	vand.u32 $0xFFFFFFF0, v4  }
0x42: {  	v3 =	vor.u32 v3, v4  }
0x43: {  	v4 =	vperm.xlane v3, v0;
	_ =	sdelay $0x1  }
0x44: {  	v3 =	vperm.xlane v3, v2;
	v4 =	vadd.s32 v1, v4;
	_ =	sdelay $0x1  }
0x45: {  	v3 =	vadd.s32 v1, v3;
	_ =	sdelay $0x1  }
0x46: {  	s25 =	simm.s32 $0x3100  }
0x47: {  	[tilespmem:s25], [sflag:$0x1] =	stream.indirect_vreg.gather [hbm4b:s4+s23], $0x80, v4, vm0, $0xb8;
	[tilespmem:$0x18100] =	vst v63  }
0x48: {  	s26 =	simm.s32 $0x3900  }
0x49: {  	[tilespmem:s26], [sflag:$0x1] =	stream.indirect_vreg.gather [hbm4b:s4+s23], $0x80, v3, vm0, $0xb8;
	[tilespmem:$0x18100] =	vst v63  }
0x4a: {  	v3 =	vld [tilespmem:$0x40];
	_ =	sdelay $0x4  }
0x4b: {  	v4 =	vshll.u32 v3, $0x1  }
0x4c: {  	v3 =	vand.u32 $0x7, v3;
	v4 =	vand.u32 $0xFFFFFFF0, v4  }
0x4d: {  	v3 =	vor.u32 v3, v4  }
0x4e: {  	v4 =	vperm.xlane v3, v0;
	_ =	sdelay $0x1  }
0x4f: {  	v3 =	vperm.xlane v3, v2;
	v4 =	vadd.s32 v1, v4;
	_ =	sdelay $0x1  }
0x50: {  	v3 =	vadd.s32 v1, v3;
	_ =	sdelay $0x1  }
0x51: {  	s28 =	simm.s32 $0x4100  }
0x52: {  	[tilespmem:s28], [sflag:$0x1] =	stream.indirect_vreg.gather [hbm4b:s4+s23], $0x80, v4, vm0, $0xb8;
	[tilespmem:$0x18100] =	vst v63  }
0x53: {  	s25 =	simm.s32 $0x4900  }
0x54: {  	[tilespmem:s25], [sflag:$0x1] =	stream.indirect_vreg.gather [hbm4b:s4+s23], $0x80, v3, vm0, $0xb8;
	[tilespmem:$0x18100] =	vst v63  }
0x55: {  	v3 =	vld [tilespmem:$0x50];
	_ =	sdelay $0x4  }
0x56: {  	v4 =	vshll.u32 v3, $0x1  }
0x57: {  	v3 =	vand.u32 $0x7, v3;
	v4 =	vand.u32 $0xFFFFFFF0, v4  }
0x58: {  	v3 =	vor.u32 v3, v4  }
0x59: {  	v4 =	vperm.xlane v3, v0;
	_ =	sdelay $0x1  }
0x5a: {  	v3 =	vperm.xlane v3, v2;
	v4 =	vadd.s32 v1, v4;
	_ =	sdelay $0x1  }
0x5b: {  	v3 =	vadd.s32 v1, v3;
	_ =	sdelay $0x1  }
0x5c: {  	s26 =	simm.s32 $0x5100  }
0x5d: {  	[tilespmem:s26], [sflag:$0x1] =	stream.indirect_vreg.gather [hbm4b:s4+s23], $0x80, v4, vm0, $0xb8;
	[tilespmem:$0x18100] =	vst v63  }
0x5e: {  	s28 =	simm.s32 $0x5900  }
0x5f: {  	[tilespmem:s28], [sflag:$0x1] =	stream.indirect_vreg.gather [hbm4b:s4+s23], $0x80, v3, vm0, $0xb8;
	[tilespmem:$0x18100] =	vst v63  }
0x60: {  	v3 =	vld [tilespmem:$0x60];
	_ =	sdelay $0x4  }
0x61: {  	v4 =	vshll.u32 v3, $0x1  }
0x62: {  	v3 =	vand.u32 $0x7, v3;
	v4 =	vand.u32 $0xFFFFFFF0, v4  }
0x63: {  	v3 =	vor.u32 v3, v4  }
0x64: {  	v4 =	vperm.xlane v3, v0;
	_ =	sdelay $0x1  }
0x65: {  	v3 =	vperm.xlane v3, v2;
	v4 =	vadd.s32 v1, v4;
	_ =	sdelay $0x1  }
0x66: {  	v3 =	vadd.s32 v1, v3;
	_ =	sdelay $0x1  }
0x67: {  	s25 =	simm.s32 $0x6100  }
0x68: {  	[tilespmem:s25], [sflag:$0x1] =	stream.indirect_vreg.gather [hbm4b:s4+s23], $0x80, v4, vm0, $0xb8;
	[tilespmem:$0x18100] =	vst v63  }
0x69: {  	s26 =	simm.s32 $0x6900  }
0x6a: {  	[tilespmem:s26], [sflag:$0x1] =	stream.indirect_vreg.gather [hbm4b:s4+s23], $0x80, v3, vm0, $0xb8;
	[tilespmem:$0x18100] =	vst v63  }
0x6b: {  	v3 =	vld [tilespmem:$0x70];
	_ =	sdelay $0x4  }
0x6c: {  	v4 =	vshll.u32 v3, $0x1  }
0x6d: {  	v3 =	vand.u32 $0x7, v3;
	v4 =	vand.u32 $0xFFFFFFF0, v4  }
0x6e: {  	v3 =	vor.u32 v3, v4  }
0x6f: {  	v4 =	vperm.xlane v3, v0;
	_ =	sdelay $0x1  }
0x70: {  	v3 =	vperm.xlane v3, v2;
	v4 =	vadd.s32 v1, v4;
	_ =	sdelay $0x1  }
0x71: {  	v3 =	vadd.s32 v1, v3;
	_ =	sdelay $0x1  }
0x72: {  	s28 =	simm.s32 $0x7100  }
0x73: {  	[tilespmem:s28], [sflag:$0x1] =	stream.indirect_vreg.gather [hbm4b:s4+s23], $0x80, v4, vm0, $0xb8;
	[tilespmem:$0x18100] =	vst v63  }
0x74: {  	s25 =	simm.s32 $0x7900  }
0x75: {  	[tilespmem:s25], [sflag:$0x1] =	stream.indirect_vreg.gather [hbm4b:s4+s23], $0x80, v3, vm0, $0xb8;
	[tilespmem:$0x18100] =	vst v63  }
0x76: {  	v3 =	vld [tilespmem:$0x80];
	_ =	sdelay $0x4  }
0x77: {  	v4 =	vshll.u32 v3, $0x1  }
0x78: {  	v3 =	vand.u32 $0x7, v3;
	v4 =	vand.u32 $0xFFFFFFF0, v4  }
0x79: {  	v3 =	vor.u32 v3, v4  }
0x7a: {  	v4 =	vperm.xlane v3, v0;
	_ =	sdelay $0x1  }
0x7b: {  	v3 =	vperm.xlane v3, v2;
	v4 =	vadd.s32 v1, v4;
	_ =	sdelay $0x1  }
0x7c: {  	v3 =	vadd.s32 v1, v3;
	_ =	sdelay $0x2  }
0x7d: {  	[tilespmem:s29], [sflag:$0x2] =	stream.indirect_vreg.gather [hbm4b:s5+s23], $0x80, v4, vm0, $0xb8;
	[tilespmem:$0x18100] =	vst v63  }
0x7e: {  	_ = 	snop  }
0x7f: {  	[tilespmem:s30], [sflag:$0x2] =	stream.indirect_vreg.gather [hbm4b:s5+s23], $0x80, v3, vm0, $0xb8;
	[tilespmem:$0x18100] =	vst v63  }
0x80: {  	v3 =	vld [tilespmem:$0x90];
	_ =	sdelay $0x4  }
0x81: {  	v4 =	vshll.u32 v3, $0x1  }
0x82: {  	v3 =	vand.u32 $0x7, v3;
	v4 =	vand.u32 $0xFFFFFFF0, v4  }
0x83: {  	v3 =	vor.u32 v3, v4  }
0x84: {  	v4 =	vperm.xlane v3, v0;
	_ =	sdelay $0x1  }
0x85: {  	v3 =	vperm.xlane v3, v2;
	v4 =	vadd.s32 v1, v4;
	_ =	sdelay $0x1  }
0x86: {  	v3 =	vadd.s32 v1, v3;
	_ =	sdelay $0x2  }
0x87: {  	[tilespmem:s31], [sflag:$0x2] =	stream.indirect_vreg.gather [hbm4b:s5+s23], $0x80, v4, vm0, $0xb8;
	[tilespmem:$0x18100] =	vst v63  }
0x88: {  	_ = 	snop  }
0x89: {  	[tilespmem:s0], [sflag:$0x2] =	stream.indirect_vreg.gather [hbm4b:s5+s23], $0x80, v3, vm0, $0xb8;
	[tilespmem:$0x18100] =	vst v63  }
0x8a: {  	v3 =	vld [tilespmem:$0xA0];
	_ =	sdelay $0x4  }
0x8b: {  	v4 =	vshll.u32 v3, $0x1  }
0x8c: {  	v3 =	vand.u32 $0x7, v3;
	v4 =	vand.u32 $0xFFFFFFF0, v4  }
0x8d: {  	v3 =	vor.u32 v3, v4  }
0x8e: {  	v4 =	vperm.xlane v3, v0;
	_ =	sdelay $0x1  }
0x8f: {  	v3 =	vperm.xlane v3, v2;
	v4 =	vadd.s32 v1, v4;
	_ =	sdelay $0x1  }
0x90: {  	v3 =	vadd.s32 v1, v3;
	_ =	sdelay $0x2  }
0x91: {  	[tilespmem:s1], [sflag:$0x2] =	stream.indirect_vreg.gather [hbm4b:s5+s23], $0x80, v4, vm0, $0xb8;
	[tilespmem:$0x18100] =	vst v63  }
0x92: {  	_ = 	snop  }
0x93: {  	[tilespmem:s9], [sflag:$0x2] =	stream.indirect_vreg.gather [hbm4b:s5+s23], $0x80, v3, vm0, $0xb8;
	[tilespmem:$0x18100] =	vst v63  }
0x94: {  	v3 =	vld [tilespmem:$0xB0];
	_ =	sdelay $0x4  }
0x95: {  	v4 =	vshll.u32 v3, $0x1  }
0x96: {  	v3 =	vand.u32 $0x7, v3;
	v4 =	vand.u32 $0xFFFFFFF0, v4  }
0x97: {  	v3 =	vor.u32 v3, v4  }
0x98: {  	v4 =	vperm.xlane v3, v0;
	_ =	sdelay $0x1  }
0x99: {  	v3 =	vperm.xlane v3, v2;
	v4 =	vadd.s32 v1, v4;
	_ =	sdelay $0x1  }
0x9a: {  	v3 =	vadd.s32 v1, v3;
	_ =	sdelay $0x2  }
0x9b: {  	[tilespmem:s2], [sflag:$0x2] =	stream.indirect_vreg.gather [hbm4b:s5+s23], $0x80, v4, vm0, $0xb8;
	[tilespmem:$0x18100] =	vst v63  }
0x9c: {  	_ = 	snop  }
0x9d: {  	[tilespmem:s3], [sflag:$0x2] =	stream.indirect_vreg.gather [hbm4b:s5+s23], $0x80, v3, vm0, $0xb8;
	[tilespmem:$0x18100] =	vst v63  }
0x9e: {  	v3 =	vld [tilespmem:$0xC0];
	_ =	sdelay $0x4  }
0x9f: {  	v4 =	vshll.u32 v3, $0x1  }
0xa0: {  	v3 =	vand.u32 $0x7, v3;
	v4 =	vand.u32 $0xFFFFFFF0, v4  }
0xa1: {  	v3 =	vor.u32 v3, v4  }
0xa2: {  	v4 =	vperm.xlane v3, v0;
	_ =	sdelay $0x1  }
0xa3: {  	v3 =	vperm.xlane v3, v2;
	v4 =	vadd.s32 v1, v4;
	_ =	sdelay $0x1  }
0xa4: {  	v3 =	vadd.s32 v1, v3;
	_ =	sdelay $0x2  }
0xa5: {  	[tilespmem:s11], [sflag:$0x2] =	stream.indirect_vreg.gather [hbm4b:s5+s23], $0x80, v4, vm0, $0xb8;
	[tilespmem:$0x18100] =	vst v63  }
0xa6: {  	_ = 	snop  }
0xa7: {  	[tilespmem:s12], [sflag:$0x2] =	stream.indirect_vreg.gather [hbm4b:s5+s23], $0x80, v3, vm0, $0xb8;
	[tilespmem:$0x18100] =	vst v63  }
0xa8: {  	v3 =	vld [tilespmem:$0xD0];
	_ =	sdelay $0x4  }
0xa9: {  	v4 =	vshll.u32 v3, $0x1  }
0xaa: {  	v3 =	vand.u32 $0x7, v3;
	v4 =	vand.u32 $0xFFFFFFF0, v4  }
0xab: {  	v3 =	vor.u32 v3, v4  }
0xac: {  	v4 =	vperm.xlane v3, v0;
	_ =	sdelay $0x1  }
0xad: {  	v3 =	vperm.xlane v3, v2;
	v4 =	vadd.s32 v1, v4;
	_ =	sdelay $0x1  }
0xae: {  	v3 =	vadd.s32 v1, v3;
	_ =	sdelay $0x2  }
0xaf: {  	[tilespmem:s13], [sflag:$0x2] =	stream.indirect_vreg.gather [hbm4b:s5+s23], $0x80, v4, vm0, $0xb8;
	[tilespmem:$0x18100] =	vst v63  }
0xb0: {  	_ = 	snop  }
0xb1: {  	[tilespmem:s14], [sflag:$0x2] =	stream.indirect_vreg.gather [hbm4b:s5+s23], $0x80, v3, vm0, $0xb8;
	[tilespmem:$0x18100] =	vst v63  }
0xb2: {  	v3 =	vld [tilespmem:$0xE0];
	_ =	sdelay $0x4  }
0xb3: {  	v4 =	vshll.u32 v3, $0x1  }
0xb4: {  	v3 =	vand.u32 $0x7, v3;
	v4 =	vand.u32 $0xFFFFFFF0, v4  }
0xb5: {  	v3 =	vor.u32 v3, v4  }
0xb6: {  	v4 =	vperm.xlane v3, v0;
	_ =	sdelay $0x1  }
0xb7: {  	v3 =	vperm.xlane v3, v2;
	v4 =	vadd.s32 v1, v4;
	_ =	sdelay $0x1  }
0xb8: {  	v3 =	vadd.s32 v1, v3;
	_ =	sdelay $0x2  }
0xb9: {  	[tilespmem:s15], [sflag:$0x2] =	stream.indirect_vreg.gather [hbm4b:s5+s23], $0x80, v4, vm0, $0xb8;
	[tilespmem:$0x18100] =	vst v63  }
0xba: {  	_ = 	snop  }
0xbb: {  	[tilespmem:s16], [sflag:$0x2] =	stream.indirect_vreg.gather [hbm4b:s5+s23], $0x80, v3, vm0, $0xb8;
	[tilespmem:$0x18100] =	vst v63  }
0xbc: {  	v3 =	vld [tilespmem:$0xF0];
	_ =	sdelay $0x4  }
0xbd: {  	v4 =	vshll.u32 v3, $0x1  }
0xbe: {  	v3 =	vand.u32 $0x7, v3;
	v4 =	vand.u32 $0xFFFFFFF0, v4  }
0xbf: {  	v3 =	vor.u32 v3, v4  }
0xc0: {  	v4 =	vperm.xlane v3, v0;
	_ =	sdelay $0x1  }
0xc1: {  	v3 =	vperm.xlane v3, v2;
	v4 =	vadd.s32 v1, v4;
	_ =	sdelay $0x1  }
0xc2: {  	v3 =	vadd.s32 v1, v3;
	_ =	sdelay $0x2  }
0xc3: {  	[tilespmem:s17], [sflag:$0x2] =	stream.indirect_vreg.gather [hbm4b:s5+s23], $0x80, v4, vm0, $0xb8;
	[tilespmem:$0x18100] =	vst v63  }
0xc4: {  	_ = 	snop  }
0xc5: {  	[tilespmem:s18], [sflag:$0x2] =	stream.indirect_vreg.gather [hbm4b:s5+s23], $0x80, v3, vm0, $0xb8;
	[tilespmem:$0x18100] =	vst v63  }
0xc6: {  	_ =	swait.ge [sflag:s19], $0x8000  }
0xc7: {  	[sflag:s19] =	ssyncset.done $0x0  }
0xc8: {  	[sflag:s19] =	ssyncadd.s32 $0xFFFF8000  }
0xc9: {  	_ =	swait.ge [sflag:s20], $0x8000  }
0xca: {  	s26 =	sand.u32 $0x7800, s23;
	s23 =	sand.u32 $0x380, s23;
	[sflag:s20] =	ssyncset.done $0x0  }
0xcb: {  	s23 =	sor.u32 s23, s26;
	[sflag:s20] =	ssyncadd.s32 $0xFFFF8000  }
0xcc: {  	v3 =	vld [tilespmem:s23+$0x570]  }
0xcd: {  	v4 =	vld [tilespmem:s23+$0x8570]  }
0xce: {  	v5 =	vld [tilespmem:s23+$0x100]  }
0xcf: {  	v6 =	vld [tilespmem:s23+$0x8100]  }
0xd0: {  	v7 =	vld [tilespmem:s23+$0x110]  }
0xd1: {  	v8 =	vld [tilespmem:s23+$0x8110]  }
0xd2: {  	v9 =	vld [tilespmem:s23+$0x120]  }
0xd3: {  	v10 =	vld [tilespmem:s23+$0x130];
	v3 =	vadd.f32 v4, v3  }
0xd4: {  	v4 =	vld [tilespmem:s23+$0x8120]  }
0xd5: {  	v5 =	vmul.f32 v6, v5;
	[tilespmem:s23+$0x10570] =	vst v3;
	v3 =	vld [tilespmem:s23+$0x8130]  }
0xd6: {  	v6 =	vld [tilespmem:s23+$0x140]  }
0xd7: {  	[tilespmem:s23+$0x10100] =	vst v5;
	v5 =	vmul.f32 v8, v7;
	v7 =	vld [tilespmem:s23+$0x8140]  }
0xd8: {  	v8 =	vld [tilespmem:s23+$0x8150]  }
0xd9: {  	[tilespmem:s23+$0x10110] =	vst v5;
	v5 =	vld [tilespmem:s23+$0x150];
	v4 =	vmul.f32 v4, v9  }
0xda: {  	v9 =	vld [tilespmem:s23+$0x8160];
	v3 =	vmul.f32 v3, v10  }
0xdb: {  	[tilespmem:s23+$0x10120] =	vst v4;
	v4 =	vld [tilespmem:s23+$0x160]  }
0xdc: {  	[tilespmem:s23+$0x10130] =	vst v3;
	v3 =	vmul.f32 v7, v6;
	v6 =	vld [tilespmem:s23+$0x170]  }
0xdd: {  	v7 =	vld [tilespmem:s23+$0x8170]  }
0xde: {  	[tilespmem:s23+$0x10140] =	vst v3;
	v3 =	vmul.f32 v8, v5;
	v5 =	vld [tilespmem:s23+$0x500]  }
0xdf: {  	v8 =	vld [tilespmem:s23+$0x8500]  }
0xe0: {  	[tilespmem:s23+$0x10150] =	vst v3;
	v3 =	vmul.f32 v9, v4;
	v4 =	vld [tilespmem:s23+$0x510]  }
0xe1: {  	v9 =	vld [tilespmem:s23+$0x8510]  }
0xe2: {  	[tilespmem:s23+$0x10160] =	vst v3;
	v3 =	vmul.f32 v7, v6;
	v6 =	vld [tilespmem:s23+$0x520]  }
0xe3: {  	v7 =	vld [tilespmem:s23+$0x8520]  }
0xe4: {  	v10 =	vld [tilespmem:s23+$0x8530]  }
0xe5: {  	[tilespmem:s23+$0x10170] =	vst v3;
	v3 =	vadd.f32 v8, v5;
	v8 =	vld [tilespmem:s23+$0x530]  }
0xe6: {  	v5 =	vld [tilespmem:s23+$0x8540];
	v4 =	vadd.f32 v9, v4  }
0xe7: {  	[tilespmem:s23+$0x10500] =	vst v3;
	v3 =	vld [tilespmem:s23+$0x540]  }
0xe8: {  	[tilespmem:s23+$0x10510] =	vst v4;
	v7 =	vadd.f32 v7, v6;
	v4 =	vld [tilespmem:s23+$0x550]  }
0xe9: {  	s24 =	simm.s32 $0x80;
	s28 =	simm.s32 $0x100;
	v6 =	vld [tilespmem:s23+$0x8550]  }
0xea: {  	s25 =	sand.u32 $0x7800, s28;
	s26 =	sand.u32 $0x380, s24;
	[tilespmem:s23+$0x10520] =	vst v7;
	v7 =	vld [tilespmem:s23+$0x560];
	v9 =	vadd.f32 v10, v8  }
0xeb: {  	s26 =	sor.u32 s26, s25;
	s25 =	simm.s32 $0x200;
	v8 =	vld [tilespmem:s23+$0x8560]  }
.LBB2_3:
0xec: {  	p0 =	sne.s32 s25, $0x7F00;
	v10 =	vld [tilespmem:s26+$0x570];
	[tilespmem:s23+$0x10530] =	vst v9;
	v3 =	vadd.f32 v5, v3  }
0xed: {  	v5 =	vld [tilespmem:s26+$0x8570]  }
0xee: {  	v9 =	vld [tilespmem:s26+$0x100];
	[tilespmem:s23+$0x10540] =	vst v3;
	v3 =	vadd.f32 v6, v4  }
0xef: {  	v4 =	vld [tilespmem:s26+$0x8100]  }
0xf0: {  	v6 =	vld [tilespmem:s26+$0x110];
	[tilespmem:s23+$0x10550] =	vst v3;
	v3 =	vadd.f32 v8, v7  }
0xf1: {  	v7 =	vld [tilespmem:s26+$0x8110]  }
0xf2: {  	v8 =	vld [tilespmem:s26+$0x120];
	v5 =	vadd.f32 v5, v10;
	[tilespmem:s23+$0x10560] =	vst v3;
	s23 =	smov.u32 s26  }
0xf3: {  	v3 =	vld [tilespmem:s23+$0x8120]  }
0xf4: {  	v4 =	vmul.f32 v4, v9;
	v9 =	vld [tilespmem:s23+$0x130];
	[tilespmem:s23+$0x10570] =	vst v5  }
0xf5: {  	v5 =	vld [tilespmem:s23+$0x8130]  }
0xf6: {  	[tilespmem:s23+$0x10100] =	vst v4;
	v4 =	vmul.f32 v7, v6;
	v6 =	vld [tilespmem:s23+$0x140]  }
0xf7: {  	v7 =	vld [tilespmem:s23+$0x8140]  }
0xf8: {  	[tilespmem:s23+$0x10110] =	vst v4;
	v3 =	vmul.f32 v3, v8;
	v4 =	vld [tilespmem:s23+$0x150]  }
0xf9: {  	v8 =	vld [tilespmem:s23+$0x8150]  }
0xfa: {  	[tilespmem:s23+$0x10120] =	vst v3;
	v3 =	vmul.f32 v5, v9;
	v5 =	vld [tilespmem:s23+$0x160]  }
0xfb: {  	v9 =	vld [tilespmem:s23+$0x8160]  }
0xfc: {  	[tilespmem:s23+$0x10130] =	vst v3;
	v3 =	vmul.f32 v7, v6;
	v6 =	vld [tilespmem:s23+$0x170]  }
0xfd: {  	v7 =	vld [tilespmem:s23+$0x8170]  }
0xfe: {  	[tilespmem:s23+$0x10140] =	vst v3;
	v3 =	vmul.f32 v8, v4;
	v4 =	vld [tilespmem:s23+$0x500]  }
0xff: {  	v8 =	vld [tilespmem:s23+$0x8500]  }
0x100: {  	[tilespmem:s23+$0x10150] =	vst v3;
	v3 =	vmul.f32 v9, v5;
	v5 =	vld [tilespmem:s23+$0x510]  }
0x101: {  	v9 =	vld [tilespmem:s23+$0x8510]  }
0x102: {  	[tilespmem:s23+$0x10160] =	vst v3;
	v3 =	vmul.f32 v7, v6;
	v6 =	vld [tilespmem:s23+$0x520]  }
0x103: {  	v7 =	vld [tilespmem:s23+$0x8520]  }
0x104: {  	[tilespmem:s23+$0x10170] =	vst v3;
	v3 =	vadd.f32 v8, v4;
	v8 =	vld [tilespmem:s23+$0x530]  }
0x105: {  	v10 =	vld [tilespmem:s23+$0x8530]  }
0x106: {  	[tilespmem:s23+$0x10500] =	vst v3;
	v4 =	vadd.f32 v9, v5;
	v3 =	vld [tilespmem:s23+$0x540]  }
.Ltmp0:
0x107: {  	v5 =	vld [tilespmem:s23+$0x8540];
	(pc) =	sbr.rel @p0 .LBB2_3-.Ltmp0, $4  }
0x108: {  	[tilespmem:s23+$0x10510] =	vst v4;
	v7 =	vadd.f32 v7, v6;
	v4 =	vld [tilespmem:s23+$0x550]  }
0x109: {  	s24 =	sadd.s32 $0x80, s24;
	v6 =	vld [tilespmem:s23+$0x8550]  }
0x10a: {  	s28 =	sand.u32 $0x380, s24;
	s26 =	sand.u32 $0x7800, s25;
	[tilespmem:s23+$0x10520] =	vst v7;
	v9 =	vadd.f32 v10, v8;
	v7 =	vld [tilespmem:s23+$0x560]  }
0x10b: {  	s25 =	sadd.s32 $0x100, s25;
	s26 =	sor.u32 s28, s26;
	v8 =	vld [tilespmem:s23+$0x8560]  }
0x10c: {  	v10 =	vld [tilespmem:s26+$0x570];
	[tilespmem:s23+$0x10530] =	vst v9;
	v3 =	vadd.f32 v5, v3  }
0x10d: {  	v33 =	vld [tilespmem:s26+$0x8570]  }
0x10e: {  	v9 =	vld [tilespmem:s26+$0x100];
	[tilespmem:s23+$0x10540] =	vst v3;
	v3 =	vadd.f32 v6, v4  }
0x10f: {  	v34 =	vld [tilespmem:s26+$0x8100]  }
0x110: {  	v35 =	vld [tilespmem:s26+$0x110];
	[tilespmem:s23+$0x10550] =	vst v3;
	v3 =	vadd.f32 v8, v7  }
0x111: {  	v36 =	vld [tilespmem:s26+$0x8110]  }
0x112: {  	v37 =	vld [tilespmem:s26+$0x120];
	[tilespmem:s23+$0x10560] =	vst v3  }
0x113: {  	v38 =	vld [tilespmem:s26+$0x8120]  }
0x114: {  	v3 =	vadd.f32 v33, v10;
	v39 =	vld [tilespmem:s26+$0x130]  }
0x115: {  	v41 =	vld [tilespmem:s26+$0x140]  }
0x116: {  	[tilespmem:s26+$0x10570] =	vst v3;
	v3 =	vld [tilespmem:s26+$0x8130]  }
0x117: {  	v42 =	vld [tilespmem:s26+$0x8140]  }
0x118: {  	v44 =	vld [tilespmem:s26+$0x150]  }
0x119: {  	v45 =	vld [tilespmem:s26+$0x8150]  }
0x11a: {  	v46 =	vld [tilespmem:s26+$0x160]  }
0x11b: {  	v47 =	vld [tilespmem:s26+$0x8160];
	v3 =	vmul.f32 v3, v39  }
0x11c: {  	v48 =	vld [tilespmem:s26+$0x170]  }
0x11d: {  	v49 =	vld [tilespmem:s26+$0x8170];
	[tilespmem:s26+$0x10130] =	vst v3;
	v3 =	vmul.f32 v42, v41  }
0x11e: {  	v50 =	vld [tilespmem:s26+$0x500]  }
0x11f: {  	v51 =	vld [tilespmem:s26+$0x8500];
	[tilespmem:s26+$0x10140] =	vst v3;
	v3 =	vmul.f32 v45, v44  }
0x120: {  	v52 =	vld [tilespmem:s26+$0x510]  }
0x121: {  	v53 =	vld [tilespmem:s26+$0x8510];
	[tilespmem:s26+$0x10150] =	vst v3;
	v3 =	vmul.f32 v47, v46  }
0x122: {  	v54 =	vld [tilespmem:s26+$0x520]  }
0x123: {  	v55 =	vld [tilespmem:s26+$0x8520];
	[tilespmem:s26+$0x10160] =	vst v3;
	v3 =	vmul.f32 v49, v48  }
0x124: {  	v56 =	vld [tilespmem:s26+$0x530]  }
0x125: {  	v57 =	vld [tilespmem:s26+$0x8530];
	[tilespmem:s26+$0x10170] =	vst v3;
	v3 =	vadd.f32 v51, v50  }
0x126: {  	v58 =	vld [tilespmem:s26+$0x540]  }
0x127: {  	v59 =	vld [tilespmem:s26+$0x8540];
	[tilespmem:s26+$0x10500] =	vst v3;
	v3 =	vadd.f32 v53, v52  }
0x128: {  	v60 =	vld [tilespmem:s26+$0x550]  }
0x129: {  	v61 =	vld [tilespmem:s26+$0x8550];
	[tilespmem:s26+$0x10510] =	vst v3;
	v3 =	vadd.f32 v55, v54  }
0x12a: {  	v62 =	vld [tilespmem:s26+$0x8560];
	v4 =	vmul.f32 v34, v9  }
0x12b: {  	v40 =	vmul.f32 v36, v35;
	[tilespmem:s26+$0x10520] =	vst v3;
	v3 =	vld [tilespmem:s26+$0x560]  }
0x12c: {  	[tilespmem:s26+$0x10100] =	vst v4;
	v43 =	vmul.f32 v38, v37  }
0x12d: {  	[tilespmem:s26+$0x10110] =	vst v40;
	v5 =	vadd.f32 v57, v56  }
0x12e: {  	v4 =	vadd.f32 v59, v58;
	[tilespmem:s26+$0x10120] =	vst v43  }
0x12f: {  	v63 =	vadd.f32 v61, v60;
	[tilespmem:s26+$0x10530] =	vst v5  }
0x130: {  	s28 =	sshll.u32 s22, $0xC;
	s22 =	sadd.s32 $0x1, s22;
	[tilespmem:s26+$0x10540] =	vst v4;
	v3 =	vadd.f32 v62, v3  }
0x131: {  	p0 =	sne.s32 s22, $0x80;
	[tilespmem:s26+$0x10550] =	vst v63  }
.Ltmp1:
0x132: {  	s24 =	simm.s32 $0x0;
	s23 =	sadd.s32 s28, s8;
	[tilespmem:s26+$0x10560] =	vst v3;
	(pc) =	sbr.rel @p0 .LBB2_2-.Ltmp1, $4  }
0x133: {  	[hbm4b:s23+s24] =	stream.linear.scatter [tilespmem:s21], [sflag:$0x3], $0x8000, $0x38;
	[tilespmem:$0x18100] =	vst v63  }
0x134: {  	_ =	swait.ge [sflag:s10], $0x8000  }
0x135: {  	[sflag:s10] =	ssyncset.done $0x0  }
0x136: {  	[sflag:s10] =	ssyncadd.s32 $0xFFFF8000  }
0x137: {  	s23 =	rddreg [dreg:$0x4]  }
0x138: {  	s22 =	rddreg [dreg:$0x3];
	s23 =	sadd.s32 $0x1, s23  }
0x139: {  	p0 =	sne.s32 s23, s22  }
.Ltmp2:
0x13a: {  	_ = 	snop;
	(pc) =	sbr.rel @p0 .LBB2_1-.Ltmp2, $1  }
0x13b: {  	_ =	sdelay $0x3  }
0x13c: {  	_ =	sfence.sel $0x180000  }
0x13d: {  	[bflag:$0x0] =	sbarrier.arrive $0xFFFF  }
0x13e: {  	_ =	strace $0x90000047  }
0x13f: {  	s0 =	stileid.u32;
	[bflag:$0x2] =	sbarrier.arrive $0xFFFF  }
0x140: {  	p0 =	sne.s32 s0, $0x0;
	s0 =	rddreg [dreg:$0x2]  }
0x141: {  	s0 =	sadd.s32 @!p0 $0x100000, s0  }
0x142: {  	[sflag:s0] =	ssyncadd.tile.s32 @!p0 $0x1;
	_ =	shalt  }
.Lfunc_end2:
_tile_overlayer_lowered:
.L_overlay_start_2:
0x143: {  	(tag) =	ssettag $0x2  }
0x144: {  	s0 =	rddreg [dreg:$0x0];
	s2 =	stileid.u32  }
0x145: {  	s1 =	rddreg [dreg:$0x1];
	p0 =	sne.s32 s2, $0x0  }
0x146: {  	s3 =	rddreg [dreg:$0x2];
	[bflag:$0x3] =	sbarrier.arrive $0xFFFF;
	s2 =	simm.s32 @!p0 $0x1C03  }
0x147: {  	[timem:s3], [sflag:s2] =	dma.local @!p0 [hbm:s0], s1  }
0x148: {  	s0 =	simm.s32 @!p0 $0x3  }
0x149: {  	_ =	swait.ge @!p0 [sflag:s0], s1  }
0x14a: {  	s1 =	ssub.s32 @!p0 $0x0, s1;
	[sflag:s0] =	ssyncset.done @!p0 $0x0  }
0x14b: {  	[sflag:s0] =	ssyncadd.s32 @!p0 s1  }
0x14c: {  	[bflag:$0x3] =	sbarrier.arrive $0xFFFF  }
0x14d: {  	_ =	shalt  }

// kernel: kernel.19.cloned.1.call-start
scs
__scs_entry_jumppad:
0x0: {  	(pc) =	sbr.rel $0x88, $3  }
0x1: {  	(tag) =	ssettag $0x0;
	lr =	simm.s32 $0x1  }
0x2: {  	[smem:$0x3F8A] =	sst lr;
	_ =	strace $0xD0000000  }
0x3: {  	_ = 	snop  }
0x4: {  	_ = 	snop  }
0x5: {  	_ = 	snop  }
0x6: {  	_ = 	snop  }
0x7: {  	_ = 	snop  }
__scs_overlays_trampoline_lowered:
0x8: {  	[smem:$0x3F99] =	sst s0  }
0x9: {  	[smem:$0x3F9A] =	sst s1  }
0xa: {  	[smem:$0x3F9B] =	sst s2  }
0xb: {  	[smem:$0x3F9C] =	sst s3  }
0xc: {  	[smem:$0x3F9D] =	sst s4  }
0xd: {  	[smem:$0x3F9E] =	sst s5  }
0xe: {  	[smem:$0x3F9F] =	sst s6  }
0xf: {  	[smem:$0x3FA0] =	sst s7  }
0x10: {  	[smem:$0x3FA1] =	sst s8  }
0x11: {  	[smem:$0x3FA2] =	sst s9;
	s0 =	simm.s32 @!p0 $0x0  }
0x12: {  	s1 =	sld [smem:$0x3F88];
	s0 =	simm.s32 @p0 $0x1  }
0x13: {  	[smem:$0x3FA3] =	sst s0;
	s0 =	simm.s32 @!p1 $0x0  }
0x14: {  	s2 =	sld [smem:$0x3F87];
	s0 =	simm.s32 @p1 $0x1  }
0x15: {  	[smem:$0x3FA4] =	sst s0;
	s0 =	simm.s32 @!p2 $0x0  }
0x16: {  	s3 =	sld [smem:$0x3FDB];
	s0 =	simm.s32 @p2 $0x1  }
0x17: {  	s4 =	simm.s32 $0x1BF5;
	[smem:$0x3FA6] =	sst s0  }
0x18: {  	s0 =	sld [smem:$0x3F89];
	_ =	swait.ge [sflag:s4], $0x0  }
0x19: {  	s7 =	sld [smem:$0x3F8A]  }
0x1a: {  	s8 =	sadd.s32 $0xFFFFE003, lr  }
0x1b: {  	s9 =	sadd.s32 $0xFFFFFEF7, lr;
	s5 =	simm.s32 $0xFFFFFFFF;
	p2 =	slt.u32 s8, $0xFFFFF086  }
0x1c: {  	p1 =	slt.u32 s9, $0xF7A;
	s5 =	simm.s32 @!p2 $0x0  }
0x1d: {  	s5 =	simm.s32 @p1 $0x1;
	p0 =	seq.s32 s7, s2  }
0x1e: {  	s7 =	smul.u32 @!p0 $0xF7A, s2;
	p2 =	seq.s32 @!p0 s5, $0x0  }
0x1f: {  	s9 =	smul.u32 $0xF7A, s1;
	s8 =	simm.s32 @!p0 $0x1BF5;
	p2 =	por !p2, p0  }
0x20: {  	[sflag:s8] =	ssyncset.s32 @!p0 $0xFFFFF086;
	s6 =	sadd.s32 @!p0 s3, s7;
	s7 =	simm.s32 @!p0 $0x108  }
0x21: {  	s3 =	sadd.s32 s3, s9;
	s6 =	sadd.s32 @!p0 $0x88, s6;
	s7 =	simm.s32 @p2 $0x1082  }
0x22: {  	[simem:s7], [sflag:s8] =	dma.local @!p0 [hbm:s6], $0xF7A  }
0x23: {  	s9 =	sor.u32 $0xD0000000, s2;
	s6 =	simm.s32 $0x108;
	_ =	swait.ge @!p0 [sflag:s8], $0x0  }
0x24: {  	s3 =	sadd.s32 $0x88, s3;
	s6 =	simm.s32 @!p1 $0x1082;
	[sflag:s4] =	ssyncset.s32 $0xFFFFF086  }
0x25: {  	[simem:s6], [sflag:s4] =	dma.local [hbm:s3], $0xF7A  }
0x26: {  	[smem:$0x3F8A] =	sst s1;
	(tag) =	ssettag s2;
	_ =	strace s9  }
0x27: {  	s1 =	sld [smem:$0x3F9A]  }
0x28: {  	s2 =	sld [smem:$0x3F9B]  }
0x29: {  	s4 =	sld [smem:$0x3F9D]  }
0x2a: {  	p0 =	seq.s32 s5, $0x0;
	s5 =	sld [smem:$0x3F9E]  }
0x2b: {  	s6 =	sld [smem:$0x3F9F]  }
0x2c: {  	s7 =	sld [smem:$0x3FA0]  }
0x2d: {  	s3 =	simm.s32 $0x108;
	s8 =	sld [smem:$0x3FA1]  }
0x2e: {  	s3 =	simm.s32 @!p0 $0x1082;
	s9 =	sld [smem:$0x3FA2]  }
0x2f: {  	lr =	sadd.s32 s0, s3;
	s0 =	sld [smem:$0x3F99]  }
0x30: {  	s3 =	sld [smem:$0x3F9C]  }
0x31: {  	[smem:$0x3FA5] =	sst s10  }
0x32: {  	s10 =	sld [smem:$0x3FA3];
	_ =	sdelay $0x3  }
0x33: {  	p0 =	seq.s32 s10, $0x1;
	s10 =	sld [smem:$0x3FA5];
	_ =	sdelay $0x3  }
0x34: {  	[smem:$0x3FA5] =	sst s10  }
0x35: {  	s10 =	sld [smem:$0x3FA4];
	_ =	sdelay $0x3  }
0x36: {  	p1 =	seq.s32 s10, $0x1;
	s10 =	sld [smem:$0x3FA5];
	_ =	sdelay $0x3  }
0x37: {  	[smem:$0x3FA5] =	sst s10  }
0x38: {  	s10 =	sld [smem:$0x3FA6]  }
0x39: {  	_ = 	snop;
	(pc) =	sbr.ind lr, $3  }
0x3a: {  	_ = 	snop  }
0x3b: {  	_ = 	snop  }
0x3c: {  	p2 =	seq.s32 s10, $0x1;
	s10 =	sld [smem:$0x3FA5]  }
0x3d: {  	_ =	shalt  }
0x3e: {  	_ =	shalt  }
0x3f: {  	_ =	shalt  }
0x40: {  	_ =	shalt  }
0x41: {  	_ =	shalt  }
0x42: {  	_ =	shalt  }
0x43: {  	_ =	shalt  }
0x44: {  	_ =	shalt  }
0x45: {  	_ =	shalt  }
0x46: {  	_ =	shalt  }
0x47: {  	_ =	shalt  }
0x48: {  	_ =	shalt  }
0x49: {  	_ =	shalt  }
0x4a: {  	_ =	shalt  }
0x4b: {  	_ =	shalt  }
0x4c: {  	_ =	shalt  }
0x4d: {  	_ =	shalt  }
0x4e: {  	_ =	shalt  }
0x4f: {  	_ =	shalt  }
0x50: {  	_ =	shalt  }
0x51: {  	_ =	shalt  }
0x52: {  	_ =	shalt  }
0x53: {  	_ =	shalt  }
0x54: {  	_ =	shalt  }
0x55: {  	_ =	shalt  }
0x56: {  	_ =	shalt  }
0x57: {  	_ =	shalt  }
0x58: {  	_ =	shalt  }
0x59: {  	_ =	shalt  }
0x5a: {  	_ =	shalt  }
0x5b: {  	_ =	shalt  }
0x5c: {  	_ =	shalt  }
0x5d: {  	_ =	shalt  }
0x5e: {  	_ =	shalt  }
0x5f: {  	_ =	shalt  }
0x60: {  	_ =	shalt  }
0x61: {  	_ =	shalt  }
0x62: {  	_ =	shalt  }
0x63: {  	_ =	shalt  }
0x64: {  	_ =	shalt  }
0x65: {  	_ =	shalt  }
0x66: {  	_ =	shalt  }
0x67: {  	_ =	shalt  }
0x68: {  	_ =	shalt  }
0x69: {  	_ =	shalt  }
0x6a: {  	_ =	shalt  }
0x6b: {  	_ =	shalt  }
0x6c: {  	_ =	shalt  }
0x6d: {  	_ =	shalt  }
0x6e: {  	_ =	shalt  }
0x6f: {  	_ =	shalt  }
0x70: {  	_ =	shalt  }
0x71: {  	_ =	shalt  }
0x72: {  	_ =	shalt  }
0x73: {  	_ =	shalt  }
0x74: {  	_ =	shalt  }
0x75: {  	_ =	shalt  }
0x76: {  	_ =	shalt  }
0x77: {  	_ =	shalt  }
0x78: {  	_ =	shalt  }
0x79: {  	_ =	shalt  }
0x7a: {  	_ =	shalt  }
0x7b: {  	_ =	shalt  }
0x7c: {  	_ =	shalt  }
0x7d: {  	_ =	shalt  }
0x7e: {  	_ =	shalt  }
0x7f: {  	_ =	shalt  }
0x80: {  	_ =	shalt  }
0x81: {  	_ =	shalt  }
0x82: {  	_ =	shalt  }
0x83: {  	_ =	shalt  }
0x84: {  	_ =	shalt  }
0x85: {  	_ =	shalt  }
0x86: {  	_ =	shalt  }
0x87: {  	_ =	shalt  }
.Lfunc_end0:
.L_simem_size_0:
called_computation.1_lowered:
.L_overlay_start_0:
0x88: {  	s2 =	sld [smem:$0x3FD9]  }
0x89: {  	s3 =	sld [smem:$0x3FFE];
	_ =	sdelay $0x1  }
0x8a: {  	s1 =	srdreg.scid  }
0x8b: {  	s0 =	sand.u32 $0x1, s1  }
0x8c: {  	s16 =	sshll.u32 s0, $0xA;
	s2 =	sadd.s32 s3, s2  }
0x8d: {  	s2 =	sadd.s32 s2, s16  }
0x8e: {  	[smem:$0x3FB1] =	sst s2  }
0x8f: {  	_ = 	snop  }
0x90: {  	(tm) =	ssettm $0x1  }
0x91: {  	s17 =	sld [smem:$0x3FFB];
	_ =	sdelay $0x3  }
0x92: {  	_ =	strace s17  }
0x93: {  	s2 =	sld [smem:$0x3FFC];
	_ =	sdelay $0x3  }
0x94: {  	_ =	strace s2  }
0x95: {  	s2 =	sld [smem:$0x3FFD];
	_ =	sdelay $0x3  }
0x96: {  	_ =	strace s2  }
0x97: {  	_ =	strace $0x8FFFFFFF  }
0x98: {  	s18 =	sld [smem:$0x3FDB];
	_ =	sdelay $0x1  }
0x99: {  	s19 =	simm.s32 $_scs_section_size  }
0x9a: {  	s4 =	simm.s32 $_size__tile_overlayer_lowered;
	s5 =	simm.s32 $_tile_overlayer_lowered  }
0x9b: {  	s22 =	simm.s32 $0x1BFF;
	s21 =	sshll.u32 s5, $0x1;
	s2 =	sadd.s32 s19, s18  }
0x9c: {  	s6 =	simm.s32 $0x0;
	s20 =	sshll.u32 s4, $0x1;
	s4 =	sadd.s32 s21, s2  }
0x9d: {  	[timem:s6], [sflag:s22] =	dma.local [hbm:s4], s20  }
0x9e: {  	_ =	swait.ge [sflag:s22], s20  }
0x9f: {  	s3 =	ssub.s32 $0x0, s20;
	[sflag:s22] =	ssyncset.done $0x0  }
0xa0: {  	[sflag:s22] =	ssyncadd.s32 s3;
	_ =	sdelay $0x1  }
0xa1: {  	s23 =	simm.s32 $0x1B8B  }
0xa2: {  	_ =	swait.ge [sflag:s23], $0x1  }
0xa3: {  	[sflag:s23] =	ssyncset.done $0x0  }
0xa4: {  	s25 =	simm.s32 $0x1B8E;
	s24 =	sld [smem:$0x3FFE];
	[sflag:s23] =	ssyncadd.s32 $0xFFFFFFFF  }
0xa5: {  	s26 =	simm.s32 $execute0_lowered;
	[smem:$0x3FD2] =	sst s25  }
0xa6: {  	s4 =	sshll.u32 s26, $0x1;
	_ =	strace $0x80000049;
	[dreg:$0x1] =	wrdreg $0xFFFFFFFF  }
0xa7: {  	s28 =	simm.s32 $_size_execute0_lowered;
	s2 =	sadd.s32 s2, s4;
	[dreg:$0x0] =	wrdreg $0x0  }
0xa8: {  	s4 =	sshll.u32 s28, $0x1;
	[dreg:$0x2] =	wrdreg s2  }
0xa9: {  	[dreg:$0x3] =	wrdreg s4  }
0xaa: {  	[dreg:$0x4] =	wrdreg $0xC0  }
0xab: {  	_ =	task [dreg:s6], $0x5FFFF  }
0xac: {  	[dreg:$0x1] =	wrdreg $0xFFFFFFFF  }
0xad: {  	[dreg:$0x0] =	wrdreg $0x60  }
0xae: {  	[dreg:$0x2] =	wrdreg s24  }
0xaf: {  	[dreg:$0x3] =	wrdreg $0x80800  }
0xb0: {  	[dreg:$0x4] =	wrdreg $0x9  }
0xb1: {  	_ =	task.clear_ibuf [dreg:s6], $0x5FFFF;
	_ =	strace $0x90000049  }
0xb2: {  	s29 =	simm.s32 $0x9;
	_ =	strace $0x8000004B  }
0xb3: {  	_ =	swait.ge [sflag:s29], $0x1  }
0xb4: {  	[sflag:s29] =	ssyncadd.s32 $0xFFFFFFFF  }
0xb5: {  	_ =	strace $0x9000004B  }
0xb6: {  	_ =	sfence  }
0xb7: {  	s30 =	sld [smem:$0x0];
	_ =	sdelay $0x2  }
0xb8: {  	s31 =	sshll.u32 s1, $0xD;
	s1 =	sshrl.u32 s1, $0x2  }
0xb9: {  	s3 =	sand.u32 $0x4000, s31;
	s1 =	sadd.s32 s1, s30  }
0xba: {  	s0 =	sor.u32 s3, s0;
	s1 =	sshll.u32 s1, $0x11  }
0xbb: {  	s0 =	sor.u32 s1, s0  }
0xbc: {  	s0 =	sadd.s32 $0x8F2B, s0  }
0xbd: {  	[sflag:s0] =	ssyncadd.remote.s32 $0x1  }
0xbe: {  	_ =	sfence.sel $0xFFFF  }
0xbf: {  	[dreg:$0x0] =	wrdreg $0xFFFFFFFF;
	(pc) =	sbr.abs _section_cstart, $3  }
0xc0: {  	[dreg:$0x1] =	wrdreg $0xFFFFFFFF  }
0xc1: {  	_ =	task.clear_ibuf [dreg:s6], $0x2FFFF;
	_ =	strace $0x9FFFFFFF  }
0xc2: {  	(tm) =	ssettm $0x7FFFFFFF  }
0xc3: {  	_ =	shalt  }
tec
execute0_lowered:
.L_overlay_start_1:
0x0: {  	(tag) =	ssettag $0x1  }
0x1: {  	s5 =	rddreg [dreg:$0x0]  }
0x2: {  	s1 =	rddreg [dreg:$0x1]  }
0x3: {  	s0 =	rddreg [dreg:$0x2]  }
0x4: {  	s2 =	simm.s32 $0x0;
	s3 =	srdreg.scid;
	s31 =	simm.s32 $0x4080  }
0x5: {  	[smem:$0x7FF] =	sst s2;
	s8 =	sand.u32 $0x1, s3;
	s4 =	sadd.s32 $0x17800, s5  }
0x6: {  	_ =	strace $0x8000004A;
	s3 =	sshll.u32 s8, $0x12;
	[dreg:$0x3] =	wrdreg s4  }
0x7: {  	s7 =	sshll.u32 s8, $0xF;
	s6 =	sadd.s32 s3, s5;
	s3 =	stileid.u32  }
0x8: {  	s23 =	ssub.s32 $0x2, s8;
	s8 =	sshll.u32 s8, $0x4;
	s4 =	sshll.u32 s3, $0xA  }
0x9: {  	[dreg:$0xc] =	wrdreg s31;
	s7 =	sadd.s32 s7, s5;
	s9 =	sor.u32 $0x80, s4  }
0xa: {  	s10 =	sshrl.u32 s23, $0x1;
	s24 =	sor.u32 $0x100, s4;
	[dreg:$0x4] =	wrdreg s9  }
0xb: {  	s10 =	ssub.s32 s23, s10;
	s25 =	sor.u32 $0x180, s4;
	[dreg:$0x5] =	wrdreg s24  }
0xc: {  	s26 =	sshll.u32 s3, $0xE;
	s11 =	sor.u32 $0x200, s4;
	[dreg:$0x6] =	wrdreg s25  }
0xd: {  	s12 =	sshll.u32 s3, $0xB;
	s28 =	sor.u32 $0x280, s4;
	[dreg:$0x7] =	wrdreg s11  }
0xe: {  	s5 =	sadd.s32 s26, s1;
	s29 =	sor.u32 $0x300, s4;
	[dreg:$0x8] =	wrdreg s28  }
0xf: {  	s30 =	sor.u32 $0x380, s4;
	s7 =	sadd.s32 s12, s7;
	[dreg:$0x9] =	wrdreg s29  }
0x10: {  	s9 =	sadd.s32 s26, s6;
	s6 =	smax.u32 s10, $0x1;
	[dreg:$0xa] =	wrdreg s30  }
0x11: {  	s7 =	sadd.s32 $0x337800, s7;
	s10 =	simm.s32 $0x80;
	s9 =	sadd.s32 $0x1337800, s9  }
0x12: {  	v0 =	vimm.f32 $0.0e+00;
	s11 =	simm.s32 $0x0;
	[dreg:$0xb] =	wrdreg s9;
	s9 =	simm.s32 $0x1  }
.LBB2_1:
0x13: {  	s12 =	simm.s32 $0x0;
	s13 =	simm.s32 $0x200  }
.LBB2_2:
0x14: {  	p0 =	sne.s32 s13, $0xFE00;
	[tilespmem:s12+$0x40F0] =	vst v0  }
0x15: {  	[tilespmem:s12+$0x4080] =	vst v0  }
0x16: {  	[tilespmem:s12+$0x4090] =	vst v0  }
.Ltmp0:
0x17: {  	[tilespmem:s12+$0x40A0] =	vst v0;
	(pc) =	sbr.rel @p0 .LBB2_2-.Ltmp0, $4  }
0x18: {  	[tilespmem:s12+$0x40B0] =	vst v0  }
0x19: {  	[tilespmem:s12+$0x40C0] =	vst v0  }
0x1a: {  	[tilespmem:s12+$0x40D0] =	vst v0  }
0x1b: {  	[tilespmem:s12+$0x40E0] =	vst v0;
	s12 =	sshra.s32 s13, $0x2;
	s13 =	sadd.s32 $0x200, s13  }
0x1c: {  	[tilespmem:s12+$0x40F0] =	vst v0  }
0x1d: {  	[tilespmem:s12+$0x4080] =	vst v0  }
0x1e: {  	[tilespmem:s12+$0x4090] =	vst v0  }
0x1f: {  	[tilespmem:s12+$0x40A0] =	vst v0  }
0x20: {  	[tilespmem:s12+$0x40B0] =	vst v0  }
0x21: {  	[tilespmem:s12+$0x40C0] =	vst v0  }
0x22: {  	[tilespmem:s12+$0x40D0] =	vst v0  }
0x23: {  	s13 =	rddreg [dreg:$0xc];
	[tilespmem:s12+$0x40E0] =	vst v0  }
0x24: {  	[spmem:s5] =	stream.linear.scatter [tilespmem:s13], [sflag:$0x1], $0x4000, $0x38;
	[tilespmem:$0xC080] =	vst v63  }
0x25: {  	_ =	swait.ge [sflag:s9], $0x4000  }
0x26: {  	[sflag:s9] =	ssyncset.done $0x0  }
0x27: {  	s30 =	simm.s32 $0x0;
	[sflag:s9] =	ssyncadd.s32 $0xFFFFC000  }
0x28: {  	s14 =	sand.u32 $0x70, s8;
	s12 =	sand.u32 $0xC000, s30;
	[bflag:$0x0] =	sbarrier.arrive $0xFFFF  }
0x29: {  	s12 =	sor.u32 s14, s12;
	s31 =	rddreg [dreg:$0x3]  }
0x2a: {  	s12 =	sadd.s32 s31, s12  }
0x2b: {  	s13 =	sadd.s32 s4, s12  }
0x2c: {  	[tilespmem:s2], [sflag:$0x1] =	stream.linear.gather [hbm4b:s13+s2], $0x80, $0x38;
	[tilespmem:$0xC080] =	vst v63  }
0x2d: {  	_ =	swait.ge [sflag:s9], $0x80  }
0x2e: {  	s15 =	rddreg [dreg:$0xb];
	[sflag:s9] =	ssyncset.done $0x0  }
0x2f: {  	[sflag:s9] =	ssyncadd.s32 $0xFFFFFF80;
	s13 =	sadd.s32 $0x0, s15  }
0x30: {  	[tilespmem:s10], [sflag:$0x1] =	stream.linear.gather [hbm4b:s13+s2], $0x4000, $0x38;
	[tilespmem:$0xC080] =	vst v63  }
0x31: {  	_ =	swait.ge [sflag:s9], $0x4000  }
0x32: {  	[sflag:s9] =	ssyncset.done $0x0  }
0x33: {  	[sflag:s9] =	ssyncadd.s32 $0xFFFFC000  }
0x34: {  	[spmem:s1] =	stream.indirect.scatter.add.f32 [tilespmem:s10], [sflag:$0x1], $0x80, s2, s10, $0xb8;
	[tilespmem:$0xC080] =	vst v63  }
0x35: {  	_ =	swait.ge [sflag:s9], $0x4000  }
0x36: {  	s16 =	rddreg [dreg:$0x4];
	[sflag:s9] =	ssyncset.done $0x0  }
0x37: {  	[sflag:s9] =	ssyncadd.s32 $0xFFFFC000;
	s14 =	sadd.s32 s16, s12  }
0x38: {  	[tilespmem:s2], [sflag:$0x1] =	stream.linear.gather [hbm4b:s14+s2], $0x80, $0x38;
	[tilespmem:$0xC080] =	vst v63  }
0x39: {  	_ =	swait.ge [sflag:s9], $0x80  }
0x3a: {  	[sflag:s9] =	ssyncset.done $0x0  }
0x3b: {  	s17 =	sadd.s32 $0x800, s13;
	[sflag:s9] =	ssyncadd.s32 $0xFFFFFF80  }
0x3c: {  	[tilespmem:s10], [sflag:$0x1] =	stream.linear.gather [hbm4b:s17+s2], $0x4000, $0x38;
	[tilespmem:$0xC080] =	vst v63  }
0x3d: {  	_ =	swait.ge [sflag:s9], $0x4000  }
0x3e: {  	[sflag:s9] =	ssyncset.done $0x0  }
0x3f: {  	[sflag:s9] =	ssyncadd.s32 $0xFFFFC000  }
0x40: {  	[spmem:s1] =	stream.indirect.scatter.add.f32 [tilespmem:s10], [sflag:$0x1], $0x80, s2, s10, $0xb8;
	[tilespmem:$0xC080] =	vst v63  }
0x41: {  	_ =	swait.ge [sflag:s9], $0x4000  }
0x42: {  	s18 =	rddreg [dreg:$0x5];
	[sflag:s9] =	ssyncset.done $0x0  }
0x43: {  	[sflag:s9] =	ssyncadd.s32 $0xFFFFC000;
	s14 =	sadd.s32 s18, s12  }
0x44: {  	[tilespmem:s2], [sflag:$0x1] =	stream.linear.gather [hbm4b:s14+s2], $0x80, $0x38;
	[tilespmem:$0xC080] =	vst v63  }
0x45: {  	_ =	swait.ge [sflag:s9], $0x80  }
0x46: {  	[sflag:s9] =	ssyncset.done $0x0  }
0x47: {  	s19 =	sadd.s32 $0x1000, s13;
	[sflag:s9] =	ssyncadd.s32 $0xFFFFFF80  }
0x48: {  	[tilespmem:s10], [sflag:$0x1] =	stream.linear.gather [hbm4b:s19+s2], $0x4000, $0x38;
	[tilespmem:$0xC080] =	vst v63  }
0x49: {  	_ =	swait.ge [sflag:s9], $0x4000  }
0x4a: {  	[sflag:s9] =	ssyncset.done $0x0  }
0x4b: {  	[sflag:s9] =	ssyncadd.s32 $0xFFFFC000  }
0x4c: {  	[spmem:s1] =	stream.indirect.scatter.add.f32 [tilespmem:s10], [sflag:$0x1], $0x80, s2, s10, $0xb8;
	[tilespmem:$0xC080] =	vst v63  }
0x4d: {  	_ =	swait.ge [sflag:s9], $0x4000  }
0x4e: {  	s20 =	rddreg [dreg:$0x6];
	[sflag:s9] =	ssyncset.done $0x0  }
0x4f: {  	[sflag:s9] =	ssyncadd.s32 $0xFFFFC000;
	s14 =	sadd.s32 s20, s12  }
0x50: {  	[tilespmem:s2], [sflag:$0x1] =	stream.linear.gather [hbm4b:s14+s2], $0x80, $0x38;
	[tilespmem:$0xC080] =	vst v63  }
0x51: {  	_ =	swait.ge [sflag:s9], $0x80  }
0x52: {  	[sflag:s9] =	ssyncset.done $0x0  }
0x53: {  	s21 =	sadd.s32 $0x1800, s13;
	[sflag:s9] =	ssyncadd.s32 $0xFFFFFF80  }
0x54: {  	[tilespmem:s10], [sflag:$0x1] =	stream.linear.gather [hbm4b:s21+s2], $0x4000, $0x38;
	[tilespmem:$0xC080] =	vst v63  }
0x55: {  	_ =	swait.ge [sflag:s9], $0x4000  }
0x56: {  	[sflag:s9] =	ssyncset.done $0x0  }
0x57: {  	[sflag:s9] =	ssyncadd.s32 $0xFFFFC000  }
0x58: {  	[spmem:s1] =	stream.indirect.scatter.add.f32 [tilespmem:s10], [sflag:$0x1], $0x80, s2, s10, $0xb8;
	[tilespmem:$0xC080] =	vst v63  }
0x59: {  	_ =	swait.ge [sflag:s9], $0x4000  }
0x5a: {  	s22 =	rddreg [dreg:$0x7];
	[sflag:s9] =	ssyncset.done $0x0  }
0x5b: {  	[sflag:s9] =	ssyncadd.s32 $0xFFFFC000;
	s14 =	sadd.s32 s22, s12  }
0x5c: {  	[tilespmem:s2], [sflag:$0x1] =	stream.linear.gather [hbm4b:s14+s2], $0x80, $0x38;
	[tilespmem:$0xC080] =	vst v63  }
0x5d: {  	_ =	swait.ge [sflag:s9], $0x80  }
0x5e: {  	[sflag:s9] =	ssyncset.done $0x0  }
0x5f: {  	s23 =	sadd.s32 $0x2000, s13;
	[sflag:s9] =	ssyncadd.s32 $0xFFFFFF80  }
0x60: {  	[tilespmem:s10], [sflag:$0x1] =	stream.linear.gather [hbm4b:s23+s2], $0x4000, $0x38;
	[tilespmem:$0xC080] =	vst v63  }
0x61: {  	_ =	swait.ge [sflag:s9], $0x4000  }
0x62: {  	[sflag:s9] =	ssyncset.done $0x0  }
0x63: {  	[sflag:s9] =	ssyncadd.s32 $0xFFFFC000  }
0x64: {  	[spmem:s1] =	stream.indirect.scatter.add.f32 [tilespmem:s10], [sflag:$0x1], $0x80, s2, s10, $0xb8;
	[tilespmem:$0xC080] =	vst v63  }
0x65: {  	_ =	swait.ge [sflag:s9], $0x4000  }
0x66: {  	s24 =	rddreg [dreg:$0x8];
	[sflag:s9] =	ssyncset.done $0x0  }
0x67: {  	[sflag:s9] =	ssyncadd.s32 $0xFFFFC000;
	s14 =	sadd.s32 s24, s12  }
0x68: {  	[tilespmem:s2], [sflag:$0x1] =	stream.linear.gather [hbm4b:s14+s2], $0x80, $0x38;
	[tilespmem:$0xC080] =	vst v63  }
0x69: {  	_ =	swait.ge [sflag:s9], $0x80  }
0x6a: {  	[sflag:s9] =	ssyncset.done $0x0  }
0x6b: {  	s25 =	sadd.s32 $0x2800, s13;
	[sflag:s9] =	ssyncadd.s32 $0xFFFFFF80  }
0x6c: {  	[tilespmem:s10], [sflag:$0x1] =	stream.linear.gather [hbm4b:s25+s2], $0x4000, $0x38;
	[tilespmem:$0xC080] =	vst v63  }
0x6d: {  	_ =	swait.ge [sflag:s9], $0x4000  }
0x6e: {  	[sflag:s9] =	ssyncset.done $0x0  }
0x6f: {  	[sflag:s9] =	ssyncadd.s32 $0xFFFFC000  }
0x70: {  	[spmem:s1] =	stream.indirect.scatter.add.f32 [tilespmem:s10], [sflag:$0x1], $0x80, s2, s10, $0xb8;
	[tilespmem:$0xC080] =	vst v63  }
0x71: {  	_ =	swait.ge [sflag:s9], $0x4000  }
0x72: {  	s26 =	rddreg [dreg:$0x9];
	[sflag:s9] =	ssyncset.done $0x0  }
0x73: {  	[sflag:s9] =	ssyncadd.s32 $0xFFFFC000;
	s14 =	sadd.s32 s26, s12  }
0x74: {  	[tilespmem:s2], [sflag:$0x1] =	stream.linear.gather [hbm4b:s14+s2], $0x80, $0x38;
	[tilespmem:$0xC080] =	vst v63  }
0x75: {  	_ =	swait.ge [sflag:s9], $0x80  }
0x76: {  	[sflag:s9] =	ssyncset.done $0x0  }
0x77: {  	s28 =	sadd.s32 $0x3000, s13;
	[sflag:s9] =	ssyncadd.s32 $0xFFFFFF80  }
0x78: {  	[tilespmem:s10], [sflag:$0x1] =	stream.linear.gather [hbm4b:s28+s2], $0x4000, $0x38;
	[tilespmem:$0xC080] =	vst v63  }
0x79: {  	_ =	swait.ge [sflag:s9], $0x4000  }
0x7a: {  	[sflag:s9] =	ssyncset.done $0x0  }
0x7b: {  	[sflag:s9] =	ssyncadd.s32 $0xFFFFC000  }
0x7c: {  	[spmem:s1] =	stream.indirect.scatter.add.f32 [tilespmem:s10], [sflag:$0x1], $0x80, s2, s10, $0xb8;
	[tilespmem:$0xC080] =	vst v63  }
0x7d: {  	_ =	swait.ge [sflag:s9], $0x4000  }
0x7e: {  	s29 =	rddreg [dreg:$0xa];
	[sflag:s9] =	ssyncset.done $0x0  }
0x7f: {  	[sflag:s9] =	ssyncadd.s32 $0xFFFFC000;
	s12 =	sadd.s32 s29, s12  }
0x80: {  	[tilespmem:s2], [sflag:$0x1] =	stream.linear.gather [hbm4b:s12+s2], $0x80, $0x38;
	[tilespmem:$0xC080] =	vst v63  }
0x81: {  	_ =	swait.ge [sflag:s9], $0x80  }
0x82: {  	[sflag:s9] =	ssyncset.done $0x0  }
0x83: {  	s30 =	sadd.s32 $0x3800, s13;
	[sflag:s9] =	ssyncadd.s32 $0xFFFFFF80  }
0x84: {  	[tilespmem:s10], [sflag:$0x1] =	stream.linear.gather [hbm4b:s30+s2], $0x4000, $0x38;
	[tilespmem:$0xC080] =	vst v63  }
0x85: {  	_ =	swait.ge [sflag:s9], $0x4000  }
0x86: {  	[sflag:s9] =	ssyncset.done $0x0  }
0x87: {  	[sflag:s9] =	ssyncadd.s32 $0xFFFFC000  }
0x88: {  	[spmem:s1] =	stream.indirect.scatter.add.f32 [tilespmem:s10], [sflag:$0x1], $0x80, s2, s10, $0xb8;
	[tilespmem:$0xC080] =	vst v63  }
0x89: {  	_ =	swait.ge [sflag:s9], $0x4000  }
0x8a: {  	[sflag:s9] =	ssyncset.done $0x0  }
0x8b: {  	s31 =	sshll.u32 s3, $0x6;
	[sflag:s9] =	ssyncadd.s32 $0xFFFFC000  }
0x8c: {  	s13 =	sor.u32 $0x1C01, s31;
	s12 =	sshrl.u32 s5, $0x3;
	[bflag:$0x0] =	sbarrier.arrive $0xFFFF  }
0x8d: {  	[hbm:s7], [sflag:s13] =	dma.local [spmem:s12], $0x800  }
0x8e: {  	_ =	swait.ge [sflag:s9], $0x800  }
0x8f: {  	s15 =	simm.s32 $0x1000;
	s16 =	smov.u32 s7;
	[sflag:s9] =	ssyncset.done $0x0  }
0x90: {  	s17 =	smov.u32 s8;
	s14 =	simm.s32 $0x80000;
	[sflag:s9] =	ssyncadd.s32 $0xFFFFF800  }
.LBB2_4:
0x91: {  	[bflag:$0x0] =	sbarrier.arrive $0xFFFF  }
0x92: {  	s18 =	rddreg [dreg:$0xc]  }
0x93: {  	[spmem:s5] =	stream.linear.scatter [tilespmem:s18], [sflag:$0x1], $0x4000, $0x38;
	[tilespmem:$0xC080] =	vst v63  }
0x94: {  	_ =	swait.ge [sflag:s9], $0x4000  }
0x95: {  	[sflag:s9] =	ssyncset.done $0x0  }
0x96: {  	s17 =	sadd.s32 $0x20, s17;
	[sflag:s9] =	ssyncadd.s32 $0xFFFFC000  }
0x97: {  	s20 =	sand.u32 $0xC000, s15;
	s21 =	sand.u32 $0x70, s17;
	[bflag:$0x0] =	sbarrier.arrive $0xFFFF  }
0x98: {  	s20 =	sor.u32 s21, s20;
	s25 =	rddreg [dreg:$0x3]  }
0x99: {  	s18 =	sadd.s32 s25, s20  }
0x9a: {  	s20 =	sadd.s32 s4, s18  }
0x9b: {  	[tilespmem:s2], [sflag:$0x1] =	stream.linear.gather [hbm4b:s20+s2], $0x80, $0x38;
	[tilespmem:$0xC080] =	vst v63  }
0x9c: {  	_ =	swait.ge [sflag:s9], $0x80  }
0x9d: {  	s19 =	smov.u32 s14;
	s26 =	rddreg [dreg:$0xb];
	[sflag:s9] =	ssyncset.done $0x0  }
0x9e: {  	[sflag:s9] =	ssyncadd.s32 $0xFFFFFF80;
	s19 =	sadd.s32 s19, s26  }
0x9f: {  	[tilespmem:s10], [sflag:$0x1] =	stream.linear.gather [hbm4b:s19+s2], $0x4000, $0x38;
	[tilespmem:$0xC080] =	vst v63  }
0xa0: {  	_ =	swait.ge [sflag:s9], $0x4000  }
0xa1: {  	[sflag:s9] =	ssyncset.done $0x0  }
0xa2: {  	[sflag:s9] =	ssyncadd.s32 $0xFFFFC000  }
0xa3: {  	[spmem:s1] =	stream.indirect.scatter.add.f32 [tilespmem:s10], [sflag:$0x1], $0x80, s2, s10, $0xb8;
	[tilespmem:$0xC080] =	vst v63  }
0xa4: {  	_ =	swait.ge [sflag:s9], $0x4000  }
0xa5: {  	s28 =	rddreg [dreg:$0x4];
	[sflag:s9] =	ssyncset.done $0x0  }
0xa6: {  	[sflag:s9] =	ssyncadd.s32 $0xFFFFC000;
	s20 =	sadd.s32 s28, s18  }
0xa7: {  	[tilespmem:s2], [sflag:$0x1] =	stream.linear.gather [hbm4b:s20+s2], $0x80, $0x38;
	[tilespmem:$0xC080] =	vst v63  }
0xa8: {  	_ =	swait.ge [sflag:s9], $0x80  }
0xa9: {  	[sflag:s9] =	ssyncset.done $0x0  }
0xaa: {  	s29 =	sadd.s32 $0x800, s19;
	[sflag:s9] =	ssyncadd.s32 $0xFFFFFF80  }
0xab: {  	[tilespmem:s10], [sflag:$0x1] =	stream.linear.gather [hbm4b:s29+s2], $0x4000, $0x38;
	[tilespmem:$0xC080] =	vst v63  }
0xac: {  	_ =	swait.ge [sflag:s9], $0x4000  }
0xad: {  	[sflag:s9] =	ssyncset.done $0x0  }
0xae: {  	[sflag:s9] =	ssyncadd.s32 $0xFFFFC000  }
0xaf: {  	[spmem:s1] =	stream.indirect.scatter.add.f32 [tilespmem:s10], [sflag:$0x1], $0x80, s2, s10, $0xb8;
	[tilespmem:$0xC080] =	vst v63  }
0xb0: {  	_ =	swait.ge [sflag:s9], $0x4000  }
0xb1: {  	s30 =	rddreg [dreg:$0x5];
	[sflag:s9] =	ssyncset.done $0x0  }
0xb2: {  	[sflag:s9] =	ssyncadd.s32 $0xFFFFC000;
	s20 =	sadd.s32 s30, s18  }
0xb3: {  	[tilespmem:s2], [sflag:$0x1] =	stream.linear.gather [hbm4b:s20+s2], $0x80, $0x38;
	[tilespmem:$0xC080] =	vst v63  }
0xb4: {  	_ =	swait.ge [sflag:s9], $0x80  }
0xb5: {  	[sflag:s9] =	ssyncset.done $0x0  }
0xb6: {  	s31 =	sadd.s32 $0x1000, s19;
	[sflag:s9] =	ssyncadd.s32 $0xFFFFFF80  }
0xb7: {  	[tilespmem:s10], [sflag:$0x1] =	stream.linear.gather [hbm4b:s31+s2], $0x4000, $0x38;
	[tilespmem:$0xC080] =	vst v63  }
0xb8: {  	_ =	swait.ge [sflag:s9], $0x4000  }
0xb9: {  	[sflag:s9] =	ssyncset.done $0x0  }
0xba: {  	[sflag:s9] =	ssyncadd.s32 $0xFFFFC000  }
0xbb: {  	[spmem:s1] =	stream.indirect.scatter.add.f32 [tilespmem:s10], [sflag:$0x1], $0x80, s2, s10, $0xb8;
	[tilespmem:$0xC080] =	vst v63  }
0xbc: {  	_ =	swait.ge [sflag:s9], $0x4000  }
0xbd: {  	s21 =	rddreg [dreg:$0x6];
	[sflag:s9] =	ssyncset.done $0x0  }
0xbe: {  	[sflag:s9] =	ssyncadd.s32 $0xFFFFC000;
	s20 =	sadd.s32 s21, s18  }
0xbf: {  	[tilespmem:s2], [sflag:$0x1] =	stream.linear.gather [hbm4b:s20+s2], $0x80, $0x38;
	[tilespmem:$0xC080] =	vst v63  }
0xc0: {  	_ =	swait.ge [sflag:s9], $0x80  }
0xc1: {  	[sflag:s9] =	ssyncset.done $0x0  }
0xc2: {  	s22 =	sadd.s32 $0x1800, s19;
	[sflag:s9] =	ssyncadd.s32 $0xFFFFFF80  }
0xc3: {  	[tilespmem:s10], [sflag:$0x1] =	stream.linear.gather [hbm4b:s22+s2], $0x4000, $0x38;
	[tilespmem:$0xC080] =	vst v63  }
0xc4: {  	_ =	swait.ge [sflag:s9], $0x4000  }
0xc5: {  	[sflag:s9] =	ssyncset.done $0x0  }
0xc6: {  	[sflag:s9] =	ssyncadd.s32 $0xFFFFC000  }
0xc7: {  	[spmem:s1] =	stream.indirect.scatter.add.f32 [tilespmem:s10], [sflag:$0x1], $0x80, s2, s10, $0xb8;
	[tilespmem:$0xC080] =	vst v63  }
0xc8: {  	_ =	swait.ge [sflag:s9], $0x4000  }
0xc9: {  	s23 =	rddreg [dreg:$0x7];
	[sflag:s9] =	ssyncset.done $0x0  }
0xca: {  	[sflag:s9] =	ssyncadd.s32 $0xFFFFC000;
	s20 =	sadd.s32 s23, s18  }
0xcb: {  	[tilespmem:s2], [sflag:$0x1] =	stream.linear.gather [hbm4b:s20+s2], $0x80, $0x38;
	[tilespmem:$0xC080] =	vst v63  }
0xcc: {  	_ =	swait.ge [sflag:s9], $0x80  }
0xcd: {  	[sflag:s9] =	ssyncset.done $0x0  }
0xce: {  	s24 =	sadd.s32 $0x2000, s19;
	[sflag:s9] =	ssyncadd.s32 $0xFFFFFF80  }
0xcf: {  	[tilespmem:s10], [sflag:$0x1] =	stream.linear.gather [hbm4b:s24+s2], $0x4000, $0x38;
	[tilespmem:$0xC080] =	vst v63  }
0xd0: {  	_ =	swait.ge [sflag:s9], $0x4000  }
0xd1: {  	[sflag:s9] =	ssyncset.done $0x0  }
0xd2: {  	[sflag:s9] =	ssyncadd.s32 $0xFFFFC000  }
0xd3: {  	[spmem:s1] =	stream.indirect.scatter.add.f32 [tilespmem:s10], [sflag:$0x1], $0x80, s2, s10, $0xb8;
	[tilespmem:$0xC080] =	vst v63  }
0xd4: {  	_ =	swait.ge [sflag:s9], $0x4000  }
0xd5: {  	s25 =	rddreg [dreg:$0x8];
	[sflag:s9] =	ssyncset.done $0x0  }
0xd6: {  	[sflag:s9] =	ssyncadd.s32 $0xFFFFC000;
	s20 =	sadd.s32 s25, s18  }
0xd7: {  	[tilespmem:s2], [sflag:$0x1] =	stream.linear.gather [hbm4b:s20+s2], $0x80, $0x38;
	[tilespmem:$0xC080] =	vst v63  }
0xd8: {  	_ =	swait.ge [sflag:s9], $0x80  }
0xd9: {  	[sflag:s9] =	ssyncset.done $0x0  }
0xda: {  	s26 =	sadd.s32 $0x2800, s19;
	[sflag:s9] =	ssyncadd.s32 $0xFFFFFF80  }
0xdb: {  	[tilespmem:s10], [sflag:$0x1] =	stream.linear.gather [hbm4b:s26+s2], $0x4000, $0x38;
	[tilespmem:$0xC080] =	vst v63  }
0xdc: {  	_ =	swait.ge [sflag:s9], $0x4000  }
0xdd: {  	[sflag:s9] =	ssyncset.done $0x0  }
0xde: {  	[sflag:s9] =	ssyncadd.s32 $0xFFFFC000  }
0xdf: {  	[spmem:s1] =	stream.indirect.scatter.add.f32 [tilespmem:s10], [sflag:$0x1], $0x80, s2, s10, $0xb8;
	[tilespmem:$0xC080] =	vst v63  }
0xe0: {  	_ =	swait.ge [sflag:s9], $0x4000  }
0xe1: {  	s28 =	rddreg [dreg:$0x9];
	[sflag:s9] =	ssyncset.done $0x0  }
0xe2: {  	[sflag:s9] =	ssyncadd.s32 $0xFFFFC000;
	s20 =	sadd.s32 s28, s18  }
0xe3: {  	[tilespmem:s2], [sflag:$0x1] =	stream.linear.gather [hbm4b:s20+s2], $0x80, $0x38;
	[tilespmem:$0xC080] =	vst v63  }
0xe4: {  	_ =	swait.ge [sflag:s9], $0x80  }
0xe5: {  	[sflag:s9] =	ssyncset.done $0x0  }
0xe6: {  	s29 =	sadd.s32 $0x3000, s19;
	[sflag:s9] =	ssyncadd.s32 $0xFFFFFF80  }
0xe7: {  	[tilespmem:s10], [sflag:$0x1] =	stream.linear.gather [hbm4b:s29+s2], $0x4000, $0x38;
	[tilespmem:$0xC080] =	vst v63  }
0xe8: {  	_ =	swait.ge [sflag:s9], $0x4000  }
0xe9: {  	[sflag:s9] =	ssyncset.done $0x0  }
0xea: {  	[sflag:s9] =	ssyncadd.s32 $0xFFFFC000  }
0xeb: {  	[spmem:s1] =	stream.indirect.scatter.add.f32 [tilespmem:s10], [sflag:$0x1], $0x80, s2, s10, $0xb8;
	[tilespmem:$0xC080] =	vst v63  }
0xec: {  	_ =	swait.ge [sflag:s9], $0x4000  }
0xed: {  	s30 =	rddreg [dreg:$0xa];
	[sflag:s9] =	ssyncset.done $0x0  }
0xee: {  	[sflag:s9] =	ssyncadd.s32 $0xFFFFC000;
	s18 =	sadd.s32 s30, s18  }
0xef: {  	[tilespmem:s2], [sflag:$0x1] =	stream.linear.gather [hbm4b:s18+s2], $0x80, $0x38;
	[tilespmem:$0xC080] =	vst v63  }
0xf0: {  	_ =	swait.ge [sflag:s9], $0x80  }
0xf1: {  	[sflag:s9] =	ssyncset.done $0x0  }
0xf2: {  	s31 =	sadd.s32 $0x3800, s19;
	[sflag:s9] =	ssyncadd.s32 $0xFFFFFF80  }
0xf3: {  	[tilespmem:s10], [sflag:$0x1] =	stream.linear.gather [hbm4b:s31+s2], $0x4000, $0x38;
	[tilespmem:$0xC080] =	vst v63  }
0xf4: {  	_ =	swait.ge [sflag:s9], $0x4000  }
0xf5: {  	[sflag:s9] =	ssyncset.done $0x0  }
0xf6: {  	[sflag:s9] =	ssyncadd.s32 $0xFFFFC000  }
0xf7: {  	[spmem:s1] =	stream.indirect.scatter.add.f32 [tilespmem:s10], [sflag:$0x1], $0x80, s2, s10, $0xb8;
	[tilespmem:$0xC080] =	vst v63  }
0xf8: {  	_ =	swait.ge [sflag:s9], $0x4000  }
0xf9: {  	[sflag:s9] =	ssyncset.done $0x0  }
0xfa: {  	p0 =	sne.s32 s14, $0x780000;
	[sflag:s9] =	ssyncadd.s32 $0xFFFFC000  }
.Ltmp1:
0xfb: {  	s16 =	sadd.s32 $0x10000, s16;
	[bflag:$0x0] =	sbarrier.arrive $0xFFFF;
	(pc) =	sbr.rel @p0 .LBB2_4-.Ltmp1, $4  }
0xfc: {  	[hbm:s16], [sflag:s13] =	dma.local [spmem:s12], $0x800  }
0xfd: {  	_ =	swait.ge [sflag:s9], $0x800  }
0xfe: {  	[sflag:s9] =	ssyncset.done $0x0  }
0xff: {  	s14 =	sadd.s32 $0x80000, s14;
	s15 =	sadd.s32 $0x1000, s15;
	[sflag:s9] =	ssyncadd.s32 $0xFFFFF800  }
0x100: {  	s11 =	sadd.s32 $0x1, s11  }
0x101: {  	p0 =	sne.s32 s11, s6  }
.Ltmp2:
0x102: {  	_ = 	snop;
	(pc) =	sbr.rel @p0 .LBB2_1-.Ltmp2, $2  }
0x103: {  	_ =	sdelay $0x1  }
0x104: {  	[bflag:$0x0] =	sbarrier.arrive $0xFFFF;
	_ =	sdelay $0x1  }
0x105: {  	_ =	sfence.sel $0x180000  }
0x106: {  	[bflag:$0x0] =	sbarrier.arrive $0xFFFF  }
0x107: {  	p0 =	sne.s32 s3, $0x0;
	_ =	strace $0x9000004A  }
0x108: {  	s0 =	sadd.s32 @!p0 $0x100000, s0;
	[bflag:$0x2] =	sbarrier.arrive $0xFFFF  }
0x109: {  	[sflag:s0] =	ssyncadd.tile.s32 @!p0 $0x1;
	_ =	shalt  }
.Lfunc_end2:
_tile_overlayer_lowered:
.L_overlay_start_2:
0x10a: {  	(tag) =	ssettag $0x2  }
0x10b: {  	s0 =	rddreg [dreg:$0x0];
	s2 =	stileid.u32  }
0x10c: {  	s1 =	rddreg [dreg:$0x1];
	p0 =	sne.s32 s2, $0x0  }
0x10d: {  	s3 =	rddreg [dreg:$0x2];
	[bflag:$0x3] =	sbarrier.arrive $0xFFFF;
	s2 =	simm.s32 @!p0 $0x1C01  }
0x10e: {  	[timem:s3], [sflag:s2] =	dma.local @!p0 [hbm:s0], s1  }
0x10f: {  	s0 =	simm.s32 @!p0 $0x1  }
0x110: {  	_ =	swait.ge @!p0 [sflag:s0], s1  }
0x111: {  	s1 =	ssub.s32 @!p0 $0x0, s1;
	[sflag:s0] =	ssyncset.done @!p0 $0x0  }
0x112: {  	[sflag:s0] =	ssyncadd.s32 @!p0 s1  }
0x113: {  	[bflag:$0x3] =	sbarrier.arrive $0xFFFF  }
0x114: {  	_ =	shalt  }

// kernel: kernel.22.cloned.1.call-start
scs
__scs_entry_jumppad:
0x0: {  	(pc) =	sbr.rel $0x88, $3  }
0x1: {  	(tag) =	ssettag $0x0;
	lr =	simm.s32 $0x1  }
0x2: {  	[smem:$0x3F8A] =	sst lr;
	_ =	strace $0xD0000000  }
0x3: {  	_ = 	snop  }
0x4: {  	_ = 	snop  }
0x5: {  	_ = 	snop  }
0x6: {  	_ = 	snop  }
0x7: {  	_ = 	snop  }
__scs_overlays_trampoline_lowered:
0x8: {  	[smem:$0x3F99] =	sst s0  }
0x9: {  	[smem:$0x3F9A] =	sst s1  }
0xa: {  	[smem:$0x3F9B] =	sst s2  }
0xb: {  	[smem:$0x3F9C] =	sst s3  }
0xc: {  	[smem:$0x3F9D] =	sst s4  }
0xd: {  	[smem:$0x3F9E] =	sst s5  }
0xe: {  	[smem:$0x3F9F] =	sst s6  }
0xf: {  	[smem:$0x3FA0] =	sst s7  }
0x10: {  	[smem:$0x3FA1] =	sst s8  }
0x11: {  	[smem:$0x3FA2] =	sst s9;
	s0 =	simm.s32 @!p0 $0x0  }
0x12: {  	s1 =	sld [smem:$0x3F88];
	s0 =	simm.s32 @p0 $0x1  }
0x13: {  	[smem:$0x3FA3] =	sst s0;
	s0 =	simm.s32 @!p1 $0x0  }
0x14: {  	s2 =	sld [smem:$0x3F87];
	s0 =	simm.s32 @p1 $0x1  }
0x15: {  	[smem:$0x3FA4] =	sst s0;
	s0 =	simm.s32 @!p2 $0x0  }
0x16: {  	s3 =	sld [smem:$0x3FDB];
	s0 =	simm.s32 @p2 $0x1  }
0x17: {  	s4 =	simm.s32 $0x1BF5;
	[smem:$0x3FA6] =	sst s0  }
0x18: {  	s0 =	sld [smem:$0x3F89];
	_ =	swait.ge [sflag:s4], $0x0  }
0x19: {  	s7 =	sld [smem:$0x3F8A]  }
0x1a: {  	s8 =	sadd.s32 $0xFFFFE003, lr  }
0x1b: {  	s9 =	sadd.s32 $0xFFFFFEF7, lr;
	s5 =	simm.s32 $0xFFFFFFFF;
	p2 =	slt.u32 s8, $0xFFFFF086  }
0x1c: {  	p1 =	slt.u32 s9, $0xF7A;
	s5 =	simm.s32 @!p2 $0x0  }
0x1d: {  	s5 =	simm.s32 @p1 $0x1;
	p0 =	seq.s32 s7, s2  }
0x1e: {  	s7 =	smul.u32 @!p0 $0xF7A, s2;
	p2 =	seq.s32 @!p0 s5, $0x0  }
0x1f: {  	s9 =	smul.u32 $0xF7A, s1;
	s8 =	simm.s32 @!p0 $0x1BF5;
	p2 =	por !p2, p0  }
0x20: {  	[sflag:s8] =	ssyncset.s32 @!p0 $0xFFFFF086;
	s6 =	sadd.s32 @!p0 s3, s7;
	s7 =	simm.s32 @!p0 $0x108  }
0x21: {  	s3 =	sadd.s32 s3, s9;
	s6 =	sadd.s32 @!p0 $0x88, s6;
	s7 =	simm.s32 @p2 $0x1082  }
0x22: {  	[simem:s7], [sflag:s8] =	dma.local @!p0 [hbm:s6], $0xF7A  }
0x23: {  	s9 =	sor.u32 $0xD0000000, s2;
	s6 =	simm.s32 $0x108;
	_ =	swait.ge @!p0 [sflag:s8], $0x0  }
0x24: {  	s3 =	sadd.s32 $0x88, s3;
	s6 =	simm.s32 @!p1 $0x1082;
	[sflag:s4] =	ssyncset.s32 $0xFFFFF086  }
0x25: {  	[simem:s6], [sflag:s4] =	dma.local [hbm:s3], $0xF7A  }
0x26: {  	[smem:$0x3F8A] =	sst s1;
	(tag) =	ssettag s2;
	_ =	strace s9  }
0x27: {  	s1 =	sld [smem:$0x3F9A]  }
0x28: {  	s2 =	sld [smem:$0x3F9B]  }
0x29: {  	s4 =	sld [smem:$0x3F9D]  }
0x2a: {  	p0 =	seq.s32 s5, $0x0;
	s5 =	sld [smem:$0x3F9E]  }
0x2b: {  	s6 =	sld [smem:$0x3F9F]  }
0x2c: {  	s7 =	sld [smem:$0x3FA0]  }
0x2d: {  	s3 =	simm.s32 $0x108;
	s8 =	sld [smem:$0x3FA1]  }
0x2e: {  	s3 =	simm.s32 @!p0 $0x1082;
	s9 =	sld [smem:$0x3FA2]  }
0x2f: {  	lr =	sadd.s32 s0, s3;
	s0 =	sld [smem:$0x3F99]  }
0x30: {  	s3 =	sld [smem:$0x3F9C]  }
0x31: {  	[smem:$0x3FA5] =	sst s10  }
0x32: {  	s10 =	sld [smem:$0x3FA3];
	_ =	sdelay $0x3  }
0x33: {  	p0 =	seq.s32 s10, $0x1;
	s10 =	sld [smem:$0x3FA5];
	_ =	sdelay $0x3  }
0x34: {  	[smem:$0x3FA5] =	sst s10  }
0x35: {  	s10 =	sld [smem:$0x3FA4];
	_ =	sdelay $0x3  }
0x36: {  	p1 =	seq.s32 s10, $0x1;
	s10 =	sld [smem:$0x3FA5];
	_ =	sdelay $0x3  }
0x37: {  	[smem:$0x3FA5] =	sst s10  }
0x38: {  	s10 =	sld [smem:$0x3FA6]  }
0x39: {  	_ = 	snop;
	(pc) =	sbr.ind lr, $3  }
0x3a: {  	_ = 	snop  }
0x3b: {  	_ = 	snop  }
0x3c: {  	p2 =	seq.s32 s10, $0x1;
	s10 =	sld [smem:$0x3FA5]  }
0x3d: {  	_ =	shalt  }
0x3e: {  	_ =	shalt  }
0x3f: {  	_ =	shalt  }
0x40: {  	_ =	shalt  }
0x41: {  	_ =	shalt  }
0x42: {  	_ =	shalt  }
0x43: {  	_ =	shalt  }
0x44: {  	_ =	shalt  }
0x45: {  	_ =	shalt  }
0x46: {  	_ =	shalt  }
0x47: {  	_ =	shalt  }
0x48: {  	_ =	shalt  }
0x49: {  	_ =	shalt  }
0x4a: {  	_ =	shalt  }
0x4b: {  	_ =	shalt  }
0x4c: {  	_ =	shalt  }
0x4d: {  	_ =	shalt  }
0x4e: {  	_ =	shalt  }
0x4f: {  	_ =	shalt  }
0x50: {  	_ =	shalt  }
0x51: {  	_ =	shalt  }
0x52: {  	_ =	shalt  }
0x53: {  	_ =	shalt  }
0x54: {  	_ =	shalt  }
0x55: {  	_ =	shalt  }
0x56: {  	_ =	shalt  }
0x57: {  	_ =	shalt  }
0x58: {  	_ =	shalt  }
0x59: {  	_ =	shalt  }
0x5a: {  	_ =	shalt  }
0x5b: {  	_ =	shalt  }
0x5c: {  	_ =	shalt  }
0x5d: {  	_ =	shalt  }
0x5e: {  	_ =	shalt  }
0x5f: {  	_ =	shalt  }
0x60: {  	_ =	shalt  }
0x61: {  	_ =	shalt  }
0x62: {  	_ =	shalt  }
0x63: {  	_ =	shalt  }
0x64: {  	_ =	shalt  }
0x65: {  	_ =	shalt  }
0x66: {  	_ =	shalt  }
0x67: {  	_ =	shalt  }
0x68: {  	_ =	shalt  }
0x69: {  	_ =	shalt  }
0x6a: {  	_ =	shalt  }
0x6b: {  	_ =	shalt  }
0x6c: {  	_ =	shalt  }
0x6d: {  	_ =	shalt  }
0x6e: {  	_ =	shalt  }
0x6f: {  	_ =	shalt  }
0x70: {  	_ =	shalt  }
0x71: {  	_ =	shalt  }
0x72: {  	_ =	shalt  }
0x73: {  	_ =	shalt  }
0x74: {  	_ =	shalt  }
0x75: {  	_ =	shalt  }
0x76: {  	_ =	shalt  }
0x77: {  	_ =	shalt  }
0x78: {  	_ =	shalt  }
0x79: {  	_ =	shalt  }
0x7a: {  	_ =	shalt  }
0x7b: {  	_ =	shalt  }
0x7c: {  	_ =	shalt  }
0x7d: {  	_ =	shalt  }
0x7e: {  	_ =	shalt  }
0x7f: {  	_ =	shalt  }
0x80: {  	_ =	shalt  }
0x81: {  	_ =	shalt  }
0x82: {  	_ =	shalt  }
0x83: {  	_ =	shalt  }
0x84: {  	_ =	shalt  }
0x85: {  	_ =	shalt  }
0x86: {  	_ =	shalt  }
0x87: {  	_ =	shalt  }
.Lfunc_end0:
.L_simem_size_0:
called_computation.2_lowered:
.L_overlay_start_0:
0x88: {  	s2 =	sld [smem:$0x3FD9]  }
0x89: {  	s3 =	sld [smem:$0x3FFE];
	_ =	sdelay $0x1  }
0x8a: {  	s1 =	srdreg.scid  }
0x8b: {  	s0 =	sand.u32 $0x1, s1  }
0x8c: {  	s17 =	sshll.u32 s0, $0xA;
	s2 =	sadd.s32 s3, s2  }
0x8d: {  	s2 =	sadd.s32 s2, s17  }
0x8e: {  	[smem:$0x3FB1] =	sst s2  }
0x8f: {  	_ = 	snop  }
0x90: {  	s2 =	sld [smem:$0x3FC7];
	(tm) =	ssettm $0x1  }
0x91: {  	s18 =	sld [smem:$0x3FFB];
	_ =	sdelay $0x3  }
0x92: {  	_ =	strace s18  }
0x93: {  	s3 =	sld [smem:$0x3FFC];
	_ =	sdelay $0x3  }
0x94: {  	_ =	strace s3  }
0x95: {  	s3 =	sld [smem:$0x3FFD];
	_ =	sdelay $0x3  }
0x96: {  	_ =	strace s3  }
0x97: {  	_ =	strace $0x8FFFFFFF  }
0x98: {  	s19 =	sld [smem:$0x3FDB];
	_ =	sdelay $0x1  }
0x99: {  	s4 =	simm.s32 $_scs_section_size  }
0x9a: {  	s5 =	simm.s32 $_size__tile_overlayer_lowered;
	s6 =	simm.s32 $_tile_overlayer_lowered  }
0x9b: {  	s22 =	simm.s32 $0x1BFF;
	s21 =	sshll.u32 s6, $0x1;
	s3 =	sadd.s32 s4, s19  }
0x9c: {  	s7 =	simm.s32 $0x0;
	s20 =	sshll.u32 s5, $0x1;
	s5 =	sadd.s32 s21, s3  }
0x9d: {  	[timem:s7], [sflag:s22] =	dma.local [hbm:s5], s20  }
0x9e: {  	_ =	swait.ge [sflag:s22], s20  }
0x9f: {  	s4 =	ssub.s32 $0x0, s20;
	[sflag:s22] =	ssyncset.done $0x0  }
0xa0: {  	[sflag:s22] =	ssyncadd.s32 s4;
	_ =	sdelay $0x1  }
0xa1: {  	s23 =	simm.s32 $0x1B8B  }
0xa2: {  	_ =	swait.ge [sflag:s23], $0x1  }
0xa3: {  	[sflag:s23] =	ssyncset.done $0x0  }
0xa4: {  	s25 =	simm.s32 $0x1B8E;
	s24 =	sld [smem:$0x3FFE];
	[sflag:s23] =	ssyncadd.s32 $0xFFFFFFFF  }
0xa5: {  	s26 =	simm.s32 $execute0_lowered;
	[smem:$0x3FD2] =	sst s25  }
0xa6: {  	s5 =	sshll.u32 s26, $0x1;
	_ =	strace $0x8000004C;
	[dreg:$0x1] =	wrdreg $0xFFFFFFFF  }
0xa7: {  	s28 =	simm.s32 $_size_execute0_lowered;
	s3 =	sadd.s32 s3, s5;
	[dreg:$0x0] =	wrdreg $0x0  }
0xa8: {  	s5 =	sshll.u32 s28, $0x1;
	[dreg:$0x2] =	wrdreg s3  }
0xa9: {  	[dreg:$0x3] =	wrdreg s5  }
0xaa: {  	[dreg:$0x4] =	wrdreg $0xC0  }
0xab: {  	_ =	task [dreg:s7], $0x5FFFF  }
0xac: {  	[dreg:$0x1] =	wrdreg $0xFFFFFFFF  }
0xad: {  	[dreg:$0x0] =	wrdreg $0x60  }
0xae: {  	[dreg:$0x2] =	wrdreg s24  }
0xaf: {  	[dreg:$0x3] =	wrdreg s2  }
0xb0: {  	[dreg:$0x4] =	wrdreg $0x9  }
0xb1: {  	_ =	task.clear_ibuf [dreg:s7], $0x5FFFF;
	_ =	strace $0x9000004C  }
0xb2: {  	s29 =	simm.s32 $0x9;
	_ =	strace $0x8000004E  }
0xb3: {  	_ =	swait.ge [sflag:s29], $0x1  }
0xb4: {  	[sflag:s29] =	ssyncadd.s32 $0xFFFFFFFF  }
0xb5: {  	_ =	strace $0x9000004E  }
0xb6: {  	_ =	sfence  }
0xb7: {  	s30 =	sld [smem:$0x0];
	_ =	sdelay $0x2  }
0xb8: {  	s31 =	sshll.u32 s1, $0xD;
	s1 =	sshrl.u32 s1, $0x2  }
0xb9: {  	s3 =	sand.u32 $0x4000, s31;
	s1 =	sadd.s32 s1, s30  }
0xba: {  	s0 =	sor.u32 s3, s0;
	s1 =	sshll.u32 s1, $0x11  }
0xbb: {  	s0 =	sor.u32 s1, s0  }
0xbc: {  	s0 =	sadd.s32 $0x8F2B, s0  }
0xbd: {  	[sflag:s0] =	ssyncadd.remote.s32 $0x1  }
0xbe: {  	_ =	sfence.sel $0xFFFF  }
0xbf: {  	[dreg:$0x0] =	wrdreg $0xFFFFFFFF;
	(pc) =	sbr.abs _section_cstart, $3  }
0xc0: {  	[dreg:$0x1] =	wrdreg $0xFFFFFFFF  }
0xc1: {  	_ =	task.clear_ibuf [dreg:s7], $0x2FFFF;
	_ =	strace $0x9FFFFFFF  }
0xc2: {  	(tm) =	ssettm $0x7FFFFFFF  }
0xc3: {  	_ =	shalt  }
tec
execute0_lowered:
.L_overlay_start_1:
0x0: {  	(tag) =	ssettag $0x1  }
0x1: {  	s0 =	rddreg [dreg:$0x0];
	s2 =	simm.s32 $0x0;
	s1 =	srdreg.scid  }
0x2: {  	s7 =	stileid.u32;
	s10 =	simm.s32 $0x3;
	s29 =	simm.s32 $0x8100  }
0x3: {  	s30 =	simm.s32 $0x8900;
	s31 =	simm.s32 $0x9100;
	s9 =	simm.s32 $0xA900  }
0x4: {  	s11 =	simm.s32 $0xC100;
	s12 =	simm.s32 $0xC900;
	s13 =	simm.s32 $0xD100  }
0x5: {  	s14 =	simm.s32 $0xD900;
	s15 =	simm.s32 $0xE100;
	s16 =	simm.s32 $0xE900  }
0x6: {  	s17 =	simm.s32 $0xF100;
	s18 =	simm.s32 $0xF900;
	s19 =	simm.s32 $0x1  }
0x7: {  	s20 =	simm.s32 $0x2;
	s21 =	simm.s32 $0x10100;
	s23 =	simm.s32 $0x0  }
0x8: {  	[smem:$0x7FF] =	sst s2;
	s1 =	sand.u32 $0x1, s1;
	s25 =	sshll.u32 s7, $0x1  }
0x9: {  	s4 =	sadd.s32 $0x437800, s0;
	s5 =	sadd.s32 $0xF800, s0;
	s6 =	sadd.s32 $0x27800, s0  }
0xa: {  	s7 =	sshll.u32 s7, $0xC;
	_ =	strace $0x8000004D;
	s2 =	sor.u32 s1, s25  }
0xb: {  	s1 =	ssub.s32 $0x2, s1;
	s3 =	sshll.u32 s2, $0x13;
	s2 =	sshll.u32 s2, $0x4  }
0xc: {  	s26 =	sshrl.u32 s1, $0x1;
	s0 =	sadd.s32 s3, s0;
	s2 =	sor.u32 s2, s7  }
0xd: {  	v2 =	vlaneseq.u32;
	s1 =	ssub.s32 s1, s26;
	s3 =	simm.s32 $0xB900;
	s7 =	sand.u32 $0xC070, s2  }
0xe: {  	vm0 =	vmmov $0xffff;
	v1 =	vshrl.u32 v2, $0x3;
	s8 =	sadd.s32 $0x637800, s0;
	s28 =	smax.u32 s1, $0x1;
	s0 =	simm.s32 $0x9900  }
0xf: {  	v0 =	vand.u32 $0x7, v2;
	v2 =	vor.u32 $0x8, v2;
	v1 =	vmul.u32 $0x8, v1;
	s1 =	simm.s32 $0xA100;
	s2 =	simm.s32 $0xB100;
	[dreg:$0x3] =	wrdreg s28  }
.LBB2_1:
0x10: {  	[dreg:$0x4] =	wrdreg s23;
	s22 =	simm.s32 $0x0  }
.LBB2_2:
0x11: {  	s23 =	sshll.u32 s22, $0x7  }
0x12: {  	s24 =	sadd.s32 s7, s23  }
0x13: {  	s23 =	simm.s32 $0x0;
	s25 =	sadd.s32 s6, s24  }
0x14: {  	[tilespmem:s23], [sflag:$0x3] =	stream.linear.gather [hbm4b:s25+s23], $0x80, $0x38;
	[tilespmem:$0x18100] =	vst v63  }
0x15: {  	_ =	swait.ge [sflag:s10], $0x80  }
0x16: {  	[sflag:s10] =	ssyncset.done $0x0  }
0x17: {  	[sflag:s10] =	ssyncadd.s32 $0xFFFFFF80  }
0x18: {  	s26 =	rddreg [dreg:$0x1]  }
0x19: {  	s28 =	simm.s32 $0x80;
	s24 =	sadd.s32 s26, s24  }
0x1a: {  	[tilespmem:s28], [sflag:$0x3] =	stream.linear.gather [hbm4b:s24+s23], $0x80, $0x38;
	[tilespmem:$0x18100] =	vst v63  }
0x1b: {  	_ =	swait.ge [sflag:s10], $0x80  }
0x1c: {  	[sflag:s10] =	ssyncset.done $0x0  }
0x1d: {  	[sflag:s10] =	ssyncadd.s32 $0xFFFFFF80  }
0x1e: {  	v3 =	vld [tilespmem:$0x0];
	_ =	sdelay $0x4  }
0x1f: {  	v4 =	vshll.u32 v3, $0x1  }
0x20: {  	v3 =	vand.u32 $0x7, v3;
	v4 =	vand.u32 $0xFFFFFFF0, v4  }
0x21: {  	v3 =	vor.u32 v3, v4  }
0x22: {  	v4 =	vperm.xlane v3, v0;
	_ =	sdelay $0x1  }
0x23: {  	v3 =	vperm.xlane v3, v2;
	v4 =	vadd.s32 v1, v4;
	_ =	sdelay $0x1  }
0x24: {  	v3 =	vadd.s32 v1, v3;
	_ =	sdelay $0x1  }
0x25: {  	s25 =	simm.s32 $0x100  }
0x26: {  	[tilespmem:s25], [sflag:$0x1] =	stream.indirect_vreg.gather [hbm4b:s4+s23], $0x80, v4, vm0, $0xb8;
	[tilespmem:$0x18100] =	vst v63  }
0x27: {  	s26 =	simm.s32 $0x900  }
0x28: {  	[tilespmem:s26], [sflag:$0x1] =	stream.indirect_vreg.gather [hbm4b:s4+s23], $0x80, v3, vm0, $0xb8;
	[tilespmem:$0x18100] =	vst v63  }
0x29: {  	v3 =	vld [tilespmem:$0x10];
	_ =	sdelay $0x4  }
0x2a: {  	v4 =	vshll.u32 v3, $0x1  }
0x2b: {  	v3 =	vand.u32 $0x7, v3;
	v4 =	vand.u32 $0xFFFFFFF0, v4  }
0x2c: {  	v3 =	vor.u32 v3, v4  }
0x2d: {  	v4 =	vperm.xlane v3, v0;
	_ =	sdelay $0x1  }
0x2e: {  	v3 =	vperm.xlane v3, v2;
	v4 =	vadd.s32 v1, v4;
	_ =	sdelay $0x1  }
0x2f: {  	v3 =	vadd.s32 v1, v3;
	_ =	sdelay $0x1  }
0x30: {  	s28 =	simm.s32 $0x1100  }
0x31: {  	[tilespmem:s28], [sflag:$0x1] =	stream.indirect_vreg.gather [hbm4b:s4+s23], $0x80, v4, vm0, $0xb8;
	[tilespmem:$0x18100] =	vst v63  }
0x32: {  	s25 =	simm.s32 $0x1900  }
0x33: {  	[tilespmem:s25], [sflag:$0x1] =	stream.indirect_vreg.gather [hbm4b:s4+s23], $0x80, v3, vm0, $0xb8;
	[tilespmem:$0x18100] =	vst v63  }
0x34: {  	v3 =	vld [tilespmem:$0x20];
	_ =	sdelay $0x4  }
0x35: {  	v4 =	vshll.u32 v3, $0x1  }
0x36: {  	v3 =	vand.u32 $0x7, v3;
	v4 =	vand.u32 $0xFFFFFFF0, v4  }
0x37: {  	v3 =	vor.u32 v3, v4  }
0x38: {  	v4 =	vperm.xlane v3, v0;
	_ =	sdelay $0x1  }
0x39: {  	v3 =	vperm.xlane v3, v2;
	v4 =	vadd.s32 v1, v4;
	_ =	sdelay $0x1  }
0x3a: {  	v3 =	vadd.s32 v1, v3;
	_ =	sdelay $0x1  }
0x3b: {  	s26 =	simm.s32 $0x2100  }
0x3c: {  	[tilespmem:s26], [sflag:$0x1] =	stream.indirect_vreg.gather [hbm4b:s4+s23], $0x80, v4, vm0, $0xb8;
	[tilespmem:$0x18100] =	vst v63  }
0x3d: {  	s28 =	simm.s32 $0x2900  }
0x3e: {  	[tilespmem:s28], [sflag:$0x1] =	stream.indirect_vreg.gather [hbm4b:s4+s23], $0x80, v3, vm0, $0xb8;
	[tilespmem:$0x18100] =	vst v63  }
0x3f: {  	v3 =	vld [tilespmem:$0x30];
	_ =	sdelay $0x4  }
0x40: {  	v4 =	vshll.u32 v3, $0x1  }
0x41: {  	v3 =	vand.u32 $0x7, v3;
	v4 =	vand.u32 $0xFFFFFFF0, v4  }
0x42: {  	v3 =	vor.u32 v3, v4  }
0x43: {  	v4 =	vperm.xlane v3, v0;
	_ =	sdelay $0x1  }
0x44: {  	v3 =	vperm.xlane v3, v2;
	v4 =	vadd.s32 v1, v4;
	_ =	sdelay $0x1  }
0x45: {  	v3 =	vadd.s32 v1, v3;
	_ =	sdelay $0x1  }
0x46: {  	s25 =	simm.s32 $0x3100  }
0x47: {  	[tilespmem:s25], [sflag:$0x1] =	stream.indirect_vreg.gather [hbm4b:s4+s23], $0x80, v4, vm0, $0xb8;
	[tilespmem:$0x18100] =	vst v63  }
0x48: {  	s26 =	simm.s32 $0x3900  }
0x49: {  	[tilespmem:s26], [sflag:$0x1] =	stream.indirect_vreg.gather [hbm4b:s4+s23], $0x80, v3, vm0, $0xb8;
	[tilespmem:$0x18100] =	vst v63  }
0x4a: {  	v3 =	vld [tilespmem:$0x40];
	_ =	sdelay $0x4  }
0x4b: {  	v4 =	vshll.u32 v3, $0x1  }
0x4c: {  	v3 =	vand.u32 $0x7, v3;
	v4 =	vand.u32 $0xFFFFFFF0, v4  }
0x4d: {  	v3 =	vor.u32 v3, v4  }
0x4e: {  	v4 =	vperm.xlane v3, v0;
	_ =	sdelay $0x1  }
0x4f: {  	v3 =	vperm.xlane v3, v2;
	v4 =	vadd.s32 v1, v4;
	_ =	sdelay $0x1  }
0x50: {  	v3 =	vadd.s32 v1, v3;
	_ =	sdelay $0x1  }
0x51: {  	s28 =	simm.s32 $0x4100  }
0x52: {  	[tilespmem:s28], [sflag:$0x1] =	stream.indirect_vreg.gather [hbm4b:s4+s23], $0x80, v4, vm0, $0xb8;
	[tilespmem:$0x18100] =	vst v63  }
0x53: {  	s25 =	simm.s32 $0x4900  }
0x54: {  	[tilespmem:s25], [sflag:$0x1] =	stream.indirect_vreg.gather [hbm4b:s4+s23], $0x80, v3, vm0, $0xb8;
	[tilespmem:$0x18100] =	vst v63  }
0x55: {  	v3 =	vld [tilespmem:$0x50];
	_ =	sdelay $0x4  }
0x56: {  	v4 =	vshll.u32 v3, $0x1  }
0x57: {  	v3 =	vand.u32 $0x7, v3;
	v4 =	vand.u32 $0xFFFFFFF0, v4  }
0x58: {  	v3 =	vor.u32 v3, v4  }
0x59: {  	v4 =	vperm.xlane v3, v0;
	_ =	sdelay $0x1  }
0x5a: {  	v3 =	vperm.xlane v3, v2;
	v4 =	vadd.s32 v1, v4;
	_ =	sdelay $0x1  }
0x5b: {  	v3 =	vadd.s32 v1, v3;
	_ =	sdelay $0x1  }
0x5c: {  	s26 =	simm.s32 $0x5100  }
0x5d: {  	[tilespmem:s26], [sflag:$0x1] =	stream.indirect_vreg.gather [hbm4b:s4+s23], $0x80, v4, vm0, $0xb8;
	[tilespmem:$0x18100] =	vst v63  }
0x5e: {  	s28 =	simm.s32 $0x5900  }
0x5f: {  	[tilespmem:s28], [sflag:$0x1] =	stream.indirect_vreg.gather [hbm4b:s4+s23], $0x80, v3, vm0, $0xb8;
	[tilespmem:$0x18100] =	vst v63  }
0x60: {  	v3 =	vld [tilespmem:$0x60];
	_ =	sdelay $0x4  }
0x61: {  	v4 =	vshll.u32 v3, $0x1  }
0x62: {  	v3 =	vand.u32 $0x7, v3;
	v4 =	vand.u32 $0xFFFFFFF0, v4  }
0x63: {  	v3 =	vor.u32 v3, v4  }
0x64: {  	v4 =	vperm.xlane v3, v0;
	_ =	sdelay $0x1  }
0x65: {  	v3 =	vperm.xlane v3, v2;
	v4 =	vadd.s32 v1, v4;
	_ =	sdelay $0x1  }
0x66: {  	v3 =	vadd.s32 v1, v3;
	_ =	sdelay $0x1  }
0x67: {  	s25 =	simm.s32 $0x6100  }
0x68: {  	[tilespmem:s25], [sflag:$0x1] =	stream.indirect_vreg.gather [hbm4b:s4+s23], $0x80, v4, vm0, $0xb8;
	[tilespmem:$0x18100] =	vst v63  }
0x69: {  	s26 =	simm.s32 $0x6900  }
0x6a: {  	[tilespmem:s26], [sflag:$0x1] =	stream.indirect_vreg.gather [hbm4b:s4+s23], $0x80, v3, vm0, $0xb8;
	[tilespmem:$0x18100] =	vst v63  }
0x6b: {  	v3 =	vld [tilespmem:$0x70];
	_ =	sdelay $0x4  }
0x6c: {  	v4 =	vshll.u32 v3, $0x1  }
0x6d: {  	v3 =	vand.u32 $0x7, v3;
	v4 =	vand.u32 $0xFFFFFFF0, v4  }
0x6e: {  	v3 =	vor.u32 v3, v4  }
0x6f: {  	v4 =	vperm.xlane v3, v0;
	_ =	sdelay $0x1  }
0x70: {  	v3 =	vperm.xlane v3, v2;
	v4 =	vadd.s32 v1, v4;
	_ =	sdelay $0x1  }
0x71: {  	v3 =	vadd.s32 v1, v3;
	_ =	sdelay $0x1  }
0x72: {  	s28 =	simm.s32 $0x7100  }
0x73: {  	[tilespmem:s28], [sflag:$0x1] =	stream.indirect_vreg.gather [hbm4b:s4+s23], $0x80, v4, vm0, $0xb8;
	[tilespmem:$0x18100] =	vst v63  }
0x74: {  	s25 =	simm.s32 $0x7900  }
0x75: {  	[tilespmem:s25], [sflag:$0x1] =	stream.indirect_vreg.gather [hbm4b:s4+s23], $0x80, v3, vm0, $0xb8;
	[tilespmem:$0x18100] =	vst v63  }
0x76: {  	v3 =	vld [tilespmem:$0x80];
	_ =	sdelay $0x4  }
0x77: {  	v4 =	vshll.u32 v3, $0x1  }
0x78: {  	v3 =	vand.u32 $0x7, v3;
	v4 =	vand.u32 $0xFFFFFFF0, v4  }
0x79: {  	v3 =	vor.u32 v3, v4  }
0x7a: {  	v4 =	vperm.xlane v3, v0;
	_ =	sdelay $0x1  }
0x7b: {  	v3 =	vperm.xlane v3, v2;
	v4 =	vadd.s32 v1, v4;
	_ =	sdelay $0x1  }
0x7c: {  	v3 =	vadd.s32 v1, v3;
	_ =	sdelay $0x2  }
0x7d: {  	[tilespmem:s29], [sflag:$0x2] =	stream.indirect_vreg.gather [hbm4b:s5+s23], $0x80, v4, vm0, $0xb8;
	[tilespmem:$0x18100] =	vst v63  }
0x7e: {  	_ = 	snop  }
0x7f: {  	[tilespmem:s30], [sflag:$0x2] =	stream.indirect_vreg.gather [hbm4b:s5+s23], $0x80, v3, vm0, $0xb8;
	[tilespmem:$0x18100] =	vst v63  }
0x80: {  	v3 =	vld [tilespmem:$0x90];
	_ =	sdelay $0x4  }
0x81: {  	v4 =	vshll.u32 v3, $0x1  }
0x82: {  	v3 =	vand.u32 $0x7, v3;
	v4 =	vand.u32 $0xFFFFFFF0, v4  }
0x83: {  	v3 =	vor.u32 v3, v4  }
0x84: {  	v4 =	vperm.xlane v3, v0;
	_ =	sdelay $0x1  }
0x85: {  	v3 =	vperm.xlane v3, v2;
	v4 =	vadd.s32 v1, v4;
	_ =	sdelay $0x1  }
0x86: {  	v3 =	vadd.s32 v1, v3;
	_ =	sdelay $0x2  }
0x87: {  	[tilespmem:s31], [sflag:$0x2] =	stream.indirect_vreg.gather [hbm4b:s5+s23], $0x80, v4, vm0, $0xb8;
	[tilespmem:$0x18100] =	vst v63  }
0x88: {  	_ = 	snop  }
0x89: {  	[tilespmem:s0], [sflag:$0x2] =	stream.indirect_vreg.gather [hbm4b:s5+s23], $0x80, v3, vm0, $0xb8;
	[tilespmem:$0x18100] =	vst v63  }
0x8a: {  	v3 =	vld [tilespmem:$0xA0];
	_ =	sdelay $0x4  }
0x8b: {  	v4 =	vshll.u32 v3, $0x1  }
0x8c: {  	v3 =	vand.u32 $0x7, v3;
	v4 =	vand.u32 $0xFFFFFFF0, v4  }
0x8d: {  	v3 =	vor.u32 v3, v4  }
0x8e: {  	v4 =	vperm.xlane v3, v0;
	_ =	sdelay $0x1  }
0x8f: {  	v3 =	vperm.xlane v3, v2;
	v4 =	vadd.s32 v1, v4;
	_ =	sdelay $0x1  }
0x90: {  	v3 =	vadd.s32 v1, v3;
	_ =	sdelay $0x2  }
0x91: {  	[tilespmem:s1], [sflag:$0x2] =	stream.indirect_vreg.gather [hbm4b:s5+s23], $0x80, v4, vm0, $0xb8;
	[tilespmem:$0x18100] =	vst v63  }
0x92: {  	_ = 	snop  }
0x93: {  	[tilespmem:s9], [sflag:$0x2] =	stream.indirect_vreg.gather [hbm4b:s5+s23], $0x80, v3, vm0, $0xb8;
	[tilespmem:$0x18100] =	vst v63  }
0x94: {  	v3 =	vld [tilespmem:$0xB0];
	_ =	sdelay $0x4  }
0x95: {  	v4 =	vshll.u32 v3, $0x1  }
0x96: {  	v3 =	vand.u32 $0x7, v3;
	v4 =	vand.u32 $0xFFFFFFF0, v4  }
0x97: {  	v3 =	vor.u32 v3, v4  }
0x98: {  	v4 =	vperm.xlane v3, v0;
	_ =	sdelay $0x1  }
0x99: {  	v3 =	vperm.xlane v3, v2;
	v4 =	vadd.s32 v1, v4;
	_ =	sdelay $0x1  }
0x9a: {  	v3 =	vadd.s32 v1, v3;
	_ =	sdelay $0x2  }
0x9b: {  	[tilespmem:s2], [sflag:$0x2] =	stream.indirect_vreg.gather [hbm4b:s5+s23], $0x80, v4, vm0, $0xb8;
	[tilespmem:$0x18100] =	vst v63  }
0x9c: {  	_ = 	snop  }
0x9d: {  	[tilespmem:s3], [sflag:$0x2] =	stream.indirect_vreg.gather [hbm4b:s5+s23], $0x80, v3, vm0, $0xb8;
	[tilespmem:$0x18100] =	vst v63  }
0x9e: {  	v3 =	vld [tilespmem:$0xC0];
	_ =	sdelay $0x4  }
0x9f: {  	v4 =	vshll.u32 v3, $0x1  }
0xa0: {  	v3 =	vand.u32 $0x7, v3;
	v4 =	vand.u32 $0xFFFFFFF0, v4  }
0xa1: {  	v3 =	vor.u32 v3, v4  }
0xa2: {  	v4 =	vperm.xlane v3, v0;
	_ =	sdelay $0x1  }
0xa3: {  	v3 =	vperm.xlane v3, v2;
	v4 =	vadd.s32 v1, v4;
	_ =	sdelay $0x1  }
0xa4: {  	v3 =	vadd.s32 v1, v3;
	_ =	sdelay $0x2  }
0xa5: {  	[tilespmem:s11], [sflag:$0x2] =	stream.indirect_vreg.gather [hbm4b:s5+s23], $0x80, v4, vm0, $0xb8;
	[tilespmem:$0x18100] =	vst v63  }
0xa6: {  	_ = 	snop  }
0xa7: {  	[tilespmem:s12], [sflag:$0x2] =	stream.indirect_vreg.gather [hbm4b:s5+s23], $0x80, v3, vm0, $0xb8;
	[tilespmem:$0x18100] =	vst v63  }
0xa8: {  	v3 =	vld [tilespmem:$0xD0];
	_ =	sdelay $0x4  }
0xa9: {  	v4 =	vshll.u32 v3, $0x1  }
0xaa: {  	v3 =	vand.u32 $0x7, v3;
	v4 =	vand.u32 $0xFFFFFFF0, v4  }
0xab: {  	v3 =	vor.u32 v3, v4  }
0xac: {  	v4 =	vperm.xlane v3, v0;
	_ =	sdelay $0x1  }
0xad: {  	v3 =	vperm.xlane v3, v2;
	v4 =	vadd.s32 v1, v4;
	_ =	sdelay $0x1  }
0xae: {  	v3 =	vadd.s32 v1, v3;
	_ =	sdelay $0x2  }
0xaf: {  	[tilespmem:s13], [sflag:$0x2] =	stream.indirect_vreg.gather [hbm4b:s5+s23], $0x80, v4, vm0, $0xb8;
	[tilespmem:$0x18100] =	vst v63  }
0xb0: {  	_ = 	snop  }
0xb1: {  	[tilespmem:s14], [sflag:$0x2] =	stream.indirect_vreg.gather [hbm4b:s5+s23], $0x80, v3, vm0, $0xb8;
	[tilespmem:$0x18100] =	vst v63  }
0xb2: {  	v3 =	vld [tilespmem:$0xE0];
	_ =	sdelay $0x4  }
0xb3: {  	v4 =	vshll.u32 v3, $0x1  }
0xb4: {  	v3 =	vand.u32 $0x7, v3;
	v4 =	vand.u32 $0xFFFFFFF0, v4  }
0xb5: {  	v3 =	vor.u32 v3, v4  }
0xb6: {  	v4 =	vperm.xlane v3, v0;
	_ =	sdelay $0x1  }
0xb7: {  	v3 =	vperm.xlane v3, v2;
	v4 =	vadd.s32 v1, v4;
	_ =	sdelay $0x1  }
0xb8: {  	v3 =	vadd.s32 v1, v3;
	_ =	sdelay $0x2  }
0xb9: {  	[tilespmem:s15], [sflag:$0x2] =	stream.indirect_vreg.gather [hbm4b:s5+s23], $0x80, v4, vm0, $0xb8;
	[tilespmem:$0x18100] =	vst v63  }
0xba: {  	_ = 	snop  }
0xbb: {  	[tilespmem:s16], [sflag:$0x2] =	stream.indirect_vreg.gather [hbm4b:s5+s23], $0x80, v3, vm0, $0xb8;
	[tilespmem:$0x18100] =	vst v63  }
0xbc: {  	v3 =	vld [tilespmem:$0xF0];
	_ =	sdelay $0x4  }
0xbd: {  	v4 =	vshll.u32 v3, $0x1  }
0xbe: {  	v3 =	vand.u32 $0x7, v3;
	v4 =	vand.u32 $0xFFFFFFF0, v4  }
0xbf: {  	v3 =	vor.u32 v3, v4  }
0xc0: {  	v4 =	vperm.xlane v3, v0;
	_ =	sdelay $0x1  }
0xc1: {  	v3 =	vperm.xlane v3, v2;
	v4 =	vadd.s32 v1, v4;
	_ =	sdelay $0x1  }
0xc2: {  	v3 =	vadd.s32 v1, v3;
	_ =	sdelay $0x2  }
0xc3: {  	[tilespmem:s17], [sflag:$0x2] =	stream.indirect_vreg.gather [hbm4b:s5+s23], $0x80, v4, vm0, $0xb8;
	[tilespmem:$0x18100] =	vst v63  }
0xc4: {  	_ = 	snop  }
0xc5: {  	[tilespmem:s18], [sflag:$0x2] =	stream.indirect_vreg.gather [hbm4b:s5+s23], $0x80, v3, vm0, $0xb8;
	[tilespmem:$0x18100] =	vst v63  }
0xc6: {  	_ =	swait.ge [sflag:s19], $0x8000  }
0xc7: {  	[sflag:s19] =	ssyncset.done $0x0  }
0xc8: {  	[sflag:s19] =	ssyncadd.s32 $0xFFFF8000  }
0xc9: {  	_ =	swait.ge [sflag:s20], $0x8000  }
0xca: {  	s26 =	sand.u32 $0x7800, s23;
	s23 =	sand.u32 $0x380, s23;
	[sflag:s20] =	ssyncset.done $0x0  }
0xcb: {  	s23 =	sor.u32 s23, s26;
	[sflag:s20] =	ssyncadd.s32 $0xFFFF8000  }
0xcc: {  	v3 =	vld [tilespmem:s23+$0x570]  }
0xcd: {  	v4 =	vld [tilespmem:s23+$0x8570]  }
0xce: {  	v5 =	vld [tilespmem:s23+$0x100]  }
0xcf: {  	v6 =	vld [tilespmem:s23+$0x8100]  }
0xd0: {  	v7 =	vld [tilespmem:s23+$0x110]  }
0xd1: {  	v8 =	vld [tilespmem:s23+$0x8110]  }
0xd2: {  	v9 =	vld [tilespmem:s23+$0x120]  }
0xd3: {  	v10 =	vld [tilespmem:s23+$0x130];
	v3 =	vadd.f32 v4, v3  }
0xd4: {  	v4 =	vld [tilespmem:s23+$0x8120]  }
0xd5: {  	v5 =	vmul.f32 v6, v5;
	[tilespmem:s23+$0x10570] =	vst v3;
	v3 =	vld [tilespmem:s23+$0x8130]  }
0xd6: {  	v6 =	vld [tilespmem:s23+$0x140]  }
0xd7: {  	[tilespmem:s23+$0x10100] =	vst v5;
	v5 =	vmul.f32 v8, v7;
	v7 =	vld [tilespmem:s23+$0x8140]  }
0xd8: {  	v8 =	vld [tilespmem:s23+$0x8150]  }
0xd9: {  	[tilespmem:s23+$0x10110] =	vst v5;
	v5 =	vld [tilespmem:s23+$0x150];
	v4 =	vmul.f32 v4, v9  }
0xda: {  	v9 =	vld [tilespmem:s23+$0x8160];
	v3 =	vmul.f32 v3, v10  }
0xdb: {  	[tilespmem:s23+$0x10120] =	vst v4;
	v4 =	vld [tilespmem:s23+$0x160]  }
0xdc: {  	[tilespmem:s23+$0x10130] =	vst v3;
	v3 =	vmul.f32 v7, v6;
	v6 =	vld [tilespmem:s23+$0x170]  }
0xdd: {  	v7 =	vld [tilespmem:s23+$0x8170]  }
0xde: {  	[tilespmem:s23+$0x10140] =	vst v3;
	v3 =	vmul.f32 v8, v5;
	v5 =	vld [tilespmem:s23+$0x500]  }
0xdf: {  	v8 =	vld [tilespmem:s23+$0x8500]  }
0xe0: {  	[tilespmem:s23+$0x10150] =	vst v3;
	v3 =	vmul.f32 v9, v4;
	v4 =	vld [tilespmem:s23+$0x510]  }
0xe1: {  	v9 =	vld [tilespmem:s23+$0x8510]  }
0xe2: {  	[tilespmem:s23+$0x10160] =	vst v3;
	v3 =	vmul.f32 v7, v6;
	v6 =	vld [tilespmem:s23+$0x520]  }
0xe3: {  	v7 =	vld [tilespmem:s23+$0x8520]  }
0xe4: {  	v10 =	vld [tilespmem:s23+$0x8530]  }
0xe5: {  	[tilespmem:s23+$0x10170] =	vst v3;
	v3 =	vadd.f32 v8, v5;
	v8 =	vld [tilespmem:s23+$0x530]  }
0xe6: {  	v5 =	vld [tilespmem:s23+$0x8540];
	v4 =	vadd.f32 v9, v4  }
0xe7: {  	[tilespmem:s23+$0x10500] =	vst v3;
	v3 =	vld [tilespmem:s23+$0x540]  }
0xe8: {  	[tilespmem:s23+$0x10510] =	vst v4;
	v7 =	vadd.f32 v7, v6;
	v4 =	vld [tilespmem:s23+$0x550]  }
0xe9: {  	s24 =	simm.s32 $0x80;
	s28 =	simm.s32 $0x100;
	v6 =	vld [tilespmem:s23+$0x8550]  }
0xea: {  	s25 =	sand.u32 $0x7800, s28;
	s26 =	sand.u32 $0x380, s24;
	[tilespmem:s23+$0x10520] =	vst v7;
	v7 =	vld [tilespmem:s23+$0x560];
	v9 =	vadd.f32 v10, v8  }
0xeb: {  	s26 =	sor.u32 s26, s25;
	s25 =	simm.s32 $0x200;
	v8 =	vld [tilespmem:s23+$0x8560]  }
.LBB2_3:
0xec: {  	p0 =	sne.s32 s25, $0x7F00;
	v10 =	vld [tilespmem:s26+$0x570];
	[tilespmem:s23+$0x10530] =	vst v9;
	v3 =	vadd.f32 v5, v3  }
0xed: {  	v5 =	vld [tilespmem:s26+$0x8570]  }
0xee: {  	v9 =	vld [tilespmem:s26+$0x100];
	[tilespmem:s23+$0x10540] =	vst v3;
	v3 =	vadd.f32 v6, v4  }
0xef: {  	v4 =	vld [tilespmem:s26+$0x8100]  }
0xf0: {  	v6 =	vld [tilespmem:s26+$0x110];
	[tilespmem:s23+$0x10550] =	vst v3;
	v3 =	vadd.f32 v8, v7  }
0xf1: {  	v7 =	vld [tilespmem:s26+$0x8110]  }
0xf2: {  	v8 =	vld [tilespmem:s26+$0x120];
	v5 =	vadd.f32 v5, v10;
	[tilespmem:s23+$0x10560] =	vst v3;
	s23 =	smov.u32 s26  }
0xf3: {  	v3 =	vld [tilespmem:s23+$0x8120]  }
0xf4: {  	v4 =	vmul.f32 v4, v9;
	v9 =	vld [tilespmem:s23+$0x130];
	[tilespmem:s23+$0x10570] =	vst v5  }
0xf5: {  	v5 =	vld [tilespmem:s23+$0x8130]  }
0xf6: {  	[tilespmem:s23+$0x10100] =	vst v4;
	v4 =	vmul.f32 v7, v6;
	v6 =	vld [tilespmem:s23+$0x140]  }
0xf7: {  	v7 =	vld [tilespmem:s23+$0x8140]  }
0xf8: {  	[tilespmem:s23+$0x10110] =	vst v4;
	v3 =	vmul.f32 v3, v8;
	v4 =	vld [tilespmem:s23+$0x150]  }
0xf9: {  	v8 =	vld [tilespmem:s23+$0x8150]  }
0xfa: {  	[tilespmem:s23+$0x10120] =	vst v3;
	v3 =	vmul.f32 v5, v9;
	v5 =	vld [tilespmem:s23+$0x160]  }
0xfb: {  	v9 =	vld [tilespmem:s23+$0x8160]  }
0xfc: {  	[tilespmem:s23+$0x10130] =	vst v3;
	v3 =	vmul.f32 v7, v6;
	v6 =	vld [tilespmem:s23+$0x170]  }
0xfd: {  	v7 =	vld [tilespmem:s23+$0x8170]  }
0xfe: {  	[tilespmem:s23+$0x10140] =	vst v3;
	v3 =	vmul.f32 v8, v4;
	v4 =	vld [tilespmem:s23+$0x500]  }
0xff: {  	v8 =	vld [tilespmem:s23+$0x8500]  }
0x100: {  	[tilespmem:s23+$0x10150] =	vst v3;
	v3 =	vmul.f32 v9, v5;
	v5 =	vld [tilespmem:s23+$0x510]  }
0x101: {  	v9 =	vld [tilespmem:s23+$0x8510]  }
0x102: {  	[tilespmem:s23+$0x10160] =	vst v3;
	v3 =	vmul.f32 v7, v6;
	v6 =	vld [tilespmem:s23+$0x520]  }
0x103: {  	v7 =	vld [tilespmem:s23+$0x8520]  }
0x104: {  	[tilespmem:s23+$0x10170] =	vst v3;
	v3 =	vadd.f32 v8, v4;
	v8 =	vld [tilespmem:s23+$0x530]  }
0x105: {  	v10 =	vld [tilespmem:s23+$0x8530]  }
0x106: {  	[tilespmem:s23+$0x10500] =	vst v3;
	v4 =	vadd.f32 v9, v5;
	v3 =	vld [tilespmem:s23+$0x540]  }
.Ltmp0:
0x107: {  	v5 =	vld [tilespmem:s23+$0x8540];
	(pc) =	sbr.rel @p0 .LBB2_3-.Ltmp0, $4  }
0x108: {  	[tilespmem:s23+$0x10510] =	vst v4;
	v7 =	vadd.f32 v7, v6;
	v4 =	vld [tilespmem:s23+$0x550]  }
0x109: {  	s24 =	sadd.s32 $0x80, s24;
	v6 =	vld [tilespmem:s23+$0x8550]  }
0x10a: {  	s28 =	sand.u32 $0x380, s24;
	s26 =	sand.u32 $0x7800, s25;
	[tilespmem:s23+$0x10520] =	vst v7;
	v9 =	vadd.f32 v10, v8;
	v7 =	vld [tilespmem:s23+$0x560]  }
0x10b: {  	s25 =	sadd.s32 $0x100, s25;
	s26 =	sor.u32 s28, s26;
	v8 =	vld [tilespmem:s23+$0x8560]  }
0x10c: {  	v10 =	vld [tilespmem:s26+$0x570];
	[tilespmem:s23+$0x10530] =	vst v9;
	v3 =	vadd.f32 v5, v3  }
0x10d: {  	v33 =	vld [tilespmem:s26+$0x8570]  }
0x10e: {  	v9 =	vld [tilespmem:s26+$0x100];
	[tilespmem:s23+$0x10540] =	vst v3;
	v3 =	vadd.f32 v6, v4  }
0x10f: {  	v34 =	vld [tilespmem:s26+$0x8100]  }
0x110: {  	v35 =	vld [tilespmem:s26+$0x110];
	[tilespmem:s23+$0x10550] =	vst v3;
	v3 =	vadd.f32 v8, v7  }
0x111: {  	v36 =	vld [tilespmem:s26+$0x8110]  }
0x112: {  	v37 =	vld [tilespmem:s26+$0x120];
	[tilespmem:s23+$0x10560] =	vst v3  }
0x113: {  	v38 =	vld [tilespmem:s26+$0x8120]  }
0x114: {  	v3 =	vadd.f32 v33, v10;
	v39 =	vld [tilespmem:s26+$0x130]  }
0x115: {  	v41 =	vld [tilespmem:s26+$0x140]  }
0x116: {  	[tilespmem:s26+$0x10570] =	vst v3;
	v3 =	vld [tilespmem:s26+$0x8130]  }
0x117: {  	v42 =	vld [tilespmem:s26+$0x8140]  }
0x118: {  	v44 =	vld [tilespmem:s26+$0x150]  }
0x119: {  	v45 =	vld [tilespmem:s26+$0x8150]  }
0x11a: {  	v46 =	vld [tilespmem:s26+$0x160]  }
0x11b: {  	v47 =	vld [tilespmem:s26+$0x8160];
	v3 =	vmul.f32 v3, v39  }
0x11c: {  	v48 =	vld [tilespmem:s26+$0x170]  }
0x11d: {  	v49 =	vld [tilespmem:s26+$0x8170];
	[tilespmem:s26+$0x10130] =	vst v3;
	v3 =	vmul.f32 v42, v41  }
0x11e: {  	v50 =	vld [tilespmem:s26+$0x500]  }
0x11f: {  	v51 =	vld [tilespmem:s26+$0x8500];
	[tilespmem:s26+$0x10140] =	vst v3;
	v3 =	vmul.f32 v45, v44  }
0x120: {  	v52 =	vld [tilespmem:s26+$0x510]  }
0x121: {  	v53 =	vld [tilespmem:s26+$0x8510];
	[tilespmem:s26+$0x10150] =	vst v3;
	v3 =	vmul.f32 v47, v46  }
0x122: {  	v54 =	vld [tilespmem:s26+$0x520]  }
0x123: {  	v55 =	vld [tilespmem:s26+$0x8520];
	[tilespmem:s26+$0x10160] =	vst v3;
	v3 =	vmul.f32 v49, v48  }
0x124: {  	v56 =	vld [tilespmem:s26+$0x530]  }
0x125: {  	v57 =	vld [tilespmem:s26+$0x8530];
	[tilespmem:s26+$0x10170] =	vst v3;
	v3 =	vadd.f32 v51, v50  }
0x126: {  	v58 =	vld [tilespmem:s26+$0x540]  }
0x127: {  	v59 =	vld [tilespmem:s26+$0x8540];
	[tilespmem:s26+$0x10500] =	vst v3;
	v3 =	vadd.f32 v53, v52  }
0x128: {  	v60 =	vld [tilespmem:s26+$0x550]  }
0x129: {  	v61 =	vld [tilespmem:s26+$0x8550];
	[tilespmem:s26+$0x10510] =	vst v3;
	v3 =	vadd.f32 v55, v54  }
0x12a: {  	v62 =	vld [tilespmem:s26+$0x8560];
	v4 =	vmul.f32 v34, v9  }
0x12b: {  	v40 =	vmul.f32 v36, v35;
	[tilespmem:s26+$0x10520] =	vst v3;
	v3 =	vld [tilespmem:s26+$0x560]  }
0x12c: {  	[tilespmem:s26+$0x10100] =	vst v4;
	v43 =	vmul.f32 v38, v37  }
0x12d: {  	[tilespmem:s26+$0x10110] =	vst v40;
	v5 =	vadd.f32 v57, v56  }
0x12e: {  	v4 =	vadd.f32 v59, v58;
	[tilespmem:s26+$0x10120] =	vst v43  }
0x12f: {  	v63 =	vadd.f32 v61, v60;
	[tilespmem:s26+$0x10530] =	vst v5  }
0x130: {  	s28 =	sshll.u32 s22, $0xC;
	s22 =	sadd.s32 $0x1, s22;
	[tilespmem:s26+$0x10540] =	vst v4;
	v3 =	vadd.f32 v62, v3  }
0x131: {  	p0 =	sne.s32 s22, $0x80;
	[tilespmem:s26+$0x10550] =	vst v63  }
.Ltmp1:
0x132: {  	s24 =	simm.s32 $0x0;
	s23 =	sadd.s32 s28, s8;
	[tilespmem:s26+$0x10560] =	vst v3;
	(pc) =	sbr.rel @p0 .LBB2_2-.Ltmp1, $4  }
0x133: {  	[hbm4b:s23+s24] =	stream.linear.scatter [tilespmem:s21], [sflag:$0x3], $0x8000, $0x38;
	[tilespmem:$0x18100] =	vst v63  }
0x134: {  	_ =	swait.ge [sflag:s10], $0x8000  }
0x135: {  	[sflag:s10] =	ssyncset.done $0x0  }
0x136: {  	[sflag:s10] =	ssyncadd.s32 $0xFFFF8000  }
0x137: {  	s23 =	rddreg [dreg:$0x4]  }
0x138: {  	s22 =	rddreg [dreg:$0x3];
	s23 =	sadd.s32 $0x1, s23  }
0x139: {  	p0 =	sne.s32 s23, s22  }
.Ltmp2:
0x13a: {  	_ = 	snop;
	(pc) =	sbr.rel @p0 .LBB2_1-.Ltmp2, $1  }
0x13b: {  	_ =	sdelay $0x3  }
0x13c: {  	_ =	sfence.sel $0x180000  }
0x13d: {  	[bflag:$0x0] =	sbarrier.arrive $0xFFFF  }
0x13e: {  	_ =	strace $0x9000004D  }
0x13f: {  	s0 =	stileid.u32;
	[bflag:$0x2] =	sbarrier.arrive $0xFFFF  }
0x140: {  	p0 =	sne.s32 s0, $0x0;
	s0 =	rddreg [dreg:$0x2]  }
0x141: {  	s0 =	sadd.s32 @!p0 $0x100000, s0  }
0x142: {  	[sflag:s0] =	ssyncadd.tile.s32 @!p0 $0x1;
	_ =	shalt  }
.Lfunc_end2:
_tile_overlayer_lowered:
.L_overlay_start_2:
0x143: {  	(tag) =	ssettag $0x2  }
0x144: {  	s0 =	rddreg [dreg:$0x0];
	s2 =	stileid.u32  }
0x145: {  	s1 =	rddreg [dreg:$0x1];
	p0 =	sne.s32 s2, $0x0  }
0x146: {  	s3 =	rddreg [dreg:$0x2];
	[bflag:$0x3] =	sbarrier.arrive $0xFFFF;
	s2 =	simm.s32 @!p0 $0x1C03  }
0x147: {  	[timem:s3], [sflag:s2] =	dma.local @!p0 [hbm:s0], s1  }
0x148: {  	s0 =	simm.s32 @!p0 $0x3  }
0x149: {  	_ =	swait.ge @!p0 [sflag:s0], s1  }
0x14a: {  	s1 =	ssub.s32 @!p0 $0x0, s1;
	[sflag:s0] =	ssyncset.done @!p0 $0x0  }
0x14b: {  	[sflag:s0] =	ssyncadd.s32 @!p0 s1  }
0x14c: {  	[bflag:$0x3] =	sbarrier.arrive $0xFFFF  }
0x14d: {  	_ =	shalt  }

// kernel: kernel.25.cloned.1.call-start
scs
__scs_entry_jumppad:
0x0: {  	(pc) =	sbr.rel $0x88, $3  }
0x1: {  	(tag) =	ssettag $0x0;
	lr =	simm.s32 $0x1  }
0x2: {  	[smem:$0x3F8A] =	sst lr;
	_ =	strace $0xD0000000  }
0x3: {  	_ = 	snop  }
0x4: {  	_ = 	snop  }
0x5: {  	_ = 	snop  }
0x6: {  	_ = 	snop  }
0x7: {  	_ = 	snop  }
__scs_overlays_trampoline_lowered:
0x8: {  	[smem:$0x3F99] =	sst s0  }
0x9: {  	[smem:$0x3F9A] =	sst s1  }
0xa: {  	[smem:$0x3F9B] =	sst s2  }
0xb: {  	[smem:$0x3F9C] =	sst s3  }
0xc: {  	[smem:$0x3F9D] =	sst s4  }
0xd: {  	[smem:$0x3F9E] =	sst s5  }
0xe: {  	[smem:$0x3F9F] =	sst s6  }
0xf: {  	[smem:$0x3FA0] =	sst s7  }
0x10: {  	[smem:$0x3FA1] =	sst s8  }
0x11: {  	[smem:$0x3FA2] =	sst s9;
	s0 =	simm.s32 @!p0 $0x0  }
0x12: {  	s1 =	sld [smem:$0x3F88];
	s0 =	simm.s32 @p0 $0x1  }
0x13: {  	[smem:$0x3FA3] =	sst s0;
	s0 =	simm.s32 @!p1 $0x0  }
0x14: {  	s2 =	sld [smem:$0x3F87];
	s0 =	simm.s32 @p1 $0x1  }
0x15: {  	[smem:$0x3FA4] =	sst s0;
	s0 =	simm.s32 @!p2 $0x0  }
0x16: {  	s3 =	sld [smem:$0x3FDB];
	s0 =	simm.s32 @p2 $0x1  }
0x17: {  	s4 =	simm.s32 $0x1BF5;
	[smem:$0x3FA6] =	sst s0  }
0x18: {  	s0 =	sld [smem:$0x3F89];
	_ =	swait.ge [sflag:s4], $0x0  }
0x19: {  	s7 =	sld [smem:$0x3F8A]  }
0x1a: {  	s8 =	sadd.s32 $0xFFFFE003, lr  }
0x1b: {  	s9 =	sadd.s32 $0xFFFFFEF7, lr;
	s5 =	simm.s32 $0xFFFFFFFF;
	p2 =	slt.u32 s8, $0xFFFFF086  }
0x1c: {  	p1 =	slt.u32 s9, $0xF7A;
	s5 =	simm.s32 @!p2 $0x0  }
0x1d: {  	s5 =	simm.s32 @p1 $0x1;
	p0 =	seq.s32 s7, s2  }
0x1e: {  	s7 =	smul.u32 @!p0 $0xF7A, s2;
	p2 =	seq.s32 @!p0 s5, $0x0  }
0x1f: {  	s9 =	smul.u32 $0xF7A, s1;
	s8 =	simm.s32 @!p0 $0x1BF5;
	p2 =	por !p2, p0  }
0x20: {  	[sflag:s8] =	ssyncset.s32 @!p0 $0xFFFFF086;
	s6 =	sadd.s32 @!p0 s3, s7;
	s7 =	simm.s32 @!p0 $0x108  }
0x21: {  	s3 =	sadd.s32 s3, s9;
	s6 =	sadd.s32 @!p0 $0x88, s6;
	s7 =	simm.s32 @p2 $0x1082  }
0x22: {  	[simem:s7], [sflag:s8] =	dma.local @!p0 [hbm:s6], $0xF7A  }
0x23: {  	s9 =	sor.u32 $0xD0000000, s2;
	s6 =	simm.s32 $0x108;
	_ =	swait.ge @!p0 [sflag:s8], $0x0  }
0x24: {  	s3 =	sadd.s32 $0x88, s3;
	s6 =	simm.s32 @!p1 $0x1082;
	[sflag:s4] =	ssyncset.s32 $0xFFFFF086  }
0x25: {  	[simem:s6], [sflag:s4] =	dma.local [hbm:s3], $0xF7A  }
0x26: {  	[smem:$0x3F8A] =	sst s1;
	(tag) =	ssettag s2;
	_ =	strace s9  }
0x27: {  	s1 =	sld [smem:$0x3F9A]  }
0x28: {  	s2 =	sld [smem:$0x3F9B]  }
0x29: {  	s4 =	sld [smem:$0x3F9D]  }
0x2a: {  	p0 =	seq.s32 s5, $0x0;
	s5 =	sld [smem:$0x3F9E]  }
0x2b: {  	s6 =	sld [smem:$0x3F9F]  }
0x2c: {  	s7 =	sld [smem:$0x3FA0]  }
0x2d: {  	s3 =	simm.s32 $0x108;
	s8 =	sld [smem:$0x3FA1]  }
0x2e: {  	s3 =	simm.s32 @!p0 $0x1082;
	s9 =	sld [smem:$0x3FA2]  }
0x2f: {  	lr =	sadd.s32 s0, s3;
	s0 =	sld [smem:$0x3F99]  }
0x30: {  	s3 =	sld [smem:$0x3F9C]  }
0x31: {  	[smem:$0x3FA5] =	sst s10  }
0x32: {  	s10 =	sld [smem:$0x3FA3];
	_ =	sdelay $0x3  }
0x33: {  	p0 =	seq.s32 s10, $0x1;
	s10 =	sld [smem:$0x3FA5];
	_ =	sdelay $0x3  }
0x34: {  	[smem:$0x3FA5] =	sst s10  }
0x35: {  	s10 =	sld [smem:$0x3FA4];
	_ =	sdelay $0x3  }
0x36: {  	p1 =	seq.s32 s10, $0x1;
	s10 =	sld [smem:$0x3FA5];
	_ =	sdelay $0x3  }
0x37: {  	[smem:$0x3FA5] =	sst s10  }
0x38: {  	s10 =	sld [smem:$0x3FA6]  }
0x39: {  	_ = 	snop;
	(pc) =	sbr.ind lr, $3  }
0x3a: {  	_ = 	snop  }
0x3b: {  	_ = 	snop  }
0x3c: {  	p2 =	seq.s32 s10, $0x1;
	s10 =	sld [smem:$0x3FA5]  }
0x3d: {  	_ =	shalt  }
0x3e: {  	_ =	shalt  }
0x3f: {  	_ =	shalt  }
0x40: {  	_ =	shalt  }
0x41: {  	_ =	shalt  }
0x42: {  	_ =	shalt  }
0x43: {  	_ =	shalt  }
0x44: {  	_ =	shalt  }
0x45: {  	_ =	shalt  }
0x46: {  	_ =	shalt  }
0x47: {  	_ =	shalt  }
0x48: {  	_ =	shalt  }
0x49: {  	_ =	shalt  }
0x4a: {  	_ =	shalt  }
0x4b: {  	_ =	shalt  }
0x4c: {  	_ =	shalt  }
0x4d: {  	_ =	shalt  }
0x4e: {  	_ =	shalt  }
0x4f: {  	_ =	shalt  }
0x50: {  	_ =	shalt  }
0x51: {  	_ =	shalt  }
0x52: {  	_ =	shalt  }
0x53: {  	_ =	shalt  }
0x54: {  	_ =	shalt  }
0x55: {  	_ =	shalt  }
0x56: {  	_ =	shalt  }
0x57: {  	_ =	shalt  }
0x58: {  	_ =	shalt  }
0x59: {  	_ =	shalt  }
0x5a: {  	_ =	shalt  }
0x5b: {  	_ =	shalt  }
0x5c: {  	_ =	shalt  }
0x5d: {  	_ =	shalt  }
0x5e: {  	_ =	shalt  }
0x5f: {  	_ =	shalt  }
0x60: {  	_ =	shalt  }
0x61: {  	_ =	shalt  }
0x62: {  	_ =	shalt  }
0x63: {  	_ =	shalt  }
0x64: {  	_ =	shalt  }
0x65: {  	_ =	shalt  }
0x66: {  	_ =	shalt  }
0x67: {  	_ =	shalt  }
0x68: {  	_ =	shalt  }
0x69: {  	_ =	shalt  }
0x6a: {  	_ =	shalt  }
0x6b: {  	_ =	shalt  }
0x6c: {  	_ =	shalt  }
0x6d: {  	_ =	shalt  }
0x6e: {  	_ =	shalt  }
0x6f: {  	_ =	shalt  }
0x70: {  	_ =	shalt  }
0x71: {  	_ =	shalt  }
0x72: {  	_ =	shalt  }
0x73: {  	_ =	shalt  }
0x74: {  	_ =	shalt  }
0x75: {  	_ =	shalt  }
0x76: {  	_ =	shalt  }
0x77: {  	_ =	shalt  }
0x78: {  	_ =	shalt  }
0x79: {  	_ =	shalt  }
0x7a: {  	_ =	shalt  }
0x7b: {  	_ =	shalt  }
0x7c: {  	_ =	shalt  }
0x7d: {  	_ =	shalt  }
0x7e: {  	_ =	shalt  }
0x7f: {  	_ =	shalt  }
0x80: {  	_ =	shalt  }
0x81: {  	_ =	shalt  }
0x82: {  	_ =	shalt  }
0x83: {  	_ =	shalt  }
0x84: {  	_ =	shalt  }
0x85: {  	_ =	shalt  }
0x86: {  	_ =	shalt  }
0x87: {  	_ =	shalt  }
.Lfunc_end0:
.L_simem_size_0:
called_computation.3_lowered:
.L_overlay_start_0:
0x88: {  	s2 =	sld [smem:$0x3FD9]  }
0x89: {  	s3 =	sld [smem:$0x3FFE];
	_ =	sdelay $0x1  }
0x8a: {  	s1 =	srdreg.scid  }
0x8b: {  	s0 =	sand.u32 $0x1, s1  }
0x8c: {  	s16 =	sshll.u32 s0, $0xA;
	s2 =	sadd.s32 s3, s2  }
0x8d: {  	s2 =	sadd.s32 s2, s16  }
0x8e: {  	[smem:$0x3FB1] =	sst s2  }
0x8f: {  	_ = 	snop  }
0x90: {  	(tm) =	ssettm $0x1  }
0x91: {  	s17 =	sld [smem:$0x3FFB];
	_ =	sdelay $0x3  }
0x92: {  	_ =	strace s17  }
0x93: {  	s2 =	sld [smem:$0x3FFC];
	_ =	sdelay $0x3  }
0x94: {  	_ =	strace s2  }
0x95: {  	s2 =	sld [smem:$0x3FFD];
	_ =	sdelay $0x3  }
0x96: {  	_ =	strace s2  }
0x97: {  	_ =	strace $0x8FFFFFFF  }
0x98: {  	s18 =	sld [smem:$0x3FDB];
	_ =	sdelay $0x1  }
0x99: {  	s19 =	simm.s32 $_scs_section_size  }
0x9a: {  	s4 =	simm.s32 $_size__tile_overlayer_lowered;
	s5 =	simm.s32 $_tile_overlayer_lowered  }
0x9b: {  	s22 =	simm.s32 $0x1BFF;
	s21 =	sshll.u32 s5, $0x1;
	s2 =	sadd.s32 s19, s18  }
0x9c: {  	s6 =	simm.s32 $0x0;
	s20 =	sshll.u32 s4, $0x1;
	s4 =	sadd.s32 s21, s2  }
0x9d: {  	[timem:s6], [sflag:s22] =	dma.local [hbm:s4], s20  }
0x9e: {  	_ =	swait.ge [sflag:s22], s20  }
0x9f: {  	s3 =	ssub.s32 $0x0, s20;
	[sflag:s22] =	ssyncset.done $0x0  }
0xa0: {  	[sflag:s22] =	ssyncadd.s32 s3;
	_ =	sdelay $0x1  }
0xa1: {  	s23 =	simm.s32 $0x1B8B  }
0xa2: {  	_ =	swait.ge [sflag:s23], $0x1  }
0xa3: {  	[sflag:s23] =	ssyncset.done $0x0  }
0xa4: {  	s25 =	simm.s32 $0x1B8E;
	s24 =	sld [smem:$0x3FFE];
	[sflag:s23] =	ssyncadd.s32 $0xFFFFFFFF  }
0xa5: {  	s26 =	simm.s32 $execute0_lowered;
	[smem:$0x3FD2] =	sst s25  }
0xa6: {  	s4 =	sshll.u32 s26, $0x1;
	_ =	strace $0x8000004F;
	[dreg:$0x1] =	wrdreg $0xFFFFFFFF  }
0xa7: {  	s28 =	simm.s32 $_size_execute0_lowered;
	s2 =	sadd.s32 s2, s4;
	[dreg:$0x0] =	wrdreg $0x0  }
0xa8: {  	s4 =	sshll.u32 s28, $0x1;
	[dreg:$0x2] =	wrdreg s2  }
0xa9: {  	[dreg:$0x3] =	wrdreg s4  }
0xaa: {  	[dreg:$0x4] =	wrdreg $0xC0  }
0xab: {  	_ =	task [dreg:s6], $0x5FFFF  }
0xac: {  	[dreg:$0x1] =	wrdreg $0xFFFFFFFF  }
0xad: {  	[dreg:$0x0] =	wrdreg $0x60  }
0xae: {  	[dreg:$0x2] =	wrdreg s24  }
0xaf: {  	[dreg:$0x3] =	wrdreg $0x80800  }
0xb0: {  	[dreg:$0x4] =	wrdreg $0x9  }
0xb1: {  	_ =	task.clear_ibuf [dreg:s6], $0x5FFFF;
	_ =	strace $0x9000004F  }
0xb2: {  	s29 =	simm.s32 $0x9;
	_ =	strace $0x80000051  }
0xb3: {  	_ =	swait.ge [sflag:s29], $0x1  }
0xb4: {  	[sflag:s29] =	ssyncadd.s32 $0xFFFFFFFF  }
0xb5: {  	_ =	strace $0x90000051  }
0xb6: {  	_ =	sfence  }
0xb7: {  	s30 =	sld [smem:$0x0];
	_ =	sdelay $0x2  }
0xb8: {  	s31 =	sshll.u32 s1, $0xD;
	s1 =	sshrl.u32 s1, $0x2  }
0xb9: {  	s3 =	sand.u32 $0x4000, s31;
	s1 =	sadd.s32 s1, s30  }
0xba: {  	s0 =	sor.u32 s3, s0;
	s1 =	sshll.u32 s1, $0x11  }
0xbb: {  	s0 =	sor.u32 s1, s0  }
0xbc: {  	s0 =	sadd.s32 $0x8F2B, s0  }
0xbd: {  	[sflag:s0] =	ssyncadd.remote.s32 $0x1  }
0xbe: {  	_ =	sfence.sel $0xFFFF  }
0xbf: {  	[dreg:$0x0] =	wrdreg $0xFFFFFFFF;
	(pc) =	sbr.abs _section_cstart, $3  }
0xc0: {  	[dreg:$0x1] =	wrdreg $0xFFFFFFFF  }
0xc1: {  	_ =	task.clear_ibuf [dreg:s6], $0x2FFFF;
	_ =	strace $0x9FFFFFFF  }
0xc2: {  	(tm) =	ssettm $0x7FFFFFFF  }
0xc3: {  	_ =	shalt  }
tec
execute0_lowered:
.L_overlay_start_1:
0x0: {  	(tag) =	ssettag $0x1  }
0x1: {  	s5 =	rddreg [dreg:$0x0]  }
0x2: {  	s1 =	rddreg [dreg:$0x1]  }
0x3: {  	s0 =	rddreg [dreg:$0x2]  }
0x4: {  	s2 =	simm.s32 $0x0;
	s3 =	srdreg.scid;
	s31 =	simm.s32 $0x4080  }
0x5: {  	[smem:$0x7FF] =	sst s2;
	s8 =	sand.u32 $0x1, s3;
	s4 =	sadd.s32 $0x17800, s5  }
0x6: {  	_ =	strace $0x80000050;
	s3 =	sshll.u32 s8, $0x12;
	[dreg:$0x3] =	wrdreg s4  }
0x7: {  	s7 =	sshll.u32 s8, $0xF;
	s6 =	sadd.s32 s3, s5;
	s3 =	stileid.u32  }
0x8: {  	s23 =	ssub.s32 $0x2, s8;
	s8 =	sshll.u32 s8, $0x4;
	s4 =	sshll.u32 s3, $0xA  }
0x9: {  	[dreg:$0xc] =	wrdreg s31;
	s7 =	sadd.s32 s7, s5;
	s9 =	sor.u32 $0x80, s4  }
0xa: {  	s10 =	sshrl.u32 s23, $0x1;
	s24 =	sor.u32 $0x100, s4;
	[dreg:$0x4] =	wrdreg s9  }
0xb: {  	s10 =	ssub.s32 s23, s10;
	s25 =	sor.u32 $0x180, s4;
	[dreg:$0x5] =	wrdreg s24  }
0xc: {  	s26 =	sshll.u32 s3, $0xE;
	s11 =	sor.u32 $0x200, s4;
	[dreg:$0x6] =	wrdreg s25  }
0xd: {  	s12 =	sshll.u32 s3, $0xB;
	s28 =	sor.u32 $0x280, s4;
	[dreg:$0x7] =	wrdreg s11  }
0xe: {  	s5 =	sadd.s32 s26, s1;
	s29 =	sor.u32 $0x300, s4;
	[dreg:$0x8] =	wrdreg s28  }
0xf: {  	s30 =	sor.u32 $0x380, s4;
	s7 =	sadd.s32 s12, s7;
	[dreg:$0x9] =	wrdreg s29  }
0x10: {  	s9 =	sadd.s32 s26, s6;
	s6 =	smax.u32 s10, $0x1;
	[dreg:$0xa] =	wrdreg s30  }
0x11: {  	s7 =	sadd.s32 $0x47800, s7;
	s10 =	simm.s32 $0x80;
	s9 =	sadd.s32 $0x1637800, s9  }
0x12: {  	v0 =	vimm.f32 $0.0e+00;
	s11 =	simm.s32 $0x0;
	[dreg:$0xb] =	wrdreg s9;
	s9 =	simm.s32 $0x1  }
.LBB2_1:
0x13: {  	s12 =	simm.s32 $0x0;
	s13 =	simm.s32 $0x200  }
.LBB2_2:
0x14: {  	p0 =	sne.s32 s13, $0xFE00;
	[tilespmem:s12+$0x40F0] =	vst v0  }
0x15: {  	[tilespmem:s12+$0x4080] =	vst v0  }
0x16: {  	[tilespmem:s12+$0x4090] =	vst v0  }
.Ltmp0:
0x17: {  	[tilespmem:s12+$0x40A0] =	vst v0;
	(pc) =	sbr.rel @p0 .LBB2_2-.Ltmp0, $4  }
0x18: {  	[tilespmem:s12+$0x40B0] =	vst v0  }
0x19: {  	[tilespmem:s12+$0x40C0] =	vst v0  }
0x1a: {  	[tilespmem:s12+$0x40D0] =	vst v0  }
0x1b: {  	[tilespmem:s12+$0x40E0] =	vst v0;
	s12 =	sshra.s32 s13, $0x2;
	s13 =	sadd.s32 $0x200, s13  }
0x1c: {  	[tilespmem:s12+$0x40F0] =	vst v0  }
0x1d: {  	[tilespmem:s12+$0x4080] =	vst v0  }
0x1e: {  	[tilespmem:s12+$0x4090] =	vst v0  }
0x1f: {  	[tilespmem:s12+$0x40A0] =	vst v0  }
0x20: {  	[tilespmem:s12+$0x40B0] =	vst v0  }
0x21: {  	[tilespmem:s12+$0x40C0] =	vst v0  }
0x22: {  	[tilespmem:s12+$0x40D0] =	vst v0  }
0x23: {  	s13 =	rddreg [dreg:$0xc];
	[tilespmem:s12+$0x40E0] =	vst v0  }
0x24: {  	[spmem:s5] =	stream.linear.scatter [tilespmem:s13], [sflag:$0x1], $0x4000, $0x38;
	[tilespmem:$0xC080] =	vst v63  }
0x25: {  	_ =	swait.ge [sflag:s9], $0x4000  }
0x26: {  	[sflag:s9] =	ssyncset.done $0x0  }
0x27: {  	s30 =	simm.s32 $0x0;
	[sflag:s9] =	ssyncadd.s32 $0xFFFFC000  }
0x28: {  	s14 =	sand.u32 $0x70, s8;
	s12 =	sand.u32 $0xC000, s30;
	[bflag:$0x0] =	sbarrier.arrive $0xFFFF  }
0x29: {  	s12 =	sor.u32 s14, s12;
	s31 =	rddreg [dreg:$0x3]  }
0x2a: {  	s12 =	sadd.s32 s31, s12  }
0x2b: {  	s13 =	sadd.s32 s4, s12  }
0x2c: {  	[tilespmem:s2], [sflag:$0x1] =	stream.linear.gather [hbm4b:s13+s2], $0x80, $0x38;
	[tilespmem:$0xC080] =	vst v63  }
0x2d: {  	_ =	swait.ge [sflag:s9], $0x80  }
0x2e: {  	s15 =	rddreg [dreg:$0xb];
	[sflag:s9] =	ssyncset.done $0x0  }
0x2f: {  	[sflag:s9] =	ssyncadd.s32 $0xFFFFFF80;
	s13 =	sadd.s32 $0x0, s15  }
0x30: {  	[tilespmem:s10], [sflag:$0x1] =	stream.linear.gather [hbm4b:s13+s2], $0x4000, $0x38;
	[tilespmem:$0xC080] =	vst v63  }
0x31: {  	_ =	swait.ge [sflag:s9], $0x4000  }
0x32: {  	[sflag:s9] =	ssyncset.done $0x0  }
0x33: {  	[sflag:s9] =	ssyncadd.s32 $0xFFFFC000  }
0x34: {  	[spmem:s1] =	stream.indirect.scatter.add.f32 [tilespmem:s10], [sflag:$0x1], $0x80, s2, s10, $0xb8;
	[tilespmem:$0xC080] =	vst v63  }
0x35: {  	_ =	swait.ge [sflag:s9], $0x4000  }
0x36: {  	s16 =	rddreg [dreg:$0x4];
	[sflag:s9] =	ssyncset.done $0x0  }
0x37: {  	[sflag:s9] =	ssyncadd.s32 $0xFFFFC000;
	s14 =	sadd.s32 s16, s12  }
0x38: {  	[tilespmem:s2], [sflag:$0x1] =	stream.linear.gather [hbm4b:s14+s2], $0x80, $0x38;
	[tilespmem:$0xC080] =	vst v63  }
0x39: {  	_ =	swait.ge [sflag:s9], $0x80  }
0x3a: {  	[sflag:s9] =	ssyncset.done $0x0  }
0x3b: {  	s17 =	sadd.s32 $0x800, s13;
	[sflag:s9] =	ssyncadd.s32 $0xFFFFFF80  }
0x3c: {  	[tilespmem:s10], [sflag:$0x1] =	stream.linear.gather [hbm4b:s17+s2], $0x4000, $0x38;
	[tilespmem:$0xC080] =	vst v63  }
0x3d: {  	_ =	swait.ge [sflag:s9], $0x4000  }
0x3e: {  	[sflag:s9] =	ssyncset.done $0x0  }
0x3f: {  	[sflag:s9] =	ssyncadd.s32 $0xFFFFC000  }
0x40: {  	[spmem:s1] =	stream.indirect.scatter.add.f32 [tilespmem:s10], [sflag:$0x1], $0x80, s2, s10, $0xb8;
	[tilespmem:$0xC080] =	vst v63  }
0x41: {  	_ =	swait.ge [sflag:s9], $0x4000  }
0x42: {  	s18 =	rddreg [dreg:$0x5];
	[sflag:s9] =	ssyncset.done $0x0  }
0x43: {  	[sflag:s9] =	ssyncadd.s32 $0xFFFFC000;
	s14 =	sadd.s32 s18, s12  }
0x44: {  	[tilespmem:s2], [sflag:$0x1] =	stream.linear.gather [hbm4b:s14+s2], $0x80, $0x38;
	[tilespmem:$0xC080] =	vst v63  }
0x45: {  	_ =	swait.ge [sflag:s9], $0x80  }
0x46: {  	[sflag:s9] =	ssyncset.done $0x0  }
0x47: {  	s19 =	sadd.s32 $0x1000, s13;
	[sflag:s9] =	ssyncadd.s32 $0xFFFFFF80  }
0x48: {  	[tilespmem:s10], [sflag:$0x1] =	stream.linear.gather [hbm4b:s19+s2], $0x4000, $0x38;
	[tilespmem:$0xC080] =	vst v63  }
0x49: {  	_ =	swait.ge [sflag:s9], $0x4000  }
0x4a: {  	[sflag:s9] =	ssyncset.done $0x0  }
0x4b: {  	[sflag:s9] =	ssyncadd.s32 $0xFFFFC000  }
0x4c: {  	[spmem:s1] =	stream.indirect.scatter.add.f32 [tilespmem:s10], [sflag:$0x1], $0x80, s2, s10, $0xb8;
	[tilespmem:$0xC080] =	vst v63  }
0x4d: {  	_ =	swait.ge [sflag:s9], $0x4000  }
0x4e: {  	s20 =	rddreg [dreg:$0x6];
	[sflag:s9] =	ssyncset.done $0x0  }
0x4f: {  	[sflag:s9] =	ssyncadd.s32 $0xFFFFC000;
	s14 =	sadd.s32 s20, s12  }
0x50: {  	[tilespmem:s2], [sflag:$0x1] =	stream.linear.gather [hbm4b:s14+s2], $0x80, $0x38;
	[tilespmem:$0xC080] =	vst v63  }
0x51: {  	_ =	swait.ge [sflag:s9], $0x80  }
0x52: {  	[sflag:s9] =	ssyncset.done $0x0  }
0x53: {  	s21 =	sadd.s32 $0x1800, s13;
	[sflag:s9] =	ssyncadd.s32 $0xFFFFFF80  }
0x54: {  	[tilespmem:s10], [sflag:$0x1] =	stream.linear.gather [hbm4b:s21+s2], $0x4000, $0x38;
	[tilespmem:$0xC080] =	vst v63  }
0x55: {  	_ =	swait.ge [sflag:s9], $0x4000  }
0x56: {  	[sflag:s9] =	ssyncset.done $0x0  }
0x57: {  	[sflag:s9] =	ssyncadd.s32 $0xFFFFC000  }
0x58: {  	[spmem:s1] =	stream.indirect.scatter.add.f32 [tilespmem:s10], [sflag:$0x1], $0x80, s2, s10, $0xb8;
	[tilespmem:$0xC080] =	vst v63  }
0x59: {  	_ =	swait.ge [sflag:s9], $0x4000  }
0x5a: {  	s22 =	rddreg [dreg:$0x7];
	[sflag:s9] =	ssyncset.done $0x0  }
0x5b: {  	[sflag:s9] =	ssyncadd.s32 $0xFFFFC000;
	s14 =	sadd.s32 s22, s12  }
0x5c: {  	[tilespmem:s2], [sflag:$0x1] =	stream.linear.gather [hbm4b:s14+s2], $0x80, $0x38;
	[tilespmem:$0xC080] =	vst v63  }
0x5d: {  	_ =	swait.ge [sflag:s9], $0x80  }
0x5e: {  	[sflag:s9] =	ssyncset.done $0x0  }
0x5f: {  	s23 =	sadd.s32 $0x2000, s13;
	[sflag:s9] =	ssyncadd.s32 $0xFFFFFF80  }
0x60: {  	[tilespmem:s10], [sflag:$0x1] =	stream.linear.gather [hbm4b:s23+s2], $0x4000, $0x38;
	[tilespmem:$0xC080] =	vst v63  }
0x61: {  	_ =	swait.ge [sflag:s9], $0x4000  }
0x62: {  	[sflag:s9] =	ssyncset.done $0x0  }
0x63: {  	[sflag:s9] =	ssyncadd.s32 $0xFFFFC000  }
0x64: {  	[spmem:s1] =	stream.indirect.scatter.add.f32 [tilespmem:s10], [sflag:$0x1], $0x80, s2, s10, $0xb8;
	[tilespmem:$0xC080] =	vst v63  }
0x65: {  	_ =	swait.ge [sflag:s9], $0x4000  }
0x66: {  	s24 =	rddreg [dreg:$0x8];
	[sflag:s9] =	ssyncset.done $0x0  }
0x67: {  	[sflag:s9] =	ssyncadd.s32 $0xFFFFC000;
	s14 =	sadd.s32 s24, s12  }
0x68: {  	[tilespmem:s2], [sflag:$0x1] =	stream.linear.gather [hbm4b:s14+s2], $0x80, $0x38;
	[tilespmem:$0xC080] =	vst v63  }
0x69: {  	_ =	swait.ge [sflag:s9], $0x80  }
0x6a: {  	[sflag:s9] =	ssyncset.done $0x0  }
0x6b: {  	s25 =	sadd.s32 $0x2800, s13;
	[sflag:s9] =	ssyncadd.s32 $0xFFFFFF80  }
0x6c: {  	[tilespmem:s10], [sflag:$0x1] =	stream.linear.gather [hbm4b:s25+s2], $0x4000, $0x38;
	[tilespmem:$0xC080] =	vst v63  }
0x6d: {  	_ =	swait.ge [sflag:s9], $0x4000  }
0x6e: {  	[sflag:s9] =	ssyncset.done $0x0  }
0x6f: {  	[sflag:s9] =	ssyncadd.s32 $0xFFFFC000  }
0x70: {  	[spmem:s1] =	stream.indirect.scatter.add.f32 [tilespmem:s10], [sflag:$0x1], $0x80, s2, s10, $0xb8;
	[tilespmem:$0xC080] =	vst v63  }
0x71: {  	_ =	swait.ge [sflag:s9], $0x4000  }
0x72: {  	s26 =	rddreg [dreg:$0x9];
	[sflag:s9] =	ssyncset.done $0x0  }
0x73: {  	[sflag:s9] =	ssyncadd.s32 $0xFFFFC000;
	s14 =	sadd.s32 s26, s12  }
0x74: {  	[tilespmem:s2], [sflag:$0x1] =	stream.linear.gather [hbm4b:s14+s2], $0x80, $0x38;
	[tilespmem:$0xC080] =	vst v63  }
0x75: {  	_ =	swait.ge [sflag:s9], $0x80  }
0x76: {  	[sflag:s9] =	ssyncset.done $0x0  }
0x77: {  	s28 =	sadd.s32 $0x3000, s13;
	[sflag:s9] =	ssyncadd.s32 $0xFFFFFF80  }
0x78: {  	[tilespmem:s10], [sflag:$0x1] =	stream.linear.gather [hbm4b:s28+s2], $0x4000, $0x38;
	[tilespmem:$0xC080] =	vst v63  }
0x79: {  	_ =	swait.ge [sflag:s9], $0x4000  }
0x7a: {  	[sflag:s9] =	ssyncset.done $0x0  }
0x7b: {  	[sflag:s9] =	ssyncadd.s32 $0xFFFFC000  }
0x7c: {  	[spmem:s1] =	stream.indirect.scatter.add.f32 [tilespmem:s10], [sflag:$0x1], $0x80, s2, s10, $0xb8;
	[tilespmem:$0xC080] =	vst v63  }
0x7d: {  	_ =	swait.ge [sflag:s9], $0x4000  }
0x7e: {  	s29 =	rddreg [dreg:$0xa];
	[sflag:s9] =	ssyncset.done $0x0  }
0x7f: {  	[sflag:s9] =	ssyncadd.s32 $0xFFFFC000;
	s12 =	sadd.s32 s29, s12  }
0x80: {  	[tilespmem:s2], [sflag:$0x1] =	stream.linear.gather [hbm4b:s12+s2], $0x80, $0x38;
	[tilespmem:$0xC080] =	vst v63  }
0x81: {  	_ =	swait.ge [sflag:s9], $0x80  }
0x82: {  	[sflag:s9] =	ssyncset.done $0x0  }
0x83: {  	s30 =	sadd.s32 $0x3800, s13;
	[sflag:s9] =	ssyncadd.s32 $0xFFFFFF80  }
0x84: {  	[tilespmem:s10], [sflag:$0x1] =	stream.linear.gather [hbm4b:s30+s2], $0x4000, $0x38;
	[tilespmem:$0xC080] =	vst v63  }
0x85: {  	_ =	swait.ge [sflag:s9], $0x4000  }
0x86: {  	[sflag:s9] =	ssyncset.done $0x0  }
0x87: {  	[sflag:s9] =	ssyncadd.s32 $0xFFFFC000  }
0x88: {  	[spmem:s1] =	stream.indirect.scatter.add.f32 [tilespmem:s10], [sflag:$0x1], $0x80, s2, s10, $0xb8;
	[tilespmem:$0xC080] =	vst v63  }
0x89: {  	_ =	swait.ge [sflag:s9], $0x4000  }
0x8a: {  	[sflag:s9] =	ssyncset.done $0x0  }
0x8b: {  	s31 =	sshll.u32 s3, $0x6;
	[sflag:s9] =	ssyncadd.s32 $0xFFFFC000  }
0x8c: {  	s13 =	sor.u32 $0x1C01, s31;
	s12 =	sshrl.u32 s5, $0x3;
	[bflag:$0x0] =	sbarrier.arrive $0xFFFF  }
0x8d: {  	[hbm:s7], [sflag:s13] =	dma.local [spmem:s12], $0x800  }
0x8e: {  	_ =	swait.ge [sflag:s9], $0x800  }
0x8f: {  	s15 =	simm.s32 $0x1000;
	s16 =	smov.u32 s7;
	[sflag:s9] =	ssyncset.done $0x0  }
0x90: {  	s17 =	smov.u32 s8;
	s14 =	simm.s32 $0x80000;
	[sflag:s9] =	ssyncadd.s32 $0xFFFFF800  }
.LBB2_4:
0x91: {  	[bflag:$0x0] =	sbarrier.arrive $0xFFFF  }
0x92: {  	s18 =	rddreg [dreg:$0xc]  }
0x93: {  	[spmem:s5] =	stream.linear.scatter [tilespmem:s18], [sflag:$0x1], $0x4000, $0x38;
	[tilespmem:$0xC080] =	vst v63  }
0x94: {  	_ =	swait.ge [sflag:s9], $0x4000  }
0x95: {  	[sflag:s9] =	ssyncset.done $0x0  }
0x96: {  	s17 =	sadd.s32 $0x20, s17;
	[sflag:s9] =	ssyncadd.s32 $0xFFFFC000  }
0x97: {  	s20 =	sand.u32 $0xC000, s15;
	s21 =	sand.u32 $0x70, s17;
	[bflag:$0x0] =	sbarrier.arrive $0xFFFF  }
0x98: {  	s20 =	sor.u32 s21, s20;
	s25 =	rddreg [dreg:$0x3]  }
0x99: {  	s18 =	sadd.s32 s25, s20  }
0x9a: {  	s20 =	sadd.s32 s4, s18  }
0x9b: {  	[tilespmem:s2], [sflag:$0x1] =	stream.linear.gather [hbm4b:s20+s2], $0x80, $0x38;
	[tilespmem:$0xC080] =	vst v63  }
0x9c: {  	_ =	swait.ge [sflag:s9], $0x80  }
0x9d: {  	s19 =	smov.u32 s14;
	s26 =	rddreg [dreg:$0xb];
	[sflag:s9] =	ssyncset.done $0x0  }
0x9e: {  	[sflag:s9] =	ssyncadd.s32 $0xFFFFFF80;
	s19 =	sadd.s32 s19, s26  }
0x9f: {  	[tilespmem:s10], [sflag:$0x1] =	stream.linear.gather [hbm4b:s19+s2], $0x4000, $0x38;
	[tilespmem:$0xC080] =	vst v63  }
0xa0: {  	_ =	swait.ge [sflag:s9], $0x4000  }
0xa1: {  	[sflag:s9] =	ssyncset.done $0x0  }
0xa2: {  	[sflag:s9] =	ssyncadd.s32 $0xFFFFC000  }
0xa3: {  	[spmem:s1] =	stream.indirect.scatter.add.f32 [tilespmem:s10], [sflag:$0x1], $0x80, s2, s10, $0xb8;
	[tilespmem:$0xC080] =	vst v63  }
0xa4: {  	_ =	swait.ge [sflag:s9], $0x4000  }
0xa5: {  	s28 =	rddreg [dreg:$0x4];
	[sflag:s9] =	ssyncset.done $0x0  }
0xa6: {  	[sflag:s9] =	ssyncadd.s32 $0xFFFFC000;
	s20 =	sadd.s32 s28, s18  }
0xa7: {  	[tilespmem:s2], [sflag:$0x1] =	stream.linear.gather [hbm4b:s20+s2], $0x80, $0x38;
	[tilespmem:$0xC080] =	vst v63  }
0xa8: {  	_ =	swait.ge [sflag:s9], $0x80  }
0xa9: {  	[sflag:s9] =	ssyncset.done $0x0  }
0xaa: {  	s29 =	sadd.s32 $0x800, s19;
	[sflag:s9] =	ssyncadd.s32 $0xFFFFFF80  }
0xab: {  	[tilespmem:s10], [sflag:$0x1] =	stream.linear.gather [hbm4b:s29+s2], $0x4000, $0x38;
	[tilespmem:$0xC080] =	vst v63  }
0xac: {  	_ =	swait.ge [sflag:s9], $0x4000  }
0xad: {  	[sflag:s9] =	ssyncset.done $0x0  }
0xae: {  	[sflag:s9] =	ssyncadd.s32 $0xFFFFC000  }
0xaf: {  	[spmem:s1] =	stream.indirect.scatter.add.f32 [tilespmem:s10], [sflag:$0x1], $0x80, s2, s10, $0xb8;
	[tilespmem:$0xC080] =	vst v63  }
0xb0: {  	_ =	swait.ge [sflag:s9], $0x4000  }
0xb1: {  	s30 =	rddreg [dreg:$0x5];
	[sflag:s9] =	ssyncset.done $0x0  }
0xb2: {  	[sflag:s9] =	ssyncadd.s32 $0xFFFFC000;
	s20 =	sadd.s32 s30, s18  }
0xb3: {  	[tilespmem:s2], [sflag:$0x1] =	stream.linear.gather [hbm4b:s20+s2], $0x80, $0x38;
	[tilespmem:$0xC080] =	vst v63  }
0xb4: {  	_ =	swait.ge [sflag:s9], $0x80  }
0xb5: {  	[sflag:s9] =	ssyncset.done $0x0  }
0xb6: {  	s31 =	sadd.s32 $0x1000, s19;
	[sflag:s9] =	ssyncadd.s32 $0xFFFFFF80  }
0xb7: {  	[tilespmem:s10], [sflag:$0x1] =	stream.linear.gather [hbm4b:s31+s2], $0x4000, $0x38;
	[tilespmem:$0xC080] =	vst v63  }
0xb8: {  	_ =	swait.ge [sflag:s9], $0x4000  }
0xb9: {  	[sflag:s9] =	ssyncset.done $0x0  }
0xba: {  	[sflag:s9] =	ssyncadd.s32 $0xFFFFC000  }
0xbb: {  	[spmem:s1] =	stream.indirect.scatter.add.f32 [tilespmem:s10], [sflag:$0x1], $0x80, s2, s10, $0xb8;
	[tilespmem:$0xC080] =	vst v63  }
0xbc: {  	_ =	swait.ge [sflag:s9], $0x4000  }
0xbd: {  	s21 =	rddreg [dreg:$0x6];
	[sflag:s9] =	ssyncset.done $0x0  }
0xbe: {  	[sflag:s9] =	ssyncadd.s32 $0xFFFFC000;
	s20 =	sadd.s32 s21, s18  }
0xbf: {  	[tilespmem:s2], [sflag:$0x1] =	stream.linear.gather [hbm4b:s20+s2], $0x80, $0x38;
	[tilespmem:$0xC080] =	vst v63  }
0xc0: {  	_ =	swait.ge [sflag:s9], $0x80  }
0xc1: {  	[sflag:s9] =	ssyncset.done $0x0  }
0xc2: {  	s22 =	sadd.s32 $0x1800, s19;
	[sflag:s9] =	ssyncadd.s32 $0xFFFFFF80  }
0xc3: {  	[tilespmem:s10], [sflag:$0x1] =	stream.linear.gather [hbm4b:s22+s2], $0x4000, $0x38;
	[tilespmem:$0xC080] =	vst v63  }
0xc4: {  	_ =	swait.ge [sflag:s9], $0x4000  }
0xc5: {  	[sflag:s9] =	ssyncset.done $0x0  }
0xc6: {  	[sflag:s9] =	ssyncadd.s32 $0xFFFFC000  }
0xc7: {  	[spmem:s1] =	stream.indirect.scatter.add.f32 [tilespmem:s10], [sflag:$0x1], $0x80, s2, s10, $0xb8;
	[tilespmem:$0xC080] =	vst v63  }
0xc8: {  	_ =	swait.ge [sflag:s9], $0x4000  }
0xc9: {  	s23 =	rddreg [dreg:$0x7];
	[sflag:s9] =	ssyncset.done $0x0  }
0xca: {  	[sflag:s9] =	ssyncadd.s32 $0xFFFFC000;
	s20 =	sadd.s32 s23, s18  }
0xcb: {  	[tilespmem:s2], [sflag:$0x1] =	stream.linear.gather [hbm4b:s20+s2], $0x80, $0x38;
	[tilespmem:$0xC080] =	vst v63  }
0xcc: {  	_ =	swait.ge [sflag:s9], $0x80  }
0xcd: {  	[sflag:s9] =	ssyncset.done $0x0  }
0xce: {  	s24 =	sadd.s32 $0x2000, s19;
	[sflag:s9] =	ssyncadd.s32 $0xFFFFFF80  }
0xcf: {  	[tilespmem:s10], [sflag:$0x1] =	stream.linear.gather [hbm4b:s24+s2], $0x4000, $0x38;
	[tilespmem:$0xC080] =	vst v63  }
0xd0: {  	_ =	swait.ge [sflag:s9], $0x4000  }
0xd1: {  	[sflag:s9] =	ssyncset.done $0x0  }
0xd2: {  	[sflag:s9] =	ssyncadd.s32 $0xFFFFC000  }
0xd3: {  	[spmem:s1] =	stream.indirect.scatter.add.f32 [tilespmem:s10], [sflag:$0x1], $0x80, s2, s10, $0xb8;
	[tilespmem:$0xC080] =	vst v63  }
0xd4: {  	_ =	swait.ge [sflag:s9], $0x4000  }
0xd5: {  	s25 =	rddreg [dreg:$0x8];
	[sflag:s9] =	ssyncset.done $0x0  }
0xd6: {  	[sflag:s9] =	ssyncadd.s32 $0xFFFFC000;
	s20 =	sadd.s32 s25, s18  }
0xd7: {  	[tilespmem:s2], [sflag:$0x1] =	stream.linear.gather [hbm4b:s20+s2], $0x80, $0x38;
	[tilespmem:$0xC080] =	vst v63  }
0xd8: {  	_ =	swait.ge [sflag:s9], $0x80  }
0xd9: {  	[sflag:s9] =	ssyncset.done $0x0  }
0xda: {  	s26 =	sadd.s32 $0x2800, s19;
	[sflag:s9] =	ssyncadd.s32 $0xFFFFFF80  }
0xdb: {  	[tilespmem:s10], [sflag:$0x1] =	stream.linear.gather [hbm4b:s26+s2], $0x4000, $0x38;
	[tilespmem:$0xC080] =	vst v63  }
0xdc: {  	_ =	swait.ge [sflag:s9], $0x4000  }
0xdd: {  	[sflag:s9] =	ssyncset.done $0x0  }
0xde: {  	[sflag:s9] =	ssyncadd.s32 $0xFFFFC000  }
0xdf: {  	[spmem:s1] =	stream.indirect.scatter.add.f32 [tilespmem:s10], [sflag:$0x1], $0x80, s2, s10, $0xb8;
	[tilespmem:$0xC080] =	vst v63  }
0xe0: {  	_ =	swait.ge [sflag:s9], $0x4000  }
0xe1: {  	s28 =	rddreg [dreg:$0x9];
	[sflag:s9] =	ssyncset.done $0x0  }
0xe2: {  	[sflag:s9] =	ssyncadd.s32 $0xFFFFC000;
	s20 =	sadd.s32 s28, s18  }
0xe3: {  	[tilespmem:s2], [sflag:$0x1] =	stream.linear.gather [hbm4b:s20+s2], $0x80, $0x38;
	[tilespmem:$0xC080] =	vst v63  }
0xe4: {  	_ =	swait.ge [sflag:s9], $0x80  }
0xe5: {  	[sflag:s9] =	ssyncset.done $0x0  }
0xe6: {  	s29 =	sadd.s32 $0x3000, s19;
	[sflag:s9] =	ssyncadd.s32 $0xFFFFFF80  }
0xe7: {  	[tilespmem:s10], [sflag:$0x1] =	stream.linear.gather [hbm4b:s29+s2], $0x4000, $0x38;
	[tilespmem:$0xC080] =	vst v63  }
0xe8: {  	_ =	swait.ge [sflag:s9], $0x4000  }
0xe9: {  	[sflag:s9] =	ssyncset.done $0x0  }
0xea: {  	[sflag:s9] =	ssyncadd.s32 $0xFFFFC000  }
0xeb: {  	[spmem:s1] =	stream.indirect.scatter.add.f32 [tilespmem:s10], [sflag:$0x1], $0x80, s2, s10, $0xb8;
	[tilespmem:$0xC080] =	vst v63  }
0xec: {  	_ =	swait.ge [sflag:s9], $0x4000  }
0xed: {  	s30 =	rddreg [dreg:$0xa];
	[sflag:s9] =	ssyncset.done $0x0  }
0xee: {  	[sflag:s9] =	ssyncadd.s32 $0xFFFFC000;
	s18 =	sadd.s32 s30, s18  }
0xef: {  	[tilespmem:s2], [sflag:$0x1] =	stream.linear.gather [hbm4b:s18+s2], $0x80, $0x38;
	[tilespmem:$0xC080] =	vst v63  }
0xf0: {  	_ =	swait.ge [sflag:s9], $0x80  }
0xf1: {  	[sflag:s9] =	ssyncset.done $0x0  }
0xf2: {  	s31 =	sadd.s32 $0x3800, s19;
	[sflag:s9] =	ssyncadd.s32 $0xFFFFFF80  }
0xf3: {  	[tilespmem:s10], [sflag:$0x1] =	stream.linear.gather [hbm4b:s31+s2], $0x4000, $0x38;
	[tilespmem:$0xC080] =	vst v63  }
0xf4: {  	_ =	swait.ge [sflag:s9], $0x4000  }
0xf5: {  	[sflag:s9] =	ssyncset.done $0x0  }
0xf6: {  	[sflag:s9] =	ssyncadd.s32 $0xFFFFC000  }
0xf7: {  	[spmem:s1] =	stream.indirect.scatter.add.f32 [tilespmem:s10], [sflag:$0x1], $0x80, s2, s10, $0xb8;
	[tilespmem:$0xC080] =	vst v63  }
0xf8: {  	_ =	swait.ge [sflag:s9], $0x4000  }
0xf9: {  	[sflag:s9] =	ssyncset.done $0x0  }
0xfa: {  	p0 =	sne.s32 s14, $0x780000;
	[sflag:s9] =	ssyncadd.s32 $0xFFFFC000  }
.Ltmp1:
0xfb: {  	s16 =	sadd.s32 $0x10000, s16;
	[bflag:$0x0] =	sbarrier.arrive $0xFFFF;
	(pc) =	sbr.rel @p0 .LBB2_4-.Ltmp1, $4  }
0xfc: {  	[hbm:s16], [sflag:s13] =	dma.local [spmem:s12], $0x800  }
0xfd: {  	_ =	swait.ge [sflag:s9], $0x800  }
0xfe: {  	[sflag:s9] =	ssyncset.done $0x0  }
0xff: {  	s14 =	sadd.s32 $0x80000, s14;
	s15 =	sadd.s32 $0x1000, s15;
	[sflag:s9] =	ssyncadd.s32 $0xFFFFF800  }
0x100: {  	s11 =	sadd.s32 $0x1, s11  }
0x101: {  	p0 =	sne.s32 s11, s6  }
.Ltmp2:
0x102: {  	_ = 	snop;
	(pc) =	sbr.rel @p0 .LBB2_1-.Ltmp2, $2  }
0x103: {  	_ =	sdelay $0x1  }
0x104: {  	[bflag:$0x0] =	sbarrier.arrive $0xFFFF;
	_ =	sdelay $0x1  }
0x105: {  	_ =	sfence.sel $0x180000  }
0x106: {  	[bflag:$0x0] =	sbarrier.arrive $0xFFFF  }
0x107: {  	p0 =	sne.s32 s3, $0x0;
	_ =	strace $0x90000050  }
0x108: {  	s0 =	sadd.s32 @!p0 $0x100000, s0;
	[bflag:$0x2] =	sbarrier.arrive $0xFFFF  }
0x109: {  	[sflag:s0] =	ssyncadd.tile.s32 @!p0 $0x1;
	_ =	shalt  }
.Lfunc_end2:
_tile_overlayer_lowered:
.L_overlay_start_2:
0x10a: {  	(tag) =	ssettag $0x2  }
0x10b: {  	s0 =	rddreg [dreg:$0x0];
	s2 =	stileid.u32  }
0x10c: {  	s1 =	rddreg [dreg:$0x1];
	p0 =	sne.s32 s2, $0x0  }
0x10d: {  	s3 =	rddreg [dreg:$0x2];
	[bflag:$0x3] =	sbarrier.arrive $0xFFFF;
	s2 =	simm.s32 @!p0 $0x1C01  }
0x10e: {  	[timem:s3], [sflag:s2] =	dma.local @!p0 [hbm:s0], s1  }
0x10f: {  	s0 =	simm.s32 @!p0 $0x1  }
0x110: {  	_ =	swait.ge @!p0 [sflag:s0], s1  }
0x111: {  	s1 =	ssub.s32 @!p0 $0x0, s1;
	[sflag:s0] =	ssyncset.done @!p0 $0x0  }
0x112: {  	[sflag:s0] =	ssyncadd.s32 @!p0 s1  }
0x113: {  	[bflag:$0x3] =	sbarrier.arrive $0xFFFF  }
0x114: {  	_ =	shalt  }

// kernel: kernel.28.cloned.1.call-start
scs
__scs_entry_jumppad:
0x0: {  	(pc) =	sbr.rel $0x88, $3  }
0x1: {  	(tag) =	ssettag $0x0;
	lr =	simm.s32 $0x1  }
0x2: {  	[smem:$0x3F8A] =	sst lr;
	_ =	strace $0xD0000000  }
0x3: {  	_ = 	snop  }
0x4: {  	_ = 	snop  }
0x5: {  	_ = 	snop  }
0x6: {  	_ = 	snop  }
0x7: {  	_ = 	snop  }
__scs_overlays_trampoline_lowered:
0x8: {  	[smem:$0x3F99] =	sst s0  }
0x9: {  	[smem:$0x3F9A] =	sst s1  }
0xa: {  	[smem:$0x3F9B] =	sst s2  }
0xb: {  	[smem:$0x3F9C] =	sst s3  }
0xc: {  	[smem:$0x3F9D] =	sst s4  }
0xd: {  	[smem:$0x3F9E] =	sst s5  }
0xe: {  	[smem:$0x3F9F] =	sst s6  }
0xf: {  	[smem:$0x3FA0] =	sst s7  }
0x10: {  	[smem:$0x3FA1] =	sst s8  }
0x11: {  	[smem:$0x3FA2] =	sst s9;
	s0 =	simm.s32 @!p0 $0x0  }
0x12: {  	s1 =	sld [smem:$0x3F88];
	s0 =	simm.s32 @p0 $0x1  }
0x13: {  	[smem:$0x3FA3] =	sst s0;
	s0 =	simm.s32 @!p1 $0x0  }
0x14: {  	s2 =	sld [smem:$0x3F87];
	s0 =	simm.s32 @p1 $0x1  }
0x15: {  	[smem:$0x3FA4] =	sst s0;
	s0 =	simm.s32 @!p2 $0x0  }
0x16: {  	s3 =	sld [smem:$0x3FDB];
	s0 =	simm.s32 @p2 $0x1  }
0x17: {  	s4 =	simm.s32 $0x1BF5;
	[smem:$0x3FA6] =	sst s0  }
0x18: {  	s0 =	sld [smem:$0x3F89];
	_ =	swait.ge [sflag:s4], $0x0  }
0x19: {  	s7 =	sld [smem:$0x3F8A]  }
0x1a: {  	s8 =	sadd.s32 $0xFFFFE003, lr  }
0x1b: {  	s9 =	sadd.s32 $0xFFFFFEF7, lr;
	s5 =	simm.s32 $0xFFFFFFFF;
	p2 =	slt.u32 s8, $0xFFFFF086  }
0x1c: {  	p1 =	slt.u32 s9, $0xF7A;
	s5 =	simm.s32 @!p2 $0x0  }
0x1d: {  	s5 =	simm.s32 @p1 $0x1;
	p0 =	seq.s32 s7, s2  }
0x1e: {  	s7 =	smul.u32 @!p0 $0xF7A, s2;
	p2 =	seq.s32 @!p0 s5, $0x0  }
0x1f: {  	s9 =	smul.u32 $0xF7A, s1;
	s8 =	simm.s32 @!p0 $0x1BF5;
	p2 =	por !p2, p0  }
0x20: {  	[sflag:s8] =	ssyncset.s32 @!p0 $0xFFFFF086;
	s6 =	sadd.s32 @!p0 s3, s7;
	s7 =	simm.s32 @!p0 $0x108  }
0x21: {  	s3 =	sadd.s32 s3, s9;
	s6 =	sadd.s32 @!p0 $0x88, s6;
	s7 =	simm.s32 @p2 $0x1082  }
0x22: {  	[simem:s7], [sflag:s8] =	dma.local @!p0 [hbm:s6], $0xF7A  }
0x23: {  	s9 =	sor.u32 $0xD0000000, s2;
	s6 =	simm.s32 $0x108;
	_ =	swait.ge @!p0 [sflag:s8], $0x0  }
0x24: {  	s3 =	sadd.s32 $0x88, s3;
	s6 =	simm.s32 @!p1 $0x1082;
	[sflag:s4] =	ssyncset.s32 $0xFFFFF086  }
0x25: {  	[simem:s6], [sflag:s4] =	dma.local [hbm:s3], $0xF7A  }
0x26: {  	[smem:$0x3F8A] =	sst s1;
	(tag) =	ssettag s2;
	_ =	strace s9  }
0x27: {  	s1 =	sld [smem:$0x3F9A]  }
0x28: {  	s2 =	sld [smem:$0x3F9B]  }
0x29: {  	s4 =	sld [smem:$0x3F9D]  }
0x2a: {  	p0 =	seq.s32 s5, $0x0;
	s5 =	sld [smem:$0x3F9E]  }
0x2b: {  	s6 =	sld [smem:$0x3F9F]  }
0x2c: {  	s7 =	sld [smem:$0x3FA0]  }
0x2d: {  	s3 =	simm.s32 $0x108;
	s8 =	sld [smem:$0x3FA1]  }
0x2e: {  	s3 =	simm.s32 @!p0 $0x1082;
	s9 =	sld [smem:$0x3FA2]  }
0x2f: {  	lr =	sadd.s32 s0, s3;
	s0 =	sld [smem:$0x3F99]  }
0x30: {  	s3 =	sld [smem:$0x3F9C]  }
0x31: {  	[smem:$0x3FA5] =	sst s10  }
0x32: {  	s10 =	sld [smem:$0x3FA3];
	_ =	sdelay $0x3  }
0x33: {  	p0 =	seq.s32 s10, $0x1;
	s10 =	sld [smem:$0x3FA5];
	_ =	sdelay $0x3  }
0x34: {  	[smem:$0x3FA5] =	sst s10  }
0x35: {  	s10 =	sld [smem:$0x3FA4];
	_ =	sdelay $0x3  }
0x36: {  	p1 =	seq.s32 s10, $0x1;
	s10 =	sld [smem:$0x3FA5];
	_ =	sdelay $0x3  }
0x37: {  	[smem:$0x3FA5] =	sst s10  }
0x38: {  	s10 =	sld [smem:$0x3FA6]  }
0x39: {  	_ = 	snop;
	(pc) =	sbr.ind lr, $3  }
0x3a: {  	_ = 	snop  }
0x3b: {  	_ = 	snop  }
0x3c: {  	p2 =	seq.s32 s10, $0x1;
	s10 =	sld [smem:$0x3FA5]  }
0x3d: {  	_ =	shalt  }
0x3e: {  	_ =	shalt  }
0x3f: {  	_ =	shalt  }
0x40: {  	_ =	shalt  }
0x41: {  	_ =	shalt  }
0x42: {  	_ =	shalt  }
0x43: {  	_ =	shalt  }
0x44: {  	_ =	shalt  }
0x45: {  	_ =	shalt  }
0x46: {  	_ =	shalt  }
0x47: {  	_ =	shalt  }
0x48: {  	_ =	shalt  }
0x49: {  	_ =	shalt  }
0x4a: {  	_ =	shalt  }
0x4b: {  	_ =	shalt  }
0x4c: {  	_ =	shalt  }
0x4d: {  	_ =	shalt  }
0x4e: {  	_ =	shalt  }
0x4f: {  	_ =	shalt  }
0x50: {  	_ =	shalt  }
0x51: {  	_ =	shalt  }
0x52: {  	_ =	shalt  }
0x53: {  	_ =	shalt  }
0x54: {  	_ =	shalt  }
0x55: {  	_ =	shalt  }
0x56: {  	_ =	shalt  }
0x57: {  	_ =	shalt  }
0x58: {  	_ =	shalt  }
0x59: {  	_ =	shalt  }
0x5a: {  	_ =	shalt  }
0x5b: {  	_ =	shalt  }
0x5c: {  	_ =	shalt  }
0x5d: {  	_ =	shalt  }
0x5e: {  	_ =	shalt  }
0x5f: {  	_ =	shalt  }
0x60: {  	_ =	shalt  }
0x61: {  	_ =	shalt  }
0x62: {  	_ =	shalt  }
0x63: {  	_ =	shalt  }
0x64: {  	_ =	shalt  }
0x65: {  	_ =	shalt  }
0x66: {  	_ =	shalt  }
0x67: {  	_ =	shalt  }
0x68: {  	_ =	shalt  }
0x69: {  	_ =	shalt  }
0x6a: {  	_ =	shalt  }
0x6b: {  	_ =	shalt  }
0x6c: {  	_ =	shalt  }
0x6d: {  	_ =	shalt  }
0x6e: {  	_ =	shalt  }
0x6f: {  	_ =	shalt  }
0x70: {  	_ =	shalt  }
0x71: {  	_ =	shalt  }
0x72: {  	_ =	shalt  }
0x73: {  	_ =	shalt  }
0x74: {  	_ =	shalt  }
0x75: {  	_ =	shalt  }
0x76: {  	_ =	shalt  }
0x77: {  	_ =	shalt  }
0x78: {  	_ =	shalt  }
0x79: {  	_ =	shalt  }
0x7a: {  	_ =	shalt  }
0x7b: {  	_ =	shalt  }
0x7c: {  	_ =	shalt  }
0x7d: {  	_ =	shalt  }
0x7e: {  	_ =	shalt  }
0x7f: {  	_ =	shalt  }
0x80: {  	_ =	shalt  }
0x81: {  	_ =	shalt  }
0x82: {  	_ =	shalt  }
0x83: {  	_ =	shalt  }
0x84: {  	_ =	shalt  }
0x85: {  	_ =	shalt  }
0x86: {  	_ =	shalt  }
0x87: {  	_ =	shalt  }
.Lfunc_end0:
.L_simem_size_0:
called_computation.4_lowered:
.L_overlay_start_0:
0x88: {  	s2 =	sld [smem:$0x3FD9]  }
0x89: {  	s3 =	sld [smem:$0x3FFE];
	_ =	sdelay $0x1  }
0x8a: {  	s1 =	srdreg.scid  }
0x8b: {  	s0 =	sand.u32 $0x1, s1  }
0x8c: {  	s17 =	sshll.u32 s0, $0xA;
	s2 =	sadd.s32 s3, s2  }
0x8d: {  	s2 =	sadd.s32 s2, s17  }
0x8e: {  	[smem:$0x3FB1] =	sst s2  }
0x8f: {  	_ = 	snop  }
0x90: {  	s2 =	sld [smem:$0x3FC7];
	(tm) =	ssettm $0x1  }
0x91: {  	s18 =	sld [smem:$0x3FFB];
	_ =	sdelay $0x3  }
0x92: {  	_ =	strace s18  }
0x93: {  	s3 =	sld [smem:$0x3FFC];
	_ =	sdelay $0x3  }
0x94: {  	_ =	strace s3  }
0x95: {  	s3 =	sld [smem:$0x3FFD];
	_ =	sdelay $0x3  }
0x96: {  	_ =	strace s3  }
0x97: {  	_ =	strace $0x8FFFFFFF  }
0x98: {  	s19 =	sld [smem:$0x3FDB];
	_ =	sdelay $0x1  }
0x99: {  	s4 =	simm.s32 $_scs_section_size  }
0x9a: {  	s5 =	simm.s32 $_size__tile_overlayer_lowered;
	s6 =	simm.s32 $_tile_overlayer_lowered  }
0x9b: {  	s22 =	simm.s32 $0x1BFF;
	s21 =	sshll.u32 s6, $0x1;
	s3 =	sadd.s32 s4, s19  }
0x9c: {  	s7 =	simm.s32 $0x0;
	s20 =	sshll.u32 s5, $0x1;
	s5 =	sadd.s32 s21, s3  }
0x9d: {  	[timem:s7], [sflag:s22] =	dma.local [hbm:s5], s20  }
0x9e: {  	_ =	swait.ge [sflag:s22], s20  }
0x9f: {  	s4 =	ssub.s32 $0x0, s20;
	[sflag:s22] =	ssyncset.done $0x0  }
0xa0: {  	[sflag:s22] =	ssyncadd.s32 s4;
	_ =	sdelay $0x1  }
0xa1: {  	s23 =	simm.s32 $0x1B8B  }
0xa2: {  	_ =	swait.ge [sflag:s23], $0x1  }
0xa3: {  	[sflag:s23] =	ssyncset.done $0x0  }
0xa4: {  	s25 =	simm.s32 $0x1B8E;
	s24 =	sld [smem:$0x3FFE];
	[sflag:s23] =	ssyncadd.s32 $0xFFFFFFFF  }
0xa5: {  	s26 =	simm.s32 $execute0_lowered;
	[smem:$0x3FD2] =	sst s25  }
0xa6: {  	s5 =	sshll.u32 s26, $0x1;
	_ =	strace $0x80000052;
	[dreg:$0x1] =	wrdreg $0xFFFFFFFF  }
0xa7: {  	s28 =	simm.s32 $_size_execute0_lowered;
	s3 =	sadd.s32 s3, s5;
	[dreg:$0x0] =	wrdreg $0x0  }
0xa8: {  	s5 =	sshll.u32 s28, $0x1;
	[dreg:$0x2] =	wrdreg s3  }
0xa9: {  	[dreg:$0x3] =	wrdreg s5  }
0xaa: {  	[dreg:$0x4] =	wrdreg $0xC0  }
0xab: {  	_ =	task [dreg:s7], $0x5FFFF  }
0xac: {  	[dreg:$0x1] =	wrdreg $0xFFFFFFFF  }
0xad: {  	[dreg:$0x0] =	wrdreg $0x60  }
0xae: {  	[dreg:$0x2] =	wrdreg s24  }
0xaf: {  	[dreg:$0x3] =	wrdreg s2  }
0xb0: {  	[dreg:$0x4] =	wrdreg $0x9  }
0xb1: {  	_ =	task.clear_ibuf [dreg:s7], $0x5FFFF;
	_ =	strace $0x90000052  }
0xb2: {  	s29 =	simm.s32 $0x9;
	_ =	strace $0x80000054  }
0xb3: {  	_ =	swait.ge [sflag:s29], $0x1  }
0xb4: {  	[sflag:s29] =	ssyncadd.s32 $0xFFFFFFFF  }
0xb5: {  	_ =	strace $0x90000054  }
0xb6: {  	_ =	sfence  }
0xb7: {  	s30 =	sld [smem:$0x0];
	_ =	sdelay $0x2  }
0xb8: {  	s31 =	sshll.u32 s1, $0xD;
	s1 =	sshrl.u32 s1, $0x2  }
0xb9: {  	s3 =	sand.u32 $0x4000, s31;
	s1 =	sadd.s32 s1, s30  }
0xba: {  	s0 =	sor.u32 s3, s0;
	s1 =	sshll.u32 s1, $0x11  }
0xbb: {  	s0 =	sor.u32 s1, s0  }
0xbc: {  	s0 =	sadd.s32 $0x8F2B, s0  }
0xbd: {  	[sflag:s0] =	ssyncadd.remote.s32 $0x1  }
0xbe: {  	_ =	sfence.sel $0xFFFF  }
0xbf: {  	[dreg:$0x0] =	wrdreg $0xFFFFFFFF;
	(pc) =	sbr.abs _section_cstart, $3  }
0xc0: {  	[dreg:$0x1] =	wrdreg $0xFFFFFFFF  }
0xc1: {  	_ =	task.clear_ibuf [dreg:s7], $0x2FFFF;
	_ =	strace $0x9FFFFFFF  }
0xc2: {  	(tm) =	ssettm $0x7FFFFFFF  }
0xc3: {  	_ =	shalt  }
tec
execute0_lowered:
.L_overlay_start_1:
0x0: {  	(tag) =	ssettag $0x1  }
0x1: {  	s0 =	rddreg [dreg:$0x0];
	s2 =	simm.s32 $0x0;
	s1 =	srdreg.scid  }
0x2: {  	s7 =	stileid.u32;
	s10 =	simm.s32 $0x3;
	s29 =	simm.s32 $0x8100  }
0x3: {  	s30 =	simm.s32 $0x8900;
	s31 =	simm.s32 $0x9100;
	s9 =	simm.s32 $0xA900  }
0x4: {  	s11 =	simm.s32 $0xC100;
	s12 =	simm.s32 $0xC900;
	s13 =	simm.s32 $0xD100  }
0x5: {  	s14 =	simm.s32 $0xD900;
	s15 =	simm.s32 $0xE100;
	s16 =	simm.s32 $0xE900  }
0x6: {  	s17 =	simm.s32 $0xF100;
	s18 =	simm.s32 $0xF900;
	s19 =	simm.s32 $0x1  }
0x7: {  	s20 =	simm.s32 $0x2;
	s21 =	simm.s32 $0x10100;
	s23 =	simm.s32 $0x0  }
0x8: {  	[smem:$0x7FF] =	sst s2;
	s1 =	sand.u32 $0x1, s1;
	s25 =	sshll.u32 s7, $0x1  }
0x9: {  	s4 =	sadd.s32 $0x147800, s0;
	s5 =	sadd.s32 $0x13800, s0;
	s6 =	sadd.s32 $0x27800, s0  }
0xa: {  	s7 =	sshll.u32 s7, $0xC;
	_ =	strace $0x80000053;
	s2 =	sor.u32 s1, s25  }
0xb: {  	s1 =	ssub.s32 $0x2, s1;
	s3 =	sshll.u32 s2, $0x13;
	s2 =	sshll.u32 s2, $0x4  }
0xc: {  	s26 =	sshrl.u32 s1, $0x1;
	s0 =	sadd.s32 s3, s0;
	s2 =	sor.u32 s2, s7  }
0xd: {  	v2 =	vlaneseq.u32;
	s1 =	ssub.s32 s1, s26;
	s3 =	simm.s32 $0xB900;
	s7 =	sand.u32 $0xC070, s2  }
0xe: {  	vm0 =	vmmov $0xffff;
	v1 =	vshrl.u32 v2, $0x3;
	s8 =	sadd.s32 $0x347800, s0;
	s28 =	smax.u32 s1, $0x1;
	s0 =	simm.s32 $0x9900  }
0xf: {  	v0 =	vand.u32 $0x7, v2;
	v2 =	vor.u32 $0x8, v2;
	v1 =	vmul.u32 $0x8, v1;
	s1 =	simm.s32 $0xA100;
	s2 =	simm.s32 $0xB100;
	[dreg:$0x3] =	wrdreg s28  }
.LBB2_1:
0x10: {  	[dreg:$0x4] =	wrdreg s23;
	s22 =	simm.s32 $0x0  }
.LBB2_2:
0x11: {  	s23 =	sshll.u32 s22, $0x7  }
0x12: {  	s24 =	sadd.s32 s7, s23  }
0x13: {  	s23 =	simm.s32 $0x0;
	s25 =	sadd.s32 s6, s24  }
0x14: {  	[tilespmem:s23], [sflag:$0x3] =	stream.linear.gather [hbm4b:s25+s23], $0x80, $0x38;
	[tilespmem:$0x18100] =	vst v63  }
0x15: {  	_ =	swait.ge [sflag:s10], $0x80  }
0x16: {  	[sflag:s10] =	ssyncset.done $0x0  }
0x17: {  	[sflag:s10] =	ssyncadd.s32 $0xFFFFFF80  }
0x18: {  	s26 =	rddreg [dreg:$0x1]  }
0x19: {  	s28 =	simm.s32 $0x80;
	s24 =	sadd.s32 s26, s24  }
0x1a: {  	[tilespmem:s28], [sflag:$0x3] =	stream.linear.gather [hbm4b:s24+s23], $0x80, $0x38;
	[tilespmem:$0x18100] =	vst v63  }
0x1b: {  	_ =	swait.ge [sflag:s10], $0x80  }
0x1c: {  	[sflag:s10] =	ssyncset.done $0x0  }
0x1d: {  	[sflag:s10] =	ssyncadd.s32 $0xFFFFFF80  }
0x1e: {  	v3 =	vld [tilespmem:$0x0];
	_ =	sdelay $0x4  }
0x1f: {  	v4 =	vshll.u32 v3, $0x1  }
0x20: {  	v3 =	vand.u32 $0x7, v3;
	v4 =	vand.u32 $0xFFFFFFF0, v4  }
0x21: {  	v3 =	vor.u32 v3, v4  }
0x22: {  	v4 =	vperm.xlane v3, v0;
	_ =	sdelay $0x1  }
0x23: {  	v3 =	vperm.xlane v3, v2;
	v4 =	vadd.s32 v1, v4;
	_ =	sdelay $0x1  }
0x24: {  	v3 =	vadd.s32 v1, v3;
	_ =	sdelay $0x1  }
0x25: {  	s25 =	simm.s32 $0x100  }
0x26: {  	[tilespmem:s25], [sflag:$0x1] =	stream.indirect_vreg.gather [hbm4b:s4+s23], $0x80, v4, vm0, $0xb8;
	[tilespmem:$0x18100] =	vst v63  }
0x27: {  	s26 =	simm.s32 $0x900  }
0x28: {  	[tilespmem:s26], [sflag:$0x1] =	stream.indirect_vreg.gather [hbm4b:s4+s23], $0x80, v3, vm0, $0xb8;
	[tilespmem:$0x18100] =	vst v63  }
0x29: {  	v3 =	vld [tilespmem:$0x10];
	_ =	sdelay $0x4  }
0x2a: {  	v4 =	vshll.u32 v3, $0x1  }
0x2b: {  	v3 =	vand.u32 $0x7, v3;
	v4 =	vand.u32 $0xFFFFFFF0, v4  }
0x2c: {  	v3 =	vor.u32 v3, v4  }
0x2d: {  	v4 =	vperm.xlane v3, v0;
	_ =	sdelay $0x1  }
0x2e: {  	v3 =	vperm.xlane v3, v2;
	v4 =	vadd.s32 v1, v4;
	_ =	sdelay $0x1  }
0x2f: {  	v3 =	vadd.s32 v1, v3;
	_ =	sdelay $0x1  }
0x30: {  	s28 =	simm.s32 $0x1100  }
0x31: {  	[tilespmem:s28], [sflag:$0x1] =	stream.indirect_vreg.gather [hbm4b:s4+s23], $0x80, v4, vm0, $0xb8;
	[tilespmem:$0x18100] =	vst v63  }
0x32: {  	s25 =	simm.s32 $0x1900  }
0x33: {  	[tilespmem:s25], [sflag:$0x1] =	stream.indirect_vreg.gather [hbm4b:s4+s23], $0x80, v3, vm0, $0xb8;
	[tilespmem:$0x18100] =	vst v63  }
0x34: {  	v3 =	vld [tilespmem:$0x20];
	_ =	sdelay $0x4  }
0x35: {  	v4 =	vshll.u32 v3, $0x1  }
0x36: {  	v3 =	vand.u32 $0x7, v3;
	v4 =	vand.u32 $0xFFFFFFF0, v4  }
0x37: {  	v3 =	vor.u32 v3, v4  }
0x38: {  	v4 =	vperm.xlane v3, v0;
	_ =	sdelay $0x1  }
0x39: {  	v3 =	vperm.xlane v3, v2;
	v4 =	vadd.s32 v1, v4;
	_ =	sdelay $0x1  }
0x3a: {  	v3 =	vadd.s32 v1, v3;
	_ =	sdelay $0x1  }
0x3b: {  	s26 =	simm.s32 $0x2100  }
0x3c: {  	[tilespmem:s26], [sflag:$0x1] =	stream.indirect_vreg.gather [hbm4b:s4+s23], $0x80, v4, vm0, $0xb8;
	[tilespmem:$0x18100] =	vst v63  }
0x3d: {  	s28 =	simm.s32 $0x2900  }
0x3e: {  	[tilespmem:s28], [sflag:$0x1] =	stream.indirect_vreg.gather [hbm4b:s4+s23], $0x80, v3, vm0, $0xb8;
	[tilespmem:$0x18100] =	vst v63  }
0x3f: {  	v3 =	vld [tilespmem:$0x30];
	_ =	sdelay $0x4  }
0x40: {  	v4 =	vshll.u32 v3, $0x1  }
0x41: {  	v3 =	vand.u32 $0x7, v3;
	v4 =	vand.u32 $0xFFFFFFF0, v4  }
0x42: {  	v3 =	vor.u32 v3, v4  }
0x43: {  	v4 =	vperm.xlane v3, v0;
	_ =	sdelay $0x1  }
0x44: {  	v3 =	vperm.xlane v3, v2;
	v4 =	vadd.s32 v1, v4;
	_ =	sdelay $0x1  }
0x45: {  	v3 =	vadd.s32 v1, v3;
	_ =	sdelay $0x1  }
0x46: {  	s25 =	simm.s32 $0x3100  }
0x47: {  	[tilespmem:s25], [sflag:$0x1] =	stream.indirect_vreg.gather [hbm4b:s4+s23], $0x80, v4, vm0, $0xb8;
	[tilespmem:$0x18100] =	vst v63  }
0x48: {  	s26 =	simm.s32 $0x3900  }
0x49: {  	[tilespmem:s26], [sflag:$0x1] =	stream.indirect_vreg.gather [hbm4b:s4+s23], $0x80, v3, vm0, $0xb8;
	[tilespmem:$0x18100] =	vst v63  }
0x4a: {  	v3 =	vld [tilespmem:$0x40];
	_ =	sdelay $0x4  }
0x4b: {  	v4 =	vshll.u32 v3, $0x1  }
0x4c: {  	v3 =	vand.u32 $0x7, v3;
	v4 =	vand.u32 $0xFFFFFFF0, v4  }
0x4d: {  	v3 =	vor.u32 v3, v4  }
0x4e: {  	v4 =	vperm.xlane v3, v0;
	_ =	sdelay $0x1  }
0x4f: {  	v3 =	vperm.xlane v3, v2;
	v4 =	vadd.s32 v1, v4;
	_ =	sdelay $0x1  }
0x50: {  	v3 =	vadd.s32 v1, v3;
	_ =	sdelay $0x1  }
0x51: {  	s28 =	simm.s32 $0x4100  }
0x52: {  	[tilespmem:s28], [sflag:$0x1] =	stream.indirect_vreg.gather [hbm4b:s4+s23], $0x80, v4, vm0, $0xb8;
	[tilespmem:$0x18100] =	vst v63  }
0x53: {  	s25 =	simm.s32 $0x4900  }
0x54: {  	[tilespmem:s25], [sflag:$0x1] =	stream.indirect_vreg.gather [hbm4b:s4+s23], $0x80, v3, vm0, $0xb8;
	[tilespmem:$0x18100] =	vst v63  }
0x55: {  	v3 =	vld [tilespmem:$0x50];
	_ =	sdelay $0x4  }
0x56: {  	v4 =	vshll.u32 v3, $0x1  }
0x57: {  	v3 =	vand.u32 $0x7, v3;
	v4 =	vand.u32 $0xFFFFFFF0, v4  }
0x58: {  	v3 =	vor.u32 v3, v4  }
0x59: {  	v4 =	vperm.xlane v3, v0;
	_ =	sdelay $0x1  }
0x5a: {  	v3 =	vperm.xlane v3, v2;
	v4 =	vadd.s32 v1, v4;
	_ =	sdelay $0x1  }
0x5b: {  	v3 =	vadd.s32 v1, v3;
	_ =	sdelay $0x1  }
0x5c: {  	s26 =	simm.s32 $0x5100  }
0x5d: {  	[tilespmem:s26], [sflag:$0x1] =	stream.indirect_vreg.gather [hbm4b:s4+s23], $0x80, v4, vm0, $0xb8;
	[tilespmem:$0x18100] =	vst v63  }
0x5e: {  	s28 =	simm.s32 $0x5900  }
0x5f: {  	[tilespmem:s28], [sflag:$0x1] =	stream.indirect_vreg.gather [hbm4b:s4+s23], $0x80, v3, vm0, $0xb8;
	[tilespmem:$0x18100] =	vst v63  }
0x60: {  	v3 =	vld [tilespmem:$0x60];
	_ =	sdelay $0x4  }
0x61: {  	v4 =	vshll.u32 v3, $0x1  }
0x62: {  	v3 =	vand.u32 $0x7, v3;
	v4 =	vand.u32 $0xFFFFFFF0, v4  }
0x63: {  	v3 =	vor.u32 v3, v4  }
0x64: {  	v4 =	vperm.xlane v3, v0;
	_ =	sdelay $0x1  }
0x65: {  	v3 =	vperm.xlane v3, v2;
	v4 =	vadd.s32 v1, v4;
	_ =	sdelay $0x1  }
0x66: {  	v3 =	vadd.s32 v1, v3;
	_ =	sdelay $0x1  }
0x67: {  	s25 =	simm.s32 $0x6100  }
0x68: {  	[tilespmem:s25], [sflag:$0x1] =	stream.indirect_vreg.gather [hbm4b:s4+s23], $0x80, v4, vm0, $0xb8;
	[tilespmem:$0x18100] =	vst v63  }
0x69: {  	s26 =	simm.s32 $0x6900  }
0x6a: {  	[tilespmem:s26], [sflag:$0x1] =	stream.indirect_vreg.gather [hbm4b:s4+s23], $0x80, v3, vm0, $0xb8;
	[tilespmem:$0x18100] =	vst v63  }
0x6b: {  	v3 =	vld [tilespmem:$0x70];
	_ =	sdelay $0x4  }
0x6c: {  	v4 =	vshll.u32 v3, $0x1  }
0x6d: {  	v3 =	vand.u32 $0x7, v3;
	v4 =	vand.u32 $0xFFFFFFF0, v4  }
0x6e: {  	v3 =	vor.u32 v3, v4  }
0x6f: {  	v4 =	vperm.xlane v3, v0;
	_ =	sdelay $0x1  }
0x70: {  	v3 =	vperm.xlane v3, v2;
	v4 =	vadd.s32 v1, v4;
	_ =	sdelay $0x1  }
0x71: {  	v3 =	vadd.s32 v1, v3;
	_ =	sdelay $0x1  }
0x72: {  	s28 =	simm.s32 $0x7100  }
0x73: {  	[tilespmem:s28], [sflag:$0x1] =	stream.indirect_vreg.gather [hbm4b:s4+s23], $0x80, v4, vm0, $0xb8;
	[tilespmem:$0x18100] =	vst v63  }
0x74: {  	s25 =	simm.s32 $0x7900  }
0x75: {  	[tilespmem:s25], [sflag:$0x1] =	stream.indirect_vreg.gather [hbm4b:s4+s23], $0x80, v3, vm0, $0xb8;
	[tilespmem:$0x18100] =	vst v63  }
0x76: {  	v3 =	vld [tilespmem:$0x80];
	_ =	sdelay $0x4  }
0x77: {  	v4 =	vshll.u32 v3, $0x1  }
0x78: {  	v3 =	vand.u32 $0x7, v3;
	v4 =	vand.u32 $0xFFFFFFF0, v4  }
0x79: {  	v3 =	vor.u32 v3, v4  }
0x7a: {  	v4 =	vperm.xlane v3, v0;
	_ =	sdelay $0x1  }
0x7b: {  	v3 =	vperm.xlane v3, v2;
	v4 =	vadd.s32 v1, v4;
	_ =	sdelay $0x1  }
0x7c: {  	v3 =	vadd.s32 v1, v3;
	_ =	sdelay $0x2  }
0x7d: {  	[tilespmem:s29], [sflag:$0x2] =	stream.indirect_vreg.gather [hbm4b:s5+s23], $0x80, v4, vm0, $0xb8;
	[tilespmem:$0x18100] =	vst v63  }
0x7e: {  	_ = 	snop  }
0x7f: {  	[tilespmem:s30], [sflag:$0x2] =	stream.indirect_vreg.gather [hbm4b:s5+s23], $0x80, v3, vm0, $0xb8;
	[tilespmem:$0x18100] =	vst v63  }
0x80: {  	v3 =	vld [tilespmem:$0x90];
	_ =	sdelay $0x4  }
0x81: {  	v4 =	vshll.u32 v3, $0x1  }
0x82: {  	v3 =	vand.u32 $0x7, v3;
	v4 =	vand.u32 $0xFFFFFFF0, v4  }
0x83: {  	v3 =	vor.u32 v3, v4  }
0x84: {  	v4 =	vperm.xlane v3, v0;
	_ =	sdelay $0x1  }
0x85: {  	v3 =	vperm.xlane v3, v2;
	v4 =	vadd.s32 v1, v4;
	_ =	sdelay $0x1  }
0x86: {  	v3 =	vadd.s32 v1, v3;
	_ =	sdelay $0x2  }
0x87: {  	[tilespmem:s31], [sflag:$0x2] =	stream.indirect_vreg.gather [hbm4b:s5+s23], $0x80, v4, vm0, $0xb8;
	[tilespmem:$0x18100] =	vst v63  }
0x88: {  	_ = 	snop  }
0x89: {  	[tilespmem:s0], [sflag:$0x2] =	stream.indirect_vreg.gather [hbm4b:s5+s23], $0x80, v3, vm0, $0xb8;
	[tilespmem:$0x18100] =	vst v63  }
0x8a: {  	v3 =	vld [tilespmem:$0xA0];
	_ =	sdelay $0x4  }
0x8b: {  	v4 =	vshll.u32 v3, $0x1  }
0x8c: {  	v3 =	vand.u32 $0x7, v3;
	v4 =	vand.u32 $0xFFFFFFF0, v4  }
0x8d: {  	v3 =	vor.u32 v3, v4  }
0x8e: {  	v4 =	vperm.xlane v3, v0;
	_ =	sdelay $0x1  }
0x8f: {  	v3 =	vperm.xlane v3, v2;
	v4 =	vadd.s32 v1, v4;
	_ =	sdelay $0x1  }
0x90: {  	v3 =	vadd.s32 v1, v3;
	_ =	sdelay $0x2  }
0x91: {  	[tilespmem:s1], [sflag:$0x2] =	stream.indirect_vreg.gather [hbm4b:s5+s23], $0x80, v4, vm0, $0xb8;
	[tilespmem:$0x18100] =	vst v63  }
0x92: {  	_ = 	snop  }
0x93: {  	[tilespmem:s9], [sflag:$0x2] =	stream.indirect_vreg.gather [hbm4b:s5+s23], $0x80, v3, vm0, $0xb8;
	[tilespmem:$0x18100] =	vst v63  }
0x94: {  	v3 =	vld [tilespmem:$0xB0];
	_ =	sdelay $0x4  }
0x95: {  	v4 =	vshll.u32 v3, $0x1  }
0x96: {  	v3 =	vand.u32 $0x7, v3;
	v4 =	vand.u32 $0xFFFFFFF0, v4  }
0x97: {  	v3 =	vor.u32 v3, v4  }
0x98: {  	v4 =	vperm.xlane v3, v0;
	_ =	sdelay $0x1  }
0x99: {  	v3 =	vperm.xlane v3, v2;
	v4 =	vadd.s32 v1, v4;
	_ =	sdelay $0x1  }
0x9a: {  	v3 =	vadd.s32 v1, v3;
	_ =	sdelay $0x2  }
0x9b: {  	[tilespmem:s2], [sflag:$0x2] =	stream.indirect_vreg.gather [hbm4b:s5+s23], $0x80, v4, vm0, $0xb8;
	[tilespmem:$0x18100] =	vst v63  }
0x9c: {  	_ = 	snop  }
0x9d: {  	[tilespmem:s3], [sflag:$0x2] =	stream.indirect_vreg.gather [hbm4b:s5+s23], $0x80, v3, vm0, $0xb8;
	[tilespmem:$0x18100] =	vst v63  }
0x9e: {  	v3 =	vld [tilespmem:$0xC0];
	_ =	sdelay $0x4  }
0x9f: {  	v4 =	vshll.u32 v3, $0x1  }
0xa0: {  	v3 =	vand.u32 $0x7, v3;
	v4 =	vand.u32 $0xFFFFFFF0, v4  }
0xa1: {  	v3 =	vor.u32 v3, v4  }
0xa2: {  	v4 =	vperm.xlane v3, v0;
	_ =	sdelay $0x1  }
0xa3: {  	v3 =	vperm.xlane v3, v2;
	v4 =	vadd.s32 v1, v4;
	_ =	sdelay $0x1  }
0xa4: {  	v3 =	vadd.s32 v1, v3;
	_ =	sdelay $0x2  }
0xa5: {  	[tilespmem:s11], [sflag:$0x2] =	stream.indirect_vreg.gather [hbm4b:s5+s23], $0x80, v4, vm0, $0xb8;
	[tilespmem:$0x18100] =	vst v63  }
0xa6: {  	_ = 	snop  }
0xa7: {  	[tilespmem:s12], [sflag:$0x2] =	stream.indirect_vreg.gather [hbm4b:s5+s23], $0x80, v3, vm0, $0xb8;
	[tilespmem:$0x18100] =	vst v63  }
0xa8: {  	v3 =	vld [tilespmem:$0xD0];
	_ =	sdelay $0x4  }
0xa9: {  	v4 =	vshll.u32 v3, $0x1  }
0xaa: {  	v3 =	vand.u32 $0x7, v3;
	v4 =	vand.u32 $0xFFFFFFF0, v4  }
0xab: {  	v3 =	vor.u32 v3, v4  }
0xac: {  	v4 =	vperm.xlane v3, v0;
	_ =	sdelay $0x1  }
0xad: {  	v3 =	vperm.xlane v3, v2;
	v4 =	vadd.s32 v1, v4;
	_ =	sdelay $0x1  }
0xae: {  	v3 =	vadd.s32 v1, v3;
	_ =	sdelay $0x2  }
0xaf: {  	[tilespmem:s13], [sflag:$0x2] =	stream.indirect_vreg.gather [hbm4b:s5+s23], $0x80, v4, vm0, $0xb8;
	[tilespmem:$0x18100] =	vst v63  }
0xb0: {  	_ = 	snop  }
0xb1: {  	[tilespmem:s14], [sflag:$0x2] =	stream.indirect_vreg.gather [hbm4b:s5+s23], $0x80, v3, vm0, $0xb8;
	[tilespmem:$0x18100] =	vst v63  }
0xb2: {  	v3 =	vld [tilespmem:$0xE0];
	_ =	sdelay $0x4  }
0xb3: {  	v4 =	vshll.u32 v3, $0x1  }
0xb4: {  	v3 =	vand.u32 $0x7, v3;
	v4 =	vand.u32 $0xFFFFFFF0, v4  }
0xb5: {  	v3 =	vor.u32 v3, v4  }
0xb6: {  	v4 =	vperm.xlane v3, v0;
	_ =	sdelay $0x1  }
0xb7: {  	v3 =	vperm.xlane v3, v2;
	v4 =	vadd.s32 v1, v4;
	_ =	sdelay $0x1  }
0xb8: {  	v3 =	vadd.s32 v1, v3;
	_ =	sdelay $0x2  }
0xb9: {  	[tilespmem:s15], [sflag:$0x2] =	stream.indirect_vreg.gather [hbm4b:s5+s23], $0x80, v4, vm0, $0xb8;
	[tilespmem:$0x18100] =	vst v63  }
0xba: {  	_ = 	snop  }
0xbb: {  	[tilespmem:s16], [sflag:$0x2] =	stream.indirect_vreg.gather [hbm4b:s5+s23], $0x80, v3, vm0, $0xb8;
	[tilespmem:$0x18100] =	vst v63  }
0xbc: {  	v3 =	vld [tilespmem:$0xF0];
	_ =	sdelay $0x4  }
0xbd: {  	v4 =	vshll.u32 v3, $0x1  }
0xbe: {  	v3 =	vand.u32 $0x7, v3;
	v4 =	vand.u32 $0xFFFFFFF0, v4  }
0xbf: {  	v3 =	vor.u32 v3, v4  }
0xc0: {  	v4 =	vperm.xlane v3, v0;
	_ =	sdelay $0x1  }
0xc1: {  	v3 =	vperm.xlane v3, v2;
	v4 =	vadd.s32 v1, v4;
	_ =	sdelay $0x1  }
0xc2: {  	v3 =	vadd.s32 v1, v3;
	_ =	sdelay $0x2  }
0xc3: {  	[tilespmem:s17], [sflag:$0x2] =	stream.indirect_vreg.gather [hbm4b:s5+s23], $0x80, v4, vm0, $0xb8;
	[tilespmem:$0x18100] =	vst v63  }
0xc4: {  	_ = 	snop  }
0xc5: {  	[tilespmem:s18], [sflag:$0x2] =	stream.indirect_vreg.gather [hbm4b:s5+s23], $0x80, v3, vm0, $0xb8;
	[tilespmem:$0x18100] =	vst v63  }
0xc6: {  	_ =	swait.ge [sflag:s19], $0x8000  }
0xc7: {  	[sflag:s19] =	ssyncset.done $0x0  }
0xc8: {  	[sflag:s19] =	ssyncadd.s32 $0xFFFF8000  }
0xc9: {  	_ =	swait.ge [sflag:s20], $0x8000  }
0xca: {  	s26 =	sand.u32 $0x7800, s23;
	s23 =	sand.u32 $0x380, s23;
	[sflag:s20] =	ssyncset.done $0x0  }
0xcb: {  	s23 =	sor.u32 s23, s26;
	[sflag:s20] =	ssyncadd.s32 $0xFFFF8000  }
0xcc: {  	v3 =	vld [tilespmem:s23+$0x570]  }
0xcd: {  	v4 =	vld [tilespmem:s23+$0x8570]  }
0xce: {  	v5 =	vld [tilespmem:s23+$0x100]  }
0xcf: {  	v6 =	vld [tilespmem:s23+$0x8100]  }
0xd0: {  	v7 =	vld [tilespmem:s23+$0x110]  }
0xd1: {  	v8 =	vld [tilespmem:s23+$0x8110]  }
0xd2: {  	v9 =	vld [tilespmem:s23+$0x120]  }
0xd3: {  	v10 =	vld [tilespmem:s23+$0x130];
	v3 =	vadd.f32 v4, v3  }
0xd4: {  	v4 =	vld [tilespmem:s23+$0x8120]  }
0xd5: {  	v5 =	vmul.f32 v6, v5;
	[tilespmem:s23+$0x10570] =	vst v3;
	v3 =	vld [tilespmem:s23+$0x8130]  }
0xd6: {  	v6 =	vld [tilespmem:s23+$0x140]  }
0xd7: {  	[tilespmem:s23+$0x10100] =	vst v5;
	v5 =	vmul.f32 v8, v7;
	v7 =	vld [tilespmem:s23+$0x8140]  }
0xd8: {  	v8 =	vld [tilespmem:s23+$0x8150]  }
0xd9: {  	[tilespmem:s23+$0x10110] =	vst v5;
	v5 =	vld [tilespmem:s23+$0x150];
	v4 =	vmul.f32 v4, v9  }
0xda: {  	v9 =	vld [tilespmem:s23+$0x8160];
	v3 =	vmul.f32 v3, v10  }
0xdb: {  	[tilespmem:s23+$0x10120] =	vst v4;
	v4 =	vld [tilespmem:s23+$0x160]  }
0xdc: {  	[tilespmem:s23+$0x10130] =	vst v3;
	v3 =	vmul.f32 v7, v6;
	v6 =	vld [tilespmem:s23+$0x170]  }
0xdd: {  	v7 =	vld [tilespmem:s23+$0x8170]  }
0xde: {  	[tilespmem:s23+$0x10140] =	vst v3;
	v3 =	vmul.f32 v8, v5;
	v5 =	vld [tilespmem:s23+$0x500]  }
0xdf: {  	v8 =	vld [tilespmem:s23+$0x8500]  }
0xe0: {  	[tilespmem:s23+$0x10150] =	vst v3;
	v3 =	vmul.f32 v9, v4;
	v4 =	vld [tilespmem:s23+$0x510]  }
0xe1: {  	v9 =	vld [tilespmem:s23+$0x8510]  }
0xe2: {  	[tilespmem:s23+$0x10160] =	vst v3;
	v3 =	vmul.f32 v7, v6;
	v6 =	vld [tilespmem:s23+$0x520]  }
0xe3: {  	v7 =	vld [tilespmem:s23+$0x8520]  }
0xe4: {  	v10 =	vld [tilespmem:s23+$0x8530]  }
0xe5: {  	[tilespmem:s23+$0x10170] =	vst v3;
	v3 =	vadd.f32 v8, v5;
	v8 =	vld [tilespmem:s23+$0x530]  }
0xe6: {  	v5 =	vld [tilespmem:s23+$0x8540];
	v4 =	vadd.f32 v9, v4  }
0xe7: {  	[tilespmem:s23+$0x10500] =	vst v3;
	v3 =	vld [tilespmem:s23+$0x540]  }
0xe8: {  	[tilespmem:s23+$0x10510] =	vst v4;
	v7 =	vadd.f32 v7, v6;
	v4 =	vld [tilespmem:s23+$0x550]  }
0xe9: {  	s24 =	simm.s32 $0x80;
	s28 =	simm.s32 $0x100;
	v6 =	vld [tilespmem:s23+$0x8550]  }
0xea: {  	s25 =	sand.u32 $0x7800, s28;
	s26 =	sand.u32 $0x380, s24;
	[tilespmem:s23+$0x10520] =	vst v7;
	v7 =	vld [tilespmem:s23+$0x560];
	v9 =	vadd.f32 v10, v8  }
0xeb: {  	s26 =	sor.u32 s26, s25;
	s25 =	simm.s32 $0x200;
	v8 =	vld [tilespmem:s23+$0x8560]  }
.LBB2_3:
0xec: {  	p0 =	sne.s32 s25, $0x7F00;
	v10 =	vld [tilespmem:s26+$0x570];
	[tilespmem:s23+$0x10530] =	vst v9;
	v3 =	vadd.f32 v5, v3  }
0xed: {  	v5 =	vld [tilespmem:s26+$0x8570]  }
0xee: {  	v9 =	vld [tilespmem:s26+$0x100];
	[tilespmem:s23+$0x10540] =	vst v3;
	v3 =	vadd.f32 v6, v4  }
0xef: {  	v4 =	vld [tilespmem:s26+$0x8100]  }
0xf0: {  	v6 =	vld [tilespmem:s26+$0x110];
	[tilespmem:s23+$0x10550] =	vst v3;
	v3 =	vadd.f32 v8, v7  }
0xf1: {  	v7 =	vld [tilespmem:s26+$0x8110]  }
0xf2: {  	v8 =	vld [tilespmem:s26+$0x120];
	v5 =	vadd.f32 v5, v10;
	[tilespmem:s23+$0x10560] =	vst v3;
	s23 =	smov.u32 s26  }
0xf3: {  	v3 =	vld [tilespmem:s23+$0x8120]  }
0xf4: {  	v4 =	vmul.f32 v4, v9;
	v9 =	vld [tilespmem:s23+$0x130];
	[tilespmem:s23+$0x10570] =	vst v5  }
0xf5: {  	v5 =	vld [tilespmem:s23+$0x8130]  }
0xf6: {  	[tilespmem:s23+$0x10100] =	vst v4;
	v4 =	vmul.f32 v7, v6;
	v6 =	vld [tilespmem:s23+$0x140]  }
0xf7: {  	v7 =	vld [tilespmem:s23+$0x8140]  }
0xf8: {  	[tilespmem:s23+$0x10110] =	vst v4;
	v3 =	vmul.f32 v3, v8;
	v4 =	vld [tilespmem:s23+$0x150]  }
0xf9: {  	v8 =	vld [tilespmem:s23+$0x8150]  }
0xfa: {  	[tilespmem:s23+$0x10120] =	vst v3;
	v3 =	vmul.f32 v5, v9;
	v5 =	vld [tilespmem:s23+$0x160]  }
0xfb: {  	v9 =	vld [tilespmem:s23+$0x8160]  }
0xfc: {  	[tilespmem:s23+$0x10130] =	vst v3;
	v3 =	vmul.f32 v7, v6;
	v6 =	vld [tilespmem:s23+$0x170]  }
0xfd: {  	v7 =	vld [tilespmem:s23+$0x8170]  }
0xfe: {  	[tilespmem:s23+$0x10140] =	vst v3;
	v3 =	vmul.f32 v8, v4;
	v4 =	vld [tilespmem:s23+$0x500]  }
0xff: {  	v8 =	vld [tilespmem:s23+$0x8500]  }
0x100: {  	[tilespmem:s23+$0x10150] =	vst v3;
	v3 =	vmul.f32 v9, v5;
	v5 =	vld [tilespmem:s23+$0x510]  }
0x101: {  	v9 =	vld [tilespmem:s23+$0x8510]  }
0x102: {  	[tilespmem:s23+$0x10160] =	vst v3;
	v3 =	vmul.f32 v7, v6;
	v6 =	vld [tilespmem:s23+$0x520]  }
0x103: {  	v7 =	vld [tilespmem:s23+$0x8520]  }
0x104: {  	[tilespmem:s23+$0x10170] =	vst v3;
	v3 =	vadd.f32 v8, v4;
	v8 =	vld [tilespmem:s23+$0x530]  }
0x105: {  	v10 =	vld [tilespmem:s23+$0x8530]  }
0x106: {  	[tilespmem:s23+$0x10500] =	vst v3;
	v4 =	vadd.f32 v9, v5;
	v3 =	vld [tilespmem:s23+$0x540]  }
.Ltmp0:
0x107: {  	v5 =	vld [tilespmem:s23+$0x8540];
	(pc) =	sbr.rel @p0 .LBB2_3-.Ltmp0, $4  }
0x108: {  	[tilespmem:s23+$0x10510] =	vst v4;
	v7 =	vadd.f32 v7, v6;
	v4 =	vld [tilespmem:s23+$0x550]  }
0x109: {  	s24 =	sadd.s32 $0x80, s24;
	v6 =	vld [tilespmem:s23+$0x8550]  }
0x10a: {  	s28 =	sand.u32 $0x380, s24;
	s26 =	sand.u32 $0x7800, s25;
	[tilespmem:s23+$0x10520] =	vst v7;
	v9 =	vadd.f32 v10, v8;
	v7 =	vld [tilespmem:s23+$0x560]  }
0x10b: {  	s25 =	sadd.s32 $0x100, s25;
	s26 =	sor.u32 s28, s26;
	v8 =	vld [tilespmem:s23+$0x8560]  }
0x10c: {  	v10 =	vld [tilespmem:s26+$0x570];
	[tilespmem:s23+$0x10530] =	vst v9;
	v3 =	vadd.f32 v5, v3  }
0x10d: {  	v33 =	vld [tilespmem:s26+$0x8570]  }
0x10e: {  	v9 =	vld [tilespmem:s26+$0x100];
	[tilespmem:s23+$0x10540] =	vst v3;
	v3 =	vadd.f32 v6, v4  }
0x10f: {  	v34 =	vld [tilespmem:s26+$0x8100]  }
0x110: {  	v35 =	vld [tilespmem:s26+$0x110];
	[tilespmem:s23+$0x10550] =	vst v3;
	v3 =	vadd.f32 v8, v7  }
0x111: {  	v36 =	vld [tilespmem:s26+$0x8110]  }
0x112: {  	v37 =	vld [tilespmem:s26+$0x120];
	[tilespmem:s23+$0x10560] =	vst v3  }
0x113: {  	v38 =	vld [tilespmem:s26+$0x8120]  }
0x114: {  	v3 =	vadd.f32 v33, v10;
	v39 =	vld [tilespmem:s26+$0x130]  }
0x115: {  	v41 =	vld [tilespmem:s26+$0x140]  }
0x116: {  	[tilespmem:s26+$0x10570] =	vst v3;
	v3 =	vld [tilespmem:s26+$0x8130]  }
0x117: {  	v42 =	vld [tilespmem:s26+$0x8140]  }
0x118: {  	v44 =	vld [tilespmem:s26+$0x150]  }
0x119: {  	v45 =	vld [tilespmem:s26+$0x8150]  }
0x11a: {  	v46 =	vld [tilespmem:s26+$0x160]  }
0x11b: {  	v47 =	vld [tilespmem:s26+$0x8160];
	v3 =	vmul.f32 v3, v39  }
0x11c: {  	v48 =	vld [tilespmem:s26+$0x170]  }
0x11d: {  	v49 =	vld [tilespmem:s26+$0x8170];
	[tilespmem:s26+$0x10130] =	vst v3;
	v3 =	vmul.f32 v42, v41  }
0x11e: {  	v50 =	vld [tilespmem:s26+$0x500]  }
0x11f: {  	v51 =	vld [tilespmem:s26+$0x8500];
	[tilespmem:s26+$0x10140] =	vst v3;
	v3 =	vmul.f32 v45, v44  }
0x120: {  	v52 =	vld [tilespmem:s26+$0x510]  }
0x121: {  	v53 =	vld [tilespmem:s26+$0x8510];
	[tilespmem:s26+$0x10150] =	vst v3;
	v3 =	vmul.f32 v47, v46  }
0x122: {  	v54 =	vld [tilespmem:s26+$0x520]  }
0x123: {  	v55 =	vld [tilespmem:s26+$0x8520];
	[tilespmem:s26+$0x10160] =	vst v3;
	v3 =	vmul.f32 v49, v48  }
0x124: {  	v56 =	vld [tilespmem:s26+$0x530]  }
0x125: {  	v57 =	vld [tilespmem:s26+$0x8530];
	[tilespmem:s26+$0x10170] =	vst v3;
	v3 =	vadd.f32 v51, v50  }
0x126: {  	v58 =	vld [tilespmem:s26+$0x540]  }
0x127: {  	v59 =	vld [tilespmem:s26+$0x8540];
	[tilespmem:s26+$0x10500] =	vst v3;
	v3 =	vadd.f32 v53, v52  }
0x128: {  	v60 =	vld [tilespmem:s26+$0x550]  }
0x129: {  	v61 =	vld [tilespmem:s26+$0x8550];
	[tilespmem:s26+$0x10510] =	vst v3;
	v3 =	vadd.f32 v55, v54  }
0x12a: {  	v62 =	vld [tilespmem:s26+$0x8560];
	v4 =	vmul.f32 v34, v9  }
0x12b: {  	v40 =	vmul.f32 v36, v35;
	[tilespmem:s26+$0x10520] =	vst v3;
	v3 =	vld [tilespmem:s26+$0x560]  }
0x12c: {  	[tilespmem:s26+$0x10100] =	vst v4;
	v43 =	vmul.f32 v38, v37  }
0x12d: {  	[tilespmem:s26+$0x10110] =	vst v40;
	v5 =	vadd.f32 v57, v56  }
0x12e: {  	v4 =	vadd.f32 v59, v58;
	[tilespmem:s26+$0x10120] =	vst v43  }
0x12f: {  	v63 =	vadd.f32 v61, v60;
	[tilespmem:s26+$0x10530] =	vst v5  }
0x130: {  	s28 =	sshll.u32 s22, $0xC;
	s22 =	sadd.s32 $0x1, s22;
	[tilespmem:s26+$0x10540] =	vst v4;
	v3 =	vadd.f32 v62, v3  }
0x131: {  	p0 =	sne.s32 s22, $0x80;
	[tilespmem:s26+$0x10550] =	vst v63  }
.Ltmp1:
0x132: {  	s24 =	simm.s32 $0x0;
	s23 =	sadd.s32 s28, s8;
	[tilespmem:s26+$0x10560] =	vst v3;
	(pc) =	sbr.rel @p0 .LBB2_2-.Ltmp1, $4  }
0x133: {  	[hbm4b:s23+s24] =	stream.linear.scatter [tilespmem:s21], [sflag:$0x3], $0x8000, $0x38;
	[tilespmem:$0x18100] =	vst v63  }
0x134: {  	_ =	swait.ge [sflag:s10], $0x8000  }
0x135: {  	[sflag:s10] =	ssyncset.done $0x0  }
0x136: {  	[sflag:s10] =	ssyncadd.s32 $0xFFFF8000  }
0x137: {  	s23 =	rddreg [dreg:$0x4]  }
0x138: {  	s22 =	rddreg [dreg:$0x3];
	s23 =	sadd.s32 $0x1, s23  }
0x139: {  	p0 =	sne.s32 s23, s22  }
.Ltmp2:
0x13a: {  	_ = 	snop;
	(pc) =	sbr.rel @p0 .LBB2_1-.Ltmp2, $1  }
0x13b: {  	_ =	sdelay $0x3  }
0x13c: {  	_ =	sfence.sel $0x180000  }
0x13d: {  	[bflag:$0x0] =	sbarrier.arrive $0xFFFF  }
0x13e: {  	_ =	strace $0x90000053  }
0x13f: {  	s0 =	stileid.u32;
	[bflag:$0x2] =	sbarrier.arrive $0xFFFF  }
0x140: {  	p0 =	sne.s32 s0, $0x0;
	s0 =	rddreg [dreg:$0x2]  }
0x141: {  	s0 =	sadd.s32 @!p0 $0x100000, s0  }
0x142: {  	[sflag:s0] =	ssyncadd.tile.s32 @!p0 $0x1;
	_ =	shalt  }
.Lfunc_end2:
_tile_overlayer_lowered:
.L_overlay_start_2:
0x143: {  	(tag) =	ssettag $0x2  }
0x144: {  	s0 =	rddreg [dreg:$0x0];
	s2 =	stileid.u32  }
0x145: {  	s1 =	rddreg [dreg:$0x1];
	p0 =	sne.s32 s2, $0x0  }
0x146: {  	s3 =	rddreg [dreg:$0x2];
	[bflag:$0x3] =	sbarrier.arrive $0xFFFF;
	s2 =	simm.s32 @!p0 $0x1C03  }
0x147: {  	[timem:s3], [sflag:s2] =	dma.local @!p0 [hbm:s0], s1  }
0x148: {  	s0 =	simm.s32 @!p0 $0x3  }
0x149: {  	_ =	swait.ge @!p0 [sflag:s0], s1  }
0x14a: {  	s1 =	ssub.s32 @!p0 $0x0, s1;
	[sflag:s0] =	ssyncset.done @!p0 $0x0  }
0x14b: {  	[sflag:s0] =	ssyncadd.s32 @!p0 s1  }
0x14c: {  	[bflag:$0x3] =	sbarrier.arrive $0xFFFF  }
0x14d: {  	_ =	shalt  }

// kernel: kernel.31.cloned.1.call-start
scs
__scs_entry_jumppad:
0x0: {  	(pc) =	sbr.rel $0x88, $3  }
0x1: {  	(tag) =	ssettag $0x0;
	lr =	simm.s32 $0x1  }
0x2: {  	[smem:$0x3F8A] =	sst lr;
	_ =	strace $0xD0000000  }
0x3: {  	_ = 	snop  }
0x4: {  	_ = 	snop  }
0x5: {  	_ = 	snop  }
0x6: {  	_ = 	snop  }
0x7: {  	_ = 	snop  }
__scs_overlays_trampoline_lowered:
0x8: {  	[smem:$0x3F99] =	sst s0  }
0x9: {  	[smem:$0x3F9A] =	sst s1  }
0xa: {  	[smem:$0x3F9B] =	sst s2  }
0xb: {  	[smem:$0x3F9C] =	sst s3  }
0xc: {  	[smem:$0x3F9D] =	sst s4  }
0xd: {  	[smem:$0x3F9E] =	sst s5  }
0xe: {  	[smem:$0x3F9F] =	sst s6  }
0xf: {  	[smem:$0x3FA0] =	sst s7  }
0x10: {  	[smem:$0x3FA1] =	sst s8  }
0x11: {  	[smem:$0x3FA2] =	sst s9;
	s0 =	simm.s32 @!p0 $0x0  }
0x12: {  	s1 =	sld [smem:$0x3F88];
	s0 =	simm.s32 @p0 $0x1  }
0x13: {  	[smem:$0x3FA3] =	sst s0;
	s0 =	simm.s32 @!p1 $0x0  }
0x14: {  	s2 =	sld [smem:$0x3F87];
	s0 =	simm.s32 @p1 $0x1  }
0x15: {  	[smem:$0x3FA4] =	sst s0;
	s0 =	simm.s32 @!p2 $0x0  }
0x16: {  	s3 =	sld [smem:$0x3FDB];
	s0 =	simm.s32 @p2 $0x1  }
0x17: {  	s4 =	simm.s32 $0x1BF5;
	[smem:$0x3FA6] =	sst s0  }
0x18: {  	s0 =	sld [smem:$0x3F89];
	_ =	swait.ge [sflag:s4], $0x0  }
0x19: {  	s7 =	sld [smem:$0x3F8A]  }
0x1a: {  	s8 =	sadd.s32 $0xFFFFE003, lr  }
0x1b: {  	s9 =	sadd.s32 $0xFFFFFEF7, lr;
	s5 =	simm.s32 $0xFFFFFFFF;
	p2 =	slt.u32 s8, $0xFFFFF086  }
0x1c: {  	p1 =	slt.u32 s9, $0xF7A;
	s5 =	simm.s32 @!p2 $0x0  }
0x1d: {  	s5 =	simm.s32 @p1 $0x1;
	p0 =	seq.s32 s7, s2  }
0x1e: {  	s7 =	smul.u32 @!p0 $0xF7A, s2;
	p2 =	seq.s32 @!p0 s5, $0x0  }
0x1f: {  	s9 =	smul.u32 $0xF7A, s1;
	s8 =	simm.s32 @!p0 $0x1BF5;
	p2 =	por !p2, p0  }
0x20: {  	[sflag:s8] =	ssyncset.s32 @!p0 $0xFFFFF086;
	s6 =	sadd.s32 @!p0 s3, s7;
	s7 =	simm.s32 @!p0 $0x108  }
0x21: {  	s3 =	sadd.s32 s3, s9;
	s6 =	sadd.s32 @!p0 $0x88, s6;
	s7 =	simm.s32 @p2 $0x1082  }
0x22: {  	[simem:s7], [sflag:s8] =	dma.local @!p0 [hbm:s6], $0xF7A  }
0x23: {  	s9 =	sor.u32 $0xD0000000, s2;
	s6 =	simm.s32 $0x108;
	_ =	swait.ge @!p0 [sflag:s8], $0x0  }
0x24: {  	s3 =	sadd.s32 $0x88, s3;
	s6 =	simm.s32 @!p1 $0x1082;
	[sflag:s4] =	ssyncset.s32 $0xFFFFF086  }
0x25: {  	[simem:s6], [sflag:s4] =	dma.local [hbm:s3], $0xF7A  }
0x26: {  	[smem:$0x3F8A] =	sst s1;
	(tag) =	ssettag s2;
	_ =	strace s9  }
0x27: {  	s1 =	sld [smem:$0x3F9A]  }
0x28: {  	s2 =	sld [smem:$0x3F9B]  }
0x29: {  	s4 =	sld [smem:$0x3F9D]  }
0x2a: {  	p0 =	seq.s32 s5, $0x0;
	s5 =	sld [smem:$0x3F9E]  }
0x2b: {  	s6 =	sld [smem:$0x3F9F]  }
0x2c: {  	s7 =	sld [smem:$0x3FA0]  }
0x2d: {  	s3 =	simm.s32 $0x108;
	s8 =	sld [smem:$0x3FA1]  }
0x2e: {  	s3 =	simm.s32 @!p0 $0x1082;
	s9 =	sld [smem:$0x3FA2]  }
0x2f: {  	lr =	sadd.s32 s0, s3;
	s0 =	sld [smem:$0x3F99]  }
0x30: {  	s3 =	sld [smem:$0x3F9C]  }
0x31: {  	[smem:$0x3FA5] =	sst s10  }
0x32: {  	s10 =	sld [smem:$0x3FA3];
	_ =	sdelay $0x3  }
0x33: {  	p0 =	seq.s32 s10, $0x1;
	s10 =	sld [smem:$0x3FA5];
	_ =	sdelay $0x3  }
0x34: {  	[smem:$0x3FA5] =	sst s10  }
0x35: {  	s10 =	sld [smem:$0x3FA4];
	_ =	sdelay $0x3  }
0x36: {  	p1 =	seq.s32 s10, $0x1;
	s10 =	sld [smem:$0x3FA5];
	_ =	sdelay $0x3  }
0x37: {  	[smem:$0x3FA5] =	sst s10  }
0x38: {  	s10 =	sld [smem:$0x3FA6]  }
0x39: {  	_ = 	snop;
	(pc) =	sbr.ind lr, $3  }
0x3a: {  	_ = 	snop  }
0x3b: {  	_ = 	snop  }
0x3c: {  	p2 =	seq.s32 s10, $0x1;
	s10 =	sld [smem:$0x3FA5]  }
0x3d: {  	_ =	shalt  }
0x3e: {  	_ =	shalt  }
0x3f: {  	_ =	shalt  }
0x40: {  	_ =	shalt  }
0x41: {  	_ =	shalt  }
0x42: {  	_ =	shalt  }
0x43: {  	_ =	shalt  }
0x44: {  	_ =	shalt  }
0x45: {  	_ =	shalt  }
0x46: {  	_ =	shalt  }
0x47: {  	_ =	shalt  }
0x48: {  	_ =	shalt  }
0x49: {  	_ =	shalt  }
0x4a: {  	_ =	shalt  }
0x4b: {  	_ =	shalt  }
0x4c: {  	_ =	shalt  }
0x4d: {  	_ =	shalt  }
0x4e: {  	_ =	shalt  }
0x4f: {  	_ =	shalt  }
0x50: {  	_ =	shalt  }
0x51: {  	_ =	shalt  }
0x52: {  	_ =	shalt  }
0x53: {  	_ =	shalt  }
0x54: {  	_ =	shalt  }
0x55: {  	_ =	shalt  }
0x56: {  	_ =	shalt  }
0x57: {  	_ =	shalt  }
0x58: {  	_ =	shalt  }
0x59: {  	_ =	shalt  }
0x5a: {  	_ =	shalt  }
0x5b: {  	_ =	shalt  }
0x5c: {  	_ =	shalt  }
0x5d: {  	_ =	shalt  }
0x5e: {  	_ =	shalt  }
0x5f: {  	_ =	shalt  }
0x60: {  	_ =	shalt  }
0x61: {  	_ =	shalt  }
0x62: {  	_ =	shalt  }
0x63: {  	_ =	shalt  }
0x64: {  	_ =	shalt  }
0x65: {  	_ =	shalt  }
0x66: {  	_ =	shalt  }
0x67: {  	_ =	shalt  }
0x68: {  	_ =	shalt  }
0x69: {  	_ =	shalt  }
0x6a: {  	_ =	shalt  }
0x6b: {  	_ =	shalt  }
0x6c: {  	_ =	shalt  }
0x6d: {  	_ =	shalt  }
0x6e: {  	_ =	shalt  }
0x6f: {  	_ =	shalt  }
0x70: {  	_ =	shalt  }
0x71: {  	_ =	shalt  }
0x72: {  	_ =	shalt  }
0x73: {  	_ =	shalt  }
0x74: {  	_ =	shalt  }
0x75: {  	_ =	shalt  }
0x76: {  	_ =	shalt  }
0x77: {  	_ =	shalt  }
0x78: {  	_ =	shalt  }
0x79: {  	_ =	shalt  }
0x7a: {  	_ =	shalt  }
0x7b: {  	_ =	shalt  }
0x7c: {  	_ =	shalt  }
0x7d: {  	_ =	shalt  }
0x7e: {  	_ =	shalt  }
0x7f: {  	_ =	shalt  }
0x80: {  	_ =	shalt  }
0x81: {  	_ =	shalt  }
0x82: {  	_ =	shalt  }
0x83: {  	_ =	shalt  }
0x84: {  	_ =	shalt  }
0x85: {  	_ =	shalt  }
0x86: {  	_ =	shalt  }
0x87: {  	_ =	shalt  }
.Lfunc_end0:
.L_simem_size_0:
called_computation.5_lowered:
.L_overlay_start_0:
0x88: {  	s2 =	sld [smem:$0x3FD9]  }
0x89: {  	s3 =	sld [smem:$0x3FFE];
	_ =	sdelay $0x1  }
0x8a: {  	s1 =	srdreg.scid  }
0x8b: {  	s0 =	sand.u32 $0x1, s1  }
0x8c: {  	s16 =	sshll.u32 s0, $0xA;
	s2 =	sadd.s32 s3, s2  }
0x8d: {  	s2 =	sadd.s32 s2, s16  }
0x8e: {  	[smem:$0x3FB1] =	sst s2  }
0x8f: {  	_ = 	snop  }
0x90: {  	(tm) =	ssettm $0x1  }
0x91: {  	s17 =	sld [smem:$0x3FFB];
	_ =	sdelay $0x3  }
0x92: {  	_ =	strace s17  }
0x93: {  	s2 =	sld [smem:$0x3FFC];
	_ =	sdelay $0x3  }
0x94: {  	_ =	strace s2  }
0x95: {  	s2 =	sld [smem:$0x3FFD];
	_ =	sdelay $0x3  }
0x96: {  	_ =	strace s2  }
0x97: {  	_ =	strace $0x8FFFFFFF  }
0x98: {  	s18 =	sld [smem:$0x3FDB];
	_ =	sdelay $0x1  }
0x99: {  	s19 =	simm.s32 $_scs_section_size  }
0x9a: {  	s4 =	simm.s32 $_size__tile_overlayer_lowered;
	s5 =	simm.s32 $_tile_overlayer_lowered  }
0x9b: {  	s22 =	simm.s32 $0x1BFF;
	s21 =	sshll.u32 s5, $0x1;
	s2 =	sadd.s32 s19, s18  }
0x9c: {  	s6 =	simm.s32 $0x0;
	s20 =	sshll.u32 s4, $0x1;
	s4 =	sadd.s32 s21, s2  }
0x9d: {  	[timem:s6], [sflag:s22] =	dma.local [hbm:s4], s20  }
0x9e: {  	_ =	swait.ge [sflag:s22], s20  }
0x9f: {  	s3 =	ssub.s32 $0x0, s20;
	[sflag:s22] =	ssyncset.done $0x0  }
0xa0: {  	[sflag:s22] =	ssyncadd.s32 s3;
	_ =	sdelay $0x1  }
0xa1: {  	s23 =	simm.s32 $0x1B8B  }
0xa2: {  	_ =	swait.ge [sflag:s23], $0x1  }
0xa3: {  	[sflag:s23] =	ssyncset.done $0x0  }
0xa4: {  	s25 =	simm.s32 $0x1B8E;
	s24 =	sld [smem:$0x3FFE];
	[sflag:s23] =	ssyncadd.s32 $0xFFFFFFFF  }
0xa5: {  	s26 =	simm.s32 $execute0_lowered;
	[smem:$0x3FD2] =	sst s25  }
0xa6: {  	s4 =	sshll.u32 s26, $0x1;
	_ =	strace $0x80000055;
	[dreg:$0x1] =	wrdreg $0xFFFFFFFF  }
0xa7: {  	s28 =	simm.s32 $_size_execute0_lowered;
	s2 =	sadd.s32 s2, s4;
	[dreg:$0x0] =	wrdreg $0x0  }
0xa8: {  	s4 =	sshll.u32 s28, $0x1;
	[dreg:$0x2] =	wrdreg s2  }
0xa9: {  	[dreg:$0x3] =	wrdreg s4  }
0xaa: {  	[dreg:$0x4] =	wrdreg $0xC0  }
0xab: {  	_ =	task [dreg:s6], $0x5FFFF  }
0xac: {  	[dreg:$0x1] =	wrdreg $0xFFFFFFFF  }
0xad: {  	[dreg:$0x0] =	wrdreg $0x60  }
0xae: {  	[dreg:$0x2] =	wrdreg s24  }
0xaf: {  	[dreg:$0x3] =	wrdreg $0x80800  }
0xb0: {  	[dreg:$0x4] =	wrdreg $0x9  }
0xb1: {  	_ =	task.clear_ibuf [dreg:s6], $0x5FFFF;
	_ =	strace $0x90000055  }
0xb2: {  	s29 =	simm.s32 $0x9;
	_ =	strace $0x80000057  }
0xb3: {  	_ =	swait.ge [sflag:s29], $0x1  }
0xb4: {  	[sflag:s29] =	ssyncadd.s32 $0xFFFFFFFF  }
0xb5: {  	_ =	strace $0x90000057  }
0xb6: {  	_ =	sfence  }
0xb7: {  	s30 =	sld [smem:$0x0];
	_ =	sdelay $0x2  }
0xb8: {  	s31 =	sshll.u32 s1, $0xD;
	s1 =	sshrl.u32 s1, $0x2  }
0xb9: {  	s3 =	sand.u32 $0x4000, s31;
	s1 =	sadd.s32 s1, s30  }
0xba: {  	s0 =	sor.u32 s3, s0;
	s1 =	sshll.u32 s1, $0x11  }
0xbb: {  	s0 =	sor.u32 s1, s0  }
0xbc: {  	s0 =	sadd.s32 $0x8F2B, s0  }
0xbd: {  	[sflag:s0] =	ssyncadd.remote.s32 $0x1  }
0xbe: {  	_ =	sfence.sel $0xFFFF  }
0xbf: {  	[dreg:$0x0] =	wrdreg $0xFFFFFFFF;
	(pc) =	sbr.abs _section_cstart, $3  }
0xc0: {  	[dreg:$0x1] =	wrdreg $0xFFFFFFFF  }
0xc1: {  	_ =	task.clear_ibuf [dreg:s6], $0x2FFFF;
	_ =	strace $0x9FFFFFFF  }
0xc2: {  	(tm) =	ssettm $0x7FFFFFFF  }
0xc3: {  	_ =	shalt  }
tec
execute0_lowered:
.L_overlay_start_1:
0x0: {  	(tag) =	ssettag $0x1  }
0x1: {  	s5 =	rddreg [dreg:$0x0]  }
0x2: {  	s1 =	rddreg [dreg:$0x1]  }
0x3: {  	s0 =	rddreg [dreg:$0x2]  }
0x4: {  	s2 =	simm.s32 $0x0;
	s3 =	srdreg.scid;
	s31 =	simm.s32 $0x4080  }
0x5: {  	[smem:$0x7FF] =	sst s2;
	s8 =	sand.u32 $0x1, s3;
	s4 =	sadd.s32 $0x17800, s5  }
0x6: {  	_ =	strace $0x80000056;
	s3 =	sshll.u32 s8, $0x12;
	[dreg:$0x3] =	wrdreg s4  }
0x7: {  	s7 =	sshll.u32 s8, $0xF;
	s6 =	sadd.s32 s3, s5;
	s3 =	stileid.u32  }
0x8: {  	s23 =	ssub.s32 $0x2, s8;
	s8 =	sshll.u32 s8, $0x4;
	s4 =	sshll.u32 s3, $0xA  }
0x9: {  	[dreg:$0xc] =	wrdreg s31;
	s7 =	sadd.s32 s7, s5;
	s9 =	sor.u32 $0x80, s4  }
0xa: {  	s10 =	sshrl.u32 s23, $0x1;
	s24 =	sor.u32 $0x100, s4;
	[dreg:$0x4] =	wrdreg s9  }
0xb: {  	s10 =	ssub.s32 s23, s10;
	s25 =	sor.u32 $0x180, s4;
	[dreg:$0x5] =	wrdreg s24  }
0xc: {  	s26 =	sshll.u32 s3, $0xE;
	s11 =	sor.u32 $0x200, s4;
	[dreg:$0x6] =	wrdreg s25  }
0xd: {  	s12 =	sshll.u32 s3, $0xB;
	s28 =	sor.u32 $0x280, s4;
	[dreg:$0x7] =	wrdreg s11  }
0xe: {  	s5 =	sadd.s32 s26, s1;
	s29 =	sor.u32 $0x300, s4;
	[dreg:$0x8] =	wrdreg s28  }
0xf: {  	s30 =	sor.u32 $0x380, s4;
	s7 =	sadd.s32 s12, s7;
	[dreg:$0x9] =	wrdreg s29  }
0x10: {  	s9 =	sadd.s32 s26, s6;
	s6 =	smax.u32 s10, $0x1;
	[dreg:$0xa] =	wrdreg s30  }
0x11: {  	s7 =	sadd.s32 $0x27800, s7;
	s10 =	simm.s32 $0x80;
	s9 =	sadd.s32 $0x1347800, s9  }
0x12: {  	v0 =	vimm.f32 $0.0e+00;
	s11 =	simm.s32 $0x0;
	[dreg:$0xb] =	wrdreg s9;
	s9 =	simm.s32 $0x1  }
.LBB2_1:
0x13: {  	s12 =	simm.s32 $0x0;
	s13 =	simm.s32 $0x200  }
.LBB2_2:
0x14: {  	p0 =	sne.s32 s13, $0xFE00;
	[tilespmem:s12+$0x40F0] =	vst v0  }
0x15: {  	[tilespmem:s12+$0x4080] =	vst v0  }
0x16: {  	[tilespmem:s12+$0x4090] =	vst v0  }
.Ltmp0:
0x17: {  	[tilespmem:s12+$0x40A0] =	vst v0;
	(pc) =	sbr.rel @p0 .LBB2_2-.Ltmp0, $4  }
0x18: {  	[tilespmem:s12+$0x40B0] =	vst v0  }
0x19: {  	[tilespmem:s12+$0x40C0] =	vst v0  }
0x1a: {  	[tilespmem:s12+$0x40D0] =	vst v0  }
0x1b: {  	[tilespmem:s12+$0x40E0] =	vst v0;
	s12 =	sshra.s32 s13, $0x2;
	s13 =	sadd.s32 $0x200, s13  }
0x1c: {  	[tilespmem:s12+$0x40F0] =	vst v0  }
0x1d: {  	[tilespmem:s12+$0x4080] =	vst v0  }
0x1e: {  	[tilespmem:s12+$0x4090] =	vst v0  }
0x1f: {  	[tilespmem:s12+$0x40A0] =	vst v0  }
0x20: {  	[tilespmem:s12+$0x40B0] =	vst v0  }
0x21: {  	[tilespmem:s12+$0x40C0] =	vst v0  }
0x22: {  	[tilespmem:s12+$0x40D0] =	vst v0  }
0x23: {  	s13 =	rddreg [dreg:$0xc];
	[tilespmem:s12+$0x40E0] =	vst v0  }
0x24: {  	[spmem:s5] =	stream.linear.scatter [tilespmem:s13], [sflag:$0x1], $0x4000, $0x38;
	[tilespmem:$0xC080] =	vst v63  }
0x25: {  	_ =	swait.ge [sflag:s9], $0x4000  }
0x26: {  	[sflag:s9] =	ssyncset.done $0x0  }
0x27: {  	s30 =	simm.s32 $0x0;
	[sflag:s9] =	ssyncadd.s32 $0xFFFFC000  }
0x28: {  	s14 =	sand.u32 $0x70, s8;
	s12 =	sand.u32 $0xC000, s30;
	[bflag:$0x0] =	sbarrier.arrive $0xFFFF  }
0x29: {  	s12 =	sor.u32 s14, s12;
	s31 =	rddreg [dreg:$0x3]  }
0x2a: {  	s12 =	sadd.s32 s31, s12  }
0x2b: {  	s13 =	sadd.s32 s4, s12  }
0x2c: {  	[tilespmem:s2], [sflag:$0x1] =	stream.linear.gather [hbm4b:s13+s2], $0x80, $0x38;
	[tilespmem:$0xC080] =	vst v63  }
0x2d: {  	_ =	swait.ge [sflag:s9], $0x80  }
0x2e: {  	s15 =	rddreg [dreg:$0xb];
	[sflag:s9] =	ssyncset.done $0x0  }
0x2f: {  	[sflag:s9] =	ssyncadd.s32 $0xFFFFFF80;
	s13 =	sadd.s32 $0x0, s15  }
0x30: {  	[tilespmem:s10], [sflag:$0x1] =	stream.linear.gather [hbm4b:s13+s2], $0x4000, $0x38;
	[tilespmem:$0xC080] =	vst v63  }
0x31: {  	_ =	swait.ge [sflag:s9], $0x4000  }
0x32: {  	[sflag:s9] =	ssyncset.done $0x0  }
0x33: {  	[sflag:s9] =	ssyncadd.s32 $0xFFFFC000  }
0x34: {  	[spmem:s1] =	stream.indirect.scatter.add.f32 [tilespmem:s10], [sflag:$0x1], $0x80, s2, s10, $0xb8;
	[tilespmem:$0xC080] =	vst v63  }
0x35: {  	_ =	swait.ge [sflag:s9], $0x4000  }
0x36: {  	s16 =	rddreg [dreg:$0x4];
	[sflag:s9] =	ssyncset.done $0x0  }
0x37: {  	[sflag:s9] =	ssyncadd.s32 $0xFFFFC000;
	s14 =	sadd.s32 s16, s12  }
0x38: {  	[tilespmem:s2], [sflag:$0x1] =	stream.linear.gather [hbm4b:s14+s2], $0x80, $0x38;
	[tilespmem:$0xC080] =	vst v63  }
0x39: {  	_ =	swait.ge [sflag:s9], $0x80  }
0x3a: {  	[sflag:s9] =	ssyncset.done $0x0  }
0x3b: {  	s17 =	sadd.s32 $0x800, s13;
	[sflag:s9] =	ssyncadd.s32 $0xFFFFFF80  }
0x3c: {  	[tilespmem:s10], [sflag:$0x1] =	stream.linear.gather [hbm4b:s17+s2], $0x4000, $0x38;
	[tilespmem:$0xC080] =	vst v63  }
0x3d: {  	_ =	swait.ge [sflag:s9], $0x4000  }
0x3e: {  	[sflag:s9] =	ssyncset.done $0x0  }
0x3f: {  	[sflag:s9] =	ssyncadd.s32 $0xFFFFC000  }
0x40: {  	[spmem:s1] =	stream.indirect.scatter.add.f32 [tilespmem:s10], [sflag:$0x1], $0x80, s2, s10, $0xb8;
	[tilespmem:$0xC080] =	vst v63  }
0x41: {  	_ =	swait.ge [sflag:s9], $0x4000  }
0x42: {  	s18 =	rddreg [dreg:$0x5];
	[sflag:s9] =	ssyncset.done $0x0  }
0x43: {  	[sflag:s9] =	ssyncadd.s32 $0xFFFFC000;
	s14 =	sadd.s32 s18, s12  }
0x44: {  	[tilespmem:s2], [sflag:$0x1] =	stream.linear.gather [hbm4b:s14+s2], $0x80, $0x38;
	[tilespmem:$0xC080] =	vst v63  }
0x45: {  	_ =	swait.ge [sflag:s9], $0x80  }
0x46: {  	[sflag:s9] =	ssyncset.done $0x0  }
0x47: {  	s19 =	sadd.s32 $0x1000, s13;
	[sflag:s9] =	ssyncadd.s32 $0xFFFFFF80  }
0x48: {  	[tilespmem:s10], [sflag:$0x1] =	stream.linear.gather [hbm4b:s19+s2], $0x4000, $0x38;
	[tilespmem:$0xC080] =	vst v63  }
0x49: {  	_ =	swait.ge [sflag:s9], $0x4000  }
0x4a: {  	[sflag:s9] =	ssyncset.done $0x0  }
0x4b: {  	[sflag:s9] =	ssyncadd.s32 $0xFFFFC000  }
0x4c: {  	[spmem:s1] =	stream.indirect.scatter.add.f32 [tilespmem:s10], [sflag:$0x1], $0x80, s2, s10, $0xb8;
	[tilespmem:$0xC080] =	vst v63  }
0x4d: {  	_ =	swait.ge [sflag:s9], $0x4000  }
0x4e: {  	s20 =	rddreg [dreg:$0x6];
	[sflag:s9] =	ssyncset.done $0x0  }
0x4f: {  	[sflag:s9] =	ssyncadd.s32 $0xFFFFC000;
	s14 =	sadd.s32 s20, s12  }
0x50: {  	[tilespmem:s2], [sflag:$0x1] =	stream.linear.gather [hbm4b:s14+s2], $0x80, $0x38;
	[tilespmem:$0xC080] =	vst v63  }
0x51: {  	_ =	swait.ge [sflag:s9], $0x80  }
0x52: {  	[sflag:s9] =	ssyncset.done $0x0  }
0x53: {  	s21 =	sadd.s32 $0x1800, s13;
	[sflag:s9] =	ssyncadd.s32 $0xFFFFFF80  }
0x54: {  	[tilespmem:s10], [sflag:$0x1] =	stream.linear.gather [hbm4b:s21+s2], $0x4000, $0x38;
	[tilespmem:$0xC080] =	vst v63  }
0x55: {  	_ =	swait.ge [sflag:s9], $0x4000  }
0x56: {  	[sflag:s9] =	ssyncset.done $0x0  }
0x57: {  	[sflag:s9] =	ssyncadd.s32 $0xFFFFC000  }
0x58: {  	[spmem:s1] =	stream.indirect.scatter.add.f32 [tilespmem:s10], [sflag:$0x1], $0x80, s2, s10, $0xb8;
	[tilespmem:$0xC080] =	vst v63  }
0x59: {  	_ =	swait.ge [sflag:s9], $0x4000  }
0x5a: {  	s22 =	rddreg [dreg:$0x7];
	[sflag:s9] =	ssyncset.done $0x0  }
0x5b: {  	[sflag:s9] =	ssyncadd.s32 $0xFFFFC000;
	s14 =	sadd.s32 s22, s12  }
0x5c: {  	[tilespmem:s2], [sflag:$0x1] =	stream.linear.gather [hbm4b:s14+s2], $0x80, $0x38;
	[tilespmem:$0xC080] =	vst v63  }
0x5d: {  	_ =	swait.ge [sflag:s9], $0x80  }
0x5e: {  	[sflag:s9] =	ssyncset.done $0x0  }
0x5f: {  	s23 =	sadd.s32 $0x2000, s13;
	[sflag:s9] =	ssyncadd.s32 $0xFFFFFF80  }
0x60: {  	[tilespmem:s10], [sflag:$0x1] =	stream.linear.gather [hbm4b:s23+s2], $0x4000, $0x38;
	[tilespmem:$0xC080] =	vst v63  }
0x61: {  	_ =	swait.ge [sflag:s9], $0x4000  }
0x62: {  	[sflag:s9] =	ssyncset.done $0x0  }
0x63: {  	[sflag:s9] =	ssyncadd.s32 $0xFFFFC000  }
0x64: {  	[spmem:s1] =	stream.indirect.scatter.add.f32 [tilespmem:s10], [sflag:$0x1], $0x80, s2, s10, $0xb8;
	[tilespmem:$0xC080] =	vst v63  }
0x65: {  	_ =	swait.ge [sflag:s9], $0x4000  }
0x66: {  	s24 =	rddreg [dreg:$0x8];
	[sflag:s9] =	ssyncset.done $0x0  }
0x67: {  	[sflag:s9] =	ssyncadd.s32 $0xFFFFC000;
	s14 =	sadd.s32 s24, s12  }
0x68: {  	[tilespmem:s2], [sflag:$0x1] =	stream.linear.gather [hbm4b:s14+s2], $0x80, $0x38;
	[tilespmem:$0xC080] =	vst v63  }
0x69: {  	_ =	swait.ge [sflag:s9], $0x80  }
0x6a: {  	[sflag:s9] =	ssyncset.done $0x0  }
0x6b: {  	s25 =	sadd.s32 $0x2800, s13;
	[sflag:s9] =	ssyncadd.s32 $0xFFFFFF80  }
0x6c: {  	[tilespmem:s10], [sflag:$0x1] =	stream.linear.gather [hbm4b:s25+s2], $0x4000, $0x38;
	[tilespmem:$0xC080] =	vst v63  }
0x6d: {  	_ =	swait.ge [sflag:s9], $0x4000  }
0x6e: {  	[sflag:s9] =	ssyncset.done $0x0  }
0x6f: {  	[sflag:s9] =	ssyncadd.s32 $0xFFFFC000  }
0x70: {  	[spmem:s1] =	stream.indirect.scatter.add.f32 [tilespmem:s10], [sflag:$0x1], $0x80, s2, s10, $0xb8;
	[tilespmem:$0xC080] =	vst v63  }
0x71: {  	_ =	swait.ge [sflag:s9], $0x4000  }
0x72: {  	s26 =	rddreg [dreg:$0x9];
	[sflag:s9] =	ssyncset.done $0x0  }
0x73: {  	[sflag:s9] =	ssyncadd.s32 $0xFFFFC000;
	s14 =	sadd.s32 s26, s12  }
0x74: {  	[tilespmem:s2], [sflag:$0x1] =	stream.linear.gather [hbm4b:s14+s2], $0x80, $0x38;
	[tilespmem:$0xC080] =	vst v63  }
0x75: {  	_ =	swait.ge [sflag:s9], $0x80  }
0x76: {  	[sflag:s9] =	ssyncset.done $0x0  }
0x77: {  	s28 =	sadd.s32 $0x3000, s13;
	[sflag:s9] =	ssyncadd.s32 $0xFFFFFF80  }
0x78: {  	[tilespmem:s10], [sflag:$0x1] =	stream.linear.gather [hbm4b:s28+s2], $0x4000, $0x38;
	[tilespmem:$0xC080] =	vst v63  }
0x79: {  	_ =	swait.ge [sflag:s9], $0x4000  }
0x7a: {  	[sflag:s9] =	ssyncset.done $0x0  }
0x7b: {  	[sflag:s9] =	ssyncadd.s32 $0xFFFFC000  }
0x7c: {  	[spmem:s1] =	stream.indirect.scatter.add.f32 [tilespmem:s10], [sflag:$0x1], $0x80, s2, s10, $0xb8;
	[tilespmem:$0xC080] =	vst v63  }
0x7d: {  	_ =	swait.ge [sflag:s9], $0x4000  }
0x7e: {  	s29 =	rddreg [dreg:$0xa];
	[sflag:s9] =	ssyncset.done $0x0  }
0x7f: {  	[sflag:s9] =	ssyncadd.s32 $0xFFFFC000;
	s12 =	sadd.s32 s29, s12  }
0x80: {  	[tilespmem:s2], [sflag:$0x1] =	stream.linear.gather [hbm4b:s12+s2], $0x80, $0x38;
	[tilespmem:$0xC080] =	vst v63  }
0x81: {  	_ =	swait.ge [sflag:s9], $0x80  }
0x82: {  	[sflag:s9] =	ssyncset.done $0x0  }
0x83: {  	s30 =	sadd.s32 $0x3800, s13;
	[sflag:s9] =	ssyncadd.s32 $0xFFFFFF80  }
0x84: {  	[tilespmem:s10], [sflag:$0x1] =	stream.linear.gather [hbm4b:s30+s2], $0x4000, $0x38;
	[tilespmem:$0xC080] =	vst v63  }
0x85: {  	_ =	swait.ge [sflag:s9], $0x4000  }
0x86: {  	[sflag:s9] =	ssyncset.done $0x0  }
0x87: {  	[sflag:s9] =	ssyncadd.s32 $0xFFFFC000  }
0x88: {  	[spmem:s1] =	stream.indirect.scatter.add.f32 [tilespmem:s10], [sflag:$0x1], $0x80, s2, s10, $0xb8;
	[tilespmem:$0xC080] =	vst v63  }
0x89: {  	_ =	swait.ge [sflag:s9], $0x4000  }
0x8a: {  	[sflag:s9] =	ssyncset.done $0x0  }
0x8b: {  	s31 =	sshll.u32 s3, $0x6;
	[sflag:s9] =	ssyncadd.s32 $0xFFFFC000  }
0x8c: {  	s13 =	sor.u32 $0x1C01, s31;
	s12 =	sshrl.u32 s5, $0x3;
	[bflag:$0x0] =	sbarrier.arrive $0xFFFF  }
0x8d: {  	[hbm:s7], [sflag:s13] =	dma.local [spmem:s12], $0x800  }
0x8e: {  	_ =	swait.ge [sflag:s9], $0x800  }
0x8f: {  	s15 =	simm.s32 $0x1000;
	s16 =	smov.u32 s7;
	[sflag:s9] =	ssyncset.done $0x0  }
0x90: {  	s17 =	smov.u32 s8;
	s14 =	simm.s32 $0x80000;
	[sflag:s9] =	ssyncadd.s32 $0xFFFFF800  }
.LBB2_4:
0x91: {  	[bflag:$0x0] =	sbarrier.arrive $0xFFFF  }
0x92: {  	s18 =	rddreg [dreg:$0xc]  }
0x93: {  	[spmem:s5] =	stream.linear.scatter [tilespmem:s18], [sflag:$0x1], $0x4000, $0x38;
	[tilespmem:$0xC080] =	vst v63  }
0x94: {  	_ =	swait.ge [sflag:s9], $0x4000  }
0x95: {  	[sflag:s9] =	ssyncset.done $0x0  }
0x96: {  	s17 =	sadd.s32 $0x20, s17;
	[sflag:s9] =	ssyncadd.s32 $0xFFFFC000  }
0x97: {  	s20 =	sand.u32 $0xC000, s15;
	s21 =	sand.u32 $0x70, s17;
	[bflag:$0x0] =	sbarrier.arrive $0xFFFF  }
0x98: {  	s20 =	sor.u32 s21, s20;
	s25 =	rddreg [dreg:$0x3]  }
0x99: {  	s18 =	sadd.s32 s25, s20  }
0x9a: {  	s20 =	sadd.s32 s4, s18  }
0x9b: {  	[tilespmem:s2], [sflag:$0x1] =	stream.linear.gather [hbm4b:s20+s2], $0x80, $0x38;
	[tilespmem:$0xC080] =	vst v63  }
0x9c: {  	_ =	swait.ge [sflag:s9], $0x80  }
0x9d: {  	s19 =	smov.u32 s14;
	s26 =	rddreg [dreg:$0xb];
	[sflag:s9] =	ssyncset.done $0x0  }
0x9e: {  	[sflag:s9] =	ssyncadd.s32 $0xFFFFFF80;
	s19 =	sadd.s32 s19, s26  }
0x9f: {  	[tilespmem:s10], [sflag:$0x1] =	stream.linear.gather [hbm4b:s19+s2], $0x4000, $0x38;
	[tilespmem:$0xC080] =	vst v63  }
0xa0: {  	_ =	swait.ge [sflag:s9], $0x4000  }
0xa1: {  	[sflag:s9] =	ssyncset.done $0x0  }
0xa2: {  	[sflag:s9] =	ssyncadd.s32 $0xFFFFC000  }
0xa3: {  	[spmem:s1] =	stream.indirect.scatter.add.f32 [tilespmem:s10], [sflag:$0x1], $0x80, s2, s10, $0xb8;
	[tilespmem:$0xC080] =	vst v63  }
0xa4: {  	_ =	swait.ge [sflag:s9], $0x4000  }
0xa5: {  	s28 =	rddreg [dreg:$0x4];
	[sflag:s9] =	ssyncset.done $0x0  }
0xa6: {  	[sflag:s9] =	ssyncadd.s32 $0xFFFFC000;
	s20 =	sadd.s32 s28, s18  }
0xa7: {  	[tilespmem:s2], [sflag:$0x1] =	stream.linear.gather [hbm4b:s20+s2], $0x80, $0x38;
	[tilespmem:$0xC080] =	vst v63  }
0xa8: {  	_ =	swait.ge [sflag:s9], $0x80  }
0xa9: {  	[sflag:s9] =	ssyncset.done $0x0  }
0xaa: {  	s29 =	sadd.s32 $0x800, s19;
	[sflag:s9] =	ssyncadd.s32 $0xFFFFFF80  }
0xab: {  	[tilespmem:s10], [sflag:$0x1] =	stream.linear.gather [hbm4b:s29+s2], $0x4000, $0x38;
	[tilespmem:$0xC080] =	vst v63  }
0xac: {  	_ =	swait.ge [sflag:s9], $0x4000  }
0xad: {  	[sflag:s9] =	ssyncset.done $0x0  }
0xae: {  	[sflag:s9] =	ssyncadd.s32 $0xFFFFC000  }
0xaf: {  	[spmem:s1] =	stream.indirect.scatter.add.f32 [tilespmem:s10], [sflag:$0x1], $0x80, s2, s10, $0xb8;
	[tilespmem:$0xC080] =	vst v63  }
0xb0: {  	_ =	swait.ge [sflag:s9], $0x4000  }
0xb1: {  	s30 =	rddreg [dreg:$0x5];
	[sflag:s9] =	ssyncset.done $0x0  }
0xb2: {  	[sflag:s9] =	ssyncadd.s32 $0xFFFFC000;
	s20 =	sadd.s32 s30, s18  }
0xb3: {  	[tilespmem:s2], [sflag:$0x1] =	stream.linear.gather [hbm4b:s20+s2], $0x80, $0x38;
	[tilespmem:$0xC080] =	vst v63  }
0xb4: {  	_ =	swait.ge [sflag:s9], $0x80  }
0xb5: {  	[sflag:s9] =	ssyncset.done $0x0  }
0xb6: {  	s31 =	sadd.s32 $0x1000, s19;
	[sflag:s9] =	ssyncadd.s32 $0xFFFFFF80  }
0xb7: {  	[tilespmem:s10], [sflag:$0x1] =	stream.linear.gather [hbm4b:s31+s2], $0x4000, $0x38;
	[tilespmem:$0xC080] =	vst v63  }
0xb8: {  	_ =	swait.ge [sflag:s9], $0x4000  }
0xb9: {  	[sflag:s9] =	ssyncset.done $0x0  }
0xba: {  	[sflag:s9] =	ssyncadd.s32 $0xFFFFC000  }
0xbb: {  	[spmem:s1] =	stream.indirect.scatter.add.f32 [tilespmem:s10], [sflag:$0x1], $0x80, s2, s10, $0xb8;
	[tilespmem:$0xC080] =	vst v63  }
0xbc: {  	_ =	swait.ge [sflag:s9], $0x4000  }
0xbd: {  	s21 =	rddreg [dreg:$0x6];
	[sflag:s9] =	ssyncset.done $0x0  }
0xbe: {  	[sflag:s9] =	ssyncadd.s32 $0xFFFFC000;
	s20 =	sadd.s32 s21, s18  }
0xbf: {  	[tilespmem:s2], [sflag:$0x1] =	stream.linear.gather [hbm4b:s20+s2], $0x80, $0x38;
	[tilespmem:$0xC080] =	vst v63  }
0xc0: {  	_ =	swait.ge [sflag:s9], $0x80  }
0xc1: {  	[sflag:s9] =	ssyncset.done $0x0  }
0xc2: {  	s22 =	sadd.s32 $0x1800, s19;
	[sflag:s9] =	ssyncadd.s32 $0xFFFFFF80  }
0xc3: {  	[tilespmem:s10], [sflag:$0x1] =	stream.linear.gather [hbm4b:s22+s2], $0x4000, $0x38;
	[tilespmem:$0xC080] =	vst v63  }
0xc4: {  	_ =	swait.ge [sflag:s9], $0x4000  }
0xc5: {  	[sflag:s9] =	ssyncset.done $0x0  }
0xc6: {  	[sflag:s9] =	ssyncadd.s32 $0xFFFFC000  }
0xc7: {  	[spmem:s1] =	stream.indirect.scatter.add.f32 [tilespmem:s10], [sflag:$0x1], $0x80, s2, s10, $0xb8;
	[tilespmem:$0xC080] =	vst v63  }
0xc8: {  	_ =	swait.ge [sflag:s9], $0x4000  }
0xc9: {  	s23 =	rddreg [dreg:$0x7];
	[sflag:s9] =	ssyncset.done $0x0  }
0xca: {  	[sflag:s9] =	ssyncadd.s32 $0xFFFFC000;
	s20 =	sadd.s32 s23, s18  }
0xcb: {  	[tilespmem:s2], [sflag:$0x1] =	stream.linear.gather [hbm4b:s20+s2], $0x80, $0x38;
	[tilespmem:$0xC080] =	vst v63  }
0xcc: {  	_ =	swait.ge [sflag:s9], $0x80  }
0xcd: {  	[sflag:s9] =	ssyncset.done $0x0  }
0xce: {  	s24 =	sadd.s32 $0x2000, s19;
	[sflag:s9] =	ssyncadd.s32 $0xFFFFFF80  }
0xcf: {  	[tilespmem:s10], [sflag:$0x1] =	stream.linear.gather [hbm4b:s24+s2], $0x4000, $0x38;
	[tilespmem:$0xC080] =	vst v63  }
0xd0: {  	_ =	swait.ge [sflag:s9], $0x4000  }
0xd1: {  	[sflag:s9] =	ssyncset.done $0x0  }
0xd2: {  	[sflag:s9] =	ssyncadd.s32 $0xFFFFC000  }
0xd3: {  	[spmem:s1] =	stream.indirect.scatter.add.f32 [tilespmem:s10], [sflag:$0x1], $0x80, s2, s10, $0xb8;
	[tilespmem:$0xC080] =	vst v63  }
0xd4: {  	_ =	swait.ge [sflag:s9], $0x4000  }
0xd5: {  	s25 =	rddreg [dreg:$0x8];
	[sflag:s9] =	ssyncset.done $0x0  }
0xd6: {  	[sflag:s9] =	ssyncadd.s32 $0xFFFFC000;
	s20 =	sadd.s32 s25, s18  }
0xd7: {  	[tilespmem:s2], [sflag:$0x1] =	stream.linear.gather [hbm4b:s20+s2], $0x80, $0x38;
	[tilespmem:$0xC080] =	vst v63  }
0xd8: {  	_ =	swait.ge [sflag:s9], $0x80  }
0xd9: {  	[sflag:s9] =	ssyncset.done $0x0  }
0xda: {  	s26 =	sadd.s32 $0x2800, s19;
	[sflag:s9] =	ssyncadd.s32 $0xFFFFFF80  }
0xdb: {  	[tilespmem:s10], [sflag:$0x1] =	stream.linear.gather [hbm4b:s26+s2], $0x4000, $0x38;
	[tilespmem:$0xC080] =	vst v63  }
0xdc: {  	_ =	swait.ge [sflag:s9], $0x4000  }
0xdd: {  	[sflag:s9] =	ssyncset.done $0x0  }
0xde: {  	[sflag:s9] =	ssyncadd.s32 $0xFFFFC000  }
0xdf: {  	[spmem:s1] =	stream.indirect.scatter.add.f32 [tilespmem:s10], [sflag:$0x1], $0x80, s2, s10, $0xb8;
	[tilespmem:$0xC080] =	vst v63  }
0xe0: {  	_ =	swait.ge [sflag:s9], $0x4000  }
0xe1: {  	s28 =	rddreg [dreg:$0x9];
	[sflag:s9] =	ssyncset.done $0x0  }
0xe2: {  	[sflag:s9] =	ssyncadd.s32 $0xFFFFC000;
	s20 =	sadd.s32 s28, s18  }
0xe3: {  	[tilespmem:s2], [sflag:$0x1] =	stream.linear.gather [hbm4b:s20+s2], $0x80, $0x38;
	[tilespmem:$0xC080] =	vst v63  }
0xe4: {  	_ =	swait.ge [sflag:s9], $0x80  }
0xe5: {  	[sflag:s9] =	ssyncset.done $0x0  }
0xe6: {  	s29 =	sadd.s32 $0x3000, s19;
	[sflag:s9] =	ssyncadd.s32 $0xFFFFFF80  }
0xe7: {  	[tilespmem:s10], [sflag:$0x1] =	stream.linear.gather [hbm4b:s29+s2], $0x4000, $0x38;
	[tilespmem:$0xC080] =	vst v63  }
0xe8: {  	_ =	swait.ge [sflag:s9], $0x4000  }
0xe9: {  	[sflag:s9] =	ssyncset.done $0x0  }
0xea: {  	[sflag:s9] =	ssyncadd.s32 $0xFFFFC000  }
0xeb: {  	[spmem:s1] =	stream.indirect.scatter.add.f32 [tilespmem:s10], [sflag:$0x1], $0x80, s2, s10, $0xb8;
	[tilespmem:$0xC080] =	vst v63  }
0xec: {  	_ =	swait.ge [sflag:s9], $0x4000  }
0xed: {  	s30 =	rddreg [dreg:$0xa];
	[sflag:s9] =	ssyncset.done $0x0  }
0xee: {  	[sflag:s9] =	ssyncadd.s32 $0xFFFFC000;
	s18 =	sadd.s32 s30, s18  }
0xef: {  	[tilespmem:s2], [sflag:$0x1] =	stream.linear.gather [hbm4b:s18+s2], $0x80, $0x38;
	[tilespmem:$0xC080] =	vst v63  }
0xf0: {  	_ =	swait.ge [sflag:s9], $0x80  }
0xf1: {  	[sflag:s9] =	ssyncset.done $0x0  }
0xf2: {  	s31 =	sadd.s32 $0x3800, s19;
	[sflag:s9] =	ssyncadd.s32 $0xFFFFFF80  }
0xf3: {  	[tilespmem:s10], [sflag:$0x1] =	stream.linear.gather [hbm4b:s31+s2], $0x4000, $0x38;
	[tilespmem:$0xC080] =	vst v63  }
0xf4: {  	_ =	swait.ge [sflag:s9], $0x4000  }
0xf5: {  	[sflag:s9] =	ssyncset.done $0x0  }
0xf6: {  	[sflag:s9] =	ssyncadd.s32 $0xFFFFC000  }
0xf7: {  	[spmem:s1] =	stream.indirect.scatter.add.f32 [tilespmem:s10], [sflag:$0x1], $0x80, s2, s10, $0xb8;
	[tilespmem:$0xC080] =	vst v63  }
0xf8: {  	_ =	swait.ge [sflag:s9], $0x4000  }
0xf9: {  	[sflag:s9] =	ssyncset.done $0x0  }
0xfa: {  	p0 =	sne.s32 s14, $0x780000;
	[sflag:s9] =	ssyncadd.s32 $0xFFFFC000  }
.Ltmp1:
0xfb: {  	s16 =	sadd.s32 $0x10000, s16;
	[bflag:$0x0] =	sbarrier.arrive $0xFFFF;
	(pc) =	sbr.rel @p0 .LBB2_4-.Ltmp1, $4  }
0xfc: {  	[hbm:s16], [sflag:s13] =	dma.local [spmem:s12], $0x800  }
0xfd: {  	_ =	swait.ge [sflag:s9], $0x800  }
0xfe: {  	[sflag:s9] =	ssyncset.done $0x0  }
0xff: {  	s14 =	sadd.s32 $0x80000, s14;
	s15 =	sadd.s32 $0x1000, s15;
	[sflag:s9] =	ssyncadd.s32 $0xFFFFF800  }
0x100: {  	s11 =	sadd.s32 $0x1, s11  }
0x101: {  	p0 =	sne.s32 s11, s6  }
.Ltmp2:
0x102: {  	_ = 	snop;
	(pc) =	sbr.rel @p0 .LBB2_1-.Ltmp2, $2  }
0x103: {  	_ =	sdelay $0x1  }
0x104: {  	[bflag:$0x0] =	sbarrier.arrive $0xFFFF;
	_ =	sdelay $0x1  }
0x105: {  	_ =	sfence.sel $0x180000  }
0x106: {  	[bflag:$0x0] =	sbarrier.arrive $0xFFFF  }
0x107: {  	p0 =	sne.s32 s3, $0x0;
	_ =	strace $0x90000056  }
0x108: {  	s0 =	sadd.s32 @!p0 $0x100000, s0;
	[bflag:$0x2] =	sbarrier.arrive $0xFFFF  }
0x109: {  	[sflag:s0] =	ssyncadd.tile.s32 @!p0 $0x1;
	_ =	shalt  }
.Lfunc_end2:
_tile_overlayer_lowered:
.L_overlay_start_2:
0x10a: {  	(tag) =	ssettag $0x2  }
0x10b: {  	s0 =	rddreg [dreg:$0x0];
	s2 =	stileid.u32  }
0x10c: {  	s1 =	rddreg [dreg:$0x1];
	p0 =	sne.s32 s2, $0x0  }
0x10d: {  	s3 =	rddreg [dreg:$0x2];
	[bflag:$0x3] =	sbarrier.arrive $0xFFFF;
	s2 =	simm.s32 @!p0 $0x1C01  }
0x10e: {  	[timem:s3], [sflag:s2] =	dma.local @!p0 [hbm:s0], s1  }
0x10f: {  	s0 =	simm.s32 @!p0 $0x1  }
0x110: {  	_ =	swait.ge @!p0 [sflag:s0], s1  }
0x111: {  	s1 =	ssub.s32 @!p0 $0x0, s1;
	[sflag:s0] =	ssyncset.done @!p0 $0x0  }
0x112: {  	[sflag:s0] =	ssyncadd.s32 @!p0 s1  }
0x113: {  	[bflag:$0x3] =	sbarrier.arrive $0xFFFF  }
0x114: {  	_ =	shalt  }

</sc_bundles>
